<compile_context>
chip_gen: v7x
topology: tpu7x:2x2x1
jax: 0.10.2.dev20260603
libtpu: 0.0.44.dev20260713+nightly
codegen_flags: <defaults>
</compile_context>

<pallas_src>
import functools

import jax
import jax.numpy as jnp
from jax import lax
from jax.experimental import pallas as pl
from jax.experimental.pallas import tpu as pltpu
from jax.experimental.pallas import tpu_sc as plsc

NC = 2
NS = 16
NW = NC * NS
C = 64
D = 256


def _sc_decode(z, sidx, didx, *, chunks, epw, e_pad):
    n_nodes = z.shape[0]
    mesh = plsc.VectorSubcoreMesh(
        core_axis_name="c", subcore_axis_name="s", num_cores=NC, num_subcores=NS
    )

    @functools.partial(
        pl.kernel,
        out_type=jax.ShapeDtypeStruct((e_pad,), jnp.float32),
        mesh=mesh,
        compiler_params=pltpu.CompilerParams(
            use_tc_tiling_on_sc=False, needs_layout_passes=False
        ),
        scratch_types=[
            pltpu.VMEM((chunks, C), jnp.int32),
            pltpu.VMEM((chunks, C), jnp.int32),
            pltpu.VMEM((C, D), jnp.bfloat16),
            pltpu.VMEM((C, D), jnp.bfloat16),
            pltpu.VMEM((C, D), jnp.bfloat16),
            pltpu.VMEM((C, D), jnp.bfloat16),
            pltpu.VMEM((epw,), jnp.float32),
            pltpu.VMEM((C, 17), jnp.float32),
            pltpu.VMEM_SHARED((n_nodes, D), jnp.bfloat16),
            pltpu.SemaphoreType.DMA,
            pltpu.SemaphoreType.DMA,
        ],
    )
    def k(z_hbm, sidx_hbm, didx_hbm, out_hbm,
          sidx_v, didx_v, sb0, sb1, db0, db1, out_v, tr, z_sh, sem0, sem1):
        cid = lax.axis_index("c")
        sid = lax.axis_index("s")
        wid = sid * NC + cid

        band = n_nodes // NS
        pltpu.sync_copy(z_hbm.at[pl.ds(sid * band, band)],
                        z_sh.at[pl.ds(sid * band, band)])
        pltpu.sync_copy(sidx_hbm.at[wid], sidx_v)
        pltpu.sync_copy(didx_hbm.at[wid], didx_v)
        plsc.subcore_barrier()

        sbufs = (sb0, sb1)
        dbufs = (db0, db1)
        sems = (sem0, sem1)

        def start(j, b):
            pltpu.async_copy(z_sh.at[sidx_v.at[j]], sbufs[b], sems[b])
            pltpu.async_copy(z_sh.at[didx_v.at[j]], dbufs[b], sems[b])

        def wait(b):
            pltpu.make_async_copy(z_sh.at[sidx_v.at[0]], sbufs[b], sems[b]).wait()
            pltpu.make_async_copy(z_sh.at[didx_v.at[0]], dbufs[b], sems[b]).wait()

        lanes = lax.iota(jnp.int32, 16)

        def compute(jj, b):
            sb, db = sbufs[b], dbufs[b]

            def gbody(g, carry):
                for ii in range(16):
                    e = g * 16 + ii
                    a0 = jnp.zeros((16,), jnp.float32)
                    a1 = jnp.zeros((16,), jnp.float32)
                    for kk in range(D // 32):
                        p = sb[e, pl.ds(kk * 32, 32)] * db[e, pl.ds(kk * 32, 32)]
                        p0, p1 = plsc.unpack(
                            p, format=plsc.PackFormat.INTERLEAVED,
                            preferred_element_type=jnp.float32)
                        a0 = a0 + p0
                        a1 = a1 + p1
                    tr[e, pl.ds(0, 16)] = a0 + a1
                rows = g * 16 + lanes
                cols = [plsc.load_gather(tr, [rows, jnp.full((16,), dd, jnp.int32)])
                        for dd in range(16)]
                while len(cols) > 1:
                    cols = [x + y for x, y in zip(cols[::2], cols[1::2])]
                out_v[pl.ds(jj * C + g * 16, 16)] = cols[0]
                return carry

            lax.fori_loop(0, C // 16, gbody, 0)

        start(0, 0)

        def pair(p, carry):
            j = p * 2
            for b in range(2):
                jj = j + b
                nxt = jj + 1

                @pl.when(nxt < chunks)
                def _():
                    start(nxt, (b + 1) % 2)

                wait(b)
                compute(jj, b)
            return carry

        lax.fori_loop(0, chunks // 2, pair, 0)

        def sig(i, carry):
            for u in range(2):
                o = (i * 2 + u) * 16
                x = out_v[pl.ds(o, 16)]
                out_v[pl.ds(o, 16)] = 1.0 / (1.0 + jnp.exp(-x))
            return carry

        lax.fori_loop(0, epw // 32, sig, 0)
        pltpu.sync_copy(out_v, out_hbm.at[pl.ds(wid * epw, epw)])

    return k(z, sidx, didx)


def kernel(z, edge_index):
    e = edge_index.shape[1]
    per_pair = NW * C
    chunks = -(-e // per_pair)
    chunks += chunks % 2
    epw = chunks * C
    e_pad = NW * epw
    sidx = jnp.pad(edge_index[0], (0, e_pad - e)).reshape(NW, chunks, C)
    didx = jnp.pad(edge_index[1], (0, e_pad - e)).reshape(NW, chunks, C)
    zb = z.astype(jnp.bfloat16)
    out = _sc_decode(zb, sidx, didx, chunks=chunks, epw=epw, e_pad=e_pad)
    return out[:e]

# --- scband reference (transcript-rebuilt; emitter-appended) ---
"""Pipeline reference for scband-gae-18193481466245 (READ-ONLY COPY).

The authoritative reference and input builder live on the scoring server;
editing this copy changes nothing except your own understanding.
"""

import jax, jax.numpy as jnp
import numpy as np

N_NODES = 10000
D_FEAT = 256
N_EDGES = 160000


def setup_inputs(seed: int = 0) -> dict:
    key = jax.random.key(seed)
    k1, k2 = jax.random.split(key)
    z = jax.random.normal(k1, (N_NODES, D_FEAT), dtype=jnp.float32)
    edge_index = jax.random.randint(k2, (2, N_EDGES), 0, N_NODES, dtype=jnp.int32)
    return {"z": z, "edge_index": edge_index}


def reference(z, edge_index):
    # InnerProductDecoder.forward (the executable core of GAE.decode):
    # value = (z[edge_index[0]] * z[edge_index[1]]).sum(dim=1); sigmoid(value)
    src = jnp.take(z, edge_index[0], axis=0)
    dst = jnp.take(z, edge_index[1], axis=0)
    value = jnp.sum(src * dst, axis=1)
    return jax.nn.sigmoid(value)

if __name__ == "__main__":
    import jax
    _d = setup_inputs()
    print(jax.jit(kernel)(*tuple(_d.values())))

</pallas_src>

<mosaic_0001>
#map = affine_map<(d0, d1) -> (0, 0)>
#map1 = affine_map<(d0, d1) -> (0, 0, 0)>
#map2 = affine_map<(d0, d1) -> (0)>
module attributes {stable_mosaic.version = 14 : i64} {
  func.func @k(%arg0: i32, %arg1: i32, %arg2: memref<10000x256xbf16, #tpu.memory_space<hbm>>, %arg3: memref<32x80x64xi32, #tpu.memory_space<hbm>>, %arg4: memref<32x80x64xi32, #tpu.memory_space<hbm>>, %arg5: memref<163840xf32, #tpu.memory_space<hbm>>, %arg6: memref<80x64xi32, #tpu.memory_space<vmem>>, %arg7: memref<80x64xi32, #tpu.memory_space<vmem>>, %arg8: memref<64x256xbf16, #tpu.memory_space<vmem>>, %arg9: memref<64x256xbf16, #tpu.memory_space<vmem>>, %arg10: memref<64x256xbf16, #tpu.memory_space<vmem>>, %arg11: memref<64x256xbf16, #tpu.memory_space<vmem>>, %arg12: memref<5120xf32, #tpu.memory_space<vmem>>, %arg13: memref<64x17xf32, #tpu.memory_space<vmem>>, %arg14: memref<10000x256xbf16, #tpu.memory_space<vmem_shared>>, %arg15: memref<!tpu.dma_semaphore, #tpu.memory_space<semaphore_mem>>, %arg16: memref<!tpu.dma_semaphore, #tpu.memory_space<semaphore_mem>>) attributes {dimension_semantics = [#tpu.dimension_semantics<core_parallel>, #tpu.dimension_semantics<subcore_parallel>], iteration_bounds = array<i64: 2, 16>, scalar_prefetch = 0 : i64, scratch_operands = 11 : i64, tpu.core_type = #tpu.core_type<sc_vector_subcore>, window_params = [{transform_indices = #map}, {transform_indices = #map1}, {transform_indices = #map1}, {transform_indices = #map2}]} {
    %mul3A = arith.constant 2 : i32
    %mul3A_0 = arith.muli %arg1, %mul3A : i32
    %add3A = arith.addi %mul3A_0, %arg0 : i32
    %mul3A_1 = arith.constant 625 : i32
    %mul3A_2 = arith.muli %arg1, %mul3A_1 : i32
    %mul3A_3 = arith.constant 625 : i32
    %mul3A_4 = arith.muli %arg1, %mul3A_3 : i32
    "tpu.region"() ({
      %run_scoped3A = tpu.sem_alloc : memref<!tpu.dma_semaphore, #tpu.memory_space<semaphore_mem>>
      %dma_start3A_31 = arith.constant 0 : i32
      %dma_start3A_32 = tpu.memref_slice %arg14[%mul3A_4, %dma_start3A_31] : memref<10000x256xbf16, #tpu.memory_space<vmem_shared>> -> memref<625x256xbf16, #tpu.memory_space<vmem_shared>>
      %dma_start3A_33 = arith.constant 0 : i32
      %dma_start3A_34 = tpu.memref_slice %arg2[%mul3A_2, %dma_start3A_33] : memref<10000x256xbf16, #tpu.memory_space<hbm>> -> memref<625x256xbf16, #tpu.memory_space<hbm>>
      tpu.enqueue_dma source(%dma_start3A_34 : memref<625x256xbf16, #tpu.memory_space<hbm>>) target(%dma_start3A_32 : memref<625x256xbf16, #tpu.memory_space<vmem_shared>>) target_semaphore(%run_scoped3A : memref<!tpu.dma_semaphore, #tpu.memory_space<semaphore_mem>>)
      %dma_wait3A = arith.constant 0 : i32
      %dma_wait3A_35 = tpu.memref_slice %arg14[%mul3A_4, %dma_wait3A] : memref<10000x256xbf16, #tpu.memory_space<vmem_shared>> -> memref<625x256xbf16, #tpu.memory_space<vmem_shared>>
      %dma_wait3A_36 = arith.constant 0 : i32
      %dma_wait3A_37 = tpu.memref_slice %arg2[%mul3A_2, %dma_wait3A_36] : memref<10000x256xbf16, #tpu.memory_space<hbm>> -> memref<625x256xbf16, #tpu.memory_space<hbm>>
      tpu.wait_dma2 semaphore(%run_scoped3A : memref<!tpu.dma_semaphore, #tpu.memory_space<semaphore_mem>>) src(%dma_wait3A_37 : memref<625x256xbf16, #tpu.memory_space<hbm>>) dst(%dma_wait3A_35 : memref<625x256xbf16, #tpu.memory_space<vmem_shared>>)
      tpu.yield
    }) : () -> ()
    "tpu.region"() ({
      %run_scoped3A = tpu.sem_alloc : memref<!tpu.dma_semaphore, #tpu.memory_space<semaphore_mem>>
      %dma_start3A_31 = arith.constant 0 : i32
      %dma_start3A_32 = arith.constant 0 : i32
      %dma_start3A_33 = tpu.memref_slice %arg3[%add3A, %dma_start3A_31, %dma_start3A_32] : memref<32x80x64xi32, #tpu.memory_space<hbm>> -> memref<1x80x64xi32, #tpu.memory_space<hbm>>
      %dma_start3A_34 = tpu.memref_squeeze %dma_start3A_33 : memref<1x80x64xi32, #tpu.memory_space<hbm>> -> memref<80x64xi32, #tpu.memory_space<hbm>>
      %dma_start3A_35 = arith.constant 0 : i32
      %dma_start3A_36 = arith.constant 0 : i32
      %dma_start3A_37 = tpu.memref_slice %arg3[%add3A, %dma_start3A_35, %dma_start3A_36] : memref<32x80x64xi32, #tpu.memory_space<hbm>> -> memref<1x80x64xi32, #tpu.memory_space<hbm>>
      %dma_start3A_38 = tpu.memref_squeeze %dma_start3A_37 : memref<1x80x64xi32, #tpu.memory_space<hbm>> -> memref<80x64xi32, #tpu.memory_space<hbm>>
      tpu.enqueue_dma source(%dma_start3A_38 : memref<80x64xi32, #tpu.memory_space<hbm>>) target(%arg6 : memref<80x64xi32, #tpu.memory_space<vmem>>) target_semaphore(%run_scoped3A : memref<!tpu.dma_semaphore, #tpu.memory_space<semaphore_mem>>)
      %dma_wait3A = arith.constant 0 : i32
      %dma_wait3A_39 = arith.constant 0 : i32
      %dma_wait3A_40 = tpu.memref_slice %arg3[%add3A, %dma_wait3A, %dma_wait3A_39] : memref<32x80x64xi32, #tpu.memory_space<hbm>> -> memref<1x80x64xi32, #tpu.memory_space<hbm>>
      %dma_wait3A_41 = tpu.memref_squeeze %dma_wait3A_40 : memref<1x80x64xi32, #tpu.memory_space<hbm>> -> memref<80x64xi32, #tpu.memory_space<hbm>>
      %dma_wait3A_42 = arith.constant 0 : i32
      %dma_wait3A_43 = arith.constant 0 : i32
      %dma_wait3A_44 = tpu.memref_slice %arg3[%add3A, %dma_wait3A_42, %dma_wait3A_43] : memref<32x80x64xi32, #tpu.memory_space<hbm>> -> memref<1x80x64xi32, #tpu.memory_space<hbm>>
      %dma_wait3A_45 = tpu.memref_squeeze %dma_wait3A_44 : memref<1x80x64xi32, #tpu.memory_space<hbm>> -> memref<80x64xi32, #tpu.memory_space<hbm>>
      tpu.wait_dma2 semaphore(%run_scoped3A : memref<!tpu.dma_semaphore, #tpu.memory_space<semaphore_mem>>) src(%dma_wait3A_45 : memref<80x64xi32, #tpu.memory_space<hbm>>) dst(%arg6 : memref<80x64xi32, #tpu.memory_space<vmem>>)
      tpu.yield
    }) : () -> ()
    "tpu.region"() ({
      %run_scoped3A = tpu.sem_alloc : memref<!tpu.dma_semaphore, #tpu.memory_space<semaphore_mem>>
      %dma_start3A_31 = arith.constant 0 : i32
      %dma_start3A_32 = arith.constant 0 : i32
      %dma_start3A_33 = tpu.memref_slice %arg4[%add3A, %dma_start3A_31, %dma_start3A_32] : memref<32x80x64xi32, #tpu.memory_space<hbm>> -> memref<1x80x64xi32, #tpu.memory_space<hbm>>
      %dma_start3A_34 = tpu.memref_squeeze %dma_start3A_33 : memref<1x80x64xi32, #tpu.memory_space<hbm>> -> memref<80x64xi32, #tpu.memory_space<hbm>>
      %dma_start3A_35 = arith.constant 0 : i32
      %dma_start3A_36 = arith.constant 0 : i32
      %dma_start3A_37 = tpu.memref_slice %arg4[%add3A, %dma_start3A_35, %dma_start3A_36] : memref<32x80x64xi32, #tpu.memory_space<hbm>> -> memref<1x80x64xi32, #tpu.memory_space<hbm>>
      %dma_start3A_38 = tpu.memref_squeeze %dma_start3A_37 : memref<1x80x64xi32, #tpu.memory_space<hbm>> -> memref<80x64xi32, #tpu.memory_space<hbm>>
      tpu.enqueue_dma source(%dma_start3A_38 : memref<80x64xi32, #tpu.memory_space<hbm>>) target(%arg7 : memref<80x64xi32, #tpu.memory_space<vmem>>) target_semaphore(%run_scoped3A : memref<!tpu.dma_semaphore, #tpu.memory_space<semaphore_mem>>)
      %dma_wait3A = arith.constant 0 : i32
      %dma_wait3A_39 = arith.constant 0 : i32
      %dma_wait3A_40 = tpu.memref_slice %arg4[%add3A, %dma_wait3A, %dma_wait3A_39] : memref<32x80x64xi32, #tpu.memory_space<hbm>> -> memref<1x80x64xi32, #tpu.memory_space<hbm>>
      %dma_wait3A_41 = tpu.memref_squeeze %dma_wait3A_40 : memref<1x80x64xi32, #tpu.memory_space<hbm>> -> memref<80x64xi32, #tpu.memory_space<hbm>>
      %dma_wait3A_42 = arith.constant 0 : i32
      %dma_wait3A_43 = arith.constant 0 : i32
      %dma_wait3A_44 = tpu.memref_slice %arg4[%add3A, %dma_wait3A_42, %dma_wait3A_43] : memref<32x80x64xi32, #tpu.memory_space<hbm>> -> memref<1x80x64xi32, #tpu.memory_space<hbm>>
      %dma_wait3A_45 = tpu.memref_squeeze %dma_wait3A_44 : memref<1x80x64xi32, #tpu.memory_space<hbm>> -> memref<80x64xi32, #tpu.memory_space<hbm>>
      tpu.wait_dma2 semaphore(%run_scoped3A : memref<!tpu.dma_semaphore, #tpu.memory_space<semaphore_mem>>) src(%dma_wait3A_45 : memref<80x64xi32, #tpu.memory_space<hbm>>) dst(%arg7 : memref<80x64xi32, #tpu.memory_space<vmem>>)
      tpu.yield
    }) : () -> ()
    %barrier3A = arith.constant 0 : index
    tpu.barrier barrier_id(%barrier3A)
    %iota3A = tpu.iota {dimensions = array<i32: 0>} : vector<16xi32>
    %dma_start3A = arith.constant 0 : i32
    %dma_start3A_5 = arith.constant 0 : i32
    %dma_start3A_6 = tpu.memref_slice %arg6[%dma_start3A, %dma_start3A_5] : memref<80x64xi32, #tpu.memory_space<vmem>> -> memref<1x64xi32, #tpu.memory_space<vmem>>
    %dma_start3A_7 = tpu.memref_squeeze %dma_start3A_6 : memref<1x64xi32, #tpu.memory_space<vmem>> -> memref<64xi32, #tpu.memory_space<vmem>>
    %dma_start3A_8 = arith.constant 0 : i32
    %dma_start3A_9 = arith.constant 0 : i32
    %dma_start3A_10 = tpu.memref_slice %arg14[%dma_start3A_8, %dma_start3A_9] : memref<10000x256xbf16, #tpu.memory_space<vmem_shared>> -> memref<10000x256xbf16, #tpu.memory_space<vmem_shared>>
    tpu.enqueue_indirect_dma source(%dma_start3A_10 : memref<10000x256xbf16, #tpu.memory_space<vmem_shared>>) target(%arg8 : memref<64x256xbf16, #tpu.memory_space<vmem>>) offsets(%dma_start3A_7 : memref<64xi32, #tpu.memory_space<vmem>>) semaphore(%arg15 : memref<!tpu.dma_semaphore, #tpu.memory_space<semaphore_mem>>)
    %dma_start3A_11 = arith.constant 0 : i32
    %dma_start3A_12 = arith.constant 0 : i32
    %dma_start3A_13 = tpu.memref_slice %arg7[%dma_start3A_11, %dma_start3A_12] : memref<80x64xi32, #tpu.memory_space<vmem>> -> memref<1x64xi32, #tpu.memory_space<vmem>>
    %dma_start3A_14 = tpu.memref_squeeze %dma_start3A_13 : memref<1x64xi32, #tpu.memory_space<vmem>> -> memref<64xi32, #tpu.memory_space<vmem>>
    %dma_start3A_15 = arith.constant 0 : i32
    %dma_start3A_16 = arith.constant 0 : i32
    %dma_start3A_17 = tpu.memref_slice %arg14[%dma_start3A_15, %dma_start3A_16] : memref<10000x256xbf16, #tpu.memory_space<vmem_shared>> -> memref<10000x256xbf16, #tpu.memory_space<vmem_shared>>
    tpu.enqueue_indirect_dma source(%dma_start3A_17 : memref<10000x256xbf16, #tpu.memory_space<vmem_shared>>) target(%arg10 : memref<64x256xbf16, #tpu.memory_space<vmem>>) offsets(%dma_start3A_14 : memref<64xi32, #tpu.memory_space<vmem>>) semaphore(%arg15 : memref<!tpu.dma_semaphore, #tpu.memory_space<semaphore_mem>>)
    %scan3A = arith.constant 0 : i32
    %scan3A_18 = arith.constant 0 : i32
    %scan3A_19 = arith.constant 40 : i32
    %scan3A_20 = arith.addi %scan3A_18, %scan3A_19 : i32
    %scan3A_21 = arith.constant 1 : i32
    scf.for %scan3A_31 = %scan3A_18 to %scan3A_20 step %scan3A_21  : i32 {
      %mul3A_32 = arith.constant 2 : i32
      %mul3A_33 = arith.muli %scan3A_31, %mul3A_32 : i32
      %add3A_34 = arith.constant 0 : i32
      %add3A_35 = arith.addi %mul3A_33, %add3A_34 : i32
      %add3A_36 = arith.constant 1 : i32
      %add3A_37 = arith.addi %add3A_35, %add3A_36 : i32
      %lt3A = arith.constant 80 : i32
      %lt3A_38 = arith.cmpi slt, %add3A_37, %lt3A : i32
      %convert_element_type3A = arith.extui %lt3A_38 : i1 to i32
      %cond3A = arith.constant 0 : i32
      %cond3A_39 = arith.cmpi ne, %convert_element_type3A, %cond3A : i32
      scf.if %cond3A_39 {
        %dma_start3A_88 = arith.constant 0 : i32
        %dma_start3A_89 = tpu.memref_slice %arg6[%add3A_37, %dma_start3A_88] : memref<80x64xi32, #tpu.memory_space<vmem>> -> memref<1x64xi32, #tpu.memory_space<vmem>>
        %dma_start3A_90 = tpu.memref_squeeze %dma_start3A_89 : memref<1x64xi32, #tpu.memory_space<vmem>> -> memref<64xi32, #tpu.memory_space<vmem>>
        %dma_start3A_91 = arith.constant 0 : i32
        %dma_start3A_92 = arith.constant 0 : i32
        %dma_start3A_93 = tpu.memref_slice %arg14[%dma_start3A_91, %dma_start3A_92] : memref<10000x256xbf16, #tpu.memory_space<vmem_shared>> -> memref<10000x256xbf16, #tpu.memory_space<vmem_shared>>
        tpu.enqueue_indirect_dma source(%dma_start3A_93 : memref<10000x256xbf16, #tpu.memory_space<vmem_shared>>) target(%arg9 : memref<64x256xbf16, #tpu.memory_space<vmem>>) offsets(%dma_start3A_90 : memref<64xi32, #tpu.memory_space<vmem>>) semaphore(%arg16 : memref<!tpu.dma_semaphore, #tpu.memory_space<semaphore_mem>>)
        %dma_start3A_94 = arith.constant 0 : i32
        %dma_start3A_95 = tpu.memref_slice %arg7[%add3A_37, %dma_start3A_94] : memref<80x64xi32, #tpu.memory_space<vmem>> -> memref<1x64xi32, #tpu.memory_space<vmem>>
        %dma_start3A_96 = tpu.memref_squeeze %dma_start3A_95 : memref<1x64xi32, #tpu.memory_space<vmem>> -> memref<64xi32, #tpu.memory_space<vmem>>
        %dma_start3A_97 = arith.constant 0 : i32
        %dma_start3A_98 = arith.constant 0 : i32
        %dma_start3A_99 = tpu.memref_slice %arg14[%dma_start3A_97, %dma_start3A_98] : memref<10000x256xbf16, #tpu.memory_space<vmem_shared>> -> memref<10000x256xbf16, #tpu.memory_space<vmem_shared>>
        tpu.enqueue_indirect_dma source(%dma_start3A_99 : memref<10000x256xbf16, #tpu.memory_space<vmem_shared>>) target(%arg11 : memref<64x256xbf16, #tpu.memory_space<vmem>>) offsets(%dma_start3A_96 : memref<64xi32, #tpu.memory_space<vmem>>) semaphore(%arg16 : memref<!tpu.dma_semaphore, #tpu.memory_space<semaphore_mem>>)
      } else {
      }
      %dma_wait3A = arith.constant 0 : i32
      %dma_wait3A_40 = arith.constant 0 : i32
      %dma_wait3A_41 = tpu.memref_slice %arg6[%dma_wait3A, %dma_wait3A_40] : memref<80x64xi32, #tpu.memory_space<vmem>> -> memref<1x64xi32, #tpu.memory_space<vmem>>
      %dma_wait3A_42 = tpu.memref_squeeze %dma_wait3A_41 : memref<1x64xi32, #tpu.memory_space<vmem>> -> memref<64xi32, #tpu.memory_space<vmem>>
      %dma_wait3A_43 = arith.constant 0 : i32
      %dma_wait3A_44 = arith.constant 0 : i32
      %dma_wait3A_45 = tpu.memref_slice %arg14[%dma_wait3A_43, %dma_wait3A_44] : memref<10000x256xbf16, #tpu.memory_space<vmem_shared>> -> memref<10000x256xbf16, #tpu.memory_space<vmem_shared>>
      tpu.wait_indirect_dma semaphore(%arg15 : memref<!tpu.dma_semaphore, #tpu.memory_space<semaphore_mem>>) src(%dma_wait3A_45 : memref<10000x256xbf16, #tpu.memory_space<vmem_shared>>) dst(%arg8 : memref<64x256xbf16, #tpu.memory_space<vmem>>)
      %dma_wait3A_46 = arith.constant 0 : i32
      %dma_wait3A_47 = arith.constant 0 : i32
      %dma_wait3A_48 = tpu.memref_slice %arg7[%dma_wait3A_46, %dma_wait3A_47] : memref<80x64xi32, #tpu.memory_space<vmem>> -> memref<1x64xi32, #tpu.memory_space<vmem>>
      %dma_wait3A_49 = tpu.memref_squeeze %dma_wait3A_48 : memref<1x64xi32, #tpu.memory_space<vmem>> -> memref<64xi32, #tpu.memory_space<vmem>>
      %dma_wait3A_50 = arith.constant 0 : i32
      %dma_wait3A_51 = arith.constant 0 : i32
      %dma_wait3A_52 = tpu.memref_slice %arg14[%dma_wait3A_50, %dma_wait3A_51] : memref<10000x256xbf16, #tpu.memory_space<vmem_shared>> -> memref<10000x256xbf16, #tpu.memory_space<vmem_shared>>
      tpu.wait_indirect_dma semaphore(%arg15 : memref<!tpu.dma_semaphore, #tpu.memory_space<semaphore_mem>>) src(%dma_wait3A_52 : memref<10000x256xbf16, #tpu.memory_space<vmem_shared>>) dst(%arg10 : memref<64x256xbf16, #tpu.memory_space<vmem>>)
      %scan3A_53 = arith.constant 0 : i32
      %scan3A_54 = arith.constant 0 : i32
      %scan3A_55 = arith.constant 4 : i32
      %scan3A_56 = arith.addi %scan3A_54, %scan3A_55 : i32
      %scan3A_57 = arith.constant 1 : i32
      scf.for %scan3A_88 = %scan3A_54 to %scan3A_56 step %scan3A_57  : i32 {
        %mul3A_89 = arith.constant 16 : i32
        %mul3A_90 = arith.muli %scan3A_88, %mul3A_89 : i32
        %add3A_91 = arith.constant 0 : i32
        %add3A_92 = arith.addi %mul3A_90, %add3A_91 : i32
        %broadcast_in_dim3A = arith.constant 0.000000e+00 : f32
        %broadcast_in_dim3A_93 = vector.broadcast %broadcast_in_dim3A : f32 to vector<16xf32>
        %broadcast_in_dim3A_94 = arith.constant 0.000000e+00 : f32
        %broadcast_in_dim3A_95 = vector.broadcast %broadcast_in_dim3A_94 : f32 to vector<16xf32>
        %get3A = arith.index_cast %add3A_92 : i32 to index
        %get3A_96 = arith.constant 0 : index
        %get3A_97 = tpu.vector_load %arg8[%get3A, %get3A_96] {strides = array<i32>} : memref<64x256xbf16, #tpu.memory_space<vmem>>, vector<32xbf16>,
        %get3A_98 = arith.index_cast %add3A_92 : i32 to index
        %get3A_99 = arith.constant 0 : index
        %get3A_100 = tpu.vector_load %arg10[%get3A_98, %get3A_99] {strides = array<i32>} : memref<64x256xbf16, #tpu.memory_space<vmem>>, vector<32xbf16>,
        %mul3A_101 = arith.mulf %get3A_97, %get3A_100 : vector<32xbf16>
        %unpack3A = tpu.unpack_subelements %mul3A_101, 0 {pack_format = #tpu.pack_format<interleaved>} : vector<32xbf16> -> vector<16xf32>
        %unpack3A_102 = tpu.unpack_subelements %mul3A_101, 1 {pack_format = #tpu.pack_format<interleaved>} : vector<32xbf16> -> vector<16xf32>
        %add3A_103 = arith.addf %broadcast_in_dim3A_93, %unpack3A : vector<16xf32>
        %add3A_104 = arith.addf %broadcast_in_dim3A_95, %unpack3A_102 : vector<16xf32>
        %get3A_105 = arith.index_cast %add3A_92 : i32 to index
        %get3A_106 = arith.constant 32 : index
        %get3A_107 = tpu.vector_load %arg8[%get3A_105, %get3A_106] {strides = array<i32>} : memref<64x256xbf16, #tpu.memory_space<vmem>>, vector<32xbf16>,
        %get3A_108 = arith.index_cast %add3A_92 : i32 to index
        %get3A_109 = arith.constant 32 : index
        %get3A_110 = tpu.vector_load %arg10[%get3A_108, %get3A_109] {strides = array<i32>} : memref<64x256xbf16, #tpu.memory_space<vmem>>, vector<32xbf16>,
        %mul3A_111 = arith.mulf %get3A_107, %get3A_110 : vector<32xbf16>
        %unpack3A_112 = tpu.unpack_subelements %mul3A_111, 0 {pack_format = #tpu.pack_format<interleaved>} : vector<32xbf16> -> vector<16xf32>
        %unpack3A_113 = tpu.unpack_subelements %mul3A_111, 1 {pack_format = #tpu.pack_format<interleaved>} : vector<32xbf16> -> vector<16xf32>
        %add3A_114 = arith.addf %add3A_103, %unpack3A_112 : vector<16xf32>
        %add3A_115 = arith.addf %add3A_104, %unpack3A_113 : vector<16xf32>
        %get3A_116 = arith.index_cast %add3A_92 : i32 to index
        %get3A_117 = arith.constant 64 : index
        %get3A_118 = tpu.vector_load %arg8[%get3A_116, %get3A_117] {strides = array<i32>} : memref<64x256xbf16, #tpu.memory_space<vmem>>, vector<32xbf16>,
        %get3A_119 = arith.index_cast %add3A_92 : i32 to index
        %get3A_120 = arith.constant 64 : index
        %get3A_121 = tpu.vector_load %arg10[%get3A_119, %get3A_120] {strides = array<i32>} : memref<64x256xbf16, #tpu.memory_space<vmem>>, vector<32xbf16>,
        %mul3A_122 = arith.mulf %get3A_118, %get3A_121 : vector<32xbf16>
        %unpack3A_123 = tpu.unpack_subelements %mul3A_122, 0 {pack_format = #tpu.pack_format<interleaved>} : vector<32xbf16> -> vector<16xf32>
        %unpack3A_124 = tpu.unpack_subelements %mul3A_122, 1 {pack_format = #tpu.pack_format<interleaved>} : vector<32xbf16> -> vector<16xf32>
        %add3A_125 = arith.addf %add3A_114, %unpack3A_123 : vector<16xf32>
        %add3A_126 = arith.addf %add3A_115, %unpack3A_124 : vector<16xf32>
        %get3A_127 = arith.index_cast %add3A_92 : i32 to index
        %get3A_128 = arith.constant 96 : index
        %get3A_129 = tpu.vector_load %arg8[%get3A_127, %get3A_128] {strides = array<i32>} : memref<64x256xbf16, #tpu.memory_space<vmem>>, vector<32xbf16>,
        %get3A_130 = arith.index_cast %add3A_92 : i32 to index
        %get3A_131 = arith.constant 96 : index
        %get3A_132 = tpu.vector_load %arg10[%get3A_130, %get3A_131] {strides = array<i32>} : memref<64x256xbf16, #tpu.memory_space<vmem>>, vector<32xbf16>,
        %mul3A_133 = arith.mulf %get3A_129, %get3A_132 : vector<32xbf16>
        %unpack3A_134 = tpu.unpack_subelements %mul3A_133, 0 {pack_format = #tpu.pack_format<interleaved>} : vector<32xbf16> -> vector<16xf32>
        %unpack3A_135 = tpu.unpack_subelements %mul3A_133, 1 {pack_format = #tpu.pack_format<interleaved>} : vector<32xbf16> -> vector<16xf32>
        %add3A_136 = arith.addf %add3A_125, %unpack3A_134 : vector<16xf32>
        %add3A_137 = arith.addf %add3A_126, %unpack3A_135 : vector<16xf32>
        %get3A_138 = arith.index_cast %add3A_92 : i32 to index
        %get3A_139 = arith.constant 128 : index
        %get3A_140 = tpu.vector_load %arg8[%get3A_138, %get3A_139] {strides = array<i32>} : memref<64x256xbf16, #tpu.memory_space<vmem>>, vector<32xbf16>,
        %get3A_141 = arith.index_cast %add3A_92 : i32 to index
        %get3A_142 = arith.constant 128 : index
        %get3A_143 = tpu.vector_load %arg10[%get3A_141, %get3A_142] {strides = array<i32>} : memref<64x256xbf16, #tpu.memory_space<vmem>>, vector<32xbf16>,
        %mul3A_144 = arith.mulf %get3A_140, %get3A_143 : vector<32xbf16>
        %unpack3A_145 = tpu.unpack_subelements %mul3A_144, 0 {pack_format = #tpu.pack_format<interleaved>} : vector<32xbf16> -> vector<16xf32>
        %unpack3A_146 = tpu.unpack_subelements %mul3A_144, 1 {pack_format = #tpu.pack_format<interleaved>} : vector<32xbf16> -> vector<16xf32>
        %add3A_147 = arith.addf %add3A_136, %unpack3A_145 : vector<16xf32>
        %add3A_148 = arith.addf %add3A_137, %unpack3A_146 : vector<16xf32>
        %get3A_149 = arith.index_cast %add3A_92 : i32 to index
        %get3A_150 = arith.constant 160 : index
        %get3A_151 = tpu.vector_load %arg8[%get3A_149, %get3A_150] {strides = array<i32>} : memref<64x256xbf16, #tpu.memory_space<vmem>>, vector<32xbf16>,
        %get3A_152 = arith.index_cast %add3A_92 : i32 to index
        %get3A_153 = arith.constant 160 : index
        %get3A_154 = tpu.vector_load %arg10[%get3A_152, %get3A_153] {strides = array<i32>} : memref<64x256xbf16, #tpu.memory_space<vmem>>, vector<32xbf16>,
        %mul3A_155 = arith.mulf %get3A_151, %get3A_154 : vector<32xbf16>
        %unpack3A_156 = tpu.unpack_subelements %mul3A_155, 0 {pack_format = #tpu.pack_format<interleaved>} : vector<32xbf16> -> vector<16xf32>
        %unpack3A_157 = tpu.unpack_subelements %mul3A_155, 1 {pack_format = #tpu.pack_format<interleaved>} : vector<32xbf16> -> vector<16xf32>
        %add3A_158 = arith.addf %add3A_147, %unpack3A_156 : vector<16xf32>
        %add3A_159 = arith.addf %add3A_148, %unpack3A_157 : vector<16xf32>
        %get3A_160 = arith.index_cast %add3A_92 : i32 to index
        %get3A_161 = arith.constant 192 : index
        %get3A_162 = tpu.vector_load %arg8[%get3A_160, %get3A_161] {strides = array<i32>} : memref<64x256xbf16, #tpu.memory_space<vmem>>, vector<32xbf16>,
        %get3A_163 = arith.index_cast %add3A_92 : i32 to index
        %get3A_164 = arith.constant 192 : index
        %get3A_165 = tpu.vector_load %arg10[%get3A_163, %get3A_164] {strides = array<i32>} : memref<64x256xbf16, #tpu.memory_space<vmem>>, vector<32xbf16>,
        %mul3A_166 = arith.mulf %get3A_162, %get3A_165 : vector<32xbf16>
        %unpack3A_167 = tpu.unpack_subelements %mul3A_166, 0 {pack_format = #tpu.pack_format<interleaved>} : vector<32xbf16> -> vector<16xf32>
        %unpack3A_168 = tpu.unpack_subelements %mul3A_166, 1 {pack_format = #tpu.pack_format<interleaved>} : vector<32xbf16> -> vector<16xf32>
        %add3A_169 = arith.addf %add3A_158, %unpack3A_167 : vector<16xf32>
        %add3A_170 = arith.addf %add3A_159, %unpack3A_168 : vector<16xf32>
        %get3A_171 = arith.index_cast %add3A_92 : i32 to index
        %get3A_172 = arith.constant 224 : index
        %get3A_173 = tpu.vector_load %arg8[%get3A_171, %get3A_172] {strides = array<i32>} : memref<64x256xbf16, #tpu.memory_space<vmem>>, vector<32xbf16>,
        %get3A_174 = arith.index_cast %add3A_92 : i32 to index
        %get3A_175 = arith.constant 224 : index
        %get3A_176 = tpu.vector_load %arg10[%get3A_174, %get3A_175] {strides = array<i32>} : memref<64x256xbf16, #tpu.memory_space<vmem>>, vector<32xbf16>,
        %mul3A_177 = arith.mulf %get3A_173, %get3A_176 : vector<32xbf16>
        %unpack3A_178 = tpu.unpack_subelements %mul3A_177, 0 {pack_format = #tpu.pack_format<interleaved>} : vector<32xbf16> -> vector<16xf32>
        %unpack3A_179 = tpu.unpack_subelements %mul3A_177, 1 {pack_format = #tpu.pack_format<interleaved>} : vector<32xbf16> -> vector<16xf32>
        %add3A_180 = arith.addf %add3A_169, %unpack3A_178 : vector<16xf32>
        %add3A_181 = arith.addf %add3A_170, %unpack3A_179 : vector<16xf32>
        %add3A_182 = arith.addf %add3A_180, %add3A_181 : vector<16xf32>
        %swap3A = arith.index_cast %add3A_92 : i32 to index
        %swap3A_183 = arith.constant 0 : index
        %swap3A_184 = tpu.vector_load %arg13[%swap3A, %swap3A_183] {strides = array<i32>} : memref<64x17xf32, #tpu.memory_space<vmem>>, vector<16xf32>,
        tpu.vector_store %arg13[%swap3A, %swap3A_183], %add3A_182 {strides = array<i32>} : memref<64x17xf32, #tpu.memory_space<vmem>>, vector<16xf32>,
        %mul3A_185 = arith.constant 16 : i32
        %mul3A_186 = arith.muli %scan3A_88, %mul3A_185 : i32
        %add3A_187 = arith.constant 1 : i32
        %add3A_188 = arith.addi %mul3A_186, %add3A_187 : i32
        %broadcast_in_dim3A_189 = arith.constant 0.000000e+00 : f32
        %broadcast_in_dim3A_190 = vector.broadcast %broadcast_in_dim3A_189 : f32 to vector<16xf32>
        %broadcast_in_dim3A_191 = arith.constant 0.000000e+00 : f32
        %broadcast_in_dim3A_192 = vector.broadcast %broadcast_in_dim3A_191 : f32 to vector<16xf32>
        %get3A_193 = arith.index_cast %add3A_188 : i32 to index
        %get3A_194 = arith.constant 0 : index
        %get3A_195 = tpu.vector_load %arg8[%get3A_193, %get3A_194] {strides = array<i32>} : memref<64x256xbf16, #tpu.memory_space<vmem>>, vector<32xbf16>,
        %get3A_196 = arith.index_cast %add3A_188 : i32 to index
        %get3A_197 = arith.constant 0 : index
        %get3A_198 = tpu.vector_load %arg10[%get3A_196, %get3A_197] {strides = array<i32>} : memref<64x256xbf16, #tpu.memory_space<vmem>>, vector<32xbf16>,
        %mul3A_199 = arith.mulf %get3A_195, %get3A_198 : vector<32xbf16>
        %unpack3A_200 = tpu.unpack_subelements %mul3A_199, 0 {pack_format = #tpu.pack_format<interleaved>} : vector<32xbf16> -> vector<16xf32>
        %unpack3A_201 = tpu.unpack_subelements %mul3A_199, 1 {pack_format = #tpu.pack_format<interleaved>} : vector<32xbf16> -> vector<16xf32>
        %add3A_202 = arith.addf %broadcast_in_dim3A_190, %unpack3A_200 : vector<16xf32>
        %add3A_203 = arith.addf %broadcast_in_dim3A_192, %unpack3A_201 : vector<16xf32>
        %get3A_204 = arith.index_cast %add3A_188 : i32 to index
        %get3A_205 = arith.constant 32 : index
        %get3A_206 = tpu.vector_load %arg8[%get3A_204, %get3A_205] {strides = array<i32>} : memref<64x256xbf16, #tpu.memory_space<vmem>>, vector<32xbf16>,
        %get3A_207 = arith.index_cast %add3A_188 : i32 to index
        %get3A_208 = arith.constant 32 : index
        %get3A_209 = tpu.vector_load %arg10[%get3A_207, %get3A_208] {strides = array<i32>} : memref<64x256xbf16, #tpu.memory_space<vmem>>, vector<32xbf16>,
        %mul3A_210 = arith.mulf %get3A_206, %get3A_209 : vector<32xbf16>
        %unpack3A_211 = tpu.unpack_subelements %mul3A_210, 0 {pack_format = #tpu.pack_format<interleaved>} : vector<32xbf16> -> vector<16xf32>
        %unpack3A_212 = tpu.unpack_subelements %mul3A_210, 1 {pack_format = #tpu.pack_format<interleaved>} : vector<32xbf16> -> vector<16xf32>
        %add3A_213 = arith.addf %add3A_202, %unpack3A_211 : vector<16xf32>
        %add3A_214 = arith.addf %add3A_203, %unpack3A_212 : vector<16xf32>
        %get3A_215 = arith.index_cast %add3A_188 : i32 to index
        %get3A_216 = arith.constant 64 : index
        %get3A_217 = tpu.vector_load %arg8[%get3A_215, %get3A_216] {strides = array<i32>} : memref<64x256xbf16, #tpu.memory_space<vmem>>, vector<32xbf16>,
        %get3A_218 = arith.index_cast %add3A_188 : i32 to index
        %get3A_219 = arith.constant 64 : index
        %get3A_220 = tpu.vector_load %arg10[%get3A_218, %get3A_219] {strides = array<i32>} : memref<64x256xbf16, #tpu.memory_space<vmem>>, vector<32xbf16>,
        %mul3A_221 = arith.mulf %get3A_217, %get3A_220 : vector<32xbf16>
        %unpack3A_222 = tpu.unpack_subelements %mul3A_221, 0 {pack_format = #tpu.pack_format<interleaved>} : vector<32xbf16> -> vector<16xf32>
        %unpack3A_223 = tpu.unpack_subelements %mul3A_221, 1 {pack_format = #tpu.pack_format<interleaved>} : vector<32xbf16> -> vector<16xf32>
        %add3A_224 = arith.addf %add3A_213, %unpack3A_222 : vector<16xf32>
        %add3A_225 = arith.addf %add3A_214, %unpack3A_223 : vector<16xf32>
        %get3A_226 = arith.index_cast %add3A_188 : i32 to index
        %get3A_227 = arith.constant 96 : index
        %get3A_228 = tpu.vector_load %arg8[%get3A_226, %get3A_227] {strides = array<i32>} : memref<64x256xbf16, #tpu.memory_space<vmem>>, vector<32xbf16>,
        %get3A_229 = arith.index_cast %add3A_188 : i32 to index
        %get3A_230 = arith.constant 96 : index
        %get3A_231 = tpu.vector_load %arg10[%get3A_229, %get3A_230] {strides = array<i32>} : memref<64x256xbf16, #tpu.memory_space<vmem>>, vector<32xbf16>,
        %mul3A_232 = arith.mulf %get3A_228, %get3A_231 : vector<32xbf16>
        %unpack3A_233 = tpu.unpack_subelements %mul3A_232, 0 {pack_format = #tpu.pack_format<interleaved>} : vector<32xbf16> -> vector<16xf32>
        %unpack3A_234 = tpu.unpack_subelements %mul3A_232, 1 {pack_format = #tpu.pack_format<interleaved>} : vector<32xbf16> -> vector<16xf32>
        %add3A_235 = arith.addf %add3A_224, %unpack3A_233 : vector<16xf32>
        %add3A_236 = arith.addf %add3A_225, %unpack3A_234 : vector<16xf32>
        %get3A_237 = arith.index_cast %add3A_188 : i32 to index
        %get3A_238 = arith.constant 128 : index
        %get3A_239 = tpu.vector_load %arg8[%get3A_237, %get3A_238] {strides = array<i32>} : memref<64x256xbf16, #tpu.memory_space<vmem>>, vector<32xbf16>,
        %get3A_240 = arith.index_cast %add3A_188 : i32 to index
        %get3A_241 = arith.constant 128 : index
        %get3A_242 = tpu.vector_load %arg10[%get3A_240, %get3A_241] {strides = array<i32>} : memref<64x256xbf16, #tpu.memory_space<vmem>>, vector<32xbf16>,
        %mul3A_243 = arith.mulf %get3A_239, %get3A_242 : vector<32xbf16>
        %unpack3A_244 = tpu.unpack_subelements %mul3A_243, 0 {pack_format = #tpu.pack_format<interleaved>} : vector<32xbf16> -> vector<16xf32>
        %unpack3A_245 = tpu.unpack_subelements %mul3A_243, 1 {pack_format = #tpu.pack_format<interleaved>} : vector<32xbf16> -> vector<16xf32>
        %add3A_246 = arith.addf %add3A_235, %unpack3A_244 : vector<16xf32>
        %add3A_247 = arith.addf %add3A_236, %unpack3A_245 : vector<16xf32>
        %get3A_248 = arith.index_cast %add3A_188 : i32 to index
        %get3A_249 = arith.constant 160 : index
        %get3A_250 = tpu.vector_load %arg8[%get3A_248, %get3A_249] {strides = array<i32>} : memref<64x256xbf16, #tpu.memory_space<vmem>>, vector<32xbf16>,
        %get3A_251 = arith.index_cast %add3A_188 : i32 to index
        %get3A_252 = arith.constant 160 : index
        %get3A_253 = tpu.vector_load %arg10[%get3A_251, %get3A_252] {strides = array<i32>} : memref<64x256xbf16, #tpu.memory_space<vmem>>, vector<32xbf16>,
        %mul3A_254 = arith.mulf %get3A_250, %get3A_253 : vector<32xbf16>
        %unpack3A_255 = tpu.unpack_subelements %mul3A_254, 0 {pack_format = #tpu.pack_format<interleaved>} : vector<32xbf16> -> vector<16xf32>
        %unpack3A_256 = tpu.unpack_subelements %mul3A_254, 1 {pack_format = #tpu.pack_format<interleaved>} : vector<32xbf16> -> vector<16xf32>
        %add3A_257 = arith.addf %add3A_246, %unpack3A_255 : vector<16xf32>
        %add3A_258 = arith.addf %add3A_247, %unpack3A_256 : vector<16xf32>
        %get3A_259 = arith.index_cast %add3A_188 : i32 to index
        %get3A_260 = arith.constant 192 : index
        %get3A_261 = tpu.vector_load %arg8[%get3A_259, %get3A_260] {strides = array<i32>} : memref<64x256xbf16, #tpu.memory_space<vmem>>, vector<32xbf16>,
        %get3A_262 = arith.index_cast %add3A_188 : i32 to index
        %get3A_263 = arith.constant 192 : index
        %get3A_264 = tpu.vector_load %arg10[%get3A_262, %get3A_263] {strides = array<i32>} : memref<64x256xbf16, #tpu.memory_space<vmem>>, vector<32xbf16>,
        %mul3A_265 = arith.mulf %get3A_261, %get3A_264 : vector<32xbf16>
        %unpack3A_266 = tpu.unpack_subelements %mul3A_265, 0 {pack_format = #tpu.pack_format<interleaved>} : vector<32xbf16> -> vector<16xf32>
        %unpack3A_267 = tpu.unpack_subelements %mul3A_265, 1 {pack_format = #tpu.pack_format<interleaved>} : vector<32xbf16> -> vector<16xf32>
        %add3A_268 = arith.addf %add3A_257, %unpack3A_266 : vector<16xf32>
        %add3A_269 = arith.addf %add3A_258, %unpack3A_267 : vector<16xf32>
        %get3A_270 = arith.index_cast %add3A_188 : i32 to index
        %get3A_271 = arith.constant 224 : index
        %get3A_272 = tpu.vector_load %arg8[%get3A_270, %get3A_271] {strides = array<i32>} : memref<64x256xbf16, #tpu.memory_space<vmem>>, vector<32xbf16>,
        %get3A_273 = arith.index_cast %add3A_188 : i32 to index
        %get3A_274 = arith.constant 224 : index
        %get3A_275 = tpu.vector_load %arg10[%get3A_273, %get3A_274] {strides = array<i32>} : memref<64x256xbf16, #tpu.memory_space<vmem>>, vector<32xbf16>,
        %mul3A_276 = arith.mulf %get3A_272, %get3A_275 : vector<32xbf16>
        %unpack3A_277 = tpu.unpack_subelements %mul3A_276, 0 {pack_format = #tpu.pack_format<interleaved>} : vector<32xbf16> -> vector<16xf32>
        %unpack3A_278 = tpu.unpack_subelements %mul3A_276, 1 {pack_format = #tpu.pack_format<interleaved>} : vector<32xbf16> -> vector<16xf32>
        %add3A_279 = arith.addf %add3A_268, %unpack3A_277 : vector<16xf32>
        %add3A_280 = arith.addf %add3A_269, %unpack3A_278 : vector<16xf32>
        %add3A_281 = arith.addf %add3A_279, %add3A_280 : vector<16xf32>
        %swap3A_282 = arith.index_cast %add3A_188 : i32 to index
        %swap3A_283 = arith.constant 0 : index
        %swap3A_284 = tpu.vector_load %arg13[%swap3A_282, %swap3A_283] {strides = array<i32>} : memref<64x17xf32, #tpu.memory_space<vmem>>, vector<16xf32>,
        tpu.vector_store %arg13[%swap3A_282, %swap3A_283], %add3A_281 {strides = array<i32>} : memref<64x17xf32, #tpu.memory_space<vmem>>, vector<16xf32>,
        %mul3A_285 = arith.constant 16 : i32
        %mul3A_286 = arith.muli %scan3A_88, %mul3A_285 : i32
        %add3A_287 = arith.constant 2 : i32
        %add3A_288 = arith.addi %mul3A_286, %add3A_287 : i32
        %broadcast_in_dim3A_289 = arith.constant 0.000000e+00 : f32
        %broadcast_in_dim3A_290 = vector.broadcast %broadcast_in_dim3A_289 : f32 to vector<16xf32>
        %broadcast_in_dim3A_291 = arith.constant 0.000000e+00 : f32
        %broadcast_in_dim3A_292 = vector.broadcast %broadcast_in_dim3A_291 : f32 to vector<16xf32>
        %get3A_293 = arith.index_cast %add3A_288 : i32 to index
        %get3A_294 = arith.constant 0 : index
        %get3A_295 = tpu.vector_load %arg8[%get3A_293, %get3A_294] {strides = array<i32>} : memref<64x256xbf16, #tpu.memory_space<vmem>>, vector<32xbf16>,
        %get3A_296 = arith.index_cast %add3A_288 : i32 to index
        %get3A_297 = arith.constant 0 : index
        %get3A_298 = tpu.vector_load %arg10[%get3A_296, %get3A_297] {strides = array<i32>} : memref<64x256xbf16, #tpu.memory_space<vmem>>, vector<32xbf16>,
        %mul3A_299 = arith.mulf %get3A_295, %get3A_298 : vector<32xbf16>
        %unpack3A_300 = tpu.unpack_subelements %mul3A_299, 0 {pack_format = #tpu.pack_format<interleaved>} : vector<32xbf16> -> vector<16xf32>
        %unpack3A_301 = tpu.unpack_subelements %mul3A_299, 1 {pack_format = #tpu.pack_format<interleaved>} : vector<32xbf16> -> vector<16xf32>
        %add3A_302 = arith.addf %broadcast_in_dim3A_290, %unpack3A_300 : vector<16xf32>
        %add3A_303 = arith.addf %broadcast_in_dim3A_292, %unpack3A_301 : vector<16xf32>
        %get3A_304 = arith.index_cast %add3A_288 : i32 to index
        %get3A_305 = arith.constant 32 : index
        %get3A_306 = tpu.vector_load %arg8[%get3A_304, %get3A_305] {strides = array<i32>} : memref<64x256xbf16, #tpu.memory_space<vmem>>, vector<32xbf16>,
        %get3A_307 = arith.index_cast %add3A_288 : i32 to index
        %get3A_308 = arith.constant 32 : index
        %get3A_309 = tpu.vector_load %arg10[%get3A_307, %get3A_308] {strides = array<i32>} : memref<64x256xbf16, #tpu.memory_space<vmem>>, vector<32xbf16>,
        %mul3A_310 = arith.mulf %get3A_306, %get3A_309 : vector<32xbf16>
        %unpack3A_311 = tpu.unpack_subelements %mul3A_310, 0 {pack_format = #tpu.pack_format<interleaved>} : vector<32xbf16> -> vector<16xf32>
        %unpack3A_312 = tpu.unpack_subelements %mul3A_310, 1 {pack_format = #tpu.pack_format<interleaved>} : vector<32xbf16> -> vector<16xf32>
        %add3A_313 = arith.addf %add3A_302, %unpack3A_311 : vector<16xf32>
        %add3A_314 = arith.addf %add3A_303, %unpack3A_312 : vector<16xf32>
        %get3A_315 = arith.index_cast %add3A_288 : i32 to index
        %get3A_316 = arith.constant 64 : index
        %get3A_317 = tpu.vector_load %arg8[%get3A_315, %get3A_316] {strides = array<i32>} : memref<64x256xbf16, #tpu.memory_space<vmem>>, vector<32xbf16>,
        %get3A_318 = arith.index_cast %add3A_288 : i32 to index
        %get3A_319 = arith.constant 64 : index
        %get3A_320 = tpu.vector_load %arg10[%get3A_318, %get3A_319] {strides = array<i32>} : memref<64x256xbf16, #tpu.memory_space<vmem>>, vector<32xbf16>,
        %mul3A_321 = arith.mulf %get3A_317, %get3A_320 : vector<32xbf16>
        %unpack3A_322 = tpu.unpack_subelements %mul3A_321, 0 {pack_format = #tpu.pack_format<interleaved>} : vector<32xbf16> -> vector<16xf32>
        %unpack3A_323 = tpu.unpack_subelements %mul3A_321, 1 {pack_format = #tpu.pack_format<interleaved>} : vector<32xbf16> -> vector<16xf32>
        %add3A_324 = arith.addf %add3A_313, %unpack3A_322 : vector<16xf32>
        %add3A_325 = arith.addf %add3A_314, %unpack3A_323 : vector<16xf32>
        %get3A_326 = arith.index_cast %add3A_288 : i32 to index
        %get3A_327 = arith.constant 96 : index
        %get3A_328 = tpu.vector_load %arg8[%get3A_326, %get3A_327] {strides = array<i32>} : memref<64x256xbf16, #tpu.memory_space<vmem>>, vector<32xbf16>,
        %get3A_329 = arith.index_cast %add3A_288 : i32 to index
        %get3A_330 = arith.constant 96 : index
        %get3A_331 = tpu.vector_load %arg10[%get3A_329, %get3A_330] {strides = array<i32>} : memref<64x256xbf16, #tpu.memory_space<vmem>>, vector<32xbf16>,
        %mul3A_332 = arith.mulf %get3A_328, %get3A_331 : vector<32xbf16>
        %unpack3A_333 = tpu.unpack_subelements %mul3A_332, 0 {pack_format = #tpu.pack_format<interleaved>} : vector<32xbf16> -> vector<16xf32>
        %unpack3A_334 = tpu.unpack_subelements %mul3A_332, 1 {pack_format = #tpu.pack_format<interleaved>} : vector<32xbf16> -> vector<16xf32>
        %add3A_335 = arith.addf %add3A_324, %unpack3A_333 : vector<16xf32>
        %add3A_336 = arith.addf %add3A_325, %unpack3A_334 : vector<16xf32>
        %get3A_337 = arith.index_cast %add3A_288 : i32 to index
        %get3A_338 = arith.constant 128 : index
        %get3A_339 = tpu.vector_load %arg8[%get3A_337, %get3A_338] {strides = array<i32>} : memref<64x256xbf16, #tpu.memory_space<vmem>>, vector<32xbf16>,
        %get3A_340 = arith.index_cast %add3A_288 : i32 to index
        %get3A_341 = arith.constant 128 : index
        %get3A_342 = tpu.vector_load %arg10[%get3A_340, %get3A_341] {strides = array<i32>} : memref<64x256xbf16, #tpu.memory_space<vmem>>, vector<32xbf16>,
        %mul3A_343 = arith.mulf %get3A_339, %get3A_342 : vector<32xbf16>
        %unpack3A_344 = tpu.unpack_subelements %mul3A_343, 0 {pack_format = #tpu.pack_format<interleaved>} : vector<32xbf16> -> vector<16xf32>
        %unpack3A_345 = tpu.unpack_subelements %mul3A_343, 1 {pack_format = #tpu.pack_format<interleaved>} : vector<32xbf16> -> vector<16xf32>
        %add3A_346 = arith.addf %add3A_335, %unpack3A_344 : vector<16xf32>
        %add3A_347 = arith.addf %add3A_336, %unpack3A_345 : vector<16xf32>
        %get3A_348 = arith.index_cast %add3A_288 : i32 to index
        %get3A_349 = arith.constant 160 : index
        %get3A_350 = tpu.vector_load %arg8[%get3A_348, %get3A_349] {strides = array<i32>} : memref<64x256xbf16, #tpu.memory_space<vmem>>, vector<32xbf16>,
        %get3A_351 = arith.index_cast %add3A_288 : i32 to index
        %get3A_352 = arith.constant 160 : index
        %get3A_353 = tpu.vector_load %arg10[%get3A_351, %get3A_352] {strides = array<i32>} : memref<64x256xbf16, #tpu.memory_space<vmem>>, vector<32xbf16>,
        %mul3A_354 = arith.mulf %get3A_350, %get3A_353 : vector<32xbf16>
        %unpack3A_355 = tpu.unpack_subelements %mul3A_354, 0 {pack_format = #tpu.pack_format<interleaved>} : vector<32xbf16> -> vector<16xf32>
        %unpack3A_356 = tpu.unpack_subelements %mul3A_354, 1 {pack_format = #tpu.pack_format<interleaved>} : vector<32xbf16> -> vector<16xf32>
        %add3A_357 = arith.addf %add3A_346, %unpack3A_355 : vector<16xf32>
        %add3A_358 = arith.addf %add3A_347, %unpack3A_356 : vector<16xf32>
        %get3A_359 = arith.index_cast %add3A_288 : i32 to index
        %get3A_360 = arith.constant 192 : index
        %get3A_361 = tpu.vector_load %arg8[%get3A_359, %get3A_360] {strides = array<i32>} : memref<64x256xbf16, #tpu.memory_space<vmem>>, vector<32xbf16>,
        %get3A_362 = arith.index_cast %add3A_288 : i32 to index
        %get3A_363 = arith.constant 192 : index
        %get3A_364 = tpu.vector_load %arg10[%get3A_362, %get3A_363] {strides = array<i32>} : memref<64x256xbf16, #tpu.memory_space<vmem>>, vector<32xbf16>,
        %mul3A_365 = arith.mulf %get3A_361, %get3A_364 : vector<32xbf16>
        %unpack3A_366 = tpu.unpack_subelements %mul3A_365, 0 {pack_format = #tpu.pack_format<interleaved>} : vector<32xbf16> -> vector<16xf32>
        %unpack3A_367 = tpu.unpack_subelements %mul3A_365, 1 {pack_format = #tpu.pack_format<interleaved>} : vector<32xbf16> -> vector<16xf32>
        %add3A_368 = arith.addf %add3A_357, %unpack3A_366 : vector<16xf32>
        %add3A_369 = arith.addf %add3A_358, %unpack3A_367 : vector<16xf32>
        %get3A_370 = arith.index_cast %add3A_288 : i32 to index
        %get3A_371 = arith.constant 224 : index
        %get3A_372 = tpu.vector_load %arg8[%get3A_370, %get3A_371] {strides = array<i32>} : memref<64x256xbf16, #tpu.memory_space<vmem>>, vector<32xbf16>,
        %get3A_373 = arith.index_cast %add3A_288 : i32 to index
        %get3A_374 = arith.constant 224 : index
        %get3A_375 = tpu.vector_load %arg10[%get3A_373, %get3A_374] {strides = array<i32>} : memref<64x256xbf16, #tpu.memory_space<vmem>>, vector<32xbf16>,
        %mul3A_376 = arith.mulf %get3A_372, %get3A_375 : vector<32xbf16>
        %unpack3A_377 = tpu.unpack_subelements %mul3A_376, 0 {pack_format = #tpu.pack_format<interleaved>} : vector<32xbf16> -> vector<16xf32>
        %unpack3A_378 = tpu.unpack_subelements %mul3A_376, 1 {pack_format = #tpu.pack_format<interleaved>} : vector<32xbf16> -> vector<16xf32>
        %add3A_379 = arith.addf %add3A_368, %unpack3A_377 : vector<16xf32>
        %add3A_380 = arith.addf %add3A_369, %unpack3A_378 : vector<16xf32>
        %add3A_381 = arith.addf %add3A_379, %add3A_380 : vector<16xf32>
        %swap3A_382 = arith.index_cast %add3A_288 : i32 to index
        %swap3A_383 = arith.constant 0 : index
        %swap3A_384 = tpu.vector_load %arg13[%swap3A_382, %swap3A_383] {strides = array<i32>} : memref<64x17xf32, #tpu.memory_space<vmem>>, vector<16xf32>,
        tpu.vector_store %arg13[%swap3A_382, %swap3A_383], %add3A_381 {strides = array<i32>} : memref<64x17xf32, #tpu.memory_space<vmem>>, vector<16xf32>,
        %mul3A_385 = arith.constant 16 : i32
        %mul3A_386 = arith.muli %scan3A_88, %mul3A_385 : i32
        %add3A_387 = arith.constant 3 : i32
        %add3A_388 = arith.addi %mul3A_386, %add3A_387 : i32
        %broadcast_in_dim3A_389 = arith.constant 0.000000e+00 : f32
        %broadcast_in_dim3A_390 = vector.broadcast %broadcast_in_dim3A_389 : f32 to vector<16xf32>
        %broadcast_in_dim3A_391 = arith.constant 0.000000e+00 : f32
        %broadcast_in_dim3A_392 = vector.broadcast %broadcast_in_dim3A_391 : f32 to vector<16xf32>
        %get3A_393 = arith.index_cast %add3A_388 : i32 to index
        %get3A_394 = arith.constant 0 : index
        %get3A_395 = tpu.vector_load %arg8[%get3A_393, %get3A_394] {strides = array<i32>} : memref<64x256xbf16, #tpu.memory_space<vmem>>, vector<32xbf16>,
        %get3A_396 = arith.index_cast %add3A_388 : i32 to index
        %get3A_397 = arith.constant 0 : index
        %get3A_398 = tpu.vector_load %arg10[%get3A_396, %get3A_397] {strides = array<i32>} : memref<64x256xbf16, #tpu.memory_space<vmem>>, vector<32xbf16>,
        %mul3A_399 = arith.mulf %get3A_395, %get3A_398 : vector<32xbf16>
        %unpack3A_400 = tpu.unpack_subelements %mul3A_399, 0 {pack_format = #tpu.pack_format<interleaved>} : vector<32xbf16> -> vector<16xf32>
        %unpack3A_401 = tpu.unpack_subelements %mul3A_399, 1 {pack_format = #tpu.pack_format<interleaved>} : vector<32xbf16> -> vector<16xf32>
        %add3A_402 = arith.addf %broadcast_in_dim3A_390, %unpack3A_400 : vector<16xf32>
        %add3A_403 = arith.addf %broadcast_in_dim3A_392, %unpack3A_401 : vector<16xf32>
        %get3A_404 = arith.index_cast %add3A_388 : i32 to index
        %get3A_405 = arith.constant 32 : index
        %get3A_406 = tpu.vector_load %arg8[%get3A_404, %get3A_405] {strides = array<i32>} : memref<64x256xbf16, #tpu.memory_space<vmem>>, vector<32xbf16>,
        %get3A_407 = arith.index_cast %add3A_388 : i32 to index
        %get3A_408 = arith.constant 32 : index
        %get3A_409 = tpu.vector_load %arg10[%get3A_407, %get3A_408] {strides = array<i32>} : memref<64x256xbf16, #tpu.memory_space<vmem>>, vector<32xbf16>,
        %mul3A_410 = arith.mulf %get3A_406, %get3A_409 : vector<32xbf16>
        %unpack3A_411 = tpu.unpack_subelements %mul3A_410, 0 {pack_format = #tpu.pack_format<interleaved>} : vector<32xbf16> -> vector<16xf32>
        %unpack3A_412 = tpu.unpack_subelements %mul3A_410, 1 {pack_format = #tpu.pack_format<interleaved>} : vector<32xbf16> -> vector<16xf32>
        %add3A_413 = arith.addf %add3A_402, %unpack3A_411 : vector<16xf32>
        %add3A_414 = arith.addf %add3A_403, %unpack3A_412 : vector<16xf32>
        %get3A_415 = arith.index_cast %add3A_388 : i32 to index
        %get3A_416 = arith.constant 64 : index
        %get3A_417 = tpu.vector_load %arg8[%get3A_415, %get3A_416] {strides = array<i32>} : memref<64x256xbf16, #tpu.memory_space<vmem>>, vector<32xbf16>,
        %get3A_418 = arith.index_cast %add3A_388 : i32 to index
        %get3A_419 = arith.constant 64 : index
        %get3A_420 = tpu.vector_load %arg10[%get3A_418, %get3A_419] {strides = array<i32>} : memref<64x256xbf16, #tpu.memory_space<vmem>>, vector<32xbf16>,
        %mul3A_421 = arith.mulf %get3A_417, %get3A_420 : vector<32xbf16>
        %unpack3A_422 = tpu.unpack_subelements %mul3A_421, 0 {pack_format = #tpu.pack_format<interleaved>} : vector<32xbf16> -> vector<16xf32>
        %unpack3A_423 = tpu.unpack_subelements %mul3A_421, 1 {pack_format = #tpu.pack_format<interleaved>} : vector<32xbf16> -> vector<16xf32>
        %add3A_424 = arith.addf %add3A_413, %unpack3A_422 : vector<16xf32>
        %add3A_425 = arith.addf %add3A_414, %unpack3A_423 : vector<16xf32>
        %get3A_426 = arith.index_cast %add3A_388 : i32 to index
        %get3A_427 = arith.constant 96 : index
        %get3A_428 = tpu.vector_load %arg8[%get3A_426, %get3A_427] {strides = array<i32>} : memref<64x256xbf16, #tpu.memory_space<vmem>>, vector<32xbf16>,
        %get3A_429 = arith.index_cast %add3A_388 : i32 to index
        %get3A_430 = arith.constant 96 : index
        %get3A_431 = tpu.vector_load %arg10[%get3A_429, %get3A_430] {strides = array<i32>} : memref<64x256xbf16, #tpu.memory_space<vmem>>, vector<32xbf16>,
        %mul3A_432 = arith.mulf %get3A_428, %get3A_431 : vector<32xbf16>
        %unpack3A_433 = tpu.unpack_subelements %mul3A_432, 0 {pack_format = #tpu.pack_format<interleaved>} : vector<32xbf16> -> vector<16xf32>
        %unpack3A_434 = tpu.unpack_subelements %mul3A_432, 1 {pack_format = #tpu.pack_format<interleaved>} : vector<32xbf16> -> vector<16xf32>
        %add3A_435 = arith.addf %add3A_424, %unpack3A_433 : vector<16xf32>
        %add3A_436 = arith.addf %add3A_425, %unpack3A_434 : vector<16xf32>
        %get3A_437 = arith.index_cast %add3A_388 : i32 to index
        %get3A_438 = arith.constant 128 : index
        %get3A_439 = tpu.vector_load %arg8[%get3A_437, %get3A_438] {strides = array<i32>} : memref<64x256xbf16, #tpu.memory_space<vmem>>, vector<32xbf16>,
        %get3A_440 = arith.index_cast %add3A_388 : i32 to index
        %get3A_441 = arith.constant 128 : index
        %get3A_442 = tpu.vector_load %arg10[%get3A_440, %get3A_441] {strides = array<i32>} : memref<64x256xbf16, #tpu.memory_space<vmem>>, vector<32xbf16>,
        %mul3A_443 = arith.mulf %get3A_439, %get3A_442 : vector<32xbf16>
        %unpack3A_444 = tpu.unpack_subelements %mul3A_443, 0 {pack_format = #tpu.pack_format<interleaved>} : vector<32xbf16> -> vector<16xf32>
        %unpack3A_445 = tpu.unpack_subelements %mul3A_443, 1 {pack_format = #tpu.pack_format<interleaved>} : vector<32xbf16> -> vector<16xf32>
        %add3A_446 = arith.addf %add3A_435, %unpack3A_444 : vector<16xf32>
        %add3A_447 = arith.addf %add3A_436, %unpack3A_445 : vector<16xf32>
        %get3A_448 = arith.index_cast %add3A_388 : i32 to index
        %get3A_449 = arith.constant 160 : index
        %get3A_450 = tpu.vector_load %arg8[%get3A_448, %get3A_449] {strides = array<i32>} : memref<64x256xbf16, #tpu.memory_space<vmem>>, vector<32xbf16>,
        %get3A_451 = arith.index_cast %add3A_388 : i32 to index
        %get3A_452 = arith.constant 160 : index
        %get3A_453 = tpu.vector_load %arg10[%get3A_451, %get3A_452] {strides = array<i32>} : memref<64x256xbf16, #tpu.memory_space<vmem>>, vector<32xbf16>,
        %mul3A_454 = arith.mulf %get3A_450, %get3A_453 : vector<32xbf16>
        %unpack3A_455 = tpu.unpack_subelements %mul3A_454, 0 {pack_format = #tpu.pack_format<interleaved>} : vector<32xbf16> -> vector<16xf32>
        %unpack3A_456 = tpu.unpack_subelements %mul3A_454, 1 {pack_format = #tpu.pack_format<interleaved>} : vector<32xbf16> -> vector<16xf32>
        %add3A_457 = arith.addf %add3A_446, %unpack3A_455 : vector<16xf32>
        %add3A_458 = arith.addf %add3A_447, %unpack3A_456 : vector<16xf32>
        %get3A_459 = arith.index_cast %add3A_388 : i32 to index
        %get3A_460 = arith.constant 192 : index
        %get3A_461 = tpu.vector_load %arg8[%get3A_459, %get3A_460] {strides = array<i32>} : memref<64x256xbf16, #tpu.memory_space<vmem>>, vector<32xbf16>,
        %get3A_462 = arith.index_cast %add3A_388 : i32 to index
        %get3A_463 = arith.constant 192 : index
        %get3A_464 = tpu.vector_load %arg10[%get3A_462, %get3A_463] {strides = array<i32>} : memref<64x256xbf16, #tpu.memory_space<vmem>>, vector<32xbf16>,
        %mul3A_465 = arith.mulf %get3A_461, %get3A_464 : vector<32xbf16>
        %unpack3A_466 = tpu.unpack_subelements %mul3A_465, 0 {pack_format = #tpu.pack_format<interleaved>} : vector<32xbf16> -> vector<16xf32>
        %unpack3A_467 = tpu.unpack_subelements %mul3A_465, 1 {pack_format = #tpu.pack_format<interleaved>} : vector<32xbf16> -> vector<16xf32>
        %add3A_468 = arith.addf %add3A_457, %unpack3A_466 : vector<16xf32>
        %add3A_469 = arith.addf %add3A_458, %unpack3A_467 : vector<16xf32>
        %get3A_470 = arith.index_cast %add3A_388 : i32 to index
        %get3A_471 = arith.constant 224 : index
        %get3A_472 = tpu.vector_load %arg8[%get3A_470, %get3A_471] {strides = array<i32>} : memref<64x256xbf16, #tpu.memory_space<vmem>>, vector<32xbf16>,
        %get3A_473 = arith.index_cast %add3A_388 : i32 to index
        %get3A_474 = arith.constant 224 : index
        %get3A_475 = tpu.vector_load %arg10[%get3A_473, %get3A_474] {strides = array<i32>} : memref<64x256xbf16, #tpu.memory_space<vmem>>, vector<32xbf16>,
        %mul3A_476 = arith.mulf %get3A_472, %get3A_475 : vector<32xbf16>
        %unpack3A_477 = tpu.unpack_subelements %mul3A_476, 0 {pack_format = #tpu.pack_format<interleaved>} : vector<32xbf16> -> vector<16xf32>
        %unpack3A_478 = tpu.unpack_subelements %mul3A_476, 1 {pack_format = #tpu.pack_format<interleaved>} : vector<32xbf16> -> vector<16xf32>
        %add3A_479 = arith.addf %add3A_468, %unpack3A_477 : vector<16xf32>
        %add3A_480 = arith.addf %add3A_469, %unpack3A_478 : vector<16xf32>
        %add3A_481 = arith.addf %add3A_479, %add3A_480 : vector<16xf32>
        %swap3A_482 = arith.index_cast %add3A_388 : i32 to index
        %swap3A_483 = arith.constant 0 : index
        %swap3A_484 = tpu.vector_load %arg13[%swap3A_482, %swap3A_483] {strides = array<i32>} : memref<64x17xf32, #tpu.memory_space<vmem>>, vector<16xf32>,
        tpu.vector_store %arg13[%swap3A_482, %swap3A_483], %add3A_481 {strides = array<i32>} : memref<64x17xf32, #tpu.memory_space<vmem>>, vector<16xf32>,
        %mul3A_485 = arith.constant 16 : i32
        %mul3A_486 = arith.muli %scan3A_88, %mul3A_485 : i32
        %add3A_487 = arith.constant 4 : i32
        %add3A_488 = arith.addi %mul3A_486, %add3A_487 : i32
        %broadcast_in_dim3A_489 = arith.constant 0.000000e+00 : f32
        %broadcast_in_dim3A_490 = vector.broadcast %broadcast_in_dim3A_489 : f32 to vector<16xf32>
        %broadcast_in_dim3A_491 = arith.constant 0.000000e+00 : f32
        %broadcast_in_dim3A_492 = vector.broadcast %broadcast_in_dim3A_491 : f32 to vector<16xf32>
        %get3A_493 = arith.index_cast %add3A_488 : i32 to index
        %get3A_494 = arith.constant 0 : index
        %get3A_495 = tpu.vector_load %arg8[%get3A_493, %get3A_494] {strides = array<i32>} : memref<64x256xbf16, #tpu.memory_space<vmem>>, vector<32xbf16>,
        %get3A_496 = arith.index_cast %add3A_488 : i32 to index
        %get3A_497 = arith.constant 0 : index
        %get3A_498 = tpu.vector_load %arg10[%get3A_496, %get3A_497] {strides = array<i32>} : memref<64x256xbf16, #tpu.memory_space<vmem>>, vector<32xbf16>,
        %mul3A_499 = arith.mulf %get3A_495, %get3A_498 : vector<32xbf16>
        %unpack3A_500 = tpu.unpack_subelements %mul3A_499, 0 {pack_format = #tpu.pack_format<interleaved>} : vector<32xbf16> -> vector<16xf32>
        %unpack3A_501 = tpu.unpack_subelements %mul3A_499, 1 {pack_format = #tpu.pack_format<interleaved>} : vector<32xbf16> -> vector<16xf32>
        %add3A_502 = arith.addf %broadcast_in_dim3A_490, %unpack3A_500 : vector<16xf32>
        %add3A_503 = arith.addf %broadcast_in_dim3A_492, %unpack3A_501 : vector<16xf32>
        %get3A_504 = arith.index_cast %add3A_488 : i32 to index
        %get3A_505 = arith.constant 32 : index
        %get3A_506 = tpu.vector_load %arg8[%get3A_504, %get3A_505] {strides = array<i32>} : memref<64x256xbf16, #tpu.memory_space<vmem>>, vector<32xbf16>,
        %get3A_507 = arith.index_cast %add3A_488 : i32 to index
        %get3A_508 = arith.constant 32 : index
        %get3A_509 = tpu.vector_load %arg10[%get3A_507, %get3A_508] {strides = array<i32>} : memref<64x256xbf16, #tpu.memory_space<vmem>>, vector<32xbf16>,
        %mul3A_510 = arith.mulf %get3A_506, %get3A_509 : vector<32xbf16>
        %unpack3A_511 = tpu.unpack_subelements %mul3A_510, 0 {pack_format = #tpu.pack_format<interleaved>} : vector<32xbf16> -> vector<16xf32>
        %unpack3A_512 = tpu.unpack_subelements %mul3A_510, 1 {pack_format = #tpu.pack_format<interleaved>} : vector<32xbf16> -> vector<16xf32>
        %add3A_513 = arith.addf %add3A_502, %unpack3A_511 : vector<16xf32>
        %add3A_514 = arith.addf %add3A_503, %unpack3A_512 : vector<16xf32>
        %get3A_515 = arith.index_cast %add3A_488 : i32 to index
        %get3A_516 = arith.constant 64 : index
        %get3A_517 = tpu.vector_load %arg8[%get3A_515, %get3A_516] {strides = array<i32>} : memref<64x256xbf16, #tpu.memory_space<vmem>>, vector<32xbf16>,
        %get3A_518 = arith.index_cast %add3A_488 : i32 to index
        %get3A_519 = arith.constant 64 : index
        %get3A_520 = tpu.vector_load %arg10[%get3A_518, %get3A_519] {strides = array<i32>} : memref<64x256xbf16, #tpu.memory_space<vmem>>, vector<32xbf16>,
        %mul3A_521 = arith.mulf %get3A_517, %get3A_520 : vector<32xbf16>
        %unpack3A_522 = tpu.unpack_subelements %mul3A_521, 0 {pack_format = #tpu.pack_format<interleaved>} : vector<32xbf16> -> vector<16xf32>
        %unpack3A_523 = tpu.unpack_subelements %mul3A_521, 1 {pack_format = #tpu.pack_format<interleaved>} : vector<32xbf16> -> vector<16xf32>
        %add3A_524 = arith.addf %add3A_513, %unpack3A_522 : vector<16xf32>
        %add3A_525 = arith.addf %add3A_514, %unpack3A_523 : vector<16xf32>
        %get3A_526 = arith.index_cast %add3A_488 : i32 to index
        %get3A_527 = arith.constant 96 : index
        %get3A_528 = tpu.vector_load %arg8[%get3A_526, %get3A_527] {strides = array<i32>} : memref<64x256xbf16, #tpu.memory_space<vmem>>, vector<32xbf16>,
        %get3A_529 = arith.index_cast %add3A_488 : i32 to index
        %get3A_530 = arith.constant 96 : index
        %get3A_531 = tpu.vector_load %arg10[%get3A_529, %get3A_530] {strides = array<i32>} : memref<64x256xbf16, #tpu.memory_space<vmem>>, vector<32xbf16>,
        %mul3A_532 = arith.mulf %get3A_528, %get3A_531 : vector<32xbf16>
        %unpack3A_533 = tpu.unpack_subelements %mul3A_532, 0 {pack_format = #tpu.pack_format<interleaved>} : vector<32xbf16> -> vector<16xf32>
        %unpack3A_534 = tpu.unpack_subelements %mul3A_532, 1 {pack_format = #tpu.pack_format<interleaved>} : vector<32xbf16> -> vector<16xf32>
        %add3A_535 = arith.addf %add3A_524, %unpack3A_533 : vector<16xf32>
        %add3A_536 = arith.addf %add3A_525, %unpack3A_534 : vector<16xf32>
        %get3A_537 = arith.index_cast %add3A_488 : i32 to index
        %get3A_538 = arith.constant 128 : index
        %get3A_539 = tpu.vector_load %arg8[%get3A_537, %get3A_538] {strides = array<i32>} : memref<64x256xbf16, #tpu.memory_space<vmem>>, vector<32xbf16>,
        %get3A_540 = arith.index_cast %add3A_488 : i32 to index
        %get3A_541 = arith.constant 128 : index
        %get3A_542 = tpu.vector_load %arg10[%get3A_540, %get3A_541] {strides = array<i32>} : memref<64x256xbf16, #tpu.memory_space<vmem>>, vector<32xbf16>,
        %mul3A_543 = arith.mulf %get3A_539, %get3A_542 : vector<32xbf16>
        %unpack3A_544 = tpu.unpack_subelements %mul3A_543, 0 {pack_format = #tpu.pack_format<interleaved>} : vector<32xbf16> -> vector<16xf32>
        %unpack3A_545 = tpu.unpack_subelements %mul3A_543, 1 {pack_format = #tpu.pack_format<interleaved>} : vector<32xbf16> -> vector<16xf32>
        %add3A_546 = arith.addf %add3A_535, %unpack3A_544 : vector<16xf32>
        %add3A_547 = arith.addf %add3A_536, %unpack3A_545 : vector<16xf32>
        %get3A_548 = arith.index_cast %add3A_488 : i32 to index
        %get3A_549 = arith.constant 160 : index
        %get3A_550 = tpu.vector_load %arg8[%get3A_548, %get3A_549] {strides = array<i32>} : memref<64x256xbf16, #tpu.memory_space<vmem>>, vector<32xbf16>,
        %get3A_551 = arith.index_cast %add3A_488 : i32 to index
        %get3A_552 = arith.constant 160 : index
        %get3A_553 = tpu.vector_load %arg10[%get3A_551, %get3A_552] {strides = array<i32>} : memref<64x256xbf16, #tpu.memory_space<vmem>>, vector<32xbf16>,
        %mul3A_554 = arith.mulf %get3A_550, %get3A_553 : vector<32xbf16>
        %unpack3A_555 = tpu.unpack_subelements %mul3A_554, 0 {pack_format = #tpu.pack_format<interleaved>} : vector<32xbf16> -> vector<16xf32>
        %unpack3A_556 = tpu.unpack_subelements %mul3A_554, 1 {pack_format = #tpu.pack_format<interleaved>} : vector<32xbf16> -> vector<16xf32>
        %add3A_557 = arith.addf %add3A_546, %unpack3A_555 : vector<16xf32>
        %add3A_558 = arith.addf %add3A_547, %unpack3A_556 : vector<16xf32>
        %get3A_559 = arith.index_cast %add3A_488 : i32 to index
        %get3A_560 = arith.constant 192 : index
        %get3A_561 = tpu.vector_load %arg8[%get3A_559, %get3A_560] {strides = array<i32>} : memref<64x256xbf16, #tpu.memory_space<vmem>>, vector<32xbf16>,
        %get3A_562 = arith.index_cast %add3A_488 : i32 to index
        %get3A_563 = arith.constant 192 : index
        %get3A_564 = tpu.vector_load %arg10[%get3A_562, %get3A_563] {strides = array<i32>} : memref<64x256xbf16, #tpu.memory_space<vmem>>, vector<32xbf16>,
        %mul3A_565 = arith.mulf %get3A_561, %get3A_564 : vector<32xbf16>
        %unpack3A_566 = tpu.unpack_subelements %mul3A_565, 0 {pack_format = #tpu.pack_format<interleaved>} : vector<32xbf16> -> vector<16xf32>
        %unpack3A_567 = tpu.unpack_subelements %mul3A_565, 1 {pack_format = #tpu.pack_format<interleaved>} : vector<32xbf16> -> vector<16xf32>
        %add3A_568 = arith.addf %add3A_557, %unpack3A_566 : vector<16xf32>
        %add3A_569 = arith.addf %add3A_558, %unpack3A_567 : vector<16xf32>
        %get3A_570 = arith.index_cast %add3A_488 : i32 to index
        %get3A_571 = arith.constant 224 : index
        %get3A_572 = tpu.vector_load %arg8[%get3A_570, %get3A_571] {strides = array<i32>} : memref<64x256xbf16, #tpu.memory_space<vmem>>, vector<32xbf16>,
        %get3A_573 = arith.index_cast %add3A_488 : i32 to index
        %get3A_574 = arith.constant 224 : index
        %get3A_575 = tpu.vector_load %arg10[%get3A_573, %get3A_574] {strides = array<i32>} : memref<64x256xbf16, #tpu.memory_space<vmem>>, vector<32xbf16>,
        %mul3A_576 = arith.mulf %get3A_572, %get3A_575 : vector<32xbf16>
        %unpack3A_577 = tpu.unpack_subelements %mul3A_576, 0 {pack_format = #tpu.pack_format<interleaved>} : vector<32xbf16> -> vector<16xf32>
        %unpack3A_578 = tpu.unpack_subelements %mul3A_576, 1 {pack_format = #tpu.pack_format<interleaved>} : vector<32xbf16> -> vector<16xf32>
        %add3A_579 = arith.addf %add3A_568, %unpack3A_577 : vector<16xf32>
        %add3A_580 = arith.addf %add3A_569, %unpack3A_578 : vector<16xf32>
        %add3A_581 = arith.addf %add3A_579, %add3A_580 : vector<16xf32>
        %swap3A_582 = arith.index_cast %add3A_488 : i32 to index
        %swap3A_583 = arith.constant 0 : index
        %swap3A_584 = tpu.vector_load %arg13[%swap3A_582, %swap3A_583] {strides = array<i32>} : memref<64x17xf32, #tpu.memory_space<vmem>>, vector<16xf32>,
        tpu.vector_store %arg13[%swap3A_582, %swap3A_583], %add3A_581 {strides = array<i32>} : memref<64x17xf32, #tpu.memory_space<vmem>>, vector<16xf32>,
        %mul3A_585 = arith.constant 16 : i32
        %mul3A_586 = arith.muli %scan3A_88, %mul3A_585 : i32
        %add3A_587 = arith.constant 5 : i32
        %add3A_588 = arith.addi %mul3A_586, %add3A_587 : i32
        %broadcast_in_dim3A_589 = arith.constant 0.000000e+00 : f32
        %broadcast_in_dim3A_590 = vector.broadcast %broadcast_in_dim3A_589 : f32 to vector<16xf32>
        %broadcast_in_dim3A_591 = arith.constant 0.000000e+00 : f32
        %broadcast_in_dim3A_592 = vector.broadcast %broadcast_in_dim3A_591 : f32 to vector<16xf32>
        %get3A_593 = arith.index_cast %add3A_588 : i32 to index
        %get3A_594 = arith.constant 0 : index
        %get3A_595 = tpu.vector_load %arg8[%get3A_593, %get3A_594] {strides = array<i32>} : memref<64x256xbf16, #tpu.memory_space<vmem>>, vector<32xbf16>,
        %get3A_596 = arith.index_cast %add3A_588 : i32 to index
        %get3A_597 = arith.constant 0 : index
        %get3A_598 = tpu.vector_load %arg10[%get3A_596, %get3A_597] {strides = array<i32>} : memref<64x256xbf16, #tpu.memory_space<vmem>>, vector<32xbf16>,
        %mul3A_599 = arith.mulf %get3A_595, %get3A_598 : vector<32xbf16>
        %unpack3A_600 = tpu.unpack_subelements %mul3A_599, 0 {pack_format = #tpu.pack_format<interleaved>} : vector<32xbf16> -> vector<16xf32>
        %unpack3A_601 = tpu.unpack_subelements %mul3A_599, 1 {pack_format = #tpu.pack_format<interleaved>} : vector<32xbf16> -> vector<16xf32>
        %add3A_602 = arith.addf %broadcast_in_dim3A_590, %unpack3A_600 : vector<16xf32>
        %add3A_603 = arith.addf %broadcast_in_dim3A_592, %unpack3A_601 : vector<16xf32>
        %get3A_604 = arith.index_cast %add3A_588 : i32 to index
        %get3A_605 = arith.constant 32 : index
        %get3A_606 = tpu.vector_load %arg8[%get3A_604, %get3A_605] {strides = array<i32>} : memref<64x256xbf16, #tpu.memory_space<vmem>>, vector<32xbf16>,
        %get3A_607 = arith.index_cast %add3A_588 : i32 to index
        %get3A_608 = arith.constant 32 : index
        %get3A_609 = tpu.vector_load %arg10[%get3A_607, %get3A_608] {strides = array<i32>} : memref<64x256xbf16, #tpu.memory_space<vmem>>, vector<32xbf16>,
        %mul3A_610 = arith.mulf %get3A_606, %get3A_609 : vector<32xbf16>
        %unpack3A_611 = tpu.unpack_subelements %mul3A_610, 0 {pack_format = #tpu.pack_format<interleaved>} : vector<32xbf16> -> vector<16xf32>
        %unpack3A_612 = tpu.unpack_subelements %mul3A_610, 1 {pack_format = #tpu.pack_format<interleaved>} : vector<32xbf16> -> vector<16xf32>
        %add3A_613 = arith.addf %add3A_602, %unpack3A_611 : vector<16xf32>
        %add3A_614 = arith.addf %add3A_603, %unpack3A_612 : vector<16xf32>
        %get3A_615 = arith.index_cast %add3A_588 : i32 to index
        %get3A_616 = arith.constant 64 : index
        %get3A_617 = tpu.vector_load %arg8[%get3A_615, %get3A_616] {strides = array<i32>} : memref<64x256xbf16, #tpu.memory_space<vmem>>, vector<32xbf16>,
        %get3A_618 = arith.index_cast %add3A_588 : i32 to index
        %get3A_619 = arith.constant 64 : index
        %get3A_620 = tpu.vector_load %arg10[%get3A_618, %get3A_619] {strides = array<i32>} : memref<64x256xbf16, #tpu.memory_space<vmem>>, vector<32xbf16>,
        %mul3A_621 = arith.mulf %get3A_617, %get3A_620 : vector<32xbf16>
        %unpack3A_622 = tpu.unpack_subelements %mul3A_621, 0 {pack_format = #tpu.pack_format<interleaved>} : vector<32xbf16> -> vector<16xf32>
        %unpack3A_623 = tpu.unpack_subelements %mul3A_621, 1 {pack_format = #tpu.pack_format<interleaved>} : vector<32xbf16> -> vector<16xf32>
        %add3A_624 = arith.addf %add3A_613, %unpack3A_622 : vector<16xf32>
        %add3A_625 = arith.addf %add3A_614, %unpack3A_623 : vector<16xf32>
        %get3A_626 = arith.index_cast %add3A_588 : i32 to index
        %get3A_627 = arith.constant 96 : index
        %get3A_628 = tpu.vector_load %arg8[%get3A_626, %get3A_627] {strides = array<i32>} : memref<64x256xbf16, #tpu.memory_space<vmem>>, vector<32xbf16>,
        %get3A_629 = arith.index_cast %add3A_588 : i32 to index
        %get3A_630 = arith.constant 96 : index
        %get3A_631 = tpu.vector_load %arg10[%get3A_629, %get3A_630] {strides = array<i32>} : memref<64x256xbf16, #tpu.memory_space<vmem>>, vector<32xbf16>,
        %mul3A_632 = arith.mulf %get3A_628, %get3A_631 : vector<32xbf16>
        %unpack3A_633 = tpu.unpack_subelements %mul3A_632, 0 {pack_format = #tpu.pack_format<interleaved>} : vector<32xbf16> -> vector<16xf32>
        %unpack3A_634 = tpu.unpack_subelements %mul3A_632, 1 {pack_format = #tpu.pack_format<interleaved>} : vector<32xbf16> -> vector<16xf32>
        %add3A_635 = arith.addf %add3A_624, %unpack3A_633 : vector<16xf32>
        %add3A_636 = arith.addf %add3A_625, %unpack3A_634 : vector<16xf32>
        %get3A_637 = arith.index_cast %add3A_588 : i32 to index
        %get3A_638 = arith.constant 128 : index
        %get3A_639 = tpu.vector_load %arg8[%get3A_637, %get3A_638] {strides = array<i32>} : memref<64x256xbf16, #tpu.memory_space<vmem>>, vector<32xbf16>,
        %get3A_640 = arith.index_cast %add3A_588 : i32 to index
        %get3A_641 = arith.constant 128 : index
        %get3A_642 = tpu.vector_load %arg10[%get3A_640, %get3A_641] {strides = array<i32>} : memref<64x256xbf16, #tpu.memory_space<vmem>>, vector<32xbf16>,
        %mul3A_643 = arith.mulf %get3A_639, %get3A_642 : vector<32xbf16>
        %unpack3A_644 = tpu.unpack_subelements %mul3A_643, 0 {pack_format = #tpu.pack_format<interleaved>} : vector<32xbf16> -> vector<16xf32>
        %unpack3A_645 = tpu.unpack_subelements %mul3A_643, 1 {pack_format = #tpu.pack_format<interleaved>} : vector<32xbf16> -> vector<16xf32>
        %add3A_646 = arith.addf %add3A_635, %unpack3A_644 : vector<16xf32>
        %add3A_647 = arith.addf %add3A_636, %unpack3A_645 : vector<16xf32>
        %get3A_648 = arith.index_cast %add3A_588 : i32 to index
        %get3A_649 = arith.constant 160 : index
        %get3A_650 = tpu.vector_load %arg8[%get3A_648, %get3A_649] {strides = array<i32>} : memref<64x256xbf16, #tpu.memory_space<vmem>>, vector<32xbf16>,
        %get3A_651 = arith.index_cast %add3A_588 : i32 to index
        %get3A_652 = arith.constant 160 : index
        %get3A_653 = tpu.vector_load %arg10[%get3A_651, %get3A_652] {strides = array<i32>} : memref<64x256xbf16, #tpu.memory_space<vmem>>, vector<32xbf16>,
        %mul3A_654 = arith.mulf %get3A_650, %get3A_653 : vector<32xbf16>
        %unpack3A_655 = tpu.unpack_subelements %mul3A_654, 0 {pack_format = #tpu.pack_format<interleaved>} : vector<32xbf16> -> vector<16xf32>
        %unpack3A_656 = tpu.unpack_subelements %mul3A_654, 1 {pack_format = #tpu.pack_format<interleaved>} : vector<32xbf16> -> vector<16xf32>
        %add3A_657 = arith.addf %add3A_646, %unpack3A_655 : vector<16xf32>
        %add3A_658 = arith.addf %add3A_647, %unpack3A_656 : vector<16xf32>
        %get3A_659 = arith.index_cast %add3A_588 : i32 to index
        %get3A_660 = arith.constant 192 : index
        %get3A_661 = tpu.vector_load %arg8[%get3A_659, %get3A_660] {strides = array<i32>} : memref<64x256xbf16, #tpu.memory_space<vmem>>, vector<32xbf16>,
        %get3A_662 = arith.index_cast %add3A_588 : i32 to index
        %get3A_663 = arith.constant 192 : index
        %get3A_664 = tpu.vector_load %arg10[%get3A_662, %get3A_663] {strides = array<i32>} : memref<64x256xbf16, #tpu.memory_space<vmem>>, vector<32xbf16>,
        %mul3A_665 = arith.mulf %get3A_661, %get3A_664 : vector<32xbf16>
        %unpack3A_666 = tpu.unpack_subelements %mul3A_665, 0 {pack_format = #tpu.pack_format<interleaved>} : vector<32xbf16> -> vector<16xf32>
        %unpack3A_667 = tpu.unpack_subelements %mul3A_665, 1 {pack_format = #tpu.pack_format<interleaved>} : vector<32xbf16> -> vector<16xf32>
        %add3A_668 = arith.addf %add3A_657, %unpack3A_666 : vector<16xf32>
        %add3A_669 = arith.addf %add3A_658, %unpack3A_667 : vector<16xf32>
        %get3A_670 = arith.index_cast %add3A_588 : i32 to index
        %get3A_671 = arith.constant 224 : index
        %get3A_672 = tpu.vector_load %arg8[%get3A_670, %get3A_671] {strides = array<i32>} : memref<64x256xbf16, #tpu.memory_space<vmem>>, vector<32xbf16>,
        %get3A_673 = arith.index_cast %add3A_588 : i32 to index
        %get3A_674 = arith.constant 224 : index
        %get3A_675 = tpu.vector_load %arg10[%get3A_673, %get3A_674] {strides = array<i32>} : memref<64x256xbf16, #tpu.memory_space<vmem>>, vector<32xbf16>,
        %mul3A_676 = arith.mulf %get3A_672, %get3A_675 : vector<32xbf16>
        %unpack3A_677 = tpu.unpack_subelements %mul3A_676, 0 {pack_format = #tpu.pack_format<interleaved>} : vector<32xbf16> -> vector<16xf32>
        %unpack3A_678 = tpu.unpack_subelements %mul3A_676, 1 {pack_format = #tpu.pack_format<interleaved>} : vector<32xbf16> -> vector<16xf32>
        %add3A_679 = arith.addf %add3A_668, %unpack3A_677 : vector<16xf32>
        %add3A_680 = arith.addf %add3A_669, %unpack3A_678 : vector<16xf32>
        %add3A_681 = arith.addf %add3A_679, %add3A_680 : vector<16xf32>
        %swap3A_682 = arith.index_cast %add3A_588 : i32 to index
        %swap3A_683 = arith.constant 0 : index
        %swap3A_684 = tpu.vector_load %arg13[%swap3A_682, %swap3A_683] {strides = array<i32>} : memref<64x17xf32, #tpu.memory_space<vmem>>, vector<16xf32>,
        tpu.vector_store %arg13[%swap3A_682, %swap3A_683], %add3A_681 {strides = array<i32>} : memref<64x17xf32, #tpu.memory_space<vmem>>, vector<16xf32>,
        %mul3A_685 = arith.constant 16 : i32
        %mul3A_686 = arith.muli %scan3A_88, %mul3A_685 : i32
        %add3A_687 = arith.constant 6 : i32
        %add3A_688 = arith.addi %mul3A_686, %add3A_687 : i32
        %broadcast_in_dim3A_689 = arith.constant 0.000000e+00 : f32
        %broadcast_in_dim3A_690 = vector.broadcast %broadcast_in_dim3A_689 : f32 to vector<16xf32>
        %broadcast_in_dim3A_691 = arith.constant 0.000000e+00 : f32
        %broadcast_in_dim3A_692 = vector.broadcast %broadcast_in_dim3A_691 : f32 to vector<16xf32>
        %get3A_693 = arith.index_cast %add3A_688 : i32 to index
        %get3A_694 = arith.constant 0 : index
        %get3A_695 = tpu.vector_load %arg8[%get3A_693, %get3A_694] {strides = array<i32>} : memref<64x256xbf16, #tpu.memory_space<vmem>>, vector<32xbf16>,
        %get3A_696 = arith.index_cast %add3A_688 : i32 to index
        %get3A_697 = arith.constant 0 : index
        %get3A_698 = tpu.vector_load %arg10[%get3A_696, %get3A_697] {strides = array<i32>} : memref<64x256xbf16, #tpu.memory_space<vmem>>, vector<32xbf16>,
        %mul3A_699 = arith.mulf %get3A_695, %get3A_698 : vector<32xbf16>
        %unpack3A_700 = tpu.unpack_subelements %mul3A_699, 0 {pack_format = #tpu.pack_format<interleaved>} : vector<32xbf16> -> vector<16xf32>
        %unpack3A_701 = tpu.unpack_subelements %mul3A_699, 1 {pack_format = #tpu.pack_format<interleaved>} : vector<32xbf16> -> vector<16xf32>
        %add3A_702 = arith.addf %broadcast_in_dim3A_690, %unpack3A_700 : vector<16xf32>
        %add3A_703 = arith.addf %broadcast_in_dim3A_692, %unpack3A_701 : vector<16xf32>
        %get3A_704 = arith.index_cast %add3A_688 : i32 to index
        %get3A_705 = arith.constant 32 : index
        %get3A_706 = tpu.vector_load %arg8[%get3A_704, %get3A_705] {strides = array<i32>} : memref<64x256xbf16, #tpu.memory_space<vmem>>, vector<32xbf16>,
        %get3A_707 = arith.index_cast %add3A_688 : i32 to index
        %get3A_708 = arith.constant 32 : index
        %get3A_709 = tpu.vector_load %arg10[%get3A_707, %get3A_708] {strides = array<i32>} : memref<64x256xbf16, #tpu.memory_space<vmem>>, vector<32xbf16>,
        %mul3A_710 = arith.mulf %get3A_706, %get3A_709 : vector<32xbf16>
        %unpack3A_711 = tpu.unpack_subelements %mul3A_710, 0 {pack_format = #tpu.pack_format<interleaved>} : vector<32xbf16> -> vector<16xf32>
        %unpack3A_712 = tpu.unpack_subelements %mul3A_710, 1 {pack_format = #tpu.pack_format<interleaved>} : vector<32xbf16> -> vector<16xf32>
        %add3A_713 = arith.addf %add3A_702, %unpack3A_711 : vector<16xf32>
        %add3A_714 = arith.addf %add3A_703, %unpack3A_712 : vector<16xf32>
        %get3A_715 = arith.index_cast %add3A_688 : i32 to index
        %get3A_716 = arith.constant 64 : index
        %get3A_717 = tpu.vector_load %arg8[%get3A_715, %get3A_716] {strides = array<i32>} : memref<64x256xbf16, #tpu.memory_space<vmem>>, vector<32xbf16>,
        %get3A_718 = arith.index_cast %add3A_688 : i32 to index
        %get3A_719 = arith.constant 64 : index
        %get3A_720 = tpu.vector_load %arg10[%get3A_718, %get3A_719] {strides = array<i32>} : memref<64x256xbf16, #tpu.memory_space<vmem>>, vector<32xbf16>,
        %mul3A_721 = arith.mulf %get3A_717, %get3A_720 : vector<32xbf16>
        %unpack3A_722 = tpu.unpack_subelements %mul3A_721, 0 {pack_format = #tpu.pack_format<interleaved>} : vector<32xbf16> -> vector<16xf32>
        %unpack3A_723 = tpu.unpack_subelements %mul3A_721, 1 {pack_format = #tpu.pack_format<interleaved>} : vector<32xbf16> -> vector<16xf32>
        %add3A_724 = arith.addf %add3A_713, %unpack3A_722 : vector<16xf32>
        %add3A_725 = arith.addf %add3A_714, %unpack3A_723 : vector<16xf32>
        %get3A_726 = arith.index_cast %add3A_688 : i32 to index
        %get3A_727 = arith.constant 96 : index
        %get3A_728 = tpu.vector_load %arg8[%get3A_726, %get3A_727] {strides = array<i32>} : memref<64x256xbf16, #tpu.memory_space<vmem>>, vector<32xbf16>,
        %get3A_729 = arith.index_cast %add3A_688 : i32 to index
        %get3A_730 = arith.constant 96 : index
        %get3A_731 = tpu.vector_load %arg10[%get3A_729, %get3A_730] {strides = array<i32>} : memref<64x256xbf16, #tpu.memory_space<vmem>>, vector<32xbf16>,
        %mul3A_732 = arith.mulf %get3A_728, %get3A_731 : vector<32xbf16>
        %unpack3A_733 = tpu.unpack_subelements %mul3A_732, 0 {pack_format = #tpu.pack_format<interleaved>} : vector<32xbf16> -> vector<16xf32>
        %unpack3A_734 = tpu.unpack_subelements %mul3A_732, 1 {pack_format = #tpu.pack_format<interleaved>} : vector<32xbf16> -> vector<16xf32>
        %add3A_735 = arith.addf %add3A_724, %unpack3A_733 : vector<16xf32>
        %add3A_736 = arith.addf %add3A_725, %unpack3A_734 : vector<16xf32>
        %get3A_737 = arith.index_cast %add3A_688 : i32 to index
        %get3A_738 = arith.constant 128 : index
        %get3A_739 = tpu.vector_load %arg8[%get3A_737, %get3A_738] {strides = array<i32>} : memref<64x256xbf16, #tpu.memory_space<vmem>>, vector<32xbf16>,
        %get3A_740 = arith.index_cast %add3A_688 : i32 to index
        %get3A_741 = arith.constant 128 : index
        %get3A_742 = tpu.vector_load %arg10[%get3A_740, %get3A_741] {strides = array<i32>} : memref<64x256xbf16, #tpu.memory_space<vmem>>, vector<32xbf16>,
        %mul3A_743 = arith.mulf %get3A_739, %get3A_742 : vector<32xbf16>
        %unpack3A_744 = tpu.unpack_subelements %mul3A_743, 0 {pack_format = #tpu.pack_format<interleaved>} : vector<32xbf16> -> vector<16xf32>
        %unpack3A_745 = tpu.unpack_subelements %mul3A_743, 1 {pack_format = #tpu.pack_format<interleaved>} : vector<32xbf16> -> vector<16xf32>
        %add3A_746 = arith.addf %add3A_735, %unpack3A_744 : vector<16xf32>
        %add3A_747 = arith.addf %add3A_736, %unpack3A_745 : vector<16xf32>
        %get3A_748 = arith.index_cast %add3A_688 : i32 to index
        %get3A_749 = arith.constant 160 : index
        %get3A_750 = tpu.vector_load %arg8[%get3A_748, %get3A_749] {strides = array<i32>} : memref<64x256xbf16, #tpu.memory_space<vmem>>, vector<32xbf16>,
        %get3A_751 = arith.index_cast %add3A_688 : i32 to index
        %get3A_752 = arith.constant 160 : index
        %get3A_753 = tpu.vector_load %arg10[%get3A_751, %get3A_752] {strides = array<i32>} : memref<64x256xbf16, #tpu.memory_space<vmem>>, vector<32xbf16>,
        %mul3A_754 = arith.mulf %get3A_750, %get3A_753 : vector<32xbf16>
        %unpack3A_755 = tpu.unpack_subelements %mul3A_754, 0 {pack_format = #tpu.pack_format<interleaved>} : vector<32xbf16> -> vector<16xf32>
        %unpack3A_756 = tpu.unpack_subelements %mul3A_754, 1 {pack_format = #tpu.pack_format<interleaved>} : vector<32xbf16> -> vector<16xf32>
        %add3A_757 = arith.addf %add3A_746, %unpack3A_755 : vector<16xf32>
        %add3A_758 = arith.addf %add3A_747, %unpack3A_756 : vector<16xf32>
        %get3A_759 = arith.index_cast %add3A_688 : i32 to index
        %get3A_760 = arith.constant 192 : index
        %get3A_761 = tpu.vector_load %arg8[%get3A_759, %get3A_760] {strides = array<i32>} : memref<64x256xbf16, #tpu.memory_space<vmem>>, vector<32xbf16>,
        %get3A_762 = arith.index_cast %add3A_688 : i32 to index
        %get3A_763 = arith.constant 192 : index
        %get3A_764 = tpu.vector_load %arg10[%get3A_762, %get3A_763] {strides = array<i32>} : memref<64x256xbf16, #tpu.memory_space<vmem>>, vector<32xbf16>,
        %mul3A_765 = arith.mulf %get3A_761, %get3A_764 : vector<32xbf16>
        %unpack3A_766 = tpu.unpack_subelements %mul3A_765, 0 {pack_format = #tpu.pack_format<interleaved>} : vector<32xbf16> -> vector<16xf32>
        %unpack3A_767 = tpu.unpack_subelements %mul3A_765, 1 {pack_format = #tpu.pack_format<interleaved>} : vector<32xbf16> -> vector<16xf32>
        %add3A_768 = arith.addf %add3A_757, %unpack3A_766 : vector<16xf32>
        %add3A_769 = arith.addf %add3A_758, %unpack3A_767 : vector<16xf32>
        %get3A_770 = arith.index_cast %add3A_688 : i32 to index
        %get3A_771 = arith.constant 224 : index
        %get3A_772 = tpu.vector_load %arg8[%get3A_770, %get3A_771] {strides = array<i32>} : memref<64x256xbf16, #tpu.memory_space<vmem>>, vector<32xbf16>,
        %get3A_773 = arith.index_cast %add3A_688 : i32 to index
        %get3A_774 = arith.constant 224 : index
        %get3A_775 = tpu.vector_load %arg10[%get3A_773, %get3A_774] {strides = array<i32>} : memref<64x256xbf16, #tpu.memory_space<vmem>>, vector<32xbf16>,
        %mul3A_776 = arith.mulf %get3A_772, %get3A_775 : vector<32xbf16>
        %unpack3A_777 = tpu.unpack_subelements %mul3A_776, 0 {pack_format = #tpu.pack_format<interleaved>} : vector<32xbf16> -> vector<16xf32>
        %unpack3A_778 = tpu.unpack_subelements %mul3A_776, 1 {pack_format = #tpu.pack_format<interleaved>} : vector<32xbf16> -> vector<16xf32>
        %add3A_779 = arith.addf %add3A_768, %unpack3A_777 : vector<16xf32>
        %add3A_780 = arith.addf %add3A_769, %unpack3A_778 : vector<16xf32>
        %add3A_781 = arith.addf %add3A_779, %add3A_780 : vector<16xf32>
        %swap3A_782 = arith.index_cast %add3A_688 : i32 to index
        %swap3A_783 = arith.constant 0 : index
        %swap3A_784 = tpu.vector_load %arg13[%swap3A_782, %swap3A_783] {strides = array<i32>} : memref<64x17xf32, #tpu.memory_space<vmem>>, vector<16xf32>,
        tpu.vector_store %arg13[%swap3A_782, %swap3A_783], %add3A_781 {strides = array<i32>} : memref<64x17xf32, #tpu.memory_space<vmem>>, vector<16xf32>,
        %mul3A_785 = arith.constant 16 : i32
        %mul3A_786 = arith.muli %scan3A_88, %mul3A_785 : i32
        %add3A_787 = arith.constant 7 : i32
        %add3A_788 = arith.addi %mul3A_786, %add3A_787 : i32
        %broadcast_in_dim3A_789 = arith.constant 0.000000e+00 : f32
        %broadcast_in_dim3A_790 = vector.broadcast %broadcast_in_dim3A_789 : f32 to vector<16xf32>
        %broadcast_in_dim3A_791 = arith.constant 0.000000e+00 : f32
        %broadcast_in_dim3A_792 = vector.broadcast %broadcast_in_dim3A_791 : f32 to vector<16xf32>
        %get3A_793 = arith.index_cast %add3A_788 : i32 to index
        %get3A_794 = arith.constant 0 : index
        %get3A_795 = tpu.vector_load %arg8[%get3A_793, %get3A_794] {strides = array<i32>} : memref<64x256xbf16, #tpu.memory_space<vmem>>, vector<32xbf16>,
        %get3A_796 = arith.index_cast %add3A_788 : i32 to index
        %get3A_797 = arith.constant 0 : index
        %get3A_798 = tpu.vector_load %arg10[%get3A_796, %get3A_797] {strides = array<i32>} : memref<64x256xbf16, #tpu.memory_space<vmem>>, vector<32xbf16>,
        %mul3A_799 = arith.mulf %get3A_795, %get3A_798 : vector<32xbf16>
        %unpack3A_800 = tpu.unpack_subelements %mul3A_799, 0 {pack_format = #tpu.pack_format<interleaved>} : vector<32xbf16> -> vector<16xf32>
        %unpack3A_801 = tpu.unpack_subelements %mul3A_799, 1 {pack_format = #tpu.pack_format<interleaved>} : vector<32xbf16> -> vector<16xf32>
        %add3A_802 = arith.addf %broadcast_in_dim3A_790, %unpack3A_800 : vector<16xf32>
        %add3A_803 = arith.addf %broadcast_in_dim3A_792, %unpack3A_801 : vector<16xf32>
        %get3A_804 = arith.index_cast %add3A_788 : i32 to index
        %get3A_805 = arith.constant 32 : index
        %get3A_806 = tpu.vector_load %arg8[%get3A_804, %get3A_805] {strides = array<i32>} : memref<64x256xbf16, #tpu.memory_space<vmem>>, vector<32xbf16>,
        %get3A_807 = arith.index_cast %add3A_788 : i32 to index
        %get3A_808 = arith.constant 32 : index
        %get3A_809 = tpu.vector_load %arg10[%get3A_807, %get3A_808] {strides = array<i32>} : memref<64x256xbf16, #tpu.memory_space<vmem>>, vector<32xbf16>,
        %mul3A_810 = arith.mulf %get3A_806, %get3A_809 : vector<32xbf16>
        %unpack3A_811 = tpu.unpack_subelements %mul3A_810, 0 {pack_format = #tpu.pack_format<interleaved>} : vector<32xbf16> -> vector<16xf32>
        %unpack3A_812 = tpu.unpack_subelements %mul3A_810, 1 {pack_format = #tpu.pack_format<interleaved>} : vector<32xbf16> -> vector<16xf32>
        %add3A_813 = arith.addf %add3A_802, %unpack3A_811 : vector<16xf32>
        %add3A_814 = arith.addf %add3A_803, %unpack3A_812 : vector<16xf32>
        %get3A_815 = arith.index_cast %add3A_788 : i32 to index
        %get3A_816 = arith.constant 64 : index
        %get3A_817 = tpu.vector_load %arg8[%get3A_815, %get3A_816] {strides = array<i32>} : memref<64x256xbf16, #tpu.memory_space<vmem>>, vector<32xbf16>,
        %get3A_818 = arith.index_cast %add3A_788 : i32 to index
        %get3A_819 = arith.constant 64 : index
        %get3A_820 = tpu.vector_load %arg10[%get3A_818, %get3A_819] {strides = array<i32>} : memref<64x256xbf16, #tpu.memory_space<vmem>>, vector<32xbf16>,
        %mul3A_821 = arith.mulf %get3A_817, %get3A_820 : vector<32xbf16>
        %unpack3A_822 = tpu.unpack_subelements %mul3A_821, 0 {pack_format = #tpu.pack_format<interleaved>} : vector<32xbf16> -> vector<16xf32>
        %unpack3A_823 = tpu.unpack_subelements %mul3A_821, 1 {pack_format = #tpu.pack_format<interleaved>} : vector<32xbf16> -> vector<16xf32>
        %add3A_824 = arith.addf %add3A_813, %unpack3A_822 : vector<16xf32>
        %add3A_825 = arith.addf %add3A_814, %unpack3A_823 : vector<16xf32>
        %get3A_826 = arith.index_cast %add3A_788 : i32 to index
        %get3A_827 = arith.constant 96 : index
        %get3A_828 = tpu.vector_load %arg8[%get3A_826, %get3A_827] {strides = array<i32>} : memref<64x256xbf16, #tpu.memory_space<vmem>>, vector<32xbf16>,
        %get3A_829 = arith.index_cast %add3A_788 : i32 to index
        %get3A_830 = arith.constant 96 : index
        %get3A_831 = tpu.vector_load %arg10[%get3A_829, %get3A_830] {strides = array<i32>} : memref<64x256xbf16, #tpu.memory_space<vmem>>, vector<32xbf16>,
        %mul3A_832 = arith.mulf %get3A_828, %get3A_831 : vector<32xbf16>
        %unpack3A_833 = tpu.unpack_subelements %mul3A_832, 0 {pack_format = #tpu.pack_format<interleaved>} : vector<32xbf16> -> vector<16xf32>
        %unpack3A_834 = tpu.unpack_subelements %mul3A_832, 1 {pack_format = #tpu.pack_format<interleaved>} : vector<32xbf16> -> vector<16xf32>
        %add3A_835 = arith.addf %add3A_824, %unpack3A_833 : vector<16xf32>
        %add3A_836 = arith.addf %add3A_825, %unpack3A_834 : vector<16xf32>
        %get3A_837 = arith.index_cast %add3A_788 : i32 to index
        %get3A_838 = arith.constant 128 : index
        %get3A_839 = tpu.vector_load %arg8[%get3A_837, %get3A_838] {strides = array<i32>} : memref<64x256xbf16, #tpu.memory_space<vmem>>, vector<32xbf16>,
        %get3A_840 = arith.index_cast %add3A_788 : i32 to index
        %get3A_841 = arith.constant 128 : index
        %get3A_842 = tpu.vector_load %arg10[%get3A_840, %get3A_841] {strides = array<i32>} : memref<64x256xbf16, #tpu.memory_space<vmem>>, vector<32xbf16>,
        %mul3A_843 = arith.mulf %get3A_839, %get3A_842 : vector<32xbf16>
        %unpack3A_844 = tpu.unpack_subelements %mul3A_843, 0 {pack_format = #tpu.pack_format<interleaved>} : vector<32xbf16> -> vector<16xf32>
        %unpack3A_845 = tpu.unpack_subelements %mul3A_843, 1 {pack_format = #tpu.pack_format<interleaved>} : vector<32xbf16> -> vector<16xf32>
        %add3A_846 = arith.addf %add3A_835, %unpack3A_844 : vector<16xf32>
        %add3A_847 = arith.addf %add3A_836, %unpack3A_845 : vector<16xf32>
        %get3A_848 = arith.index_cast %add3A_788 : i32 to index
        %get3A_849 = arith.constant 160 : index
        %get3A_850 = tpu.vector_load %arg8[%get3A_848, %get3A_849] {strides = array<i32>} : memref<64x256xbf16, #tpu.memory_space<vmem>>, vector<32xbf16>,
        %get3A_851 = arith.index_cast %add3A_788 : i32 to index
        %get3A_852 = arith.constant 160 : index
        %get3A_853 = tpu.vector_load %arg10[%get3A_851, %get3A_852] {strides = array<i32>} : memref<64x256xbf16, #tpu.memory_space<vmem>>, vector<32xbf16>,
        %mul3A_854 = arith.mulf %get3A_850, %get3A_853 : vector<32xbf16>
        %unpack3A_855 = tpu.unpack_subelements %mul3A_854, 0 {pack_format = #tpu.pack_format<interleaved>} : vector<32xbf16> -> vector<16xf32>
        %unpack3A_856 = tpu.unpack_subelements %mul3A_854, 1 {pack_format = #tpu.pack_format<interleaved>} : vector<32xbf16> -> vector<16xf32>
        %add3A_857 = arith.addf %add3A_846, %unpack3A_855 : vector<16xf32>
        %add3A_858 = arith.addf %add3A_847, %unpack3A_856 : vector<16xf32>
        %get3A_859 = arith.index_cast %add3A_788 : i32 to index
        %get3A_860 = arith.constant 192 : index
        %get3A_861 = tpu.vector_load %arg8[%get3A_859, %get3A_860] {strides = array<i32>} : memref<64x256xbf16, #tpu.memory_space<vmem>>, vector<32xbf16>,
        %get3A_862 = arith.index_cast %add3A_788 : i32 to index
        %get3A_863 = arith.constant 192 : index
        %get3A_864 = tpu.vector_load %arg10[%get3A_862, %get3A_863] {strides = array<i32>} : memref<64x256xbf16, #tpu.memory_space<vmem>>, vector<32xbf16>,
        %mul3A_865 = arith.mulf %get3A_861, %get3A_864 : vector<32xbf16>
        %unpack3A_866 = tpu.unpack_subelements %mul3A_865, 0 {pack_format = #tpu.pack_format<interleaved>} : vector<32xbf16> -> vector<16xf32>
        %unpack3A_867 = tpu.unpack_subelements %mul3A_865, 1 {pack_format = #tpu.pack_format<interleaved>} : vector<32xbf16> -> vector<16xf32>
        %add3A_868 = arith.addf %add3A_857, %unpack3A_866 : vector<16xf32>
        %add3A_869 = arith.addf %add3A_858, %unpack3A_867 : vector<16xf32>
        %get3A_870 = arith.index_cast %add3A_788 : i32 to index
        %get3A_871 = arith.constant 224 : index
        %get3A_872 = tpu.vector_load %arg8[%get3A_870, %get3A_871] {strides = array<i32>} : memref<64x256xbf16, #tpu.memory_space<vmem>>, vector<32xbf16>,
        %get3A_873 = arith.index_cast %add3A_788 : i32 to index
        %get3A_874 = arith.constant 224 : index
        %get3A_875 = tpu.vector_load %arg10[%get3A_873, %get3A_874] {strides = array<i32>} : memref<64x256xbf16, #tpu.memory_space<vmem>>, vector<32xbf16>,
        %mul3A_876 = arith.mulf %get3A_872, %get3A_875 : vector<32xbf16>
        %unpack3A_877 = tpu.unpack_subelements %mul3A_876, 0 {pack_format = #tpu.pack_format<interleaved>} : vector<32xbf16> -> vector<16xf32>
        %unpack3A_878 = tpu.unpack_subelements %mul3A_876, 1 {pack_format = #tpu.pack_format<interleaved>} : vector<32xbf16> -> vector<16xf32>
        %add3A_879 = arith.addf %add3A_868, %unpack3A_877 : vector<16xf32>
        %add3A_880 = arith.addf %add3A_869, %unpack3A_878 : vector<16xf32>
        %add3A_881 = arith.addf %add3A_879, %add3A_880 : vector<16xf32>
        %swap3A_882 = arith.index_cast %add3A_788 : i32 to index
        %swap3A_883 = arith.constant 0 : index
        %swap3A_884 = tpu.vector_load %arg13[%swap3A_882, %swap3A_883] {strides = array<i32>} : memref<64x17xf32, #tpu.memory_space<vmem>>, vector<16xf32>,
        tpu.vector_store %arg13[%swap3A_882, %swap3A_883], %add3A_881 {strides = array<i32>} : memref<64x17xf32, #tpu.memory_space<vmem>>, vector<16xf32>,
        %mul3A_885 = arith.constant 16 : i32
        %mul3A_886 = arith.muli %scan3A_88, %mul3A_885 : i32
        %add3A_887 = arith.constant 8 : i32
        %add3A_888 = arith.addi %mul3A_886, %add3A_887 : i32
        %broadcast_in_dim3A_889 = arith.constant 0.000000e+00 : f32
        %broadcast_in_dim3A_890 = vector.broadcast %broadcast_in_dim3A_889 : f32 to vector<16xf32>
        %broadcast_in_dim3A_891 = arith.constant 0.000000e+00 : f32
        %broadcast_in_dim3A_892 = vector.broadcast %broadcast_in_dim3A_891 : f32 to vector<16xf32>
        %get3A_893 = arith.index_cast %add3A_888 : i32 to index
        %get3A_894 = arith.constant 0 : index
        %get3A_895 = tpu.vector_load %arg8[%get3A_893, %get3A_894] {strides = array<i32>} : memref<64x256xbf16, #tpu.memory_space<vmem>>, vector<32xbf16>,
        %get3A_896 = arith.index_cast %add3A_888 : i32 to index
        %get3A_897 = arith.constant 0 : index
        %get3A_898 = tpu.vector_load %arg10[%get3A_896, %get3A_897] {strides = array<i32>} : memref<64x256xbf16, #tpu.memory_space<vmem>>, vector<32xbf16>,
        %mul3A_899 = arith.mulf %get3A_895, %get3A_898 : vector<32xbf16>
        %unpack3A_900 = tpu.unpack_subelements %mul3A_899, 0 {pack_format = #tpu.pack_format<interleaved>} : vector<32xbf16> -> vector<16xf32>
        %unpack3A_901 = tpu.unpack_subelements %mul3A_899, 1 {pack_format = #tpu.pack_format<interleaved>} : vector<32xbf16> -> vector<16xf32>
        %add3A_902 = arith.addf %broadcast_in_dim3A_890, %unpack3A_900 : vector<16xf32>
        %add3A_903 = arith.addf %broadcast_in_dim3A_892, %unpack3A_901 : vector<16xf32>
        %get3A_904 = arith.index_cast %add3A_888 : i32 to index
        %get3A_905 = arith.constant 32 : index
        %get3A_906 = tpu.vector_load %arg8[%get3A_904, %get3A_905] {strides = array<i32>} : memref<64x256xbf16, #tpu.memory_space<vmem>>, vector<32xbf16>,
        %get3A_907 = arith.index_cast %add3A_888 : i32 to index
        %get3A_908 = arith.constant 32 : index
        %get3A_909 = tpu.vector_load %arg10[%get3A_907, %get3A_908] {strides = array<i32>} : memref<64x256xbf16, #tpu.memory_space<vmem>>, vector<32xbf16>,
        %mul3A_910 = arith.mulf %get3A_906, %get3A_909 : vector<32xbf16>
        %unpack3A_911 = tpu.unpack_subelements %mul3A_910, 0 {pack_format = #tpu.pack_format<interleaved>} : vector<32xbf16> -> vector<16xf32>
        %unpack3A_912 = tpu.unpack_subelements %mul3A_910, 1 {pack_format = #tpu.pack_format<interleaved>} : vector<32xbf16> -> vector<16xf32>
        %add3A_913 = arith.addf %add3A_902, %unpack3A_911 : vector<16xf32>
        %add3A_914 = arith.addf %add3A_903, %unpack3A_912 : vector<16xf32>
        %get3A_915 = arith.index_cast %add3A_888 : i32 to index
        %get3A_916 = arith.constant 64 : index
        %get3A_917 = tpu.vector_load %arg8[%get3A_915, %get3A_916] {strides = array<i32>} : memref<64x256xbf16, #tpu.memory_space<vmem>>, vector<32xbf16>,
        %get3A_918 = arith.index_cast %add3A_888 : i32 to index
        %get3A_919 = arith.constant 64 : index
        %get3A_920 = tpu.vector_load %arg10[%get3A_918, %get3A_919] {strides = array<i32>} : memref<64x256xbf16, #tpu.memory_space<vmem>>, vector<32xbf16>,
        %mul3A_921 = arith.mulf %get3A_917, %get3A_920 : vector<32xbf16>
        %unpack3A_922 = tpu.unpack_subelements %mul3A_921, 0 {pack_format = #tpu.pack_format<interleaved>} : vector<32xbf16> -> vector<16xf32>
        %unpack3A_923 = tpu.unpack_subelements %mul3A_921, 1 {pack_format = #tpu.pack_format<interleaved>} : vector<32xbf16> -> vector<16xf32>
        %add3A_924 = arith.addf %add3A_913, %unpack3A_922 : vector<16xf32>
        %add3A_925 = arith.addf %add3A_914, %unpack3A_923 : vector<16xf32>
        %get3A_926 = arith.index_cast %add3A_888 : i32 to index
        %get3A_927 = arith.constant 96 : index
        %get3A_928 = tpu.vector_load %arg8[%get3A_926, %get3A_927] {strides = array<i32>} : memref<64x256xbf16, #tpu.memory_space<vmem>>, vector<32xbf16>,
        %get3A_929 = arith.index_cast %add3A_888 : i32 to index
        %get3A_930 = arith.constant 96 : index
        %get3A_931 = tpu.vector_load %arg10[%get3A_929, %get3A_930] {strides = array<i32>} : memref<64x256xbf16, #tpu.memory_space<vmem>>, vector<32xbf16>,
        %mul3A_932 = arith.mulf %get3A_928, %get3A_931 : vector<32xbf16>
        %unpack3A_933 = tpu.unpack_subelements %mul3A_932, 0 {pack_format = #tpu.pack_format<interleaved>} : vector<32xbf16> -> vector<16xf32>
        %unpack3A_934 = tpu.unpack_subelements %mul3A_932, 1 {pack_format = #tpu.pack_format<interleaved>} : vector<32xbf16> -> vector<16xf32>
        %add3A_935 = arith.addf %add3A_924, %unpack3A_933 : vector<16xf32>
        %add3A_936 = arith.addf %add3A_925, %unpack3A_934 : vector<16xf32>
        %get3A_937 = arith.index_cast %add3A_888 : i32 to index
        %get3A_938 = arith.constant 128 : index
        %get3A_939 = tpu.vector_load %arg8[%get3A_937, %get3A_938] {strides = array<i32>} : memref<64x256xbf16, #tpu.memory_space<vmem>>, vector<32xbf16>,
        %get3A_940 = arith.index_cast %add3A_888 : i32 to index
        %get3A_941 = arith.constant 128 : index
        %get3A_942 = tpu.vector_load %arg10[%get3A_940, %get3A_941] {strides = array<i32>} : memref<64x256xbf16, #tpu.memory_space<vmem>>, vector<32xbf16>,
        %mul3A_943 = arith.mulf %get3A_939, %get3A_942 : vector<32xbf16>
        %unpack3A_944 = tpu.unpack_subelements %mul3A_943, 0 {pack_format = #tpu.pack_format<interleaved>} : vector<32xbf16> -> vector<16xf32>
        %unpack3A_945 = tpu.unpack_subelements %mul3A_943, 1 {pack_format = #tpu.pack_format<interleaved>} : vector<32xbf16> -> vector<16xf32>
        %add3A_946 = arith.addf %add3A_935, %unpack3A_944 : vector<16xf32>
        %add3A_947 = arith.addf %add3A_936, %unpack3A_945 : vector<16xf32>
        %get3A_948 = arith.index_cast %add3A_888 : i32 to index
        %get3A_949 = arith.constant 160 : index
        %get3A_950 = tpu.vector_load %arg8[%get3A_948, %get3A_949] {strides = array<i32>} : memref<64x256xbf16, #tpu.memory_space<vmem>>, vector<32xbf16>,
        %get3A_951 = arith.index_cast %add3A_888 : i32 to index
        %get3A_952 = arith.constant 160 : index
        %get3A_953 = tpu.vector_load %arg10[%get3A_951, %get3A_952] {strides = array<i32>} : memref<64x256xbf16, #tpu.memory_space<vmem>>, vector<32xbf16>,
        %mul3A_954 = arith.mulf %get3A_950, %get3A_953 : vector<32xbf16>
        %unpack3A_955 = tpu.unpack_subelements %mul3A_954, 0 {pack_format = #tpu.pack_format<interleaved>} : vector<32xbf16> -> vector<16xf32>
        %unpack3A_956 = tpu.unpack_subelements %mul3A_954, 1 {pack_format = #tpu.pack_format<interleaved>} : vector<32xbf16> -> vector<16xf32>
        %add3A_957 = arith.addf %add3A_946, %unpack3A_955 : vector<16xf32>
        %add3A_958 = arith.addf %add3A_947, %unpack3A_956 : vector<16xf32>
        %get3A_959 = arith.index_cast %add3A_888 : i32 to index
        %get3A_960 = arith.constant 192 : index
        %get3A_961 = tpu.vector_load %arg8[%get3A_959, %get3A_960] {strides = array<i32>} : memref<64x256xbf16, #tpu.memory_space<vmem>>, vector<32xbf16>,
        %get3A_962 = arith.index_cast %add3A_888 : i32 to index
        %get3A_963 = arith.constant 192 : index
        %get3A_964 = tpu.vector_load %arg10[%get3A_962, %get3A_963] {strides = array<i32>} : memref<64x256xbf16, #tpu.memory_space<vmem>>, vector<32xbf16>,
        %mul3A_965 = arith.mulf %get3A_961, %get3A_964 : vector<32xbf16>
        %unpack3A_966 = tpu.unpack_subelements %mul3A_965, 0 {pack_format = #tpu.pack_format<interleaved>} : vector<32xbf16> -> vector<16xf32>
        %unpack3A_967 = tpu.unpack_subelements %mul3A_965, 1 {pack_format = #tpu.pack_format<interleaved>} : vector<32xbf16> -> vector<16xf32>
        %add3A_968 = arith.addf %add3A_957, %unpack3A_966 : vector<16xf32>
        %add3A_969 = arith.addf %add3A_958, %unpack3A_967 : vector<16xf32>
        %get3A_970 = arith.index_cast %add3A_888 : i32 to index
        %get3A_971 = arith.constant 224 : index
        %get3A_972 = tpu.vector_load %arg8[%get3A_970, %get3A_971] {strides = array<i32>} : memref<64x256xbf16, #tpu.memory_space<vmem>>, vector<32xbf16>,
        %get3A_973 = arith.index_cast %add3A_888 : i32 to index
        %get3A_974 = arith.constant 224 : index
        %get3A_975 = tpu.vector_load %arg10[%get3A_973, %get3A_974] {strides = array<i32>} : memref<64x256xbf16, #tpu.memory_space<vmem>>, vector<32xbf16>,
        %mul3A_976 = arith.mulf %get3A_972, %get3A_975 : vector<32xbf16>
        %unpack3A_977 = tpu.unpack_subelements %mul3A_976, 0 {pack_format = #tpu.pack_format<interleaved>} : vector<32xbf16> -> vector<16xf32>
        %unpack3A_978 = tpu.unpack_subelements %mul3A_976, 1 {pack_format = #tpu.pack_format<interleaved>} : vector<32xbf16> -> vector<16xf32>
        %add3A_979 = arith.addf %add3A_968, %unpack3A_977 : vector<16xf32>
        %add3A_980 = arith.addf %add3A_969, %unpack3A_978 : vector<16xf32>
        %add3A_981 = arith.addf %add3A_979, %add3A_980 : vector<16xf32>
        %swap3A_982 = arith.index_cast %add3A_888 : i32 to index
        %swap3A_983 = arith.constant 0 : index
        %swap3A_984 = tpu.vector_load %arg13[%swap3A_982, %swap3A_983] {strides = array<i32>} : memref<64x17xf32, #tpu.memory_space<vmem>>, vector<16xf32>,
        tpu.vector_store %arg13[%swap3A_982, %swap3A_983], %add3A_981 {strides = array<i32>} : memref<64x17xf32, #tpu.memory_space<vmem>>, vector<16xf32>,
        %mul3A_985 = arith.constant 16 : i32
        %mul3A_986 = arith.muli %scan3A_88, %mul3A_985 : i32
        %add3A_987 = arith.constant 9 : i32
        %add3A_988 = arith.addi %mul3A_986, %add3A_987 : i32
        %broadcast_in_dim3A_989 = arith.constant 0.000000e+00 : f32
        %broadcast_in_dim3A_990 = vector.broadcast %broadcast_in_dim3A_989 : f32 to vector<16xf32>
        %broadcast_in_dim3A_991 = arith.constant 0.000000e+00 : f32
        %broadcast_in_dim3A_992 = vector.broadcast %broadcast_in_dim3A_991 : f32 to vector<16xf32>
        %get3A_993 = arith.index_cast %add3A_988 : i32 to index
        %get3A_994 = arith.constant 0 : index
        %get3A_995 = tpu.vector_load %arg8[%get3A_993, %get3A_994] {strides = array<i32>} : memref<64x256xbf16, #tpu.memory_space<vmem>>, vector<32xbf16>,
        %get3A_996 = arith.index_cast %add3A_988 : i32 to index
        %get3A_997 = arith.constant 0 : index
        %get3A_998 = tpu.vector_load %arg10[%get3A_996, %get3A_997] {strides = array<i32>} : memref<64x256xbf16, #tpu.memory_space<vmem>>, vector<32xbf16>,
        %mul3A_999 = arith.mulf %get3A_995, %get3A_998 : vector<32xbf16>
        %unpack3A_1000 = tpu.unpack_subelements %mul3A_999, 0 {pack_format = #tpu.pack_format<interleaved>} : vector<32xbf16> -> vector<16xf32>
        %unpack3A_1001 = tpu.unpack_subelements %mul3A_999, 1 {pack_format = #tpu.pack_format<interleaved>} : vector<32xbf16> -> vector<16xf32>
        %add3A_1002 = arith.addf %broadcast_in_dim3A_990, %unpack3A_1000 : vector<16xf32>
        %add3A_1003 = arith.addf %broadcast_in_dim3A_992, %unpack3A_1001 : vector<16xf32>
        %get3A_1004 = arith.index_cast %add3A_988 : i32 to index
        %get3A_1005 = arith.constant 32 : index
        %get3A_1006 = tpu.vector_load %arg8[%get3A_1004, %get3A_1005] {strides = array<i32>} : memref<64x256xbf16, #tpu.memory_space<vmem>>, vector<32xbf16>,
        %get3A_1007 = arith.index_cast %add3A_988 : i32 to index
        %get3A_1008 = arith.constant 32 : index
        %get3A_1009 = tpu.vector_load %arg10[%get3A_1007, %get3A_1008] {strides = array<i32>} : memref<64x256xbf16, #tpu.memory_space<vmem>>, vector<32xbf16>,
        %mul3A_1010 = arith.mulf %get3A_1006, %get3A_1009 : vector<32xbf16>
        %unpack3A_1011 = tpu.unpack_subelements %mul3A_1010, 0 {pack_format = #tpu.pack_format<interleaved>} : vector<32xbf16> -> vector<16xf32>
        %unpack3A_1012 = tpu.unpack_subelements %mul3A_1010, 1 {pack_format = #tpu.pack_format<interleaved>} : vector<32xbf16> -> vector<16xf32>
        %add3A_1013 = arith.addf %add3A_1002, %unpack3A_1011 : vector<16xf32>
        %add3A_1014 = arith.addf %add3A_1003, %unpack3A_1012 : vector<16xf32>
        %get3A_1015 = arith.index_cast %add3A_988 : i32 to index
        %get3A_1016 = arith.constant 64 : index
        %get3A_1017 = tpu.vector_load %arg8[%get3A_1015, %get3A_1016] {strides = array<i32>} : memref<64x256xbf16, #tpu.memory_space<vmem>>, vector<32xbf16>,
        %get3A_1018 = arith.index_cast %add3A_988 : i32 to index
        %get3A_1019 = arith.constant 64 : index
        %get3A_1020 = tpu.vector_load %arg10[%get3A_1018, %get3A_1019] {strides = array<i32>} : memref<64x256xbf16, #tpu.memory_space<vmem>>, vector<32xbf16>,
        %mul3A_1021 = arith.mulf %get3A_1017, %get3A_1020 : vector<32xbf16>
        %unpack3A_1022 = tpu.unpack_subelements %mul3A_1021, 0 {pack_format = #tpu.pack_format<interleaved>} : vector<32xbf16> -> vector<16xf32>
        %unpack3A_1023 = tpu.unpack_subelements %mul3A_1021, 1 {pack_format = #tpu.pack_format<interleaved>} : vector<32xbf16> -> vector<16xf32>
        %add3A_1024 = arith.addf %add3A_1013, %unpack3A_1022 : vector<16xf32>
        %add3A_1025 = arith.addf %add3A_1014, %unpack3A_1023 : vector<16xf32>
        %get3A_1026 = arith.index_cast %add3A_988 : i32 to index
        %get3A_1027 = arith.constant 96 : index
        %get3A_1028 = tpu.vector_load %arg8[%get3A_1026, %get3A_1027] {strides = array<i32>} : memref<64x256xbf16, #tpu.memory_space<vmem>>, vector<32xbf16>,
        %get3A_1029 = arith.index_cast %add3A_988 : i32 to index
        %get3A_1030 = arith.constant 96 : index
        %get3A_1031 = tpu.vector_load %arg10[%get3A_1029, %get3A_1030] {strides = array<i32>} : memref<64x256xbf16, #tpu.memory_space<vmem>>, vector<32xbf16>,
        %mul3A_1032 = arith.mulf %get3A_1028, %get3A_1031 : vector<32xbf16>
        %unpack3A_1033 = tpu.unpack_subelements %mul3A_1032, 0 {pack_format = #tpu.pack_format<interleaved>} : vector<32xbf16> -> vector<16xf32>
        %unpack3A_1034 = tpu.unpack_subelements %mul3A_1032, 1 {pack_format = #tpu.pack_format<interleaved>} : vector<32xbf16> -> vector<16xf32>
        %add3A_1035 = arith.addf %add3A_1024, %unpack3A_1033 : vector<16xf32>
        %add3A_1036 = arith.addf %add3A_1025, %unpack3A_1034 : vector<16xf32>
        %get3A_1037 = arith.index_cast %add3A_988 : i32 to index
        %get3A_1038 = arith.constant 128 : index
        %get3A_1039 = tpu.vector_load %arg8[%get3A_1037, %get3A_1038] {strides = array<i32>} : memref<64x256xbf16, #tpu.memory_space<vmem>>, vector<32xbf16>,
        %get3A_1040 = arith.index_cast %add3A_988 : i32 to index
        %get3A_1041 = arith.constant 128 : index
        %get3A_1042 = tpu.vector_load %arg10[%get3A_1040, %get3A_1041] {strides = array<i32>} : memref<64x256xbf16, #tpu.memory_space<vmem>>, vector<32xbf16>,
        %mul3A_1043 = arith.mulf %get3A_1039, %get3A_1042 : vector<32xbf16>
        %unpack3A_1044 = tpu.unpack_subelements %mul3A_1043, 0 {pack_format = #tpu.pack_format<interleaved>} : vector<32xbf16> -> vector<16xf32>
        %unpack3A_1045 = tpu.unpack_subelements %mul3A_1043, 1 {pack_format = #tpu.pack_format<interleaved>} : vector<32xbf16> -> vector<16xf32>
        %add3A_1046 = arith.addf %add3A_1035, %unpack3A_1044 : vector<16xf32>
        %add3A_1047 = arith.addf %add3A_1036, %unpack3A_1045 : vector<16xf32>
        %get3A_1048 = arith.index_cast %add3A_988 : i32 to index
        %get3A_1049 = arith.constant 160 : index
        %get3A_1050 = tpu.vector_load %arg8[%get3A_1048, %get3A_1049] {strides = array<i32>} : memref<64x256xbf16, #tpu.memory_space<vmem>>, vector<32xbf16>,
        %get3A_1051 = arith.index_cast %add3A_988 : i32 to index
        %get3A_1052 = arith.constant 160 : index
        %get3A_1053 = tpu.vector_load %arg10[%get3A_1051, %get3A_1052] {strides = array<i32>} : memref<64x256xbf16, #tpu.memory_space<vmem>>, vector<32xbf16>,
        %mul3A_1054 = arith.mulf %get3A_1050, %get3A_1053 : vector<32xbf16>
        %unpack3A_1055 = tpu.unpack_subelements %mul3A_1054, 0 {pack_format = #tpu.pack_format<interleaved>} : vector<32xbf16> -> vector<16xf32>
        %unpack3A_1056 = tpu.unpack_subelements %mul3A_1054, 1 {pack_format = #tpu.pack_format<interleaved>} : vector<32xbf16> -> vector<16xf32>
        %add3A_1057 = arith.addf %add3A_1046, %unpack3A_1055 : vector<16xf32>
        %add3A_1058 = arith.addf %add3A_1047, %unpack3A_1056 : vector<16xf32>
        %get3A_1059 = arith.index_cast %add3A_988 : i32 to index
        %get3A_1060 = arith.constant 192 : index
        %get3A_1061 = tpu.vector_load %arg8[%get3A_1059, %get3A_1060] {strides = array<i32>} : memref<64x256xbf16, #tpu.memory_space<vmem>>, vector<32xbf16>,
        %get3A_1062 = arith.index_cast %add3A_988 : i32 to index
        %get3A_1063 = arith.constant 192 : index
        %get3A_1064 = tpu.vector_load %arg10[%get3A_1062, %get3A_1063] {strides = array<i32>} : memref<64x256xbf16, #tpu.memory_space<vmem>>, vector<32xbf16>,
        %mul3A_1065 = arith.mulf %get3A_1061, %get3A_1064 : vector<32xbf16>
        %unpack3A_1066 = tpu.unpack_subelements %mul3A_1065, 0 {pack_format = #tpu.pack_format<interleaved>} : vector<32xbf16> -> vector<16xf32>
        %unpack3A_1067 = tpu.unpack_subelements %mul3A_1065, 1 {pack_format = #tpu.pack_format<interleaved>} : vector<32xbf16> -> vector<16xf32>
        %add3A_1068 = arith.addf %add3A_1057, %unpack3A_1066 : vector<16xf32>
        %add3A_1069 = arith.addf %add3A_1058, %unpack3A_1067 : vector<16xf32>
        %get3A_1070 = arith.index_cast %add3A_988 : i32 to index
        %get3A_1071 = arith.constant 224 : index
        %get3A_1072 = tpu.vector_load %arg8[%get3A_1070, %get3A_1071] {strides = array<i32>} : memref<64x256xbf16, #tpu.memory_space<vmem>>, vector<32xbf16>,
        %get3A_1073 = arith.index_cast %add3A_988 : i32 to index
        %get3A_1074 = arith.constant 224 : index
        %get3A_1075 = tpu.vector_load %arg10[%get3A_1073, %get3A_1074] {strides = array<i32>} : memref<64x256xbf16, #tpu.memory_space<vmem>>, vector<32xbf16>,
        %mul3A_1076 = arith.mulf %get3A_1072, %get3A_1075 : vector<32xbf16>
        %unpack3A_1077 = tpu.unpack_subelements %mul3A_1076, 0 {pack_format = #tpu.pack_format<interleaved>} : vector<32xbf16> -> vector<16xf32>
        %unpack3A_1078 = tpu.unpack_subelements %mul3A_1076, 1 {pack_format = #tpu.pack_format<interleaved>} : vector<32xbf16> -> vector<16xf32>
        %add3A_1079 = arith.addf %add3A_1068, %unpack3A_1077 : vector<16xf32>
        %add3A_1080 = arith.addf %add3A_1069, %unpack3A_1078 : vector<16xf32>
        %add3A_1081 = arith.addf %add3A_1079, %add3A_1080 : vector<16xf32>
        %swap3A_1082 = arith.index_cast %add3A_988 : i32 to index
        %swap3A_1083 = arith.constant 0 : index
        %swap3A_1084 = tpu.vector_load %arg13[%swap3A_1082, %swap3A_1083] {strides = array<i32>} : memref<64x17xf32, #tpu.memory_space<vmem>>, vector<16xf32>,
        tpu.vector_store %arg13[%swap3A_1082, %swap3A_1083], %add3A_1081 {strides = array<i32>} : memref<64x17xf32, #tpu.memory_space<vmem>>, vector<16xf32>,
        %mul3A_1085 = arith.constant 16 : i32
        %mul3A_1086 = arith.muli %scan3A_88, %mul3A_1085 : i32
        %add3A_1087 = arith.constant 10 : i32
        %add3A_1088 = arith.addi %mul3A_1086, %add3A_1087 : i32
        %broadcast_in_dim3A_1089 = arith.constant 0.000000e+00 : f32
        %broadcast_in_dim3A_1090 = vector.broadcast %broadcast_in_dim3A_1089 : f32 to vector<16xf32>
        %broadcast_in_dim3A_1091 = arith.constant 0.000000e+00 : f32
        %broadcast_in_dim3A_1092 = vector.broadcast %broadcast_in_dim3A_1091 : f32 to vector<16xf32>
        %get3A_1093 = arith.index_cast %add3A_1088 : i32 to index
        %get3A_1094 = arith.constant 0 : index
        %get3A_1095 = tpu.vector_load %arg8[%get3A_1093, %get3A_1094] {strides = array<i32>} : memref<64x256xbf16, #tpu.memory_space<vmem>>, vector<32xbf16>,
        %get3A_1096 = arith.index_cast %add3A_1088 : i32 to index
        %get3A_1097 = arith.constant 0 : index
        %get3A_1098 = tpu.vector_load %arg10[%get3A_1096, %get3A_1097] {strides = array<i32>} : memref<64x256xbf16, #tpu.memory_space<vmem>>, vector<32xbf16>,
        %mul3A_1099 = arith.mulf %get3A_1095, %get3A_1098 : vector<32xbf16>
        %unpack3A_1100 = tpu.unpack_subelements %mul3A_1099, 0 {pack_format = #tpu.pack_format<interleaved>} : vector<32xbf16> -> vector<16xf32>
        %unpack3A_1101 = tpu.unpack_subelements %mul3A_1099, 1 {pack_format = #tpu.pack_format<interleaved>} : vector<32xbf16> -> vector<16xf32>
        %add3A_1102 = arith.addf %broadcast_in_dim3A_1090, %unpack3A_1100 : vector<16xf32>
        %add3A_1103 = arith.addf %broadcast_in_dim3A_1092, %unpack3A_1101 : vector<16xf32>
        %get3A_1104 = arith.index_cast %add3A_1088 : i32 to index
        %get3A_1105 = arith.constant 32 : index
        %get3A_1106 = tpu.vector_load %arg8[%get3A_1104, %get3A_1105] {strides = array<i32>} : memref<64x256xbf16, #tpu.memory_space<vmem>>, vector<32xbf16>,
        %get3A_1107 = arith.index_cast %add3A_1088 : i32 to index
        %get3A_1108 = arith.constant 32 : index
        %get3A_1109 = tpu.vector_load %arg10[%get3A_1107, %get3A_1108] {strides = array<i32>} : memref<64x256xbf16, #tpu.memory_space<vmem>>, vector<32xbf16>,
        %mul3A_1110 = arith.mulf %get3A_1106, %get3A_1109 : vector<32xbf16>
        %unpack3A_1111 = tpu.unpack_subelements %mul3A_1110, 0 {pack_format = #tpu.pack_format<interleaved>} : vector<32xbf16> -> vector<16xf32>
        %unpack3A_1112 = tpu.unpack_subelements %mul3A_1110, 1 {pack_format = #tpu.pack_format<interleaved>} : vector<32xbf16> -> vector<16xf32>
        %add3A_1113 = arith.addf %add3A_1102, %unpack3A_1111 : vector<16xf32>
        %add3A_1114 = arith.addf %add3A_1103, %unpack3A_1112 : vector<16xf32>
        %get3A_1115 = arith.index_cast %add3A_1088 : i32 to index
        %get3A_1116 = arith.constant 64 : index
        %get3A_1117 = tpu.vector_load %arg8[%get3A_1115, %get3A_1116] {strides = array<i32>} : memref<64x256xbf16, #tpu.memory_space<vmem>>, vector<32xbf16>,
        %get3A_1118 = arith.index_cast %add3A_1088 : i32 to index
        %get3A_1119 = arith.constant 64 : index
        %get3A_1120 = tpu.vector_load %arg10[%get3A_1118, %get3A_1119] {strides = array<i32>} : memref<64x256xbf16, #tpu.memory_space<vmem>>, vector<32xbf16>,
        %mul3A_1121 = arith.mulf %get3A_1117, %get3A_1120 : vector<32xbf16>
        %unpack3A_1122 = tpu.unpack_subelements %mul3A_1121, 0 {pack_format = #tpu.pack_format<interleaved>} : vector<32xbf16> -> vector<16xf32>
        %unpack3A_1123 = tpu.unpack_subelements %mul3A_1121, 1 {pack_format = #tpu.pack_format<interleaved>} : vector<32xbf16> -> vector<16xf32>
        %add3A_1124 = arith.addf %add3A_1113, %unpack3A_1122 : vector<16xf32>
        %add3A_1125 = arith.addf %add3A_1114, %unpack3A_1123 : vector<16xf32>
        %get3A_1126 = arith.index_cast %add3A_1088 : i32 to index
        %get3A_1127 = arith.constant 96 : index
        %get3A_1128 = tpu.vector_load %arg8[%get3A_1126, %get3A_1127] {strides = array<i32>} : memref<64x256xbf16, #tpu.memory_space<vmem>>, vector<32xbf16>,
        %get3A_1129 = arith.index_cast %add3A_1088 : i32 to index
        %get3A_1130 = arith.constant 96 : index
        %get3A_1131 = tpu.vector_load %arg10[%get3A_1129, %get3A_1130] {strides = array<i32>} : memref<64x256xbf16, #tpu.memory_space<vmem>>, vector<32xbf16>,
        %mul3A_1132 = arith.mulf %get3A_1128, %get3A_1131 : vector<32xbf16>
        %unpack3A_1133 = tpu.unpack_subelements %mul3A_1132, 0 {pack_format = #tpu.pack_format<interleaved>} : vector<32xbf16> -> vector<16xf32>
        %unpack3A_1134 = tpu.unpack_subelements %mul3A_1132, 1 {pack_format = #tpu.pack_format<interleaved>} : vector<32xbf16> -> vector<16xf32>
        %add3A_1135 = arith.addf %add3A_1124, %unpack3A_1133 : vector<16xf32>
        %add3A_1136 = arith.addf %add3A_1125, %unpack3A_1134 : vector<16xf32>
        %get3A_1137 = arith.index_cast %add3A_1088 : i32 to index
        %get3A_1138 = arith.constant 128 : index
        %get3A_1139 = tpu.vector_load %arg8[%get3A_1137, %get3A_1138] {strides = array<i32>} : memref<64x256xbf16, #tpu.memory_space<vmem>>, vector<32xbf16>,
        %get3A_1140 = arith.index_cast %add3A_1088 : i32 to index
        %get3A_1141 = arith.constant 128 : index
        %get3A_1142 = tpu.vector_load %arg10[%get3A_1140, %get3A_1141] {strides = array<i32>} : memref<64x256xbf16, #tpu.memory_space<vmem>>, vector<32xbf16>,
        %mul3A_1143 = arith.mulf %get3A_1139, %get3A_1142 : vector<32xbf16>
        %unpack3A_1144 = tpu.unpack_subelements %mul3A_1143, 0 {pack_format = #tpu.pack_format<interleaved>} : vector<32xbf16> -> vector<16xf32>
        %unpack3A_1145 = tpu.unpack_subelements %mul3A_1143, 1 {pack_format = #tpu.pack_format<interleaved>} : vector<32xbf16> -> vector<16xf32>
        %add3A_1146 = arith.addf %add3A_1135, %unpack3A_1144 : vector<16xf32>
        %add3A_1147 = arith.addf %add3A_1136, %unpack3A_1145 : vector<16xf32>
        %get3A_1148 = arith.index_cast %add3A_1088 : i32 to index
        %get3A_1149 = arith.constant 160 : index
        %get3A_1150 = tpu.vector_load %arg8[%get3A_1148, %get3A_1149] {strides = array<i32>} : memref<64x256xbf16, #tpu.memory_space<vmem>>, vector<32xbf16>,
        %get3A_1151 = arith.index_cast %add3A_1088 : i32 to index
        %get3A_1152 = arith.constant 160 : index
        %get3A_1153 = tpu.vector_load %arg10[%get3A_1151, %get3A_1152] {strides = array<i32>} : memref<64x256xbf16, #tpu.memory_space<vmem>>, vector<32xbf16>,
        %mul3A_1154 = arith.mulf %get3A_1150, %get3A_1153 : vector<32xbf16>
        %unpack3A_1155 = tpu.unpack_subelements %mul3A_1154, 0 {pack_format = #tpu.pack_format<interleaved>} : vector<32xbf16> -> vector<16xf32>
        %unpack3A_1156 = tpu.unpack_subelements %mul3A_1154, 1 {pack_format = #tpu.pack_format<interleaved>} : vector<32xbf16> -> vector<16xf32>
        %add3A_1157 = arith.addf %add3A_1146, %unpack3A_1155 : vector<16xf32>
        %add3A_1158 = arith.addf %add3A_1147, %unpack3A_1156 : vector<16xf32>
        %get3A_1159 = arith.index_cast %add3A_1088 : i32 to index
        %get3A_1160 = arith.constant 192 : index
        %get3A_1161 = tpu.vector_load %arg8[%get3A_1159, %get3A_1160] {strides = array<i32>} : memref<64x256xbf16, #tpu.memory_space<vmem>>, vector<32xbf16>,
        %get3A_1162 = arith.index_cast %add3A_1088 : i32 to index
        %get3A_1163 = arith.constant 192 : index
        %get3A_1164 = tpu.vector_load %arg10[%get3A_1162, %get3A_1163] {strides = array<i32>} : memref<64x256xbf16, #tpu.memory_space<vmem>>, vector<32xbf16>,
        %mul3A_1165 = arith.mulf %get3A_1161, %get3A_1164 : vector<32xbf16>
        %unpack3A_1166 = tpu.unpack_subelements %mul3A_1165, 0 {pack_format = #tpu.pack_format<interleaved>} : vector<32xbf16> -> vector<16xf32>
        %unpack3A_1167 = tpu.unpack_subelements %mul3A_1165, 1 {pack_format = #tpu.pack_format<interleaved>} : vector<32xbf16> -> vector<16xf32>
        %add3A_1168 = arith.addf %add3A_1157, %unpack3A_1166 : vector<16xf32>
        %add3A_1169 = arith.addf %add3A_1158, %unpack3A_1167 : vector<16xf32>
        %get3A_1170 = arith.index_cast %add3A_1088 : i32 to index
        %get3A_1171 = arith.constant 224 : index
        %get3A_1172 = tpu.vector_load %arg8[%get3A_1170, %get3A_1171] {strides = array<i32>} : memref<64x256xbf16, #tpu.memory_space<vmem>>, vector<32xbf16>,
        %get3A_1173 = arith.index_cast %add3A_1088 : i32 to index
        %get3A_1174 = arith.constant 224 : index
        %get3A_1175 = tpu.vector_load %arg10[%get3A_1173, %get3A_1174] {strides = array<i32>} : memref<64x256xbf16, #tpu.memory_space<vmem>>, vector<32xbf16>,
        %mul3A_1176 = arith.mulf %get3A_1172, %get3A_1175 : vector<32xbf16>
        %unpack3A_1177 = tpu.unpack_subelements %mul3A_1176, 0 {pack_format = #tpu.pack_format<interleaved>} : vector<32xbf16> -> vector<16xf32>
        %unpack3A_1178 = tpu.unpack_subelements %mul3A_1176, 1 {pack_format = #tpu.pack_format<interleaved>} : vector<32xbf16> -> vector<16xf32>
        %add3A_1179 = arith.addf %add3A_1168, %unpack3A_1177 : vector<16xf32>
        %add3A_1180 = arith.addf %add3A_1169, %unpack3A_1178 : vector<16xf32>
        %add3A_1181 = arith.addf %add3A_1179, %add3A_1180 : vector<16xf32>
        %swap3A_1182 = arith.index_cast %add3A_1088 : i32 to index
        %swap3A_1183 = arith.constant 0 : index
        %swap3A_1184 = tpu.vector_load %arg13[%swap3A_1182, %swap3A_1183] {strides = array<i32>} : memref<64x17xf32, #tpu.memory_space<vmem>>, vector<16xf32>,
        tpu.vector_store %arg13[%swap3A_1182, %swap3A_1183], %add3A_1181 {strides = array<i32>} : memref<64x17xf32, #tpu.memory_space<vmem>>, vector<16xf32>,
        %mul3A_1185 = arith.constant 16 : i32
        %mul3A_1186 = arith.muli %scan3A_88, %mul3A_1185 : i32
        %add3A_1187 = arith.constant 11 : i32
        %add3A_1188 = arith.addi %mul3A_1186, %add3A_1187 : i32
        %broadcast_in_dim3A_1189 = arith.constant 0.000000e+00 : f32
        %broadcast_in_dim3A_1190 = vector.broadcast %broadcast_in_dim3A_1189 : f32 to vector<16xf32>
        %broadcast_in_dim3A_1191 = arith.constant 0.000000e+00 : f32
        %broadcast_in_dim3A_1192 = vector.broadcast %broadcast_in_dim3A_1191 : f32 to vector<16xf32>
        %get3A_1193 = arith.index_cast %add3A_1188 : i32 to index
        %get3A_1194 = arith.constant 0 : index
        %get3A_1195 = tpu.vector_load %arg8[%get3A_1193, %get3A_1194] {strides = array<i32>} : memref<64x256xbf16, #tpu.memory_space<vmem>>, vector<32xbf16>,
        %get3A_1196 = arith.index_cast %add3A_1188 : i32 to index
        %get3A_1197 = arith.constant 0 : index
        %get3A_1198 = tpu.vector_load %arg10[%get3A_1196, %get3A_1197] {strides = array<i32>} : memref<64x256xbf16, #tpu.memory_space<vmem>>, vector<32xbf16>,
        %mul3A_1199 = arith.mulf %get3A_1195, %get3A_1198 : vector<32xbf16>
        %unpack3A_1200 = tpu.unpack_subelements %mul3A_1199, 0 {pack_format = #tpu.pack_format<interleaved>} : vector<32xbf16> -> vector<16xf32>
        %unpack3A_1201 = tpu.unpack_subelements %mul3A_1199, 1 {pack_format = #tpu.pack_format<interleaved>} : vector<32xbf16> -> vector<16xf32>
        %add3A_1202 = arith.addf %broadcast_in_dim3A_1190, %unpack3A_1200 : vector<16xf32>
        %add3A_1203 = arith.addf %broadcast_in_dim3A_1192, %unpack3A_1201 : vector<16xf32>
        %get3A_1204 = arith.index_cast %add3A_1188 : i32 to index
        %get3A_1205 = arith.constant 32 : index
        %get3A_1206 = tpu.vector_load %arg8[%get3A_1204, %get3A_1205] {strides = array<i32>} : memref<64x256xbf16, #tpu.memory_space<vmem>>, vector<32xbf16>,
        %get3A_1207 = arith.index_cast %add3A_1188 : i32 to index
        %get3A_1208 = arith.constant 32 : index
        %get3A_1209 = tpu.vector_load %arg10[%get3A_1207, %get3A_1208] {strides = array<i32>} : memref<64x256xbf16, #tpu.memory_space<vmem>>, vector<32xbf16>,
        %mul3A_1210 = arith.mulf %get3A_1206, %get3A_1209 : vector<32xbf16>
        %unpack3A_1211 = tpu.unpack_subelements %mul3A_1210, 0 {pack_format = #tpu.pack_format<interleaved>} : vector<32xbf16> -> vector<16xf32>
        %unpack3A_1212 = tpu.unpack_subelements %mul3A_1210, 1 {pack_format = #tpu.pack_format<interleaved>} : vector<32xbf16> -> vector<16xf32>
        %add3A_1213 = arith.addf %add3A_1202, %unpack3A_1211 : vector<16xf32>
        %add3A_1214 = arith.addf %add3A_1203, %unpack3A_1212 : vector<16xf32>
        %get3A_1215 = arith.index_cast %add3A_1188 : i32 to index
        %get3A_1216 = arith.constant 64 : index
        %get3A_1217 = tpu.vector_load %arg8[%get3A_1215, %get3A_1216] {strides = array<i32>} : memref<64x256xbf16, #tpu.memory_space<vmem>>, vector<32xbf16>,
        %get3A_1218 = arith.index_cast %add3A_1188 : i32 to index
        %get3A_1219 = arith.constant 64 : index
        %get3A_1220 = tpu.vector_load %arg10[%get3A_1218, %get3A_1219] {strides = array<i32>} : memref<64x256xbf16, #tpu.memory_space<vmem>>, vector<32xbf16>,
        %mul3A_1221 = arith.mulf %get3A_1217, %get3A_1220 : vector<32xbf16>
        %unpack3A_1222 = tpu.unpack_subelements %mul3A_1221, 0 {pack_format = #tpu.pack_format<interleaved>} : vector<32xbf16> -> vector<16xf32>
        %unpack3A_1223 = tpu.unpack_subelements %mul3A_1221, 1 {pack_format = #tpu.pack_format<interleaved>} : vector<32xbf16> -> vector<16xf32>
        %add3A_1224 = arith.addf %add3A_1213, %unpack3A_1222 : vector<16xf32>
        %add3A_1225 = arith.addf %add3A_1214, %unpack3A_1223 : vector<16xf32>
        %get3A_1226 = arith.index_cast %add3A_1188 : i32 to index
        %get3A_1227 = arith.constant 96 : index
        %get3A_1228 = tpu.vector_load %arg8[%get3A_1226, %get3A_1227] {strides = array<i32>} : memref<64x256xbf16, #tpu.memory_space<vmem>>, vector<32xbf16>,
        %get3A_1229 = arith.index_cast %add3A_1188 : i32 to index
        %get3A_1230 = arith.constant 96 : index
        %get3A_1231 = tpu.vector_load %arg10[%get3A_1229, %get3A_1230] {strides = array<i32>} : memref<64x256xbf16, #tpu.memory_space<vmem>>, vector<32xbf16>,
        %mul3A_1232 = arith.mulf %get3A_1228, %get3A_1231 : vector<32xbf16>
        %unpack3A_1233 = tpu.unpack_subelements %mul3A_1232, 0 {pack_format = #tpu.pack_format<interleaved>} : vector<32xbf16> -> vector<16xf32>
        %unpack3A_1234 = tpu.unpack_subelements %mul3A_1232, 1 {pack_format = #tpu.pack_format<interleaved>} : vector<32xbf16> -> vector<16xf32>
        %add3A_1235 = arith.addf %add3A_1224, %unpack3A_1233 : vector<16xf32>
        %add3A_1236 = arith.addf %add3A_1225, %unpack3A_1234 : vector<16xf32>
        %get3A_1237 = arith.index_cast %add3A_1188 : i32 to index
        %get3A_1238 = arith.constant 128 : index
        %get3A_1239 = tpu.vector_load %arg8[%get3A_1237, %get3A_1238] {strides = array<i32>} : memref<64x256xbf16, #tpu.memory_space<vmem>>, vector<32xbf16>,
        %get3A_1240 = arith.index_cast %add3A_1188 : i32 to index
        %get3A_1241 = arith.constant 128 : index
        %get3A_1242 = tpu.vector_load %arg10[%get3A_1240, %get3A_1241] {strides = array<i32>} : memref<64x256xbf16, #tpu.memory_space<vmem>>, vector<32xbf16>,
        %mul3A_1243 = arith.mulf %get3A_1239, %get3A_1242 : vector<32xbf16>
        %unpack3A_1244 = tpu.unpack_subelements %mul3A_1243, 0 {pack_format = #tpu.pack_format<interleaved>} : vector<32xbf16> -> vector<16xf32>
        %unpack3A_1245 = tpu.unpack_subelements %mul3A_1243, 1 {pack_format = #tpu.pack_format<interleaved>} : vector<32xbf16> -> vector<16xf32>
        %add3A_1246 = arith.addf %add3A_1235, %unpack3A_1244 : vector<16xf32>
        %add3A_1247 = arith.addf %add3A_1236, %unpack3A_1245 : vector<16xf32>
        %get3A_1248 = arith.index_cast %add3A_1188 : i32 to index
        %get3A_1249 = arith.constant 160 : index
        %get3A_1250 = tpu.vector_load %arg8[%get3A_1248, %get3A_1249] {strides = array<i32>} : memref<64x256xbf16, #tpu.memory_space<vmem>>, vector<32xbf16>,
        %get3A_1251 = arith.index_cast %add3A_1188 : i32 to index
        %get3A_1252 = arith.constant 160 : index
        %get3A_1253 = tpu.vector_load %arg10[%get3A_1251, %get3A_1252] {strides = array<i32>} : memref<64x256xbf16, #tpu.memory_space<vmem>>, vector<32xbf16>,
        %mul3A_1254 = arith.mulf %get3A_1250, %get3A_1253 : vector<32xbf16>
        %unpack3A_1255 = tpu.unpack_subelements %mul3A_1254, 0 {pack_format = #tpu.pack_format<interleaved>} : vector<32xbf16> -> vector<16xf32>
        %unpack3A_1256 = tpu.unpack_subelements %mul3A_1254, 1 {pack_format = #tpu.pack_format<interleaved>} : vector<32xbf16> -> vector<16xf32>
        %add3A_1257 = arith.addf %add3A_1246, %unpack3A_1255 : vector<16xf32>
        %add3A_1258 = arith.addf %add3A_1247, %unpack3A_1256 : vector<16xf32>
        %get3A_1259 = arith.index_cast %add3A_1188 : i32 to index
        %get3A_1260 = arith.constant 192 : index
        %get3A_1261 = tpu.vector_load %arg8[%get3A_1259, %get3A_1260] {strides = array<i32>} : memref<64x256xbf16, #tpu.memory_space<vmem>>, vector<32xbf16>,
        %get3A_1262 = arith.index_cast %add3A_1188 : i32 to index
        %get3A_1263 = arith.constant 192 : index
        %get3A_1264 = tpu.vector_load %arg10[%get3A_1262, %get3A_1263] {strides = array<i32>} : memref<64x256xbf16, #tpu.memory_space<vmem>>, vector<32xbf16>,
        %mul3A_1265 = arith.mulf %get3A_1261, %get3A_1264 : vector<32xbf16>
        %unpack3A_1266 = tpu.unpack_subelements %mul3A_1265, 0 {pack_format = #tpu.pack_format<interleaved>} : vector<32xbf16> -> vector<16xf32>
        %unpack3A_1267 = tpu.unpack_subelements %mul3A_1265, 1 {pack_format = #tpu.pack_format<interleaved>} : vector<32xbf16> -> vector<16xf32>
        %add3A_1268 = arith.addf %add3A_1257, %unpack3A_1266 : vector<16xf32>
        %add3A_1269 = arith.addf %add3A_1258, %unpack3A_1267 : vector<16xf32>
        %get3A_1270 = arith.index_cast %add3A_1188 : i32 to index
        %get3A_1271 = arith.constant 224 : index
        %get3A_1272 = tpu.vector_load %arg8[%get3A_1270, %get3A_1271] {strides = array<i32>} : memref<64x256xbf16, #tpu.memory_space<vmem>>, vector<32xbf16>,
        %get3A_1273 = arith.index_cast %add3A_1188 : i32 to index
        %get3A_1274 = arith.constant 224 : index
        %get3A_1275 = tpu.vector_load %arg10[%get3A_1273, %get3A_1274] {strides = array<i32>} : memref<64x256xbf16, #tpu.memory_space<vmem>>, vector<32xbf16>,
        %mul3A_1276 = arith.mulf %get3A_1272, %get3A_1275 : vector<32xbf16>
        %unpack3A_1277 = tpu.unpack_subelements %mul3A_1276, 0 {pack_format = #tpu.pack_format<interleaved>} : vector<32xbf16> -> vector<16xf32>
        %unpack3A_1278 = tpu.unpack_subelements %mul3A_1276, 1 {pack_format = #tpu.pack_format<interleaved>} : vector<32xbf16> -> vector<16xf32>
        %add3A_1279 = arith.addf %add3A_1268, %unpack3A_1277 : vector<16xf32>
        %add3A_1280 = arith.addf %add3A_1269, %unpack3A_1278 : vector<16xf32>
        %add3A_1281 = arith.addf %add3A_1279, %add3A_1280 : vector<16xf32>
        %swap3A_1282 = arith.index_cast %add3A_1188 : i32 to index
        %swap3A_1283 = arith.constant 0 : index
        %swap3A_1284 = tpu.vector_load %arg13[%swap3A_1282, %swap3A_1283] {strides = array<i32>} : memref<64x17xf32, #tpu.memory_space<vmem>>, vector<16xf32>,
        tpu.vector_store %arg13[%swap3A_1282, %swap3A_1283], %add3A_1281 {strides = array<i32>} : memref<64x17xf32, #tpu.memory_space<vmem>>, vector<16xf32>,
        %mul3A_1285 = arith.constant 16 : i32
        %mul3A_1286 = arith.muli %scan3A_88, %mul3A_1285 : i32
        %add3A_1287 = arith.constant 12 : i32
        %add3A_1288 = arith.addi %mul3A_1286, %add3A_1287 : i32
        %broadcast_in_dim3A_1289 = arith.constant 0.000000e+00 : f32
        %broadcast_in_dim3A_1290 = vector.broadcast %broadcast_in_dim3A_1289 : f32 to vector<16xf32>
        %broadcast_in_dim3A_1291 = arith.constant 0.000000e+00 : f32
        %broadcast_in_dim3A_1292 = vector.broadcast %broadcast_in_dim3A_1291 : f32 to vector<16xf32>
        %get3A_1293 = arith.index_cast %add3A_1288 : i32 to index
        %get3A_1294 = arith.constant 0 : index
        %get3A_1295 = tpu.vector_load %arg8[%get3A_1293, %get3A_1294] {strides = array<i32>} : memref<64x256xbf16, #tpu.memory_space<vmem>>, vector<32xbf16>,
        %get3A_1296 = arith.index_cast %add3A_1288 : i32 to index
        %get3A_1297 = arith.constant 0 : index
        %get3A_1298 = tpu.vector_load %arg10[%get3A_1296, %get3A_1297] {strides = array<i32>} : memref<64x256xbf16, #tpu.memory_space<vmem>>, vector<32xbf16>,
        %mul3A_1299 = arith.mulf %get3A_1295, %get3A_1298 : vector<32xbf16>
        %unpack3A_1300 = tpu.unpack_subelements %mul3A_1299, 0 {pack_format = #tpu.pack_format<interleaved>} : vector<32xbf16> -> vector<16xf32>
        %unpack3A_1301 = tpu.unpack_subelements %mul3A_1299, 1 {pack_format = #tpu.pack_format<interleaved>} : vector<32xbf16> -> vector<16xf32>
        %add3A_1302 = arith.addf %broadcast_in_dim3A_1290, %unpack3A_1300 : vector<16xf32>
        %add3A_1303 = arith.addf %broadcast_in_dim3A_1292, %unpack3A_1301 : vector<16xf32>
        %get3A_1304 = arith.index_cast %add3A_1288 : i32 to index
        %get3A_1305 = arith.constant 32 : index
        %get3A_1306 = tpu.vector_load %arg8[%get3A_1304, %get3A_1305] {strides = array<i32>} : memref<64x256xbf16, #tpu.memory_space<vmem>>, vector<32xbf16>,
        %get3A_1307 = arith.index_cast %add3A_1288 : i32 to index
        %get3A_1308 = arith.constant 32 : index
        %get3A_1309 = tpu.vector_load %arg10[%get3A_1307, %get3A_1308] {strides = array<i32>} : memref<64x256xbf16, #tpu.memory_space<vmem>>, vector<32xbf16>,
        %mul3A_1310 = arith.mulf %get3A_1306, %get3A_1309 : vector<32xbf16>
        %unpack3A_1311 = tpu.unpack_subelements %mul3A_1310, 0 {pack_format = #tpu.pack_format<interleaved>} : vector<32xbf16> -> vector<16xf32>
        %unpack3A_1312 = tpu.unpack_subelements %mul3A_1310, 1 {pack_format = #tpu.pack_format<interleaved>} : vector<32xbf16> -> vector<16xf32>
        %add3A_1313 = arith.addf %add3A_1302, %unpack3A_1311 : vector<16xf32>
        %add3A_1314 = arith.addf %add3A_1303, %unpack3A_1312 : vector<16xf32>
        %get3A_1315 = arith.index_cast %add3A_1288 : i32 to index
        %get3A_1316 = arith.constant 64 : index
        %get3A_1317 = tpu.vector_load %arg8[%get3A_1315, %get3A_1316] {strides = array<i32>} : memref<64x256xbf16, #tpu.memory_space<vmem>>, vector<32xbf16>,
        %get3A_1318 = arith.index_cast %add3A_1288 : i32 to index
        %get3A_1319 = arith.constant 64 : index
        %get3A_1320 = tpu.vector_load %arg10[%get3A_1318, %get3A_1319] {strides = array<i32>} : memref<64x256xbf16, #tpu.memory_space<vmem>>, vector<32xbf16>,
        %mul3A_1321 = arith.mulf %get3A_1317, %get3A_1320 : vector<32xbf16>
        %unpack3A_1322 = tpu.unpack_subelements %mul3A_1321, 0 {pack_format = #tpu.pack_format<interleaved>} : vector<32xbf16> -> vector<16xf32>
        %unpack3A_1323 = tpu.unpack_subelements %mul3A_1321, 1 {pack_format = #tpu.pack_format<interleaved>} : vector<32xbf16> -> vector<16xf32>
        %add3A_1324 = arith.addf %add3A_1313, %unpack3A_1322 : vector<16xf32>
        %add3A_1325 = arith.addf %add3A_1314, %unpack3A_1323 : vector<16xf32>
        %get3A_1326 = arith.index_cast %add3A_1288 : i32 to index
        %get3A_1327 = arith.constant 96 : index
        %get3A_1328 = tpu.vector_load %arg8[%get3A_1326, %get3A_1327] {strides = array<i32>} : memref<64x256xbf16, #tpu.memory_space<vmem>>, vector<32xbf16>,
        %get3A_1329 = arith.index_cast %add3A_1288 : i32 to index
        %get3A_1330 = arith.constant 96 : index
        %get3A_1331 = tpu.vector_load %arg10[%get3A_1329, %get3A_1330] {strides = array<i32>} : memref<64x256xbf16, #tpu.memory_space<vmem>>, vector<32xbf16>,
        %mul3A_1332 = arith.mulf %get3A_1328, %get3A_1331 : vector<32xbf16>
        %unpack3A_1333 = tpu.unpack_subelements %mul3A_1332, 0 {pack_format = #tpu.pack_format<interleaved>} : vector<32xbf16> -> vector<16xf32>
        %unpack3A_1334 = tpu.unpack_subelements %mul3A_1332, 1 {pack_format = #tpu.pack_format<interleaved>} : vector<32xbf16> -> vector<16xf32>
        %add3A_1335 = arith.addf %add3A_1324, %unpack3A_1333 : vector<16xf32>
        %add3A_1336 = arith.addf %add3A_1325, %unpack3A_1334 : vector<16xf32>
        %get3A_1337 = arith.index_cast %add3A_1288 : i32 to index
        %get3A_1338 = arith.constant 128 : index
        %get3A_1339 = tpu.vector_load %arg8[%get3A_1337, %get3A_1338] {strides = array<i32>} : memref<64x256xbf16, #tpu.memory_space<vmem>>, vector<32xbf16>,
        %get3A_1340 = arith.index_cast %add3A_1288 : i32 to index
        %get3A_1341 = arith.constant 128 : index
        %get3A_1342 = tpu.vector_load %arg10[%get3A_1340, %get3A_1341] {strides = array<i32>} : memref<64x256xbf16, #tpu.memory_space<vmem>>, vector<32xbf16>,
        %mul3A_1343 = arith.mulf %get3A_1339, %get3A_1342 : vector<32xbf16>
        %unpack3A_1344 = tpu.unpack_subelements %mul3A_1343, 0 {pack_format = #tpu.pack_format<interleaved>} : vector<32xbf16> -> vector<16xf32>
        %unpack3A_1345 = tpu.unpack_subelements %mul3A_1343, 1 {pack_format = #tpu.pack_format<interleaved>} : vector<32xbf16> -> vector<16xf32>
        %add3A_1346 = arith.addf %add3A_1335, %unpack3A_1344 : vector<16xf32>
        %add3A_1347 = arith.addf %add3A_1336, %unpack3A_1345 : vector<16xf32>
        %get3A_1348 = arith.index_cast %add3A_1288 : i32 to index
        %get3A_1349 = arith.constant 160 : index
        %get3A_1350 = tpu.vector_load %arg8[%get3A_1348, %get3A_1349] {strides = array<i32>} : memref<64x256xbf16, #tpu.memory_space<vmem>>, vector<32xbf16>,
        %get3A_1351 = arith.index_cast %add3A_1288 : i32 to index
        %get3A_1352 = arith.constant 160 : index
        %get3A_1353 = tpu.vector_load %arg10[%get3A_1351, %get3A_1352] {strides = array<i32>} : memref<64x256xbf16, #tpu.memory_space<vmem>>, vector<32xbf16>,
        %mul3A_1354 = arith.mulf %get3A_1350, %get3A_1353 : vector<32xbf16>
        %unpack3A_1355 = tpu.unpack_subelements %mul3A_1354, 0 {pack_format = #tpu.pack_format<interleaved>} : vector<32xbf16> -> vector<16xf32>
        %unpack3A_1356 = tpu.unpack_subelements %mul3A_1354, 1 {pack_format = #tpu.pack_format<interleaved>} : vector<32xbf16> -> vector<16xf32>
        %add3A_1357 = arith.addf %add3A_1346, %unpack3A_1355 : vector<16xf32>
        %add3A_1358 = arith.addf %add3A_1347, %unpack3A_1356 : vector<16xf32>
        %get3A_1359 = arith.index_cast %add3A_1288 : i32 to index
        %get3A_1360 = arith.constant 192 : index
        %get3A_1361 = tpu.vector_load %arg8[%get3A_1359, %get3A_1360] {strides = array<i32>} : memref<64x256xbf16, #tpu.memory_space<vmem>>, vector<32xbf16>,
        %get3A_1362 = arith.index_cast %add3A_1288 : i32 to index
        %get3A_1363 = arith.constant 192 : index
        %get3A_1364 = tpu.vector_load %arg10[%get3A_1362, %get3A_1363] {strides = array<i32>} : memref<64x256xbf16, #tpu.memory_space<vmem>>, vector<32xbf16>,
        %mul3A_1365 = arith.mulf %get3A_1361, %get3A_1364 : vector<32xbf16>
        %unpack3A_1366 = tpu.unpack_subelements %mul3A_1365, 0 {pack_format = #tpu.pack_format<interleaved>} : vector<32xbf16> -> vector<16xf32>
        %unpack3A_1367 = tpu.unpack_subelements %mul3A_1365, 1 {pack_format = #tpu.pack_format<interleaved>} : vector<32xbf16> -> vector<16xf32>
        %add3A_1368 = arith.addf %add3A_1357, %unpack3A_1366 : vector<16xf32>
        %add3A_1369 = arith.addf %add3A_1358, %unpack3A_1367 : vector<16xf32>
        %get3A_1370 = arith.index_cast %add3A_1288 : i32 to index
        %get3A_1371 = arith.constant 224 : index
        %get3A_1372 = tpu.vector_load %arg8[%get3A_1370, %get3A_1371] {strides = array<i32>} : memref<64x256xbf16, #tpu.memory_space<vmem>>, vector<32xbf16>,
        %get3A_1373 = arith.index_cast %add3A_1288 : i32 to index
        %get3A_1374 = arith.constant 224 : index
        %get3A_1375 = tpu.vector_load %arg10[%get3A_1373, %get3A_1374] {strides = array<i32>} : memref<64x256xbf16, #tpu.memory_space<vmem>>, vector<32xbf16>,
        %mul3A_1376 = arith.mulf %get3A_1372, %get3A_1375 : vector<32xbf16>
        %unpack3A_1377 = tpu.unpack_subelements %mul3A_1376, 0 {pack_format = #tpu.pack_format<interleaved>} : vector<32xbf16> -> vector<16xf32>
        %unpack3A_1378 = tpu.unpack_subelements %mul3A_1376, 1 {pack_format = #tpu.pack_format<interleaved>} : vector<32xbf16> -> vector<16xf32>
        %add3A_1379 = arith.addf %add3A_1368, %unpack3A_1377 : vector<16xf32>
        %add3A_1380 = arith.addf %add3A_1369, %unpack3A_1378 : vector<16xf32>
        %add3A_1381 = arith.addf %add3A_1379, %add3A_1380 : vector<16xf32>
        %swap3A_1382 = arith.index_cast %add3A_1288 : i32 to index
        %swap3A_1383 = arith.constant 0 : index
        %swap3A_1384 = tpu.vector_load %arg13[%swap3A_1382, %swap3A_1383] {strides = array<i32>} : memref<64x17xf32, #tpu.memory_space<vmem>>, vector<16xf32>,
        tpu.vector_store %arg13[%swap3A_1382, %swap3A_1383], %add3A_1381 {strides = array<i32>} : memref<64x17xf32, #tpu.memory_space<vmem>>, vector<16xf32>,
        %mul3A_1385 = arith.constant 16 : i32
        %mul3A_1386 = arith.muli %scan3A_88, %mul3A_1385 : i32
        %add3A_1387 = arith.constant 13 : i32
        %add3A_1388 = arith.addi %mul3A_1386, %add3A_1387 : i32
        %broadcast_in_dim3A_1389 = arith.constant 0.000000e+00 : f32
        %broadcast_in_dim3A_1390 = vector.broadcast %broadcast_in_dim3A_1389 : f32 to vector<16xf32>
        %broadcast_in_dim3A_1391 = arith.constant 0.000000e+00 : f32
        %broadcast_in_dim3A_1392 = vector.broadcast %broadcast_in_dim3A_1391 : f32 to vector<16xf32>
        %get3A_1393 = arith.index_cast %add3A_1388 : i32 to index
        %get3A_1394 = arith.constant 0 : index
        %get3A_1395 = tpu.vector_load %arg8[%get3A_1393, %get3A_1394] {strides = array<i32>} : memref<64x256xbf16, #tpu.memory_space<vmem>>, vector<32xbf16>,
        %get3A_1396 = arith.index_cast %add3A_1388 : i32 to index
        %get3A_1397 = arith.constant 0 : index
        %get3A_1398 = tpu.vector_load %arg10[%get3A_1396, %get3A_1397] {strides = array<i32>} : memref<64x256xbf16, #tpu.memory_space<vmem>>, vector<32xbf16>,
        %mul3A_1399 = arith.mulf %get3A_1395, %get3A_1398 : vector<32xbf16>
        %unpack3A_1400 = tpu.unpack_subelements %mul3A_1399, 0 {pack_format = #tpu.pack_format<interleaved>} : vector<32xbf16> -> vector<16xf32>
        %unpack3A_1401 = tpu.unpack_subelements %mul3A_1399, 1 {pack_format = #tpu.pack_format<interleaved>} : vector<32xbf16> -> vector<16xf32>
        %add3A_1402 = arith.addf %broadcast_in_dim3A_1390, %unpack3A_1400 : vector<16xf32>
        %add3A_1403 = arith.addf %broadcast_in_dim3A_1392, %unpack3A_1401 : vector<16xf32>
        %get3A_1404 = arith.index_cast %add3A_1388 : i32 to index
        %get3A_1405 = arith.constant 32 : index
        %get3A_1406 = tpu.vector_load %arg8[%get3A_1404, %get3A_1405] {strides = array<i32>} : memref<64x256xbf16, #tpu.memory_space<vmem>>, vector<32xbf16>,
        %get3A_1407 = arith.index_cast %add3A_1388 : i32 to index
        %get3A_1408 = arith.constant 32 : index
        %get3A_1409 = tpu.vector_load %arg10[%get3A_1407, %get3A_1408] {strides = array<i32>} : memref<64x256xbf16, #tpu.memory_space<vmem>>, vector<32xbf16>,
        %mul3A_1410 = arith.mulf %get3A_1406, %get3A_1409 : vector<32xbf16>
        %unpack3A_1411 = tpu.unpack_subelements %mul3A_1410, 0 {pack_format = #tpu.pack_format<interleaved>} : vector<32xbf16> -> vector<16xf32>
        %unpack3A_1412 = tpu.unpack_subelements %mul3A_1410, 1 {pack_format = #tpu.pack_format<interleaved>} : vector<32xbf16> -> vector<16xf32>
        %add3A_1413 = arith.addf %add3A_1402, %unpack3A_1411 : vector<16xf32>
        %add3A_1414 = arith.addf %add3A_1403, %unpack3A_1412 : vector<16xf32>
        %get3A_1415 = arith.index_cast %add3A_1388 : i32 to index
        %get3A_1416 = arith.constant 64 : index
        %get3A_1417 = tpu.vector_load %arg8[%get3A_1415, %get3A_1416] {strides = array<i32>} : memref<64x256xbf16, #tpu.memory_space<vmem>>, vector<32xbf16>,
        %get3A_1418 = arith.index_cast %add3A_1388 : i32 to index
        %get3A_1419 = arith.constant 64 : index
        %get3A_1420 = tpu.vector_load %arg10[%get3A_1418, %get3A_1419] {strides = array<i32>} : memref<64x256xbf16, #tpu.memory_space<vmem>>, vector<32xbf16>,
        %mul3A_1421 = arith.mulf %get3A_1417, %get3A_1420 : vector<32xbf16>
        %unpack3A_1422 = tpu.unpack_subelements %mul3A_1421, 0 {pack_format = #tpu.pack_format<interleaved>} : vector<32xbf16> -> vector<16xf32>
        %unpack3A_1423 = tpu.unpack_subelements %mul3A_1421, 1 {pack_format = #tpu.pack_format<interleaved>} : vector<32xbf16> -> vector<16xf32>
        %add3A_1424 = arith.addf %add3A_1413, %unpack3A_1422 : vector<16xf32>
        %add3A_1425 = arith.addf %add3A_1414, %unpack3A_1423 : vector<16xf32>
        %get3A_1426 = arith.index_cast %add3A_1388 : i32 to index
        %get3A_1427 = arith.constant 96 : index
        %get3A_1428 = tpu.vector_load %arg8[%get3A_1426, %get3A_1427] {strides = array<i32>} : memref<64x256xbf16, #tpu.memory_space<vmem>>, vector<32xbf16>,
        %get3A_1429 = arith.index_cast %add3A_1388 : i32 to index
        %get3A_1430 = arith.constant 96 : index
        %get3A_1431 = tpu.vector_load %arg10[%get3A_1429, %get3A_1430] {strides = array<i32>} : memref<64x256xbf16, #tpu.memory_space<vmem>>, vector<32xbf16>,
        %mul3A_1432 = arith.mulf %get3A_1428, %get3A_1431 : vector<32xbf16>
        %unpack3A_1433 = tpu.unpack_subelements %mul3A_1432, 0 {pack_format = #tpu.pack_format<interleaved>} : vector<32xbf16> -> vector<16xf32>
        %unpack3A_1434 = tpu.unpack_subelements %mul3A_1432, 1 {pack_format = #tpu.pack_format<interleaved>} : vector<32xbf16> -> vector<16xf32>
        %add3A_1435 = arith.addf %add3A_1424, %unpack3A_1433 : vector<16xf32>
        %add3A_1436 = arith.addf %add3A_1425, %unpack3A_1434 : vector<16xf32>
        %get3A_1437 = arith.index_cast %add3A_1388 : i32 to index
        %get3A_1438 = arith.constant 128 : index
        %get3A_1439 = tpu.vector_load %arg8[%get3A_1437, %get3A_1438] {strides = array<i32>} : memref<64x256xbf16, #tpu.memory_space<vmem>>, vector<32xbf16>,
        %get3A_1440 = arith.index_cast %add3A_1388 : i32 to index
        %get3A_1441 = arith.constant 128 : index
        %get3A_1442 = tpu.vector_load %arg10[%get3A_1440, %get3A_1441] {strides = array<i32>} : memref<64x256xbf16, #tpu.memory_space<vmem>>, vector<32xbf16>,
        %mul3A_1443 = arith.mulf %get3A_1439, %get3A_1442 : vector<32xbf16>
        %unpack3A_1444 = tpu.unpack_subelements %mul3A_1443, 0 {pack_format = #tpu.pack_format<interleaved>} : vector<32xbf16> -> vector<16xf32>
        %unpack3A_1445 = tpu.unpack_subelements %mul3A_1443, 1 {pack_format = #tpu.pack_format<interleaved>} : vector<32xbf16> -> vector<16xf32>
        %add3A_1446 = arith.addf %add3A_1435, %unpack3A_1444 : vector<16xf32>
        %add3A_1447 = arith.addf %add3A_1436, %unpack3A_1445 : vector<16xf32>
        %get3A_1448 = arith.index_cast %add3A_1388 : i32 to index
        %get3A_1449 = arith.constant 160 : index
        %get3A_1450 = tpu.vector_load %arg8[%get3A_1448, %get3A_1449] {strides = array<i32>} : memref<64x256xbf16, #tpu.memory_space<vmem>>, vector<32xbf16>,
        %get3A_1451 = arith.index_cast %add3A_1388 : i32 to index
        %get3A_1452 = arith.constant 160 : index
        %get3A_1453 = tpu.vector_load %arg10[%get3A_1451, %get3A_1452] {strides = array<i32>} : memref<64x256xbf16, #tpu.memory_space<vmem>>, vector<32xbf16>,
        %mul3A_1454 = arith.mulf %get3A_1450, %get3A_1453 : vector<32xbf16>
        %unpack3A_1455 = tpu.unpack_subelements %mul3A_1454, 0 {pack_format = #tpu.pack_format<interleaved>} : vector<32xbf16> -> vector<16xf32>
        %unpack3A_1456 = tpu.unpack_subelements %mul3A_1454, 1 {pack_format = #tpu.pack_format<interleaved>} : vector<32xbf16> -> vector<16xf32>
        %add3A_1457 = arith.addf %add3A_1446, %unpack3A_1455 : vector<16xf32>
        %add3A_1458 = arith.addf %add3A_1447, %unpack3A_1456 : vector<16xf32>
        %get3A_1459 = arith.index_cast %add3A_1388 : i32 to index
        %get3A_1460 = arith.constant 192 : index
        %get3A_1461 = tpu.vector_load %arg8[%get3A_1459, %get3A_1460] {strides = array<i32>} : memref<64x256xbf16, #tpu.memory_space<vmem>>, vector<32xbf16>,
        %get3A_1462 = arith.index_cast %add3A_1388 : i32 to index
        %get3A_1463 = arith.constant 192 : index
        %get3A_1464 = tpu.vector_load %arg10[%get3A_1462, %get3A_1463] {strides = array<i32>} : memref<64x256xbf16, #tpu.memory_space<vmem>>, vector<32xbf16>,
        %mul3A_1465 = arith.mulf %get3A_1461, %get3A_1464 : vector<32xbf16>
        %unpack3A_1466 = tpu.unpack_subelements %mul3A_1465, 0 {pack_format = #tpu.pack_format<interleaved>} : vector<32xbf16> -> vector<16xf32>
        %unpack3A_1467 = tpu.unpack_subelements %mul3A_1465, 1 {pack_format = #tpu.pack_format<interleaved>} : vector<32xbf16> -> vector<16xf32>
        %add3A_1468 = arith.addf %add3A_1457, %unpack3A_1466 : vector<16xf32>
        %add3A_1469 = arith.addf %add3A_1458, %unpack3A_1467 : vector<16xf32>
        %get3A_1470 = arith.index_cast %add3A_1388 : i32 to index
        %get3A_1471 = arith.constant 224 : index
        %get3A_1472 = tpu.vector_load %arg8[%get3A_1470, %get3A_1471] {strides = array<i32>} : memref<64x256xbf16, #tpu.memory_space<vmem>>, vector<32xbf16>,
        %get3A_1473 = arith.index_cast %add3A_1388 : i32 to index
        %get3A_1474 = arith.constant 224 : index
        %get3A_1475 = tpu.vector_load %arg10[%get3A_1473, %get3A_1474] {strides = array<i32>} : memref<64x256xbf16, #tpu.memory_space<vmem>>, vector<32xbf16>,
        %mul3A_1476 = arith.mulf %get3A_1472, %get3A_1475 : vector<32xbf16>
        %unpack3A_1477 = tpu.unpack_subelements %mul3A_1476, 0 {pack_format = #tpu.pack_format<interleaved>} : vector<32xbf16> -> vector<16xf32>
        %unpack3A_1478 = tpu.unpack_subelements %mul3A_1476, 1 {pack_format = #tpu.pack_format<interleaved>} : vector<32xbf16> -> vector<16xf32>
        %add3A_1479 = arith.addf %add3A_1468, %unpack3A_1477 : vector<16xf32>
        %add3A_1480 = arith.addf %add3A_1469, %unpack3A_1478 : vector<16xf32>
        %add3A_1481 = arith.addf %add3A_1479, %add3A_1480 : vector<16xf32>
        %swap3A_1482 = arith.index_cast %add3A_1388 : i32 to index
        %swap3A_1483 = arith.constant 0 : index
        %swap3A_1484 = tpu.vector_load %arg13[%swap3A_1482, %swap3A_1483] {strides = array<i32>} : memref<64x17xf32, #tpu.memory_space<vmem>>, vector<16xf32>,
        tpu.vector_store %arg13[%swap3A_1482, %swap3A_1483], %add3A_1481 {strides = array<i32>} : memref<64x17xf32, #tpu.memory_space<vmem>>, vector<16xf32>,
        %mul3A_1485 = arith.constant 16 : i32
        %mul3A_1486 = arith.muli %scan3A_88, %mul3A_1485 : i32
        %add3A_1487 = arith.constant 14 : i32
        %add3A_1488 = arith.addi %mul3A_1486, %add3A_1487 : i32
        %broadcast_in_dim3A_1489 = arith.constant 0.000000e+00 : f32
        %broadcast_in_dim3A_1490 = vector.broadcast %broadcast_in_dim3A_1489 : f32 to vector<16xf32>
        %broadcast_in_dim3A_1491 = arith.constant 0.000000e+00 : f32
        %broadcast_in_dim3A_1492 = vector.broadcast %broadcast_in_dim3A_1491 : f32 to vector<16xf32>
        %get3A_1493 = arith.index_cast %add3A_1488 : i32 to index
        %get3A_1494 = arith.constant 0 : index
        %get3A_1495 = tpu.vector_load %arg8[%get3A_1493, %get3A_1494] {strides = array<i32>} : memref<64x256xbf16, #tpu.memory_space<vmem>>, vector<32xbf16>,
        %get3A_1496 = arith.index_cast %add3A_1488 : i32 to index
        %get3A_1497 = arith.constant 0 : index
        %get3A_1498 = tpu.vector_load %arg10[%get3A_1496, %get3A_1497] {strides = array<i32>} : memref<64x256xbf16, #tpu.memory_space<vmem>>, vector<32xbf16>,
        %mul3A_1499 = arith.mulf %get3A_1495, %get3A_1498 : vector<32xbf16>
        %unpack3A_1500 = tpu.unpack_subelements %mul3A_1499, 0 {pack_format = #tpu.pack_format<interleaved>} : vector<32xbf16> -> vector<16xf32>
        %unpack3A_1501 = tpu.unpack_subelements %mul3A_1499, 1 {pack_format = #tpu.pack_format<interleaved>} : vector<32xbf16> -> vector<16xf32>
        %add3A_1502 = arith.addf %broadcast_in_dim3A_1490, %unpack3A_1500 : vector<16xf32>
        %add3A_1503 = arith.addf %broadcast_in_dim3A_1492, %unpack3A_1501 : vector<16xf32>
        %get3A_1504 = arith.index_cast %add3A_1488 : i32 to index
        %get3A_1505 = arith.constant 32 : index
        %get3A_1506 = tpu.vector_load %arg8[%get3A_1504, %get3A_1505] {strides = array<i32>} : memref<64x256xbf16, #tpu.memory_space<vmem>>, vector<32xbf16>,
        %get3A_1507 = arith.index_cast %add3A_1488 : i32 to index
        %get3A_1508 = arith.constant 32 : index
        %get3A_1509 = tpu.vector_load %arg10[%get3A_1507, %get3A_1508] {strides = array<i32>} : memref<64x256xbf16, #tpu.memory_space<vmem>>, vector<32xbf16>,
        %mul3A_1510 = arith.mulf %get3A_1506, %get3A_1509 : vector<32xbf16>
        %unpack3A_1511 = tpu.unpack_subelements %mul3A_1510, 0 {pack_format = #tpu.pack_format<interleaved>} : vector<32xbf16> -> vector<16xf32>
        %unpack3A_1512 = tpu.unpack_subelements %mul3A_1510, 1 {pack_format = #tpu.pack_format<interleaved>} : vector<32xbf16> -> vector<16xf32>
        %add3A_1513 = arith.addf %add3A_1502, %unpack3A_1511 : vector<16xf32>
        %add3A_1514 = arith.addf %add3A_1503, %unpack3A_1512 : vector<16xf32>
        %get3A_1515 = arith.index_cast %add3A_1488 : i32 to index
        %get3A_1516 = arith.constant 64 : index
        %get3A_1517 = tpu.vector_load %arg8[%get3A_1515, %get3A_1516] {strides = array<i32>} : memref<64x256xbf16, #tpu.memory_space<vmem>>, vector<32xbf16>,
        %get3A_1518 = arith.index_cast %add3A_1488 : i32 to index
        %get3A_1519 = arith.constant 64 : index
        %get3A_1520 = tpu.vector_load %arg10[%get3A_1518, %get3A_1519] {strides = array<i32>} : memref<64x256xbf16, #tpu.memory_space<vmem>>, vector<32xbf16>,
        %mul3A_1521 = arith.mulf %get3A_1517, %get3A_1520 : vector<32xbf16>
        %unpack3A_1522 = tpu.unpack_subelements %mul3A_1521, 0 {pack_format = #tpu.pack_format<interleaved>} : vector<32xbf16> -> vector<16xf32>
        %unpack3A_1523 = tpu.unpack_subelements %mul3A_1521, 1 {pack_format = #tpu.pack_format<interleaved>} : vector<32xbf16> -> vector<16xf32>
        %add3A_1524 = arith.addf %add3A_1513, %unpack3A_1522 : vector<16xf32>
        %add3A_1525 = arith.addf %add3A_1514, %unpack3A_1523 : vector<16xf32>
        %get3A_1526 = arith.index_cast %add3A_1488 : i32 to index
        %get3A_1527 = arith.constant 96 : index
        %get3A_1528 = tpu.vector_load %arg8[%get3A_1526, %get3A_1527] {strides = array<i32>} : memref<64x256xbf16, #tpu.memory_space<vmem>>, vector<32xbf16>,
        %get3A_1529 = arith.index_cast %add3A_1488 : i32 to index
        %get3A_1530 = arith.constant 96 : index
        %get3A_1531 = tpu.vector_load %arg10[%get3A_1529, %get3A_1530] {strides = array<i32>} : memref<64x256xbf16, #tpu.memory_space<vmem>>, vector<32xbf16>,
        %mul3A_1532 = arith.mulf %get3A_1528, %get3A_1531 : vector<32xbf16>
        %unpack3A_1533 = tpu.unpack_subelements %mul3A_1532, 0 {pack_format = #tpu.pack_format<interleaved>} : vector<32xbf16> -> vector<16xf32>
        %unpack3A_1534 = tpu.unpack_subelements %mul3A_1532, 1 {pack_format = #tpu.pack_format<interleaved>} : vector<32xbf16> -> vector<16xf32>
        %add3A_1535 = arith.addf %add3A_1524, %unpack3A_1533 : vector<16xf32>
        %add3A_1536 = arith.addf %add3A_1525, %unpack3A_1534 : vector<16xf32>
        %get3A_1537 = arith.index_cast %add3A_1488 : i32 to index
        %get3A_1538 = arith.constant 128 : index
        %get3A_1539 = tpu.vector_load %arg8[%get3A_1537, %get3A_1538] {strides = array<i32>} : memref<64x256xbf16, #tpu.memory_space<vmem>>, vector<32xbf16>,
        %get3A_1540 = arith.index_cast %add3A_1488 : i32 to index
        %get3A_1541 = arith.constant 128 : index
        %get3A_1542 = tpu.vector_load %arg10[%get3A_1540, %get3A_1541] {strides = array<i32>} : memref<64x256xbf16, #tpu.memory_space<vmem>>, vector<32xbf16>,
        %mul3A_1543 = arith.mulf %get3A_1539, %get3A_1542 : vector<32xbf16>
        %unpack3A_1544 = tpu.unpack_subelements %mul3A_1543, 0 {pack_format = #tpu.pack_format<interleaved>} : vector<32xbf16> -> vector<16xf32>
        %unpack3A_1545 = tpu.unpack_subelements %mul3A_1543, 1 {pack_format = #tpu.pack_format<interleaved>} : vector<32xbf16> -> vector<16xf32>
        %add3A_1546 = arith.addf %add3A_1535, %unpack3A_1544 : vector<16xf32>
        %add3A_1547 = arith.addf %add3A_1536, %unpack3A_1545 : vector<16xf32>
        %get3A_1548 = arith.index_cast %add3A_1488 : i32 to index
        %get3A_1549 = arith.constant 160 : index
        %get3A_1550 = tpu.vector_load %arg8[%get3A_1548, %get3A_1549] {strides = array<i32>} : memref<64x256xbf16, #tpu.memory_space<vmem>>, vector<32xbf16>,
        %get3A_1551 = arith.index_cast %add3A_1488 : i32 to index
        %get3A_1552 = arith.constant 160 : index
        %get3A_1553 = tpu.vector_load %arg10[%get3A_1551, %get3A_1552] {strides = array<i32>} : memref<64x256xbf16, #tpu.memory_space<vmem>>, vector<32xbf16>,
        %mul3A_1554 = arith.mulf %get3A_1550, %get3A_1553 : vector<32xbf16>
        %unpack3A_1555 = tpu.unpack_subelements %mul3A_1554, 0 {pack_format = #tpu.pack_format<interleaved>} : vector<32xbf16> -> vector<16xf32>
        %unpack3A_1556 = tpu.unpack_subelements %mul3A_1554, 1 {pack_format = #tpu.pack_format<interleaved>} : vector<32xbf16> -> vector<16xf32>
        %add3A_1557 = arith.addf %add3A_1546, %unpack3A_1555 : vector<16xf32>
        %add3A_1558 = arith.addf %add3A_1547, %unpack3A_1556 : vector<16xf32>
        %get3A_1559 = arith.index_cast %add3A_1488 : i32 to index
        %get3A_1560 = arith.constant 192 : index
        %get3A_1561 = tpu.vector_load %arg8[%get3A_1559, %get3A_1560] {strides = array<i32>} : memref<64x256xbf16, #tpu.memory_space<vmem>>, vector<32xbf16>,
        %get3A_1562 = arith.index_cast %add3A_1488 : i32 to index
        %get3A_1563 = arith.constant 192 : index
        %get3A_1564 = tpu.vector_load %arg10[%get3A_1562, %get3A_1563] {strides = array<i32>} : memref<64x256xbf16, #tpu.memory_space<vmem>>, vector<32xbf16>,
        %mul3A_1565 = arith.mulf %get3A_1561, %get3A_1564 : vector<32xbf16>
        %unpack3A_1566 = tpu.unpack_subelements %mul3A_1565, 0 {pack_format = #tpu.pack_format<interleaved>} : vector<32xbf16> -> vector<16xf32>
        %unpack3A_1567 = tpu.unpack_subelements %mul3A_1565, 1 {pack_format = #tpu.pack_format<interleaved>} : vector<32xbf16> -> vector<16xf32>
        %add3A_1568 = arith.addf %add3A_1557, %unpack3A_1566 : vector<16xf32>
        %add3A_1569 = arith.addf %add3A_1558, %unpack3A_1567 : vector<16xf32>
        %get3A_1570 = arith.index_cast %add3A_1488 : i32 to index
        %get3A_1571 = arith.constant 224 : index
        %get3A_1572 = tpu.vector_load %arg8[%get3A_1570, %get3A_1571] {strides = array<i32>} : memref<64x256xbf16, #tpu.memory_space<vmem>>, vector<32xbf16>,
        %get3A_1573 = arith.index_cast %add3A_1488 : i32 to index
        %get3A_1574 = arith.constant 224 : index
        %get3A_1575 = tpu.vector_load %arg10[%get3A_1573, %get3A_1574] {strides = array<i32>} : memref<64x256xbf16, #tpu.memory_space<vmem>>, vector<32xbf16>,
        %mul3A_1576 = arith.mulf %get3A_1572, %get3A_1575 : vector<32xbf16>
        %unpack3A_1577 = tpu.unpack_subelements %mul3A_1576, 0 {pack_format = #tpu.pack_format<interleaved>} : vector<32xbf16> -> vector<16xf32>
        %unpack3A_1578 = tpu.unpack_subelements %mul3A_1576, 1 {pack_format = #tpu.pack_format<interleaved>} : vector<32xbf16> -> vector<16xf32>
        %add3A_1579 = arith.addf %add3A_1568, %unpack3A_1577 : vector<16xf32>
        %add3A_1580 = arith.addf %add3A_1569, %unpack3A_1578 : vector<16xf32>
        %add3A_1581 = arith.addf %add3A_1579, %add3A_1580 : vector<16xf32>
        %swap3A_1582 = arith.index_cast %add3A_1488 : i32 to index
        %swap3A_1583 = arith.constant 0 : index
        %swap3A_1584 = tpu.vector_load %arg13[%swap3A_1582, %swap3A_1583] {strides = array<i32>} : memref<64x17xf32, #tpu.memory_space<vmem>>, vector<16xf32>,
        tpu.vector_store %arg13[%swap3A_1582, %swap3A_1583], %add3A_1581 {strides = array<i32>} : memref<64x17xf32, #tpu.memory_space<vmem>>, vector<16xf32>,
        %mul3A_1585 = arith.constant 16 : i32
        %mul3A_1586 = arith.muli %scan3A_88, %mul3A_1585 : i32
        %add3A_1587 = arith.constant 15 : i32
        %add3A_1588 = arith.addi %mul3A_1586, %add3A_1587 : i32
        %broadcast_in_dim3A_1589 = arith.constant 0.000000e+00 : f32
        %broadcast_in_dim3A_1590 = vector.broadcast %broadcast_in_dim3A_1589 : f32 to vector<16xf32>
        %broadcast_in_dim3A_1591 = arith.constant 0.000000e+00 : f32
        %broadcast_in_dim3A_1592 = vector.broadcast %broadcast_in_dim3A_1591 : f32 to vector<16xf32>
        %get3A_1593 = arith.index_cast %add3A_1588 : i32 to index
        %get3A_1594 = arith.constant 0 : index
        %get3A_1595 = tpu.vector_load %arg8[%get3A_1593, %get3A_1594] {strides = array<i32>} : memref<64x256xbf16, #tpu.memory_space<vmem>>, vector<32xbf16>,
        %get3A_1596 = arith.index_cast %add3A_1588 : i32 to index
        %get3A_1597 = arith.constant 0 : index
        %get3A_1598 = tpu.vector_load %arg10[%get3A_1596, %get3A_1597] {strides = array<i32>} : memref<64x256xbf16, #tpu.memory_space<vmem>>, vector<32xbf16>,
        %mul3A_1599 = arith.mulf %get3A_1595, %get3A_1598 : vector<32xbf16>
        %unpack3A_1600 = tpu.unpack_subelements %mul3A_1599, 0 {pack_format = #tpu.pack_format<interleaved>} : vector<32xbf16> -> vector<16xf32>
        %unpack3A_1601 = tpu.unpack_subelements %mul3A_1599, 1 {pack_format = #tpu.pack_format<interleaved>} : vector<32xbf16> -> vector<16xf32>
        %add3A_1602 = arith.addf %broadcast_in_dim3A_1590, %unpack3A_1600 : vector<16xf32>
        %add3A_1603 = arith.addf %broadcast_in_dim3A_1592, %unpack3A_1601 : vector<16xf32>
        %get3A_1604 = arith.index_cast %add3A_1588 : i32 to index
        %get3A_1605 = arith.constant 32 : index
        %get3A_1606 = tpu.vector_load %arg8[%get3A_1604, %get3A_1605] {strides = array<i32>} : memref<64x256xbf16, #tpu.memory_space<vmem>>, vector<32xbf16>,
        %get3A_1607 = arith.index_cast %add3A_1588 : i32 to index
        %get3A_1608 = arith.constant 32 : index
        %get3A_1609 = tpu.vector_load %arg10[%get3A_1607, %get3A_1608] {strides = array<i32>} : memref<64x256xbf16, #tpu.memory_space<vmem>>, vector<32xbf16>,
        %mul3A_1610 = arith.mulf %get3A_1606, %get3A_1609 : vector<32xbf16>
        %unpack3A_1611 = tpu.unpack_subelements %mul3A_1610, 0 {pack_format = #tpu.pack_format<interleaved>} : vector<32xbf16> -> vector<16xf32>
        %unpack3A_1612 = tpu.unpack_subelements %mul3A_1610, 1 {pack_format = #tpu.pack_format<interleaved>} : vector<32xbf16> -> vector<16xf32>
        %add3A_1613 = arith.addf %add3A_1602, %unpack3A_1611 : vector<16xf32>
        %add3A_1614 = arith.addf %add3A_1603, %unpack3A_1612 : vector<16xf32>
        %get3A_1615 = arith.index_cast %add3A_1588 : i32 to index
        %get3A_1616 = arith.constant 64 : index
        %get3A_1617 = tpu.vector_load %arg8[%get3A_1615, %get3A_1616] {strides = array<i32>} : memref<64x256xbf16, #tpu.memory_space<vmem>>, vector<32xbf16>,
        %get3A_1618 = arith.index_cast %add3A_1588 : i32 to index
        %get3A_1619 = arith.constant 64 : index
        %get3A_1620 = tpu.vector_load %arg10[%get3A_1618, %get3A_1619] {strides = array<i32>} : memref<64x256xbf16, #tpu.memory_space<vmem>>, vector<32xbf16>,
        %mul3A_1621 = arith.mulf %get3A_1617, %get3A_1620 : vector<32xbf16>
        %unpack3A_1622 = tpu.unpack_subelements %mul3A_1621, 0 {pack_format = #tpu.pack_format<interleaved>} : vector<32xbf16> -> vector<16xf32>
        %unpack3A_1623 = tpu.unpack_subelements %mul3A_1621, 1 {pack_format = #tpu.pack_format<interleaved>} : vector<32xbf16> -> vector<16xf32>
        %add3A_1624 = arith.addf %add3A_1613, %unpack3A_1622 : vector<16xf32>
        %add3A_1625 = arith.addf %add3A_1614, %unpack3A_1623 : vector<16xf32>
        %get3A_1626 = arith.index_cast %add3A_1588 : i32 to index
        %get3A_1627 = arith.constant 96 : index
        %get3A_1628 = tpu.vector_load %arg8[%get3A_1626, %get3A_1627] {strides = array<i32>} : memref<64x256xbf16, #tpu.memory_space<vmem>>, vector<32xbf16>,
        %get3A_1629 = arith.index_cast %add3A_1588 : i32 to index
        %get3A_1630 = arith.constant 96 : index
        %get3A_1631 = tpu.vector_load %arg10[%get3A_1629, %get3A_1630] {strides = array<i32>} : memref<64x256xbf16, #tpu.memory_space<vmem>>, vector<32xbf16>,
        %mul3A_1632 = arith.mulf %get3A_1628, %get3A_1631 : vector<32xbf16>
        %unpack3A_1633 = tpu.unpack_subelements %mul3A_1632, 0 {pack_format = #tpu.pack_format<interleaved>} : vector<32xbf16> -> vector<16xf32>
        %unpack3A_1634 = tpu.unpack_subelements %mul3A_1632, 1 {pack_format = #tpu.pack_format<interleaved>} : vector<32xbf16> -> vector<16xf32>
        %add3A_1635 = arith.addf %add3A_1624, %unpack3A_1633 : vector<16xf32>
        %add3A_1636 = arith.addf %add3A_1625, %unpack3A_1634 : vector<16xf32>
        %get3A_1637 = arith.index_cast %add3A_1588 : i32 to index
        %get3A_1638 = arith.constant 128 : index
        %get3A_1639 = tpu.vector_load %arg8[%get3A_1637, %get3A_1638] {strides = array<i32>} : memref<64x256xbf16, #tpu.memory_space<vmem>>, vector<32xbf16>,
        %get3A_1640 = arith.index_cast %add3A_1588 : i32 to index
        %get3A_1641 = arith.constant 128 : index
        %get3A_1642 = tpu.vector_load %arg10[%get3A_1640, %get3A_1641] {strides = array<i32>} : memref<64x256xbf16, #tpu.memory_space<vmem>>, vector<32xbf16>,
        %mul3A_1643 = arith.mulf %get3A_1639, %get3A_1642 : vector<32xbf16>
        %unpack3A_1644 = tpu.unpack_subelements %mul3A_1643, 0 {pack_format = #tpu.pack_format<interleaved>} : vector<32xbf16> -> vector<16xf32>
        %unpack3A_1645 = tpu.unpack_subelements %mul3A_1643, 1 {pack_format = #tpu.pack_format<interleaved>} : vector<32xbf16> -> vector<16xf32>
        %add3A_1646 = arith.addf %add3A_1635, %unpack3A_1644 : vector<16xf32>
        %add3A_1647 = arith.addf %add3A_1636, %unpack3A_1645 : vector<16xf32>
        %get3A_1648 = arith.index_cast %add3A_1588 : i32 to index
        %get3A_1649 = arith.constant 160 : index
        %get3A_1650 = tpu.vector_load %arg8[%get3A_1648, %get3A_1649] {strides = array<i32>} : memref<64x256xbf16, #tpu.memory_space<vmem>>, vector<32xbf16>,
        %get3A_1651 = arith.index_cast %add3A_1588 : i32 to index
        %get3A_1652 = arith.constant 160 : index
        %get3A_1653 = tpu.vector_load %arg10[%get3A_1651, %get3A_1652] {strides = array<i32>} : memref<64x256xbf16, #tpu.memory_space<vmem>>, vector<32xbf16>,
        %mul3A_1654 = arith.mulf %get3A_1650, %get3A_1653 : vector<32xbf16>
        %unpack3A_1655 = tpu.unpack_subelements %mul3A_1654, 0 {pack_format = #tpu.pack_format<interleaved>} : vector<32xbf16> -> vector<16xf32>
        %unpack3A_1656 = tpu.unpack_subelements %mul3A_1654, 1 {pack_format = #tpu.pack_format<interleaved>} : vector<32xbf16> -> vector<16xf32>
        %add3A_1657 = arith.addf %add3A_1646, %unpack3A_1655 : vector<16xf32>
        %add3A_1658 = arith.addf %add3A_1647, %unpack3A_1656 : vector<16xf32>
        %get3A_1659 = arith.index_cast %add3A_1588 : i32 to index
        %get3A_1660 = arith.constant 192 : index
        %get3A_1661 = tpu.vector_load %arg8[%get3A_1659, %get3A_1660] {strides = array<i32>} : memref<64x256xbf16, #tpu.memory_space<vmem>>, vector<32xbf16>,
        %get3A_1662 = arith.index_cast %add3A_1588 : i32 to index
        %get3A_1663 = arith.constant 192 : index
        %get3A_1664 = tpu.vector_load %arg10[%get3A_1662, %get3A_1663] {strides = array<i32>} : memref<64x256xbf16, #tpu.memory_space<vmem>>, vector<32xbf16>,
        %mul3A_1665 = arith.mulf %get3A_1661, %get3A_1664 : vector<32xbf16>
        %unpack3A_1666 = tpu.unpack_subelements %mul3A_1665, 0 {pack_format = #tpu.pack_format<interleaved>} : vector<32xbf16> -> vector<16xf32>
        %unpack3A_1667 = tpu.unpack_subelements %mul3A_1665, 1 {pack_format = #tpu.pack_format<interleaved>} : vector<32xbf16> -> vector<16xf32>
        %add3A_1668 = arith.addf %add3A_1657, %unpack3A_1666 : vector<16xf32>
        %add3A_1669 = arith.addf %add3A_1658, %unpack3A_1667 : vector<16xf32>
        %get3A_1670 = arith.index_cast %add3A_1588 : i32 to index
        %get3A_1671 = arith.constant 224 : index
        %get3A_1672 = tpu.vector_load %arg8[%get3A_1670, %get3A_1671] {strides = array<i32>} : memref<64x256xbf16, #tpu.memory_space<vmem>>, vector<32xbf16>,
        %get3A_1673 = arith.index_cast %add3A_1588 : i32 to index
        %get3A_1674 = arith.constant 224 : index
        %get3A_1675 = tpu.vector_load %arg10[%get3A_1673, %get3A_1674] {strides = array<i32>} : memref<64x256xbf16, #tpu.memory_space<vmem>>, vector<32xbf16>,
        %mul3A_1676 = arith.mulf %get3A_1672, %get3A_1675 : vector<32xbf16>
        %unpack3A_1677 = tpu.unpack_subelements %mul3A_1676, 0 {pack_format = #tpu.pack_format<interleaved>} : vector<32xbf16> -> vector<16xf32>
        %unpack3A_1678 = tpu.unpack_subelements %mul3A_1676, 1 {pack_format = #tpu.pack_format<interleaved>} : vector<32xbf16> -> vector<16xf32>
        %add3A_1679 = arith.addf %add3A_1668, %unpack3A_1677 : vector<16xf32>
        %add3A_1680 = arith.addf %add3A_1669, %unpack3A_1678 : vector<16xf32>
        %add3A_1681 = arith.addf %add3A_1679, %add3A_1680 : vector<16xf32>
        %swap3A_1682 = arith.index_cast %add3A_1588 : i32 to index
        %swap3A_1683 = arith.constant 0 : index
        %swap3A_1684 = tpu.vector_load %arg13[%swap3A_1682, %swap3A_1683] {strides = array<i32>} : memref<64x17xf32, #tpu.memory_space<vmem>>, vector<16xf32>,
        tpu.vector_store %arg13[%swap3A_1682, %swap3A_1683], %add3A_1681 {strides = array<i32>} : memref<64x17xf32, #tpu.memory_space<vmem>>, vector<16xf32>,
        %mul3A_1685 = arith.constant 16 : i32
        %mul3A_1686 = arith.muli %scan3A_88, %mul3A_1685 : i32
        %add3A_1687 = vector.broadcast %mul3A_1686 : i32 to vector<16xi32>
        %add3A_1688 = arith.addi %add3A_1687, %iota3A : vector<16xi32>
        %broadcast_in_dim3A_1689 = arith.constant 0 : i32
        %broadcast_in_dim3A_1690 = vector.broadcast %broadcast_in_dim3A_1689 : i32 to vector<16xi32>
        %gather3A = tpu.vector_load_idx %arg13[%add3A_1688, %broadcast_in_dim3A_1690] : memref<64x17xf32, #tpu.memory_space<vmem>>[vector<16xi32>, vector<16xi32>], vector<16xf32>,
        %broadcast_in_dim3A_1691 = arith.constant 1 : i32
        %broadcast_in_dim3A_1692 = vector.broadcast %broadcast_in_dim3A_1691 : i32 to vector<16xi32>
        %gather3A_1693 = tpu.vector_load_idx %arg13[%add3A_1688, %broadcast_in_dim3A_1692] : memref<64x17xf32, #tpu.memory_space<vmem>>[vector<16xi32>, vector<16xi32>], vector<16xf32>,
        %broadcast_in_dim3A_1694 = arith.constant 2 : i32
        %broadcast_in_dim3A_1695 = vector.broadcast %broadcast_in_dim3A_1694 : i32 to vector<16xi32>
        %gather3A_1696 = tpu.vector_load_idx %arg13[%add3A_1688, %broadcast_in_dim3A_1695] : memref<64x17xf32, #tpu.memory_space<vmem>>[vector<16xi32>, vector<16xi32>], vector<16xf32>,
        %broadcast_in_dim3A_1697 = arith.constant 3 : i32
        %broadcast_in_dim3A_1698 = vector.broadcast %broadcast_in_dim3A_1697 : i32 to vector<16xi32>
        %gather3A_1699 = tpu.vector_load_idx %arg13[%add3A_1688, %broadcast_in_dim3A_1698] : memref<64x17xf32, #tpu.memory_space<vmem>>[vector<16xi32>, vector<16xi32>], vector<16xf32>,
        %broadcast_in_dim3A_1700 = arith.constant 4 : i32
        %broadcast_in_dim3A_1701 = vector.broadcast %broadcast_in_dim3A_1700 : i32 to vector<16xi32>
        %gather3A_1702 = tpu.vector_load_idx %arg13[%add3A_1688, %broadcast_in_dim3A_1701] : memref<64x17xf32, #tpu.memory_space<vmem>>[vector<16xi32>, vector<16xi32>], vector<16xf32>,
        %broadcast_in_dim3A_1703 = arith.constant 5 : i32
        %broadcast_in_dim3A_1704 = vector.broadcast %broadcast_in_dim3A_1703 : i32 to vector<16xi32>
        %gather3A_1705 = tpu.vector_load_idx %arg13[%add3A_1688, %broadcast_in_dim3A_1704] : memref<64x17xf32, #tpu.memory_space<vmem>>[vector<16xi32>, vector<16xi32>], vector<16xf32>,
        %broadcast_in_dim3A_1706 = arith.constant 6 : i32
        %broadcast_in_dim3A_1707 = vector.broadcast %broadcast_in_dim3A_1706 : i32 to vector<16xi32>
        %gather3A_1708 = tpu.vector_load_idx %arg13[%add3A_1688, %broadcast_in_dim3A_1707] : memref<64x17xf32, #tpu.memory_space<vmem>>[vector<16xi32>, vector<16xi32>], vector<16xf32>,
        %broadcast_in_dim3A_1709 = arith.constant 7 : i32
        %broadcast_in_dim3A_1710 = vector.broadcast %broadcast_in_dim3A_1709 : i32 to vector<16xi32>
        %gather3A_1711 = tpu.vector_load_idx %arg13[%add3A_1688, %broadcast_in_dim3A_1710] : memref<64x17xf32, #tpu.memory_space<vmem>>[vector<16xi32>, vector<16xi32>], vector<16xf32>,
        %broadcast_in_dim3A_1712 = arith.constant 8 : i32
        %broadcast_in_dim3A_1713 = vector.broadcast %broadcast_in_dim3A_1712 : i32 to vector<16xi32>
        %gather3A_1714 = tpu.vector_load_idx %arg13[%add3A_1688, %broadcast_in_dim3A_1713] : memref<64x17xf32, #tpu.memory_space<vmem>>[vector<16xi32>, vector<16xi32>], vector<16xf32>,
        %broadcast_in_dim3A_1715 = arith.constant 9 : i32
        %broadcast_in_dim3A_1716 = vector.broadcast %broadcast_in_dim3A_1715 : i32 to vector<16xi32>
        %gather3A_1717 = tpu.vector_load_idx %arg13[%add3A_1688, %broadcast_in_dim3A_1716] : memref<64x17xf32, #tpu.memory_space<vmem>>[vector<16xi32>, vector<16xi32>], vector<16xf32>,
        %broadcast_in_dim3A_1718 = arith.constant 10 : i32
        %broadcast_in_dim3A_1719 = vector.broadcast %broadcast_in_dim3A_1718 : i32 to vector<16xi32>
        %gather3A_1720 = tpu.vector_load_idx %arg13[%add3A_1688, %broadcast_in_dim3A_1719] : memref<64x17xf32, #tpu.memory_space<vmem>>[vector<16xi32>, vector<16xi32>], vector<16xf32>,
        %broadcast_in_dim3A_1721 = arith.constant 11 : i32
        %broadcast_in_dim3A_1722 = vector.broadcast %broadcast_in_dim3A_1721 : i32 to vector<16xi32>
        %gather3A_1723 = tpu.vector_load_idx %arg13[%add3A_1688, %broadcast_in_dim3A_1722] : memref<64x17xf32, #tpu.memory_space<vmem>>[vector<16xi32>, vector<16xi32>], vector<16xf32>,
        %broadcast_in_dim3A_1724 = arith.constant 12 : i32
        %broadcast_in_dim3A_1725 = vector.broadcast %broadcast_in_dim3A_1724 : i32 to vector<16xi32>
        %gather3A_1726 = tpu.vector_load_idx %arg13[%add3A_1688, %broadcast_in_dim3A_1725] : memref<64x17xf32, #tpu.memory_space<vmem>>[vector<16xi32>, vector<16xi32>], vector<16xf32>,
        %broadcast_in_dim3A_1727 = arith.constant 13 : i32
        %broadcast_in_dim3A_1728 = vector.broadcast %broadcast_in_dim3A_1727 : i32 to vector<16xi32>
        %gather3A_1729 = tpu.vector_load_idx %arg13[%add3A_1688, %broadcast_in_dim3A_1728] : memref<64x17xf32, #tpu.memory_space<vmem>>[vector<16xi32>, vector<16xi32>], vector<16xf32>,
        %broadcast_in_dim3A_1730 = arith.constant 14 : i32
        %broadcast_in_dim3A_1731 = vector.broadcast %broadcast_in_dim3A_1730 : i32 to vector<16xi32>
        %gather3A_1732 = tpu.vector_load_idx %arg13[%add3A_1688, %broadcast_in_dim3A_1731] : memref<64x17xf32, #tpu.memory_space<vmem>>[vector<16xi32>, vector<16xi32>], vector<16xf32>,
        %broadcast_in_dim3A_1733 = arith.constant 15 : i32
        %broadcast_in_dim3A_1734 = vector.broadcast %broadcast_in_dim3A_1733 : i32 to vector<16xi32>
        %gather3A_1735 = tpu.vector_load_idx %arg13[%add3A_1688, %broadcast_in_dim3A_1734] : memref<64x17xf32, #tpu.memory_space<vmem>>[vector<16xi32>, vector<16xi32>], vector<16xf32>,
        %add3A_1736 = arith.addf %gather3A, %gather3A_1693 : vector<16xf32>
        %add3A_1737 = arith.addf %gather3A_1696, %gather3A_1699 : vector<16xf32>
        %add3A_1738 = arith.addf %gather3A_1702, %gather3A_1705 : vector<16xf32>
        %add3A_1739 = arith.addf %gather3A_1708, %gather3A_1711 : vector<16xf32>
        %add3A_1740 = arith.addf %gather3A_1714, %gather3A_1717 : vector<16xf32>
        %add3A_1741 = arith.addf %gather3A_1720, %gather3A_1723 : vector<16xf32>
        %add3A_1742 = arith.addf %gather3A_1726, %gather3A_1729 : vector<16xf32>
        %add3A_1743 = arith.addf %gather3A_1732, %gather3A_1735 : vector<16xf32>
        %add3A_1744 = arith.addf %add3A_1736, %add3A_1737 : vector<16xf32>
        %add3A_1745 = arith.addf %add3A_1738, %add3A_1739 : vector<16xf32>
        %add3A_1746 = arith.addf %add3A_1740, %add3A_1741 : vector<16xf32>
        %add3A_1747 = arith.addf %add3A_1742, %add3A_1743 : vector<16xf32>
        %add3A_1748 = arith.addf %add3A_1744, %add3A_1745 : vector<16xf32>
        %add3A_1749 = arith.addf %add3A_1746, %add3A_1747 : vector<16xf32>
        %add3A_1750 = arith.addf %add3A_1748, %add3A_1749 : vector<16xf32>
        %mul3A_1751 = arith.constant 64 : i32
        %mul3A_1752 = arith.muli %add3A_35, %mul3A_1751 : i32
        %mul3A_1753 = arith.constant 16 : i32
        %mul3A_1754 = arith.muli %scan3A_88, %mul3A_1753 : i32
        %add3A_1755 = arith.addi %mul3A_1752, %mul3A_1754 : i32
        %swap3A_1756 = arith.index_cast %add3A_1755 : i32 to index
        %swap3A_1757 = tpu.vector_load %arg12[%swap3A_1756] {strides = array<i32>} : memref<5120xf32, #tpu.memory_space<vmem>>, vector<16xf32>,
        tpu.vector_store %arg12[%swap3A_1756], %add3A_1750 {strides = array<i32>} : memref<5120xf32, #tpu.memory_space<vmem>>, vector<16xf32>,
      }
      %scan3A_58 = arith.constant 4 : i32
      %add3A_59 = arith.constant 1 : i32
      %add3A_60 = arith.addi %mul3A_33, %add3A_59 : i32
      %add3A_61 = arith.constant 1 : i32
      %add3A_62 = arith.addi %add3A_60, %add3A_61 : i32
      %lt3A_63 = arith.constant 80 : i32
      %lt3A_64 = arith.cmpi slt, %add3A_62, %lt3A_63 : i32
      %convert_element_type3A_65 = arith.extui %lt3A_64 : i1 to i32
      %cond3A_66 = arith.constant 0 : i32
      %cond3A_67 = arith.cmpi ne, %convert_element_type3A_65, %cond3A_66 : i32
      scf.if %cond3A_67 {
        %dma_start3A_88 = arith.constant 0 : i32
        %dma_start3A_89 = tpu.memref_slice %arg6[%add3A_62, %dma_start3A_88] : memref<80x64xi32, #tpu.memory_space<vmem>> -> memref<1x64xi32, #tpu.memory_space<vmem>>
        %dma_start3A_90 = tpu.memref_squeeze %dma_start3A_89 : memref<1x64xi32, #tpu.memory_space<vmem>> -> memref<64xi32, #tpu.memory_space<vmem>>
        %dma_start3A_91 = arith.constant 0 : i32
        %dma_start3A_92 = arith.constant 0 : i32
        %dma_start3A_93 = tpu.memref_slice %arg14[%dma_start3A_91, %dma_start3A_92] : memref<10000x256xbf16, #tpu.memory_space<vmem_shared>> -> memref<10000x256xbf16, #tpu.memory_space<vmem_shared>>
        tpu.enqueue_indirect_dma source(%dma_start3A_93 : memref<10000x256xbf16, #tpu.memory_space<vmem_shared>>) target(%arg8 : memref<64x256xbf16, #tpu.memory_space<vmem>>) offsets(%dma_start3A_90 : memref<64xi32, #tpu.memory_space<vmem>>) semaphore(%arg15 : memref<!tpu.dma_semaphore, #tpu.memory_space<semaphore_mem>>)
        %dma_start3A_94 = arith.constant 0 : i32
        %dma_start3A_95 = tpu.memref_slice %arg7[%add3A_62, %dma_start3A_94] : memref<80x64xi32, #tpu.memory_space<vmem>> -> memref<1x64xi32, #tpu.memory_space<vmem>>
        %dma_start3A_96 = tpu.memref_squeeze %dma_start3A_95 : memref<1x64xi32, #tpu.memory_space<vmem>> -> memref<64xi32, #tpu.memory_space<vmem>>
        %dma_start3A_97 = arith.constant 0 : i32
        %dma_start3A_98 = arith.constant 0 : i32
        %dma_start3A_99 = tpu.memref_slice %arg14[%dma_start3A_97, %dma_start3A_98] : memref<10000x256xbf16, #tpu.memory_space<vmem_shared>> -> memref<10000x256xbf16, #tpu.memory_space<vmem_shared>>
        tpu.enqueue_indirect_dma source(%dma_start3A_99 : memref<10000x256xbf16, #tpu.memory_space<vmem_shared>>) target(%arg10 : memref<64x256xbf16, #tpu.memory_space<vmem>>) offsets(%dma_start3A_96 : memref<64xi32, #tpu.memory_space<vmem>>) semaphore(%arg15 : memref<!tpu.dma_semaphore, #tpu.memory_space<semaphore_mem>>)
      } else {
      }
      %dma_wait3A_68 = arith.constant 0 : i32
      %dma_wait3A_69 = arith.constant 0 : i32
      %dma_wait3A_70 = tpu.memref_slice %arg6[%dma_wait3A_68, %dma_wait3A_69] : memref<80x64xi32, #tpu.memory_space<vmem>> -> memref<1x64xi32, #tpu.memory_space<vmem>>
      %dma_wait3A_71 = tpu.memref_squeeze %dma_wait3A_70 : memref<1x64xi32, #tpu.memory_space<vmem>> -> memref<64xi32, #tpu.memory_space<vmem>>
      %dma_wait3A_72 = arith.constant 0 : i32
      %dma_wait3A_73 = arith.constant 0 : i32
      %dma_wait3A_74 = tpu.memref_slice %arg14[%dma_wait3A_72, %dma_wait3A_73] : memref<10000x256xbf16, #tpu.memory_space<vmem_shared>> -> memref<10000x256xbf16, #tpu.memory_space<vmem_shared>>
      tpu.wait_indirect_dma semaphore(%arg16 : memref<!tpu.dma_semaphore, #tpu.memory_space<semaphore_mem>>) src(%dma_wait3A_74 : memref<10000x256xbf16, #tpu.memory_space<vmem_shared>>) dst(%arg9 : memref<64x256xbf16, #tpu.memory_space<vmem>>)
      %dma_wait3A_75 = arith.constant 0 : i32
      %dma_wait3A_76 = arith.constant 0 : i32
      %dma_wait3A_77 = tpu.memref_slice %arg7[%dma_wait3A_75, %dma_wait3A_76] : memref<80x64xi32, #tpu.memory_space<vmem>> -> memref<1x64xi32, #tpu.memory_space<vmem>>
      %dma_wait3A_78 = tpu.memref_squeeze %dma_wait3A_77 : memref<1x64xi32, #tpu.memory_space<vmem>> -> memref<64xi32, #tpu.memory_space<vmem>>
      %dma_wait3A_79 = arith.constant 0 : i32
      %dma_wait3A_80 = arith.constant 0 : i32
      %dma_wait3A_81 = tpu.memref_slice %arg14[%dma_wait3A_79, %dma_wait3A_80] : memref<10000x256xbf16, #tpu.memory_space<vmem_shared>> -> memref<10000x256xbf16, #tpu.memory_space<vmem_shared>>
      tpu.wait_indirect_dma semaphore(%arg16 : memref<!tpu.dma_semaphore, #tpu.memory_space<semaphore_mem>>) src(%dma_wait3A_81 : memref<10000x256xbf16, #tpu.memory_space<vmem_shared>>) dst(%arg11 : memref<64x256xbf16, #tpu.memory_space<vmem>>)
      %scan3A_82 = arith.constant 0 : i32
      %scan3A_83 = arith.constant 0 : i32
      %scan3A_84 = arith.constant 4 : i32
      %scan3A_85 = arith.addi %scan3A_83, %scan3A_84 : i32
      %scan3A_86 = arith.constant 1 : i32
      scf.for %scan3A_88 = %scan3A_83 to %scan3A_85 step %scan3A_86  : i32 {
        %mul3A_89 = arith.constant 16 : i32
        %mul3A_90 = arith.muli %scan3A_88, %mul3A_89 : i32
        %add3A_91 = arith.constant 0 : i32
        %add3A_92 = arith.addi %mul3A_90, %add3A_91 : i32
        %broadcast_in_dim3A = arith.constant 0.000000e+00 : f32
        %broadcast_in_dim3A_93 = vector.broadcast %broadcast_in_dim3A : f32 to vector<16xf32>
        %broadcast_in_dim3A_94 = arith.constant 0.000000e+00 : f32
        %broadcast_in_dim3A_95 = vector.broadcast %broadcast_in_dim3A_94 : f32 to vector<16xf32>
        %get3A = arith.index_cast %add3A_92 : i32 to index
        %get3A_96 = arith.constant 0 : index
        %get3A_97 = tpu.vector_load %arg9[%get3A, %get3A_96] {strides = array<i32>} : memref<64x256xbf16, #tpu.memory_space<vmem>>, vector<32xbf16>,
        %get3A_98 = arith.index_cast %add3A_92 : i32 to index
        %get3A_99 = arith.constant 0 : index
        %get3A_100 = tpu.vector_load %arg11[%get3A_98, %get3A_99] {strides = array<i32>} : memref<64x256xbf16, #tpu.memory_space<vmem>>, vector<32xbf16>,
        %mul3A_101 = arith.mulf %get3A_97, %get3A_100 : vector<32xbf16>
        %unpack3A = tpu.unpack_subelements %mul3A_101, 0 {pack_format = #tpu.pack_format<interleaved>} : vector<32xbf16> -> vector<16xf32>
        %unpack3A_102 = tpu.unpack_subelements %mul3A_101, 1 {pack_format = #tpu.pack_format<interleaved>} : vector<32xbf16> -> vector<16xf32>
        %add3A_103 = arith.addf %broadcast_in_dim3A_93, %unpack3A : vector<16xf32>
        %add3A_104 = arith.addf %broadcast_in_dim3A_95, %unpack3A_102 : vector<16xf32>
        %get3A_105 = arith.index_cast %add3A_92 : i32 to index
        %get3A_106 = arith.constant 32 : index
        %get3A_107 = tpu.vector_load %arg9[%get3A_105, %get3A_106] {strides = array<i32>} : memref<64x256xbf16, #tpu.memory_space<vmem>>, vector<32xbf16>,
        %get3A_108 = arith.index_cast %add3A_92 : i32 to index
        %get3A_109 = arith.constant 32 : index
        %get3A_110 = tpu.vector_load %arg11[%get3A_108, %get3A_109] {strides = array<i32>} : memref<64x256xbf16, #tpu.memory_space<vmem>>, vector<32xbf16>,
        %mul3A_111 = arith.mulf %get3A_107, %get3A_110 : vector<32xbf16>
        %unpack3A_112 = tpu.unpack_subelements %mul3A_111, 0 {pack_format = #tpu.pack_format<interleaved>} : vector<32xbf16> -> vector<16xf32>
        %unpack3A_113 = tpu.unpack_subelements %mul3A_111, 1 {pack_format = #tpu.pack_format<interleaved>} : vector<32xbf16> -> vector<16xf32>
        %add3A_114 = arith.addf %add3A_103, %unpack3A_112 : vector<16xf32>
        %add3A_115 = arith.addf %add3A_104, %unpack3A_113 : vector<16xf32>
        %get3A_116 = arith.index_cast %add3A_92 : i32 to index
        %get3A_117 = arith.constant 64 : index
        %get3A_118 = tpu.vector_load %arg9[%get3A_116, %get3A_117] {strides = array<i32>} : memref<64x256xbf16, #tpu.memory_space<vmem>>, vector<32xbf16>,
        %get3A_119 = arith.index_cast %add3A_92 : i32 to index
        %get3A_120 = arith.constant 64 : index
        %get3A_121 = tpu.vector_load %arg11[%get3A_119, %get3A_120] {strides = array<i32>} : memref<64x256xbf16, #tpu.memory_space<vmem>>, vector<32xbf16>,
        %mul3A_122 = arith.mulf %get3A_118, %get3A_121 : vector<32xbf16>
        %unpack3A_123 = tpu.unpack_subelements %mul3A_122, 0 {pack_format = #tpu.pack_format<interleaved>} : vector<32xbf16> -> vector<16xf32>
        %unpack3A_124 = tpu.unpack_subelements %mul3A_122, 1 {pack_format = #tpu.pack_format<interleaved>} : vector<32xbf16> -> vector<16xf32>
        %add3A_125 = arith.addf %add3A_114, %unpack3A_123 : vector<16xf32>
        %add3A_126 = arith.addf %add3A_115, %unpack3A_124 : vector<16xf32>
        %get3A_127 = arith.index_cast %add3A_92 : i32 to index
        %get3A_128 = arith.constant 96 : index
        %get3A_129 = tpu.vector_load %arg9[%get3A_127, %get3A_128] {strides = array<i32>} : memref<64x256xbf16, #tpu.memory_space<vmem>>, vector<32xbf16>,
        %get3A_130 = arith.index_cast %add3A_92 : i32 to index
        %get3A_131 = arith.constant 96 : index
        %get3A_132 = tpu.vector_load %arg11[%get3A_130, %get3A_131] {strides = array<i32>} : memref<64x256xbf16, #tpu.memory_space<vmem>>, vector<32xbf16>,
        %mul3A_133 = arith.mulf %get3A_129, %get3A_132 : vector<32xbf16>
        %unpack3A_134 = tpu.unpack_subelements %mul3A_133, 0 {pack_format = #tpu.pack_format<interleaved>} : vector<32xbf16> -> vector<16xf32>
        %unpack3A_135 = tpu.unpack_subelements %mul3A_133, 1 {pack_format = #tpu.pack_format<interleaved>} : vector<32xbf16> -> vector<16xf32>
        %add3A_136 = arith.addf %add3A_125, %unpack3A_134 : vector<16xf32>
        %add3A_137 = arith.addf %add3A_126, %unpack3A_135 : vector<16xf32>
        %get3A_138 = arith.index_cast %add3A_92 : i32 to index
        %get3A_139 = arith.constant 128 : index
        %get3A_140 = tpu.vector_load %arg9[%get3A_138, %get3A_139] {strides = array<i32>} : memref<64x256xbf16, #tpu.memory_space<vmem>>, vector<32xbf16>,
        %get3A_141 = arith.index_cast %add3A_92 : i32 to index
        %get3A_142 = arith.constant 128 : index
        %get3A_143 = tpu.vector_load %arg11[%get3A_141, %get3A_142] {strides = array<i32>} : memref<64x256xbf16, #tpu.memory_space<vmem>>, vector<32xbf16>,
        %mul3A_144 = arith.mulf %get3A_140, %get3A_143 : vector<32xbf16>
        %unpack3A_145 = tpu.unpack_subelements %mul3A_144, 0 {pack_format = #tpu.pack_format<interleaved>} : vector<32xbf16> -> vector<16xf32>
        %unpack3A_146 = tpu.unpack_subelements %mul3A_144, 1 {pack_format = #tpu.pack_format<interleaved>} : vector<32xbf16> -> vector<16xf32>
        %add3A_147 = arith.addf %add3A_136, %unpack3A_145 : vector<16xf32>
        %add3A_148 = arith.addf %add3A_137, %unpack3A_146 : vector<16xf32>
        %get3A_149 = arith.index_cast %add3A_92 : i32 to index
        %get3A_150 = arith.constant 160 : index
        %get3A_151 = tpu.vector_load %arg9[%get3A_149, %get3A_150] {strides = array<i32>} : memref<64x256xbf16, #tpu.memory_space<vmem>>, vector<32xbf16>,
        %get3A_152 = arith.index_cast %add3A_92 : i32 to index
        %get3A_153 = arith.constant 160 : index
        %get3A_154 = tpu.vector_load %arg11[%get3A_152, %get3A_153] {strides = array<i32>} : memref<64x256xbf16, #tpu.memory_space<vmem>>, vector<32xbf16>,
        %mul3A_155 = arith.mulf %get3A_151, %get3A_154 : vector<32xbf16>
        %unpack3A_156 = tpu.unpack_subelements %mul3A_155, 0 {pack_format = #tpu.pack_format<interleaved>} : vector<32xbf16> -> vector<16xf32>
        %unpack3A_157 = tpu.unpack_subelements %mul3A_155, 1 {pack_format = #tpu.pack_format<interleaved>} : vector<32xbf16> -> vector<16xf32>
        %add3A_158 = arith.addf %add3A_147, %unpack3A_156 : vector<16xf32>
        %add3A_159 = arith.addf %add3A_148, %unpack3A_157 : vector<16xf32>
        %get3A_160 = arith.index_cast %add3A_92 : i32 to index
        %get3A_161 = arith.constant 192 : index
        %get3A_162 = tpu.vector_load %arg9[%get3A_160, %get3A_161] {strides = array<i32>} : memref<64x256xbf16, #tpu.memory_space<vmem>>, vector<32xbf16>,
        %get3A_163 = arith.index_cast %add3A_92 : i32 to index
        %get3A_164 = arith.constant 192 : index
        %get3A_165 = tpu.vector_load %arg11[%get3A_163, %get3A_164] {strides = array<i32>} : memref<64x256xbf16, #tpu.memory_space<vmem>>, vector<32xbf16>,
        %mul3A_166 = arith.mulf %get3A_162, %get3A_165 : vector<32xbf16>
        %unpack3A_167 = tpu.unpack_subelements %mul3A_166, 0 {pack_format = #tpu.pack_format<interleaved>} : vector<32xbf16> -> vector<16xf32>
        %unpack3A_168 = tpu.unpack_subelements %mul3A_166, 1 {pack_format = #tpu.pack_format<interleaved>} : vector<32xbf16> -> vector<16xf32>
        %add3A_169 = arith.addf %add3A_158, %unpack3A_167 : vector<16xf32>
        %add3A_170 = arith.addf %add3A_159, %unpack3A_168 : vector<16xf32>
        %get3A_171 = arith.index_cast %add3A_92 : i32 to index
        %get3A_172 = arith.constant 224 : index
        %get3A_173 = tpu.vector_load %arg9[%get3A_171, %get3A_172] {strides = array<i32>} : memref<64x256xbf16, #tpu.memory_space<vmem>>, vector<32xbf16>,
        %get3A_174 = arith.index_cast %add3A_92 : i32 to index
        %get3A_175 = arith.constant 224 : index
        %get3A_176 = tpu.vector_load %arg11[%get3A_174, %get3A_175] {strides = array<i32>} : memref<64x256xbf16, #tpu.memory_space<vmem>>, vector<32xbf16>,
        %mul3A_177 = arith.mulf %get3A_173, %get3A_176 : vector<32xbf16>
        %unpack3A_178 = tpu.unpack_subelements %mul3A_177, 0 {pack_format = #tpu.pack_format<interleaved>} : vector<32xbf16> -> vector<16xf32>
        %unpack3A_179 = tpu.unpack_subelements %mul3A_177, 1 {pack_format = #tpu.pack_format<interleaved>} : vector<32xbf16> -> vector<16xf32>
        %add3A_180 = arith.addf %add3A_169, %unpack3A_178 : vector<16xf32>
        %add3A_181 = arith.addf %add3A_170, %unpack3A_179 : vector<16xf32>
        %add3A_182 = arith.addf %add3A_180, %add3A_181 : vector<16xf32>
        %swap3A = arith.index_cast %add3A_92 : i32 to index
        %swap3A_183 = arith.constant 0 : index
        %swap3A_184 = tpu.vector_load %arg13[%swap3A, %swap3A_183] {strides = array<i32>} : memref<64x17xf32, #tpu.memory_space<vmem>>, vector<16xf32>,
        tpu.vector_store %arg13[%swap3A, %swap3A_183], %add3A_182 {strides = array<i32>} : memref<64x17xf32, #tpu.memory_space<vmem>>, vector<16xf32>,
        %mul3A_185 = arith.constant 16 : i32
        %mul3A_186 = arith.muli %scan3A_88, %mul3A_185 : i32
        %add3A_187 = arith.constant 1 : i32
        %add3A_188 = arith.addi %mul3A_186, %add3A_187 : i32
        %broadcast_in_dim3A_189 = arith.constant 0.000000e+00 : f32
        %broadcast_in_dim3A_190 = vector.broadcast %broadcast_in_dim3A_189 : f32 to vector<16xf32>
        %broadcast_in_dim3A_191 = arith.constant 0.000000e+00 : f32
        %broadcast_in_dim3A_192 = vector.broadcast %broadcast_in_dim3A_191 : f32 to vector<16xf32>
        %get3A_193 = arith.index_cast %add3A_188 : i32 to index
        %get3A_194 = arith.constant 0 : index
        %get3A_195 = tpu.vector_load %arg9[%get3A_193, %get3A_194] {strides = array<i32>} : memref<64x256xbf16, #tpu.memory_space<vmem>>, vector<32xbf16>,
        %get3A_196 = arith.index_cast %add3A_188 : i32 to index
        %get3A_197 = arith.constant 0 : index
        %get3A_198 = tpu.vector_load %arg11[%get3A_196, %get3A_197] {strides = array<i32>} : memref<64x256xbf16, #tpu.memory_space<vmem>>, vector<32xbf16>,
        %mul3A_199 = arith.mulf %get3A_195, %get3A_198 : vector<32xbf16>
        %unpack3A_200 = tpu.unpack_subelements %mul3A_199, 0 {pack_format = #tpu.pack_format<interleaved>} : vector<32xbf16> -> vector<16xf32>
        %unpack3A_201 = tpu.unpack_subelements %mul3A_199, 1 {pack_format = #tpu.pack_format<interleaved>} : vector<32xbf16> -> vector<16xf32>
        %add3A_202 = arith.addf %broadcast_in_dim3A_190, %unpack3A_200 : vector<16xf32>
        %add3A_203 = arith.addf %broadcast_in_dim3A_192, %unpack3A_201 : vector<16xf32>
        %get3A_204 = arith.index_cast %add3A_188 : i32 to index
        %get3A_205 = arith.constant 32 : index
        %get3A_206 = tpu.vector_load %arg9[%get3A_204, %get3A_205] {strides = array<i32>} : memref<64x256xbf16, #tpu.memory_space<vmem>>, vector<32xbf16>,
        %get3A_207 = arith.index_cast %add3A_188 : i32 to index
        %get3A_208 = arith.constant 32 : index
        %get3A_209 = tpu.vector_load %arg11[%get3A_207, %get3A_208] {strides = array<i32>} : memref<64x256xbf16, #tpu.memory_space<vmem>>, vector<32xbf16>,
        %mul3A_210 = arith.mulf %get3A_206, %get3A_209 : vector<32xbf16>
        %unpack3A_211 = tpu.unpack_subelements %mul3A_210, 0 {pack_format = #tpu.pack_format<interleaved>} : vector<32xbf16> -> vector<16xf32>
        %unpack3A_212 = tpu.unpack_subelements %mul3A_210, 1 {pack_format = #tpu.pack_format<interleaved>} : vector<32xbf16> -> vector<16xf32>
        %add3A_213 = arith.addf %add3A_202, %unpack3A_211 : vector<16xf32>
        %add3A_214 = arith.addf %add3A_203, %unpack3A_212 : vector<16xf32>
        %get3A_215 = arith.index_cast %add3A_188 : i32 to index
        %get3A_216 = arith.constant 64 : index
        %get3A_217 = tpu.vector_load %arg9[%get3A_215, %get3A_216] {strides = array<i32>} : memref<64x256xbf16, #tpu.memory_space<vmem>>, vector<32xbf16>,
        %get3A_218 = arith.index_cast %add3A_188 : i32 to index
        %get3A_219 = arith.constant 64 : index
        %get3A_220 = tpu.vector_load %arg11[%get3A_218, %get3A_219] {strides = array<i32>} : memref<64x256xbf16, #tpu.memory_space<vmem>>, vector<32xbf16>,
        %mul3A_221 = arith.mulf %get3A_217, %get3A_220 : vector<32xbf16>
        %unpack3A_222 = tpu.unpack_subelements %mul3A_221, 0 {pack_format = #tpu.pack_format<interleaved>} : vector<32xbf16> -> vector<16xf32>
        %unpack3A_223 = tpu.unpack_subelements %mul3A_221, 1 {pack_format = #tpu.pack_format<interleaved>} : vector<32xbf16> -> vector<16xf32>
        %add3A_224 = arith.addf %add3A_213, %unpack3A_222 : vector<16xf32>
        %add3A_225 = arith.addf %add3A_214, %unpack3A_223 : vector<16xf32>
        %get3A_226 = arith.index_cast %add3A_188 : i32 to index
        %get3A_227 = arith.constant 96 : index
        %get3A_228 = tpu.vector_load %arg9[%get3A_226, %get3A_227] {strides = array<i32>} : memref<64x256xbf16, #tpu.memory_space<vmem>>, vector<32xbf16>,
        %get3A_229 = arith.index_cast %add3A_188 : i32 to index
        %get3A_230 = arith.constant 96 : index
        %get3A_231 = tpu.vector_load %arg11[%get3A_229, %get3A_230] {strides = array<i32>} : memref<64x256xbf16, #tpu.memory_space<vmem>>, vector<32xbf16>,
        %mul3A_232 = arith.mulf %get3A_228, %get3A_231 : vector<32xbf16>
        %unpack3A_233 = tpu.unpack_subelements %mul3A_232, 0 {pack_format = #tpu.pack_format<interleaved>} : vector<32xbf16> -> vector<16xf32>
        %unpack3A_234 = tpu.unpack_subelements %mul3A_232, 1 {pack_format = #tpu.pack_format<interleaved>} : vector<32xbf16> -> vector<16xf32>
        %add3A_235 = arith.addf %add3A_224, %unpack3A_233 : vector<16xf32>
        %add3A_236 = arith.addf %add3A_225, %unpack3A_234 : vector<16xf32>
        %get3A_237 = arith.index_cast %add3A_188 : i32 to index
        %get3A_238 = arith.constant 128 : index
        %get3A_239 = tpu.vector_load %arg9[%get3A_237, %get3A_238] {strides = array<i32>} : memref<64x256xbf16, #tpu.memory_space<vmem>>, vector<32xbf16>,
        %get3A_240 = arith.index_cast %add3A_188 : i32 to index
        %get3A_241 = arith.constant 128 : index
        %get3A_242 = tpu.vector_load %arg11[%get3A_240, %get3A_241] {strides = array<i32>} : memref<64x256xbf16, #tpu.memory_space<vmem>>, vector<32xbf16>,
        %mul3A_243 = arith.mulf %get3A_239, %get3A_242 : vector<32xbf16>
        %unpack3A_244 = tpu.unpack_subelements %mul3A_243, 0 {pack_format = #tpu.pack_format<interleaved>} : vector<32xbf16> -> vector<16xf32>
        %unpack3A_245 = tpu.unpack_subelements %mul3A_243, 1 {pack_format = #tpu.pack_format<interleaved>} : vector<32xbf16> -> vector<16xf32>
        %add3A_246 = arith.addf %add3A_235, %unpack3A_244 : vector<16xf32>
        %add3A_247 = arith.addf %add3A_236, %unpack3A_245 : vector<16xf32>
        %get3A_248 = arith.index_cast %add3A_188 : i32 to index
        %get3A_249 = arith.constant 160 : index
        %get3A_250 = tpu.vector_load %arg9[%get3A_248, %get3A_249] {strides = array<i32>} : memref<64x256xbf16, #tpu.memory_space<vmem>>, vector<32xbf16>,
        %get3A_251 = arith.index_cast %add3A_188 : i32 to index
        %get3A_252 = arith.constant 160 : index
        %get3A_253 = tpu.vector_load %arg11[%get3A_251, %get3A_252] {strides = array<i32>} : memref<64x256xbf16, #tpu.memory_space<vmem>>, vector<32xbf16>,
        %mul3A_254 = arith.mulf %get3A_250, %get3A_253 : vector<32xbf16>
        %unpack3A_255 = tpu.unpack_subelements %mul3A_254, 0 {pack_format = #tpu.pack_format<interleaved>} : vector<32xbf16> -> vector<16xf32>
        %unpack3A_256 = tpu.unpack_subelements %mul3A_254, 1 {pack_format = #tpu.pack_format<interleaved>} : vector<32xbf16> -> vector<16xf32>
        %add3A_257 = arith.addf %add3A_246, %unpack3A_255 : vector<16xf32>
        %add3A_258 = arith.addf %add3A_247, %unpack3A_256 : vector<16xf32>
        %get3A_259 = arith.index_cast %add3A_188 : i32 to index
        %get3A_260 = arith.constant 192 : index
        %get3A_261 = tpu.vector_load %arg9[%get3A_259, %get3A_260] {strides = array<i32>} : memref<64x256xbf16, #tpu.memory_space<vmem>>, vector<32xbf16>,
        %get3A_262 = arith.index_cast %add3A_188 : i32 to index
        %get3A_263 = arith.constant 192 : index
        %get3A_264 = tpu.vector_load %arg11[%get3A_262, %get3A_263] {strides = array<i32>} : memref<64x256xbf16, #tpu.memory_space<vmem>>, vector<32xbf16>,
        %mul3A_265 = arith.mulf %get3A_261, %get3A_264 : vector<32xbf16>
        %unpack3A_266 = tpu.unpack_subelements %mul3A_265, 0 {pack_format = #tpu.pack_format<interleaved>} : vector<32xbf16> -> vector<16xf32>
        %unpack3A_267 = tpu.unpack_subelements %mul3A_265, 1 {pack_format = #tpu.pack_format<interleaved>} : vector<32xbf16> -> vector<16xf32>
        %add3A_268 = arith.addf %add3A_257, %unpack3A_266 : vector<16xf32>
        %add3A_269 = arith.addf %add3A_258, %unpack3A_267 : vector<16xf32>
        %get3A_270 = arith.index_cast %add3A_188 : i32 to index
        %get3A_271 = arith.constant 224 : index
        %get3A_272 = tpu.vector_load %arg9[%get3A_270, %get3A_271] {strides = array<i32>} : memref<64x256xbf16, #tpu.memory_space<vmem>>, vector<32xbf16>,
        %get3A_273 = arith.index_cast %add3A_188 : i32 to index
        %get3A_274 = arith.constant 224 : index
        %get3A_275 = tpu.vector_load %arg11[%get3A_273, %get3A_274] {strides = array<i32>} : memref<64x256xbf16, #tpu.memory_space<vmem>>, vector<32xbf16>,
        %mul3A_276 = arith.mulf %get3A_272, %get3A_275 : vector<32xbf16>
        %unpack3A_277 = tpu.unpack_subelements %mul3A_276, 0 {pack_format = #tpu.pack_format<interleaved>} : vector<32xbf16> -> vector<16xf32>
        %unpack3A_278 = tpu.unpack_subelements %mul3A_276, 1 {pack_format = #tpu.pack_format<interleaved>} : vector<32xbf16> -> vector<16xf32>
        %add3A_279 = arith.addf %add3A_268, %unpack3A_277 : vector<16xf32>
        %add3A_280 = arith.addf %add3A_269, %unpack3A_278 : vector<16xf32>
        %add3A_281 = arith.addf %add3A_279, %add3A_280 : vector<16xf32>
        %swap3A_282 = arith.index_cast %add3A_188 : i32 to index
        %swap3A_283 = arith.constant 0 : index
        %swap3A_284 = tpu.vector_load %arg13[%swap3A_282, %swap3A_283] {strides = array<i32>} : memref<64x17xf32, #tpu.memory_space<vmem>>, vector<16xf32>,
        tpu.vector_store %arg13[%swap3A_282, %swap3A_283], %add3A_281 {strides = array<i32>} : memref<64x17xf32, #tpu.memory_space<vmem>>, vector<16xf32>,
        %mul3A_285 = arith.constant 16 : i32
        %mul3A_286 = arith.muli %scan3A_88, %mul3A_285 : i32
        %add3A_287 = arith.constant 2 : i32
        %add3A_288 = arith.addi %mul3A_286, %add3A_287 : i32
        %broadcast_in_dim3A_289 = arith.constant 0.000000e+00 : f32
        %broadcast_in_dim3A_290 = vector.broadcast %broadcast_in_dim3A_289 : f32 to vector<16xf32>
        %broadcast_in_dim3A_291 = arith.constant 0.000000e+00 : f32
        %broadcast_in_dim3A_292 = vector.broadcast %broadcast_in_dim3A_291 : f32 to vector<16xf32>
        %get3A_293 = arith.index_cast %add3A_288 : i32 to index
        %get3A_294 = arith.constant 0 : index
        %get3A_295 = tpu.vector_load %arg9[%get3A_293, %get3A_294] {strides = array<i32>} : memref<64x256xbf16, #tpu.memory_space<vmem>>, vector<32xbf16>,
        %get3A_296 = arith.index_cast %add3A_288 : i32 to index
        %get3A_297 = arith.constant 0 : index
        %get3A_298 = tpu.vector_load %arg11[%get3A_296, %get3A_297] {strides = array<i32>} : memref<64x256xbf16, #tpu.memory_space<vmem>>, vector<32xbf16>,
        %mul3A_299 = arith.mulf %get3A_295, %get3A_298 : vector<32xbf16>
        %unpack3A_300 = tpu.unpack_subelements %mul3A_299, 0 {pack_format = #tpu.pack_format<interleaved>} : vector<32xbf16> -> vector<16xf32>
        %unpack3A_301 = tpu.unpack_subelements %mul3A_299, 1 {pack_format = #tpu.pack_format<interleaved>} : vector<32xbf16> -> vector<16xf32>
        %add3A_302 = arith.addf %broadcast_in_dim3A_290, %unpack3A_300 : vector<16xf32>
        %add3A_303 = arith.addf %broadcast_in_dim3A_292, %unpack3A_301 : vector<16xf32>
        %get3A_304 = arith.index_cast %add3A_288 : i32 to index
        %get3A_305 = arith.constant 32 : index
        %get3A_306 = tpu.vector_load %arg9[%get3A_304, %get3A_305] {strides = array<i32>} : memref<64x256xbf16, #tpu.memory_space<vmem>>, vector<32xbf16>,
        %get3A_307 = arith.index_cast %add3A_288 : i32 to index
        %get3A_308 = arith.constant 32 : index
        %get3A_309 = tpu.vector_load %arg11[%get3A_307, %get3A_308] {strides = array<i32>} : memref<64x256xbf16, #tpu.memory_space<vmem>>, vector<32xbf16>,
        %mul3A_310 = arith.mulf %get3A_306, %get3A_309 : vector<32xbf16>
        %unpack3A_311 = tpu.unpack_subelements %mul3A_310, 0 {pack_format = #tpu.pack_format<interleaved>} : vector<32xbf16> -> vector<16xf32>
        %unpack3A_312 = tpu.unpack_subelements %mul3A_310, 1 {pack_format = #tpu.pack_format<interleaved>} : vector<32xbf16> -> vector<16xf32>
        %add3A_313 = arith.addf %add3A_302, %unpack3A_311 : vector<16xf32>
        %add3A_314 = arith.addf %add3A_303, %unpack3A_312 : vector<16xf32>
        %get3A_315 = arith.index_cast %add3A_288 : i32 to index
        %get3A_316 = arith.constant 64 : index
        %get3A_317 = tpu.vector_load %arg9[%get3A_315, %get3A_316] {strides = array<i32>} : memref<64x256xbf16, #tpu.memory_space<vmem>>, vector<32xbf16>,
        %get3A_318 = arith.index_cast %add3A_288 : i32 to index
        %get3A_319 = arith.constant 64 : index
        %get3A_320 = tpu.vector_load %arg11[%get3A_318, %get3A_319] {strides = array<i32>} : memref<64x256xbf16, #tpu.memory_space<vmem>>, vector<32xbf16>,
        %mul3A_321 = arith.mulf %get3A_317, %get3A_320 : vector<32xbf16>
        %unpack3A_322 = tpu.unpack_subelements %mul3A_321, 0 {pack_format = #tpu.pack_format<interleaved>} : vector<32xbf16> -> vector<16xf32>
        %unpack3A_323 = tpu.unpack_subelements %mul3A_321, 1 {pack_format = #tpu.pack_format<interleaved>} : vector<32xbf16> -> vector<16xf32>
        %add3A_324 = arith.addf %add3A_313, %unpack3A_322 : vector<16xf32>
        %add3A_325 = arith.addf %add3A_314, %unpack3A_323 : vector<16xf32>
        %get3A_326 = arith.index_cast %add3A_288 : i32 to index
        %get3A_327 = arith.constant 96 : index
        %get3A_328 = tpu.vector_load %arg9[%get3A_326, %get3A_327] {strides = array<i32>} : memref<64x256xbf16, #tpu.memory_space<vmem>>, vector<32xbf16>,
        %get3A_329 = arith.index_cast %add3A_288 : i32 to index
        %get3A_330 = arith.constant 96 : index
        %get3A_331 = tpu.vector_load %arg11[%get3A_329, %get3A_330] {strides = array<i32>} : memref<64x256xbf16, #tpu.memory_space<vmem>>, vector<32xbf16>,
        %mul3A_332 = arith.mulf %get3A_328, %get3A_331 : vector<32xbf16>
        %unpack3A_333 = tpu.unpack_subelements %mul3A_332, 0 {pack_format = #tpu.pack_format<interleaved>} : vector<32xbf16> -> vector<16xf32>
        %unpack3A_334 = tpu.unpack_subelements %mul3A_332, 1 {pack_format = #tpu.pack_format<interleaved>} : vector<32xbf16> -> vector<16xf32>
        %add3A_335 = arith.addf %add3A_324, %unpack3A_333 : vector<16xf32>
        %add3A_336 = arith.addf %add3A_325, %unpack3A_334 : vector<16xf32>
        %get3A_337 = arith.index_cast %add3A_288 : i32 to index
        %get3A_338 = arith.constant 128 : index
        %get3A_339 = tpu.vector_load %arg9[%get3A_337, %get3A_338] {strides = array<i32>} : memref<64x256xbf16, #tpu.memory_space<vmem>>, vector<32xbf16>,
        %get3A_340 = arith.index_cast %add3A_288 : i32 to index
        %get3A_341 = arith.constant 128 : index
        %get3A_342 = tpu.vector_load %arg11[%get3A_340, %get3A_341] {strides = array<i32>} : memref<64x256xbf16, #tpu.memory_space<vmem>>, vector<32xbf16>,
        %mul3A_343 = arith.mulf %get3A_339, %get3A_342 : vector<32xbf16>
        %unpack3A_344 = tpu.unpack_subelements %mul3A_343, 0 {pack_format = #tpu.pack_format<interleaved>} : vector<32xbf16> -> vector<16xf32>
        %unpack3A_345 = tpu.unpack_subelements %mul3A_343, 1 {pack_format = #tpu.pack_format<interleaved>} : vector<32xbf16> -> vector<16xf32>
        %add3A_346 = arith.addf %add3A_335, %unpack3A_344 : vector<16xf32>
        %add3A_347 = arith.addf %add3A_336, %unpack3A_345 : vector<16xf32>
        %get3A_348 = arith.index_cast %add3A_288 : i32 to index
        %get3A_349 = arith.constant 160 : index
        %get3A_350 = tpu.vector_load %arg9[%get3A_348, %get3A_349] {strides = array<i32>} : memref<64x256xbf16, #tpu.memory_space<vmem>>, vector<32xbf16>,
        %get3A_351 = arith.index_cast %add3A_288 : i32 to index
        %get3A_352 = arith.constant 160 : index
        %get3A_353 = tpu.vector_load %arg11[%get3A_351, %get3A_352] {strides = array<i32>} : memref<64x256xbf16, #tpu.memory_space<vmem>>, vector<32xbf16>,
        %mul3A_354 = arith.mulf %get3A_350, %get3A_353 : vector<32xbf16>
        %unpack3A_355 = tpu.unpack_subelements %mul3A_354, 0 {pack_format = #tpu.pack_format<interleaved>} : vector<32xbf16> -> vector<16xf32>
        %unpack3A_356 = tpu.unpack_subelements %mul3A_354, 1 {pack_format = #tpu.pack_format<interleaved>} : vector<32xbf16> -> vector<16xf32>
        %add3A_357 = arith.addf %add3A_346, %unpack3A_355 : vector<16xf32>
        %add3A_358 = arith.addf %add3A_347, %unpack3A_356 : vector<16xf32>
        %get3A_359 = arith.index_cast %add3A_288 : i32 to index
        %get3A_360 = arith.constant 192 : index
        %get3A_361 = tpu.vector_load %arg9[%get3A_359, %get3A_360] {strides = array<i32>} : memref<64x256xbf16, #tpu.memory_space<vmem>>, vector<32xbf16>,
        %get3A_362 = arith.index_cast %add3A_288 : i32 to index
        %get3A_363 = arith.constant 192 : index
        %get3A_364 = tpu.vector_load %arg11[%get3A_362, %get3A_363] {strides = array<i32>} : memref<64x256xbf16, #tpu.memory_space<vmem>>, vector<32xbf16>,
        %mul3A_365 = arith.mulf %get3A_361, %get3A_364 : vector<32xbf16>
        %unpack3A_366 = tpu.unpack_subelements %mul3A_365, 0 {pack_format = #tpu.pack_format<interleaved>} : vector<32xbf16> -> vector<16xf32>
        %unpack3A_367 = tpu.unpack_subelements %mul3A_365, 1 {pack_format = #tpu.pack_format<interleaved>} : vector<32xbf16> -> vector<16xf32>
        %add3A_368 = arith.addf %add3A_357, %unpack3A_366 : vector<16xf32>
        %add3A_369 = arith.addf %add3A_358, %unpack3A_367 : vector<16xf32>
        %get3A_370 = arith.index_cast %add3A_288 : i32 to index
        %get3A_371 = arith.constant 224 : index
        %get3A_372 = tpu.vector_load %arg9[%get3A_370, %get3A_371] {strides = array<i32>} : memref<64x256xbf16, #tpu.memory_space<vmem>>, vector<32xbf16>,
        %get3A_373 = arith.index_cast %add3A_288 : i32 to index
        %get3A_374 = arith.constant 224 : index
        %get3A_375 = tpu.vector_load %arg11[%get3A_373, %get3A_374] {strides = array<i32>} : memref<64x256xbf16, #tpu.memory_space<vmem>>, vector<32xbf16>,
        %mul3A_376 = arith.mulf %get3A_372, %get3A_375 : vector<32xbf16>
        %unpack3A_377 = tpu.unpack_subelements %mul3A_376, 0 {pack_format = #tpu.pack_format<interleaved>} : vector<32xbf16> -> vector<16xf32>
        %unpack3A_378 = tpu.unpack_subelements %mul3A_376, 1 {pack_format = #tpu.pack_format<interleaved>} : vector<32xbf16> -> vector<16xf32>
        %add3A_379 = arith.addf %add3A_368, %unpack3A_377 : vector<16xf32>
        %add3A_380 = arith.addf %add3A_369, %unpack3A_378 : vector<16xf32>
        %add3A_381 = arith.addf %add3A_379, %add3A_380 : vector<16xf32>
        %swap3A_382 = arith.index_cast %add3A_288 : i32 to index
        %swap3A_383 = arith.constant 0 : index
        %swap3A_384 = tpu.vector_load %arg13[%swap3A_382, %swap3A_383] {strides = array<i32>} : memref<64x17xf32, #tpu.memory_space<vmem>>, vector<16xf32>,
        tpu.vector_store %arg13[%swap3A_382, %swap3A_383], %add3A_381 {strides = array<i32>} : memref<64x17xf32, #tpu.memory_space<vmem>>, vector<16xf32>,
        %mul3A_385 = arith.constant 16 : i32
        %mul3A_386 = arith.muli %scan3A_88, %mul3A_385 : i32
        %add3A_387 = arith.constant 3 : i32
        %add3A_388 = arith.addi %mul3A_386, %add3A_387 : i32
        %broadcast_in_dim3A_389 = arith.constant 0.000000e+00 : f32
        %broadcast_in_dim3A_390 = vector.broadcast %broadcast_in_dim3A_389 : f32 to vector<16xf32>
        %broadcast_in_dim3A_391 = arith.constant 0.000000e+00 : f32
        %broadcast_in_dim3A_392 = vector.broadcast %broadcast_in_dim3A_391 : f32 to vector<16xf32>
        %get3A_393 = arith.index_cast %add3A_388 : i32 to index
        %get3A_394 = arith.constant 0 : index
        %get3A_395 = tpu.vector_load %arg9[%get3A_393, %get3A_394] {strides = array<i32>} : memref<64x256xbf16, #tpu.memory_space<vmem>>, vector<32xbf16>,
        %get3A_396 = arith.index_cast %add3A_388 : i32 to index
        %get3A_397 = arith.constant 0 : index
        %get3A_398 = tpu.vector_load %arg11[%get3A_396, %get3A_397] {strides = array<i32>} : memref<64x256xbf16, #tpu.memory_space<vmem>>, vector<32xbf16>,
        %mul3A_399 = arith.mulf %get3A_395, %get3A_398 : vector<32xbf16>
        %unpack3A_400 = tpu.unpack_subelements %mul3A_399, 0 {pack_format = #tpu.pack_format<interleaved>} : vector<32xbf16> -> vector<16xf32>
        %unpack3A_401 = tpu.unpack_subelements %mul3A_399, 1 {pack_format = #tpu.pack_format<interleaved>} : vector<32xbf16> -> vector<16xf32>
        %add3A_402 = arith.addf %broadcast_in_dim3A_390, %unpack3A_400 : vector<16xf32>
        %add3A_403 = arith.addf %broadcast_in_dim3A_392, %unpack3A_401 : vector<16xf32>
        %get3A_404 = arith.index_cast %add3A_388 : i32 to index
        %get3A_405 = arith.constant 32 : index
        %get3A_406 = tpu.vector_load %arg9[%get3A_404, %get3A_405] {strides = array<i32>} : memref<64x256xbf16, #tpu.memory_space<vmem>>, vector<32xbf16>,
        %get3A_407 = arith.index_cast %add3A_388 : i32 to index
        %get3A_408 = arith.constant 32 : index
        %get3A_409 = tpu.vector_load %arg11[%get3A_407, %get3A_408] {strides = array<i32>} : memref<64x256xbf16, #tpu.memory_space<vmem>>, vector<32xbf16>,
        %mul3A_410 = arith.mulf %get3A_406, %get3A_409 : vector<32xbf16>
        %unpack3A_411 = tpu.unpack_subelements %mul3A_410, 0 {pack_format = #tpu.pack_format<interleaved>} : vector<32xbf16> -> vector<16xf32>
        %unpack3A_412 = tpu.unpack_subelements %mul3A_410, 1 {pack_format = #tpu.pack_format<interleaved>} : vector<32xbf16> -> vector<16xf32>
        %add3A_413 = arith.addf %add3A_402, %unpack3A_411 : vector<16xf32>
        %add3A_414 = arith.addf %add3A_403, %unpack3A_412 : vector<16xf32>
        %get3A_415 = arith.index_cast %add3A_388 : i32 to index
        %get3A_416 = arith.constant 64 : index
        %get3A_417 = tpu.vector_load %arg9[%get3A_415, %get3A_416] {strides = array<i32>} : memref<64x256xbf16, #tpu.memory_space<vmem>>, vector<32xbf16>,
        %get3A_418 = arith.index_cast %add3A_388 : i32 to index
        %get3A_419 = arith.constant 64 : index
        %get3A_420 = tpu.vector_load %arg11[%get3A_418, %get3A_419] {strides = array<i32>} : memref<64x256xbf16, #tpu.memory_space<vmem>>, vector<32xbf16>,
        %mul3A_421 = arith.mulf %get3A_417, %get3A_420 : vector<32xbf16>
        %unpack3A_422 = tpu.unpack_subelements %mul3A_421, 0 {pack_format = #tpu.pack_format<interleaved>} : vector<32xbf16> -> vector<16xf32>
        %unpack3A_423 = tpu.unpack_subelements %mul3A_421, 1 {pack_format = #tpu.pack_format<interleaved>} : vector<32xbf16> -> vector<16xf32>
        %add3A_424 = arith.addf %add3A_413, %unpack3A_422 : vector<16xf32>
        %add3A_425 = arith.addf %add3A_414, %unpack3A_423 : vector<16xf32>
        %get3A_426 = arith.index_cast %add3A_388 : i32 to index
        %get3A_427 = arith.constant 96 : index
        %get3A_428 = tpu.vector_load %arg9[%get3A_426, %get3A_427] {strides = array<i32>} : memref<64x256xbf16, #tpu.memory_space<vmem>>, vector<32xbf16>,
        %get3A_429 = arith.index_cast %add3A_388 : i32 to index
        %get3A_430 = arith.constant 96 : index
        %get3A_431 = tpu.vector_load %arg11[%get3A_429, %get3A_430] {strides = array<i32>} : memref<64x256xbf16, #tpu.memory_space<vmem>>, vector<32xbf16>,
        %mul3A_432 = arith.mulf %get3A_428, %get3A_431 : vector<32xbf16>
        %unpack3A_433 = tpu.unpack_subelements %mul3A_432, 0 {pack_format = #tpu.pack_format<interleaved>} : vector<32xbf16> -> vector<16xf32>
        %unpack3A_434 = tpu.unpack_subelements %mul3A_432, 1 {pack_format = #tpu.pack_format<interleaved>} : vector<32xbf16> -> vector<16xf32>
        %add3A_435 = arith.addf %add3A_424, %unpack3A_433 : vector<16xf32>
        %add3A_436 = arith.addf %add3A_425, %unpack3A_434 : vector<16xf32>
        %get3A_437 = arith.index_cast %add3A_388 : i32 to index
        %get3A_438 = arith.constant 128 : index
        %get3A_439 = tpu.vector_load %arg9[%get3A_437, %get3A_438] {strides = array<i32>} : memref<64x256xbf16, #tpu.memory_space<vmem>>, vector<32xbf16>,
        %get3A_440 = arith.index_cast %add3A_388 : i32 to index
        %get3A_441 = arith.constant 128 : index
        %get3A_442 = tpu.vector_load %arg11[%get3A_440, %get3A_441] {strides = array<i32>} : memref<64x256xbf16, #tpu.memory_space<vmem>>, vector<32xbf16>,
        %mul3A_443 = arith.mulf %get3A_439, %get3A_442 : vector<32xbf16>
        %unpack3A_444 = tpu.unpack_subelements %mul3A_443, 0 {pack_format = #tpu.pack_format<interleaved>} : vector<32xbf16> -> vector<16xf32>
        %unpack3A_445 = tpu.unpack_subelements %mul3A_443, 1 {pack_format = #tpu.pack_format<interleaved>} : vector<32xbf16> -> vector<16xf32>
        %add3A_446 = arith.addf %add3A_435, %unpack3A_444 : vector<16xf32>
        %add3A_447 = arith.addf %add3A_436, %unpack3A_445 : vector<16xf32>
        %get3A_448 = arith.index_cast %add3A_388 : i32 to index
        %get3A_449 = arith.constant 160 : index
        %get3A_450 = tpu.vector_load %arg9[%get3A_448, %get3A_449] {strides = array<i32>} : memref<64x256xbf16, #tpu.memory_space<vmem>>, vector<32xbf16>,
        %get3A_451 = arith.index_cast %add3A_388 : i32 to index
        %get3A_452 = arith.constant 160 : index
        %get3A_453 = tpu.vector_load %arg11[%get3A_451, %get3A_452] {strides = array<i32>} : memref<64x256xbf16, #tpu.memory_space<vmem>>, vector<32xbf16>,
        %mul3A_454 = arith.mulf %get3A_450, %get3A_453 : vector<32xbf16>
        %unpack3A_455 = tpu.unpack_subelements %mul3A_454, 0 {pack_format = #tpu.pack_format<interleaved>} : vector<32xbf16> -> vector<16xf32>
        %unpack3A_456 = tpu.unpack_subelements %mul3A_454, 1 {pack_format = #tpu.pack_format<interleaved>} : vector<32xbf16> -> vector<16xf32>
        %add3A_457 = arith.addf %add3A_446, %unpack3A_455 : vector<16xf32>
        %add3A_458 = arith.addf %add3A_447, %unpack3A_456 : vector<16xf32>
        %get3A_459 = arith.index_cast %add3A_388 : i32 to index
        %get3A_460 = arith.constant 192 : index
        %get3A_461 = tpu.vector_load %arg9[%get3A_459, %get3A_460] {strides = array<i32>} : memref<64x256xbf16, #tpu.memory_space<vmem>>, vector<32xbf16>,
        %get3A_462 = arith.index_cast %add3A_388 : i32 to index
        %get3A_463 = arith.constant 192 : index
        %get3A_464 = tpu.vector_load %arg11[%get3A_462, %get3A_463] {strides = array<i32>} : memref<64x256xbf16, #tpu.memory_space<vmem>>, vector<32xbf16>,
        %mul3A_465 = arith.mulf %get3A_461, %get3A_464 : vector<32xbf16>
        %unpack3A_466 = tpu.unpack_subelements %mul3A_465, 0 {pack_format = #tpu.pack_format<interleaved>} : vector<32xbf16> -> vector<16xf32>
        %unpack3A_467 = tpu.unpack_subelements %mul3A_465, 1 {pack_format = #tpu.pack_format<interleaved>} : vector<32xbf16> -> vector<16xf32>
        %add3A_468 = arith.addf %add3A_457, %unpack3A_466 : vector<16xf32>
        %add3A_469 = arith.addf %add3A_458, %unpack3A_467 : vector<16xf32>
        %get3A_470 = arith.index_cast %add3A_388 : i32 to index
        %get3A_471 = arith.constant 224 : index
        %get3A_472 = tpu.vector_load %arg9[%get3A_470, %get3A_471] {strides = array<i32>} : memref<64x256xbf16, #tpu.memory_space<vmem>>, vector<32xbf16>,
        %get3A_473 = arith.index_cast %add3A_388 : i32 to index
        %get3A_474 = arith.constant 224 : index
        %get3A_475 = tpu.vector_load %arg11[%get3A_473, %get3A_474] {strides = array<i32>} : memref<64x256xbf16, #tpu.memory_space<vmem>>, vector<32xbf16>,
        %mul3A_476 = arith.mulf %get3A_472, %get3A_475 : vector<32xbf16>
        %unpack3A_477 = tpu.unpack_subelements %mul3A_476, 0 {pack_format = #tpu.pack_format<interleaved>} : vector<32xbf16> -> vector<16xf32>
        %unpack3A_478 = tpu.unpack_subelements %mul3A_476, 1 {pack_format = #tpu.pack_format<interleaved>} : vector<32xbf16> -> vector<16xf32>
        %add3A_479 = arith.addf %add3A_468, %unpack3A_477 : vector<16xf32>
        %add3A_480 = arith.addf %add3A_469, %unpack3A_478 : vector<16xf32>
        %add3A_481 = arith.addf %add3A_479, %add3A_480 : vector<16xf32>
        %swap3A_482 = arith.index_cast %add3A_388 : i32 to index
        %swap3A_483 = arith.constant 0 : index
        %swap3A_484 = tpu.vector_load %arg13[%swap3A_482, %swap3A_483] {strides = array<i32>} : memref<64x17xf32, #tpu.memory_space<vmem>>, vector<16xf32>,
        tpu.vector_store %arg13[%swap3A_482, %swap3A_483], %add3A_481 {strides = array<i32>} : memref<64x17xf32, #tpu.memory_space<vmem>>, vector<16xf32>,
        %mul3A_485 = arith.constant 16 : i32
        %mul3A_486 = arith.muli %scan3A_88, %mul3A_485 : i32
        %add3A_487 = arith.constant 4 : i32
        %add3A_488 = arith.addi %mul3A_486, %add3A_487 : i32
        %broadcast_in_dim3A_489 = arith.constant 0.000000e+00 : f32
        %broadcast_in_dim3A_490 = vector.broadcast %broadcast_in_dim3A_489 : f32 to vector<16xf32>
        %broadcast_in_dim3A_491 = arith.constant 0.000000e+00 : f32
        %broadcast_in_dim3A_492 = vector.broadcast %broadcast_in_dim3A_491 : f32 to vector<16xf32>
        %get3A_493 = arith.index_cast %add3A_488 : i32 to index
        %get3A_494 = arith.constant 0 : index
        %get3A_495 = tpu.vector_load %arg9[%get3A_493, %get3A_494] {strides = array<i32>} : memref<64x256xbf16, #tpu.memory_space<vmem>>, vector<32xbf16>,
        %get3A_496 = arith.index_cast %add3A_488 : i32 to index
        %get3A_497 = arith.constant 0 : index
        %get3A_498 = tpu.vector_load %arg11[%get3A_496, %get3A_497] {strides = array<i32>} : memref<64x256xbf16, #tpu.memory_space<vmem>>, vector<32xbf16>,
        %mul3A_499 = arith.mulf %get3A_495, %get3A_498 : vector<32xbf16>
        %unpack3A_500 = tpu.unpack_subelements %mul3A_499, 0 {pack_format = #tpu.pack_format<interleaved>} : vector<32xbf16> -> vector<16xf32>
        %unpack3A_501 = tpu.unpack_subelements %mul3A_499, 1 {pack_format = #tpu.pack_format<interleaved>} : vector<32xbf16> -> vector<16xf32>
        %add3A_502 = arith.addf %broadcast_in_dim3A_490, %unpack3A_500 : vector<16xf32>
        %add3A_503 = arith.addf %broadcast_in_dim3A_492, %unpack3A_501 : vector<16xf32>
        %get3A_504 = arith.index_cast %add3A_488 : i32 to index
        %get3A_505 = arith.constant 32 : index
        %get3A_506 = tpu.vector_load %arg9[%get3A_504, %get3A_505] {strides = array<i32>} : memref<64x256xbf16, #tpu.memory_space<vmem>>, vector<32xbf16>,
        %get3A_507 = arith.index_cast %add3A_488 : i32 to index
        %get3A_508 = arith.constant 32 : index
        %get3A_509 = tpu.vector_load %arg11[%get3A_507, %get3A_508] {strides = array<i32>} : memref<64x256xbf16, #tpu.memory_space<vmem>>, vector<32xbf16>,
        %mul3A_510 = arith.mulf %get3A_506, %get3A_509 : vector<32xbf16>
        %unpack3A_511 = tpu.unpack_subelements %mul3A_510, 0 {pack_format = #tpu.pack_format<interleaved>} : vector<32xbf16> -> vector<16xf32>
        %unpack3A_512 = tpu.unpack_subelements %mul3A_510, 1 {pack_format = #tpu.pack_format<interleaved>} : vector<32xbf16> -> vector<16xf32>
        %add3A_513 = arith.addf %add3A_502, %unpack3A_511 : vector<16xf32>
        %add3A_514 = arith.addf %add3A_503, %unpack3A_512 : vector<16xf32>
        %get3A_515 = arith.index_cast %add3A_488 : i32 to index
        %get3A_516 = arith.constant 64 : index
        %get3A_517 = tpu.vector_load %arg9[%get3A_515, %get3A_516] {strides = array<i32>} : memref<64x256xbf16, #tpu.memory_space<vmem>>, vector<32xbf16>,
        %get3A_518 = arith.index_cast %add3A_488 : i32 to index
        %get3A_519 = arith.constant 64 : index
        %get3A_520 = tpu.vector_load %arg11[%get3A_518, %get3A_519] {strides = array<i32>} : memref<64x256xbf16, #tpu.memory_space<vmem>>, vector<32xbf16>,
        %mul3A_521 = arith.mulf %get3A_517, %get3A_520 : vector<32xbf16>
        %unpack3A_522 = tpu.unpack_subelements %mul3A_521, 0 {pack_format = #tpu.pack_format<interleaved>} : vector<32xbf16> -> vector<16xf32>
        %unpack3A_523 = tpu.unpack_subelements %mul3A_521, 1 {pack_format = #tpu.pack_format<interleaved>} : vector<32xbf16> -> vector<16xf32>
        %add3A_524 = arith.addf %add3A_513, %unpack3A_522 : vector<16xf32>
        %add3A_525 = arith.addf %add3A_514, %unpack3A_523 : vector<16xf32>
        %get3A_526 = arith.index_cast %add3A_488 : i32 to index
        %get3A_527 = arith.constant 96 : index
        %get3A_528 = tpu.vector_load %arg9[%get3A_526, %get3A_527] {strides = array<i32>} : memref<64x256xbf16, #tpu.memory_space<vmem>>, vector<32xbf16>,
        %get3A_529 = arith.index_cast %add3A_488 : i32 to index
        %get3A_530 = arith.constant 96 : index
        %get3A_531 = tpu.vector_load %arg11[%get3A_529, %get3A_530] {strides = array<i32>} : memref<64x256xbf16, #tpu.memory_space<vmem>>, vector<32xbf16>,
        %mul3A_532 = arith.mulf %get3A_528, %get3A_531 : vector<32xbf16>
        %unpack3A_533 = tpu.unpack_subelements %mul3A_532, 0 {pack_format = #tpu.pack_format<interleaved>} : vector<32xbf16> -> vector<16xf32>
        %unpack3A_534 = tpu.unpack_subelements %mul3A_532, 1 {pack_format = #tpu.pack_format<interleaved>} : vector<32xbf16> -> vector<16xf32>
        %add3A_535 = arith.addf %add3A_524, %unpack3A_533 : vector<16xf32>
        %add3A_536 = arith.addf %add3A_525, %unpack3A_534 : vector<16xf32>
        %get3A_537 = arith.index_cast %add3A_488 : i32 to index
        %get3A_538 = arith.constant 128 : index
        %get3A_539 = tpu.vector_load %arg9[%get3A_537, %get3A_538] {strides = array<i32>} : memref<64x256xbf16, #tpu.memory_space<vmem>>, vector<32xbf16>,
        %get3A_540 = arith.index_cast %add3A_488 : i32 to index
        %get3A_541 = arith.constant 128 : index
        %get3A_542 = tpu.vector_load %arg11[%get3A_540, %get3A_541] {strides = array<i32>} : memref<64x256xbf16, #tpu.memory_space<vmem>>, vector<32xbf16>,
        %mul3A_543 = arith.mulf %get3A_539, %get3A_542 : vector<32xbf16>
        %unpack3A_544 = tpu.unpack_subelements %mul3A_543, 0 {pack_format = #tpu.pack_format<interleaved>} : vector<32xbf16> -> vector<16xf32>
        %unpack3A_545 = tpu.unpack_subelements %mul3A_543, 1 {pack_format = #tpu.pack_format<interleaved>} : vector<32xbf16> -> vector<16xf32>
        %add3A_546 = arith.addf %add3A_535, %unpack3A_544 : vector<16xf32>
        %add3A_547 = arith.addf %add3A_536, %unpack3A_545 : vector<16xf32>
        %get3A_548 = arith.index_cast %add3A_488 : i32 to index
        %get3A_549 = arith.constant 160 : index
        %get3A_550 = tpu.vector_load %arg9[%get3A_548, %get3A_549] {strides = array<i32>} : memref<64x256xbf16, #tpu.memory_space<vmem>>, vector<32xbf16>,
        %get3A_551 = arith.index_cast %add3A_488 : i32 to index
        %get3A_552 = arith.constant 160 : index
        %get3A_553 = tpu.vector_load %arg11[%get3A_551, %get3A_552] {strides = array<i32>} : memref<64x256xbf16, #tpu.memory_space<vmem>>, vector<32xbf16>,
        %mul3A_554 = arith.mulf %get3A_550, %get3A_553 : vector<32xbf16>
        %unpack3A_555 = tpu.unpack_subelements %mul3A_554, 0 {pack_format = #tpu.pack_format<interleaved>} : vector<32xbf16> -> vector<16xf32>
        %unpack3A_556 = tpu.unpack_subelements %mul3A_554, 1 {pack_format = #tpu.pack_format<interleaved>} : vector<32xbf16> -> vector<16xf32>
        %add3A_557 = arith.addf %add3A_546, %unpack3A_555 : vector<16xf32>
        %add3A_558 = arith.addf %add3A_547, %unpack3A_556 : vector<16xf32>
        %get3A_559 = arith.index_cast %add3A_488 : i32 to index
        %get3A_560 = arith.constant 192 : index
        %get3A_561 = tpu.vector_load %arg9[%get3A_559, %get3A_560] {strides = array<i32>} : memref<64x256xbf16, #tpu.memory_space<vmem>>, vector<32xbf16>,
        %get3A_562 = arith.index_cast %add3A_488 : i32 to index
        %get3A_563 = arith.constant 192 : index
        %get3A_564 = tpu.vector_load %arg11[%get3A_562, %get3A_563] {strides = array<i32>} : memref<64x256xbf16, #tpu.memory_space<vmem>>, vector<32xbf16>,
        %mul3A_565 = arith.mulf %get3A_561, %get3A_564 : vector<32xbf16>
        %unpack3A_566 = tpu.unpack_subelements %mul3A_565, 0 {pack_format = #tpu.pack_format<interleaved>} : vector<32xbf16> -> vector<16xf32>
        %unpack3A_567 = tpu.unpack_subelements %mul3A_565, 1 {pack_format = #tpu.pack_format<interleaved>} : vector<32xbf16> -> vector<16xf32>
        %add3A_568 = arith.addf %add3A_557, %unpack3A_566 : vector<16xf32>
        %add3A_569 = arith.addf %add3A_558, %unpack3A_567 : vector<16xf32>
        %get3A_570 = arith.index_cast %add3A_488 : i32 to index
        %get3A_571 = arith.constant 224 : index
        %get3A_572 = tpu.vector_load %arg9[%get3A_570, %get3A_571] {strides = array<i32>} : memref<64x256xbf16, #tpu.memory_space<vmem>>, vector<32xbf16>,
        %get3A_573 = arith.index_cast %add3A_488 : i32 to index
        %get3A_574 = arith.constant 224 : index
        %get3A_575 = tpu.vector_load %arg11[%get3A_573, %get3A_574] {strides = array<i32>} : memref<64x256xbf16, #tpu.memory_space<vmem>>, vector<32xbf16>,
        %mul3A_576 = arith.mulf %get3A_572, %get3A_575 : vector<32xbf16>
        %unpack3A_577 = tpu.unpack_subelements %mul3A_576, 0 {pack_format = #tpu.pack_format<interleaved>} : vector<32xbf16> -> vector<16xf32>
        %unpack3A_578 = tpu.unpack_subelements %mul3A_576, 1 {pack_format = #tpu.pack_format<interleaved>} : vector<32xbf16> -> vector<16xf32>
        %add3A_579 = arith.addf %add3A_568, %unpack3A_577 : vector<16xf32>
        %add3A_580 = arith.addf %add3A_569, %unpack3A_578 : vector<16xf32>
        %add3A_581 = arith.addf %add3A_579, %add3A_580 : vector<16xf32>
        %swap3A_582 = arith.index_cast %add3A_488 : i32 to index
        %swap3A_583 = arith.constant 0 : index
        %swap3A_584 = tpu.vector_load %arg13[%swap3A_582, %swap3A_583] {strides = array<i32>} : memref<64x17xf32, #tpu.memory_space<vmem>>, vector<16xf32>,
        tpu.vector_store %arg13[%swap3A_582, %swap3A_583], %add3A_581 {strides = array<i32>} : memref<64x17xf32, #tpu.memory_space<vmem>>, vector<16xf32>,
        %mul3A_585 = arith.constant 16 : i32
        %mul3A_586 = arith.muli %scan3A_88, %mul3A_585 : i32
        %add3A_587 = arith.constant 5 : i32
        %add3A_588 = arith.addi %mul3A_586, %add3A_587 : i32
        %broadcast_in_dim3A_589 = arith.constant 0.000000e+00 : f32
        %broadcast_in_dim3A_590 = vector.broadcast %broadcast_in_dim3A_589 : f32 to vector<16xf32>
        %broadcast_in_dim3A_591 = arith.constant 0.000000e+00 : f32
        %broadcast_in_dim3A_592 = vector.broadcast %broadcast_in_dim3A_591 : f32 to vector<16xf32>
        %get3A_593 = arith.index_cast %add3A_588 : i32 to index
        %get3A_594 = arith.constant 0 : index
        %get3A_595 = tpu.vector_load %arg9[%get3A_593, %get3A_594] {strides = array<i32>} : memref<64x256xbf16, #tpu.memory_space<vmem>>, vector<32xbf16>,
        %get3A_596 = arith.index_cast %add3A_588 : i32 to index
        %get3A_597 = arith.constant 0 : index
        %get3A_598 = tpu.vector_load %arg11[%get3A_596, %get3A_597] {strides = array<i32>} : memref<64x256xbf16, #tpu.memory_space<vmem>>, vector<32xbf16>,
        %mul3A_599 = arith.mulf %get3A_595, %get3A_598 : vector<32xbf16>
        %unpack3A_600 = tpu.unpack_subelements %mul3A_599, 0 {pack_format = #tpu.pack_format<interleaved>} : vector<32xbf16> -> vector<16xf32>
        %unpack3A_601 = tpu.unpack_subelements %mul3A_599, 1 {pack_format = #tpu.pack_format<interleaved>} : vector<32xbf16> -> vector<16xf32>
        %add3A_602 = arith.addf %broadcast_in_dim3A_590, %unpack3A_600 : vector<16xf32>
        %add3A_603 = arith.addf %broadcast_in_dim3A_592, %unpack3A_601 : vector<16xf32>
        %get3A_604 = arith.index_cast %add3A_588 : i32 to index
        %get3A_605 = arith.constant 32 : index
        %get3A_606 = tpu.vector_load %arg9[%get3A_604, %get3A_605] {strides = array<i32>} : memref<64x256xbf16, #tpu.memory_space<vmem>>, vector<32xbf16>,
        %get3A_607 = arith.index_cast %add3A_588 : i32 to index
        %get3A_608 = arith.constant 32 : index
        %get3A_609 = tpu.vector_load %arg11[%get3A_607, %get3A_608] {strides = array<i32>} : memref<64x256xbf16, #tpu.memory_space<vmem>>, vector<32xbf16>,
        %mul3A_610 = arith.mulf %get3A_606, %get3A_609 : vector<32xbf16>
        %unpack3A_611 = tpu.unpack_subelements %mul3A_610, 0 {pack_format = #tpu.pack_format<interleaved>} : vector<32xbf16> -> vector<16xf32>
        %unpack3A_612 = tpu.unpack_subelements %mul3A_610, 1 {pack_format = #tpu.pack_format<interleaved>} : vector<32xbf16> -> vector<16xf32>
        %add3A_613 = arith.addf %add3A_602, %unpack3A_611 : vector<16xf32>
        %add3A_614 = arith.addf %add3A_603, %unpack3A_612 : vector<16xf32>
        %get3A_615 = arith.index_cast %add3A_588 : i32 to index
        %get3A_616 = arith.constant 64 : index
        %get3A_617 = tpu.vector_load %arg9[%get3A_615, %get3A_616] {strides = array<i32>} : memref<64x256xbf16, #tpu.memory_space<vmem>>, vector<32xbf16>,
        %get3A_618 = arith.index_cast %add3A_588 : i32 to index
        %get3A_619 = arith.constant 64 : index
        %get3A_620 = tpu.vector_load %arg11[%get3A_618, %get3A_619] {strides = array<i32>} : memref<64x256xbf16, #tpu.memory_space<vmem>>, vector<32xbf16>,
        %mul3A_621 = arith.mulf %get3A_617, %get3A_620 : vector<32xbf16>
        %unpack3A_622 = tpu.unpack_subelements %mul3A_621, 0 {pack_format = #tpu.pack_format<interleaved>} : vector<32xbf16> -> vector<16xf32>
        %unpack3A_623 = tpu.unpack_subelements %mul3A_621, 1 {pack_format = #tpu.pack_format<interleaved>} : vector<32xbf16> -> vector<16xf32>
        %add3A_624 = arith.addf %add3A_613, %unpack3A_622 : vector<16xf32>
        %add3A_625 = arith.addf %add3A_614, %unpack3A_623 : vector<16xf32>
        %get3A_626 = arith.index_cast %add3A_588 : i32 to index
        %get3A_627 = arith.constant 96 : index
        %get3A_628 = tpu.vector_load %arg9[%get3A_626, %get3A_627] {strides = array<i32>} : memref<64x256xbf16, #tpu.memory_space<vmem>>, vector<32xbf16>,
        %get3A_629 = arith.index_cast %add3A_588 : i32 to index
        %get3A_630 = arith.constant 96 : index
        %get3A_631 = tpu.vector_load %arg11[%get3A_629, %get3A_630] {strides = array<i32>} : memref<64x256xbf16, #tpu.memory_space<vmem>>, vector<32xbf16>,
        %mul3A_632 = arith.mulf %get3A_628, %get3A_631 : vector<32xbf16>
        %unpack3A_633 = tpu.unpack_subelements %mul3A_632, 0 {pack_format = #tpu.pack_format<interleaved>} : vector<32xbf16> -> vector<16xf32>
        %unpack3A_634 = tpu.unpack_subelements %mul3A_632, 1 {pack_format = #tpu.pack_format<interleaved>} : vector<32xbf16> -> vector<16xf32>
        %add3A_635 = arith.addf %add3A_624, %unpack3A_633 : vector<16xf32>
        %add3A_636 = arith.addf %add3A_625, %unpack3A_634 : vector<16xf32>
        %get3A_637 = arith.index_cast %add3A_588 : i32 to index
        %get3A_638 = arith.constant 128 : index
        %get3A_639 = tpu.vector_load %arg9[%get3A_637, %get3A_638] {strides = array<i32>} : memref<64x256xbf16, #tpu.memory_space<vmem>>, vector<32xbf16>,
        %get3A_640 = arith.index_cast %add3A_588 : i32 to index
        %get3A_641 = arith.constant 128 : index
        %get3A_642 = tpu.vector_load %arg11[%get3A_640, %get3A_641] {strides = array<i32>} : memref<64x256xbf16, #tpu.memory_space<vmem>>, vector<32xbf16>,
        %mul3A_643 = arith.mulf %get3A_639, %get3A_642 : vector<32xbf16>
        %unpack3A_644 = tpu.unpack_subelements %mul3A_643, 0 {pack_format = #tpu.pack_format<interleaved>} : vector<32xbf16> -> vector<16xf32>
        %unpack3A_645 = tpu.unpack_subelements %mul3A_643, 1 {pack_format = #tpu.pack_format<interleaved>} : vector<32xbf16> -> vector<16xf32>
        %add3A_646 = arith.addf %add3A_635, %unpack3A_644 : vector<16xf32>
        %add3A_647 = arith.addf %add3A_636, %unpack3A_645 : vector<16xf32>
        %get3A_648 = arith.index_cast %add3A_588 : i32 to index
        %get3A_649 = arith.constant 160 : index
        %get3A_650 = tpu.vector_load %arg9[%get3A_648, %get3A_649] {strides = array<i32>} : memref<64x256xbf16, #tpu.memory_space<vmem>>, vector<32xbf16>,
        %get3A_651 = arith.index_cast %add3A_588 : i32 to index
        %get3A_652 = arith.constant 160 : index
        %get3A_653 = tpu.vector_load %arg11[%get3A_651, %get3A_652] {strides = array<i32>} : memref<64x256xbf16, #tpu.memory_space<vmem>>, vector<32xbf16>,
        %mul3A_654 = arith.mulf %get3A_650, %get3A_653 : vector<32xbf16>
        %unpack3A_655 = tpu.unpack_subelements %mul3A_654, 0 {pack_format = #tpu.pack_format<interleaved>} : vector<32xbf16> -> vector<16xf32>
        %unpack3A_656 = tpu.unpack_subelements %mul3A_654, 1 {pack_format = #tpu.pack_format<interleaved>} : vector<32xbf16> -> vector<16xf32>
        %add3A_657 = arith.addf %add3A_646, %unpack3A_655 : vector<16xf32>
        %add3A_658 = arith.addf %add3A_647, %unpack3A_656 : vector<16xf32>
        %get3A_659 = arith.index_cast %add3A_588 : i32 to index
        %get3A_660 = arith.constant 192 : index
        %get3A_661 = tpu.vector_load %arg9[%get3A_659, %get3A_660] {strides = array<i32>} : memref<64x256xbf16, #tpu.memory_space<vmem>>, vector<32xbf16>,
        %get3A_662 = arith.index_cast %add3A_588 : i32 to index
        %get3A_663 = arith.constant 192 : index
        %get3A_664 = tpu.vector_load %arg11[%get3A_662, %get3A_663] {strides = array<i32>} : memref<64x256xbf16, #tpu.memory_space<vmem>>, vector<32xbf16>,
        %mul3A_665 = arith.mulf %get3A_661, %get3A_664 : vector<32xbf16>
        %unpack3A_666 = tpu.unpack_subelements %mul3A_665, 0 {pack_format = #tpu.pack_format<interleaved>} : vector<32xbf16> -> vector<16xf32>
        %unpack3A_667 = tpu.unpack_subelements %mul3A_665, 1 {pack_format = #tpu.pack_format<interleaved>} : vector<32xbf16> -> vector<16xf32>
        %add3A_668 = arith.addf %add3A_657, %unpack3A_666 : vector<16xf32>
        %add3A_669 = arith.addf %add3A_658, %unpack3A_667 : vector<16xf32>
        %get3A_670 = arith.index_cast %add3A_588 : i32 to index
        %get3A_671 = arith.constant 224 : index
        %get3A_672 = tpu.vector_load %arg9[%get3A_670, %get3A_671] {strides = array<i32>} : memref<64x256xbf16, #tpu.memory_space<vmem>>, vector<32xbf16>,
        %get3A_673 = arith.index_cast %add3A_588 : i32 to index
        %get3A_674 = arith.constant 224 : index
        %get3A_675 = tpu.vector_load %arg11[%get3A_673, %get3A_674] {strides = array<i32>} : memref<64x256xbf16, #tpu.memory_space<vmem>>, vector<32xbf16>,
        %mul3A_676 = arith.mulf %get3A_672, %get3A_675 : vector<32xbf16>
        %unpack3A_677 = tpu.unpack_subelements %mul3A_676, 0 {pack_format = #tpu.pack_format<interleaved>} : vector<32xbf16> -> vector<16xf32>
        %unpack3A_678 = tpu.unpack_subelements %mul3A_676, 1 {pack_format = #tpu.pack_format<interleaved>} : vector<32xbf16> -> vector<16xf32>
        %add3A_679 = arith.addf %add3A_668, %unpack3A_677 : vector<16xf32>
        %add3A_680 = arith.addf %add3A_669, %unpack3A_678 : vector<16xf32>
        %add3A_681 = arith.addf %add3A_679, %add3A_680 : vector<16xf32>
        %swap3A_682 = arith.index_cast %add3A_588 : i32 to index
        %swap3A_683 = arith.constant 0 : index
        %swap3A_684 = tpu.vector_load %arg13[%swap3A_682, %swap3A_683] {strides = array<i32>} : memref<64x17xf32, #tpu.memory_space<vmem>>, vector<16xf32>,
        tpu.vector_store %arg13[%swap3A_682, %swap3A_683], %add3A_681 {strides = array<i32>} : memref<64x17xf32, #tpu.memory_space<vmem>>, vector<16xf32>,
        %mul3A_685 = arith.constant 16 : i32
        %mul3A_686 = arith.muli %scan3A_88, %mul3A_685 : i32
        %add3A_687 = arith.constant 6 : i32
        %add3A_688 = arith.addi %mul3A_686, %add3A_687 : i32
        %broadcast_in_dim3A_689 = arith.constant 0.000000e+00 : f32
        %broadcast_in_dim3A_690 = vector.broadcast %broadcast_in_dim3A_689 : f32 to vector<16xf32>
        %broadcast_in_dim3A_691 = arith.constant 0.000000e+00 : f32
        %broadcast_in_dim3A_692 = vector.broadcast %broadcast_in_dim3A_691 : f32 to vector<16xf32>
        %get3A_693 = arith.index_cast %add3A_688 : i32 to index
        %get3A_694 = arith.constant 0 : index
        %get3A_695 = tpu.vector_load %arg9[%get3A_693, %get3A_694] {strides = array<i32>} : memref<64x256xbf16, #tpu.memory_space<vmem>>, vector<32xbf16>,
        %get3A_696 = arith.index_cast %add3A_688 : i32 to index
        %get3A_697 = arith.constant 0 : index
        %get3A_698 = tpu.vector_load %arg11[%get3A_696, %get3A_697] {strides = array<i32>} : memref<64x256xbf16, #tpu.memory_space<vmem>>, vector<32xbf16>,
        %mul3A_699 = arith.mulf %get3A_695, %get3A_698 : vector<32xbf16>
        %unpack3A_700 = tpu.unpack_subelements %mul3A_699, 0 {pack_format = #tpu.pack_format<interleaved>} : vector<32xbf16> -> vector<16xf32>
        %unpack3A_701 = tpu.unpack_subelements %mul3A_699, 1 {pack_format = #tpu.pack_format<interleaved>} : vector<32xbf16> -> vector<16xf32>
        %add3A_702 = arith.addf %broadcast_in_dim3A_690, %unpack3A_700 : vector<16xf32>
        %add3A_703 = arith.addf %broadcast_in_dim3A_692, %unpack3A_701 : vector<16xf32>
        %get3A_704 = arith.index_cast %add3A_688 : i32 to index
        %get3A_705 = arith.constant 32 : index
        %get3A_706 = tpu.vector_load %arg9[%get3A_704, %get3A_705] {strides = array<i32>} : memref<64x256xbf16, #tpu.memory_space<vmem>>, vector<32xbf16>,
        %get3A_707 = arith.index_cast %add3A_688 : i32 to index
        %get3A_708 = arith.constant 32 : index
        %get3A_709 = tpu.vector_load %arg11[%get3A_707, %get3A_708] {strides = array<i32>} : memref<64x256xbf16, #tpu.memory_space<vmem>>, vector<32xbf16>,
        %mul3A_710 = arith.mulf %get3A_706, %get3A_709 : vector<32xbf16>
        %unpack3A_711 = tpu.unpack_subelements %mul3A_710, 0 {pack_format = #tpu.pack_format<interleaved>} : vector<32xbf16> -> vector<16xf32>
        %unpack3A_712 = tpu.unpack_subelements %mul3A_710, 1 {pack_format = #tpu.pack_format<interleaved>} : vector<32xbf16> -> vector<16xf32>
        %add3A_713 = arith.addf %add3A_702, %unpack3A_711 : vector<16xf32>
        %add3A_714 = arith.addf %add3A_703, %unpack3A_712 : vector<16xf32>
        %get3A_715 = arith.index_cast %add3A_688 : i32 to index
        %get3A_716 = arith.constant 64 : index
        %get3A_717 = tpu.vector_load %arg9[%get3A_715, %get3A_716] {strides = array<i32>} : memref<64x256xbf16, #tpu.memory_space<vmem>>, vector<32xbf16>,
        %get3A_718 = arith.index_cast %add3A_688 : i32 to index
        %get3A_719 = arith.constant 64 : index
        %get3A_720 = tpu.vector_load %arg11[%get3A_718, %get3A_719] {strides = array<i32>} : memref<64x256xbf16, #tpu.memory_space<vmem>>, vector<32xbf16>,
        %mul3A_721 = arith.mulf %get3A_717, %get3A_720 : vector<32xbf16>
        %unpack3A_722 = tpu.unpack_subelements %mul3A_721, 0 {pack_format = #tpu.pack_format<interleaved>} : vector<32xbf16> -> vector<16xf32>
        %unpack3A_723 = tpu.unpack_subelements %mul3A_721, 1 {pack_format = #tpu.pack_format<interleaved>} : vector<32xbf16> -> vector<16xf32>
        %add3A_724 = arith.addf %add3A_713, %unpack3A_722 : vector<16xf32>
        %add3A_725 = arith.addf %add3A_714, %unpack3A_723 : vector<16xf32>
        %get3A_726 = arith.index_cast %add3A_688 : i32 to index
        %get3A_727 = arith.constant 96 : index
        %get3A_728 = tpu.vector_load %arg9[%get3A_726, %get3A_727] {strides = array<i32>} : memref<64x256xbf16, #tpu.memory_space<vmem>>, vector<32xbf16>,
        %get3A_729 = arith.index_cast %add3A_688 : i32 to index
        %get3A_730 = arith.constant 96 : index
        %get3A_731 = tpu.vector_load %arg11[%get3A_729, %get3A_730] {strides = array<i32>} : memref<64x256xbf16, #tpu.memory_space<vmem>>, vector<32xbf16>,
        %mul3A_732 = arith.mulf %get3A_728, %get3A_731 : vector<32xbf16>
        %unpack3A_733 = tpu.unpack_subelements %mul3A_732, 0 {pack_format = #tpu.pack_format<interleaved>} : vector<32xbf16> -> vector<16xf32>
        %unpack3A_734 = tpu.unpack_subelements %mul3A_732, 1 {pack_format = #tpu.pack_format<interleaved>} : vector<32xbf16> -> vector<16xf32>
        %add3A_735 = arith.addf %add3A_724, %unpack3A_733 : vector<16xf32>
        %add3A_736 = arith.addf %add3A_725, %unpack3A_734 : vector<16xf32>
        %get3A_737 = arith.index_cast %add3A_688 : i32 to index
        %get3A_738 = arith.constant 128 : index
        %get3A_739 = tpu.vector_load %arg9[%get3A_737, %get3A_738] {strides = array<i32>} : memref<64x256xbf16, #tpu.memory_space<vmem>>, vector<32xbf16>,
        %get3A_740 = arith.index_cast %add3A_688 : i32 to index
        %get3A_741 = arith.constant 128 : index
        %get3A_742 = tpu.vector_load %arg11[%get3A_740, %get3A_741] {strides = array<i32>} : memref<64x256xbf16, #tpu.memory_space<vmem>>, vector<32xbf16>,
        %mul3A_743 = arith.mulf %get3A_739, %get3A_742 : vector<32xbf16>
        %unpack3A_744 = tpu.unpack_subelements %mul3A_743, 0 {pack_format = #tpu.pack_format<interleaved>} : vector<32xbf16> -> vector<16xf32>
        %unpack3A_745 = tpu.unpack_subelements %mul3A_743, 1 {pack_format = #tpu.pack_format<interleaved>} : vector<32xbf16> -> vector<16xf32>
        %add3A_746 = arith.addf %add3A_735, %unpack3A_744 : vector<16xf32>
        %add3A_747 = arith.addf %add3A_736, %unpack3A_745 : vector<16xf32>
        %get3A_748 = arith.index_cast %add3A_688 : i32 to index
        %get3A_749 = arith.constant 160 : index
        %get3A_750 = tpu.vector_load %arg9[%get3A_748, %get3A_749] {strides = array<i32>} : memref<64x256xbf16, #tpu.memory_space<vmem>>, vector<32xbf16>,
        %get3A_751 = arith.index_cast %add3A_688 : i32 to index
        %get3A_752 = arith.constant 160 : index
        %get3A_753 = tpu.vector_load %arg11[%get3A_751, %get3A_752] {strides = array<i32>} : memref<64x256xbf16, #tpu.memory_space<vmem>>, vector<32xbf16>,
        %mul3A_754 = arith.mulf %get3A_750, %get3A_753 : vector<32xbf16>
        %unpack3A_755 = tpu.unpack_subelements %mul3A_754, 0 {pack_format = #tpu.pack_format<interleaved>} : vector<32xbf16> -> vector<16xf32>
        %unpack3A_756 = tpu.unpack_subelements %mul3A_754, 1 {pack_format = #tpu.pack_format<interleaved>} : vector<32xbf16> -> vector<16xf32>
        %add3A_757 = arith.addf %add3A_746, %unpack3A_755 : vector<16xf32>
        %add3A_758 = arith.addf %add3A_747, %unpack3A_756 : vector<16xf32>
        %get3A_759 = arith.index_cast %add3A_688 : i32 to index
        %get3A_760 = arith.constant 192 : index
        %get3A_761 = tpu.vector_load %arg9[%get3A_759, %get3A_760] {strides = array<i32>} : memref<64x256xbf16, #tpu.memory_space<vmem>>, vector<32xbf16>,
        %get3A_762 = arith.index_cast %add3A_688 : i32 to index
        %get3A_763 = arith.constant 192 : index
        %get3A_764 = tpu.vector_load %arg11[%get3A_762, %get3A_763] {strides = array<i32>} : memref<64x256xbf16, #tpu.memory_space<vmem>>, vector<32xbf16>,
        %mul3A_765 = arith.mulf %get3A_761, %get3A_764 : vector<32xbf16>
        %unpack3A_766 = tpu.unpack_subelements %mul3A_765, 0 {pack_format = #tpu.pack_format<interleaved>} : vector<32xbf16> -> vector<16xf32>
        %unpack3A_767 = tpu.unpack_subelements %mul3A_765, 1 {pack_format = #tpu.pack_format<interleaved>} : vector<32xbf16> -> vector<16xf32>
        %add3A_768 = arith.addf %add3A_757, %unpack3A_766 : vector<16xf32>
        %add3A_769 = arith.addf %add3A_758, %unpack3A_767 : vector<16xf32>
        %get3A_770 = arith.index_cast %add3A_688 : i32 to index
        %get3A_771 = arith.constant 224 : index
        %get3A_772 = tpu.vector_load %arg9[%get3A_770, %get3A_771] {strides = array<i32>} : memref<64x256xbf16, #tpu.memory_space<vmem>>, vector<32xbf16>,
        %get3A_773 = arith.index_cast %add3A_688 : i32 to index
        %get3A_774 = arith.constant 224 : index
        %get3A_775 = tpu.vector_load %arg11[%get3A_773, %get3A_774] {strides = array<i32>} : memref<64x256xbf16, #tpu.memory_space<vmem>>, vector<32xbf16>,
        %mul3A_776 = arith.mulf %get3A_772, %get3A_775 : vector<32xbf16>
        %unpack3A_777 = tpu.unpack_subelements %mul3A_776, 0 {pack_format = #tpu.pack_format<interleaved>} : vector<32xbf16> -> vector<16xf32>
        %unpack3A_778 = tpu.unpack_subelements %mul3A_776, 1 {pack_format = #tpu.pack_format<interleaved>} : vector<32xbf16> -> vector<16xf32>
        %add3A_779 = arith.addf %add3A_768, %unpack3A_777 : vector<16xf32>
        %add3A_780 = arith.addf %add3A_769, %unpack3A_778 : vector<16xf32>
        %add3A_781 = arith.addf %add3A_779, %add3A_780 : vector<16xf32>
        %swap3A_782 = arith.index_cast %add3A_688 : i32 to index
        %swap3A_783 = arith.constant 0 : index
        %swap3A_784 = tpu.vector_load %arg13[%swap3A_782, %swap3A_783] {strides = array<i32>} : memref<64x17xf32, #tpu.memory_space<vmem>>, vector<16xf32>,
        tpu.vector_store %arg13[%swap3A_782, %swap3A_783], %add3A_781 {strides = array<i32>} : memref<64x17xf32, #tpu.memory_space<vmem>>, vector<16xf32>,
        %mul3A_785 = arith.constant 16 : i32
        %mul3A_786 = arith.muli %scan3A_88, %mul3A_785 : i32
        %add3A_787 = arith.constant 7 : i32
        %add3A_788 = arith.addi %mul3A_786, %add3A_787 : i32
        %broadcast_in_dim3A_789 = arith.constant 0.000000e+00 : f32
        %broadcast_in_dim3A_790 = vector.broadcast %broadcast_in_dim3A_789 : f32 to vector<16xf32>
        %broadcast_in_dim3A_791 = arith.constant 0.000000e+00 : f32
        %broadcast_in_dim3A_792 = vector.broadcast %broadcast_in_dim3A_791 : f32 to vector<16xf32>
        %get3A_793 = arith.index_cast %add3A_788 : i32 to index
        %get3A_794 = arith.constant 0 : index
        %get3A_795 = tpu.vector_load %arg9[%get3A_793, %get3A_794] {strides = array<i32>} : memref<64x256xbf16, #tpu.memory_space<vmem>>, vector<32xbf16>,
        %get3A_796 = arith.index_cast %add3A_788 : i32 to index
        %get3A_797 = arith.constant 0 : index
        %get3A_798 = tpu.vector_load %arg11[%get3A_796, %get3A_797] {strides = array<i32>} : memref<64x256xbf16, #tpu.memory_space<vmem>>, vector<32xbf16>,
        %mul3A_799 = arith.mulf %get3A_795, %get3A_798 : vector<32xbf16>
        %unpack3A_800 = tpu.unpack_subelements %mul3A_799, 0 {pack_format = #tpu.pack_format<interleaved>} : vector<32xbf16> -> vector<16xf32>
        %unpack3A_801 = tpu.unpack_subelements %mul3A_799, 1 {pack_format = #tpu.pack_format<interleaved>} : vector<32xbf16> -> vector<16xf32>
        %add3A_802 = arith.addf %broadcast_in_dim3A_790, %unpack3A_800 : vector<16xf32>
        %add3A_803 = arith.addf %broadcast_in_dim3A_792, %unpack3A_801 : vector<16xf32>
        %get3A_804 = arith.index_cast %add3A_788 : i32 to index
        %get3A_805 = arith.constant 32 : index
        %get3A_806 = tpu.vector_load %arg9[%get3A_804, %get3A_805] {strides = array<i32>} : memref<64x256xbf16, #tpu.memory_space<vmem>>, vector<32xbf16>,
        %get3A_807 = arith.index_cast %add3A_788 : i32 to index
        %get3A_808 = arith.constant 32 : index
        %get3A_809 = tpu.vector_load %arg11[%get3A_807, %get3A_808] {strides = array<i32>} : memref<64x256xbf16, #tpu.memory_space<vmem>>, vector<32xbf16>,
        %mul3A_810 = arith.mulf %get3A_806, %get3A_809 : vector<32xbf16>
        %unpack3A_811 = tpu.unpack_subelements %mul3A_810, 0 {pack_format = #tpu.pack_format<interleaved>} : vector<32xbf16> -> vector<16xf32>
        %unpack3A_812 = tpu.unpack_subelements %mul3A_810, 1 {pack_format = #tpu.pack_format<interleaved>} : vector<32xbf16> -> vector<16xf32>
        %add3A_813 = arith.addf %add3A_802, %unpack3A_811 : vector<16xf32>
        %add3A_814 = arith.addf %add3A_803, %unpack3A_812 : vector<16xf32>
        %get3A_815 = arith.index_cast %add3A_788 : i32 to index
        %get3A_816 = arith.constant 64 : index
        %get3A_817 = tpu.vector_load %arg9[%get3A_815, %get3A_816] {strides = array<i32>} : memref<64x256xbf16, #tpu.memory_space<vmem>>, vector<32xbf16>,
        %get3A_818 = arith.index_cast %add3A_788 : i32 to index
        %get3A_819 = arith.constant 64 : index
        %get3A_820 = tpu.vector_load %arg11[%get3A_818, %get3A_819] {strides = array<i32>} : memref<64x256xbf16, #tpu.memory_space<vmem>>, vector<32xbf16>,
        %mul3A_821 = arith.mulf %get3A_817, %get3A_820 : vector<32xbf16>
        %unpack3A_822 = tpu.unpack_subelements %mul3A_821, 0 {pack_format = #tpu.pack_format<interleaved>} : vector<32xbf16> -> vector<16xf32>
        %unpack3A_823 = tpu.unpack_subelements %mul3A_821, 1 {pack_format = #tpu.pack_format<interleaved>} : vector<32xbf16> -> vector<16xf32>
        %add3A_824 = arith.addf %add3A_813, %unpack3A_822 : vector<16xf32>
        %add3A_825 = arith.addf %add3A_814, %unpack3A_823 : vector<16xf32>
        %get3A_826 = arith.index_cast %add3A_788 : i32 to index
        %get3A_827 = arith.constant 96 : index
        %get3A_828 = tpu.vector_load %arg9[%get3A_826, %get3A_827] {strides = array<i32>} : memref<64x256xbf16, #tpu.memory_space<vmem>>, vector<32xbf16>,
        %get3A_829 = arith.index_cast %add3A_788 : i32 to index
        %get3A_830 = arith.constant 96 : index
        %get3A_831 = tpu.vector_load %arg11[%get3A_829, %get3A_830] {strides = array<i32>} : memref<64x256xbf16, #tpu.memory_space<vmem>>, vector<32xbf16>,
        %mul3A_832 = arith.mulf %get3A_828, %get3A_831 : vector<32xbf16>
        %unpack3A_833 = tpu.unpack_subelements %mul3A_832, 0 {pack_format = #tpu.pack_format<interleaved>} : vector<32xbf16> -> vector<16xf32>
        %unpack3A_834 = tpu.unpack_subelements %mul3A_832, 1 {pack_format = #tpu.pack_format<interleaved>} : vector<32xbf16> -> vector<16xf32>
        %add3A_835 = arith.addf %add3A_824, %unpack3A_833 : vector<16xf32>
        %add3A_836 = arith.addf %add3A_825, %unpack3A_834 : vector<16xf32>
        %get3A_837 = arith.index_cast %add3A_788 : i32 to index
        %get3A_838 = arith.constant 128 : index
        %get3A_839 = tpu.vector_load %arg9[%get3A_837, %get3A_838] {strides = array<i32>} : memref<64x256xbf16, #tpu.memory_space<vmem>>, vector<32xbf16>,
        %get3A_840 = arith.index_cast %add3A_788 : i32 to index
        %get3A_841 = arith.constant 128 : index
        %get3A_842 = tpu.vector_load %arg11[%get3A_840, %get3A_841] {strides = array<i32>} : memref<64x256xbf16, #tpu.memory_space<vmem>>, vector<32xbf16>,
        %mul3A_843 = arith.mulf %get3A_839, %get3A_842 : vector<32xbf16>
        %unpack3A_844 = tpu.unpack_subelements %mul3A_843, 0 {pack_format = #tpu.pack_format<interleaved>} : vector<32xbf16> -> vector<16xf32>
        %unpack3A_845 = tpu.unpack_subelements %mul3A_843, 1 {pack_format = #tpu.pack_format<interleaved>} : vector<32xbf16> -> vector<16xf32>
        %add3A_846 = arith.addf %add3A_835, %unpack3A_844 : vector<16xf32>
        %add3A_847 = arith.addf %add3A_836, %unpack3A_845 : vector<16xf32>
        %get3A_848 = arith.index_cast %add3A_788 : i32 to index
        %get3A_849 = arith.constant 160 : index
        %get3A_850 = tpu.vector_load %arg9[%get3A_848, %get3A_849] {strides = array<i32>} : memref<64x256xbf16, #tpu.memory_space<vmem>>, vector<32xbf16>,
        %get3A_851 = arith.index_cast %add3A_788 : i32 to index
        %get3A_852 = arith.constant 160 : index
        %get3A_853 = tpu.vector_load %arg11[%get3A_851, %get3A_852] {strides = array<i32>} : memref<64x256xbf16, #tpu.memory_space<vmem>>, vector<32xbf16>,
        %mul3A_854 = arith.mulf %get3A_850, %get3A_853 : vector<32xbf16>
        %unpack3A_855 = tpu.unpack_subelements %mul3A_854, 0 {pack_format = #tpu.pack_format<interleaved>} : vector<32xbf16> -> vector<16xf32>
        %unpack3A_856 = tpu.unpack_subelements %mul3A_854, 1 {pack_format = #tpu.pack_format<interleaved>} : vector<32xbf16> -> vector<16xf32>
        %add3A_857 = arith.addf %add3A_846, %unpack3A_855 : vector<16xf32>
        %add3A_858 = arith.addf %add3A_847, %unpack3A_856 : vector<16xf32>
        %get3A_859 = arith.index_cast %add3A_788 : i32 to index
        %get3A_860 = arith.constant 192 : index
        %get3A_861 = tpu.vector_load %arg9[%get3A_859, %get3A_860] {strides = array<i32>} : memref<64x256xbf16, #tpu.memory_space<vmem>>, vector<32xbf16>,
        %get3A_862 = arith.index_cast %add3A_788 : i32 to index
        %get3A_863 = arith.constant 192 : index
        %get3A_864 = tpu.vector_load %arg11[%get3A_862, %get3A_863] {strides = array<i32>} : memref<64x256xbf16, #tpu.memory_space<vmem>>, vector<32xbf16>,
        %mul3A_865 = arith.mulf %get3A_861, %get3A_864 : vector<32xbf16>
        %unpack3A_866 = tpu.unpack_subelements %mul3A_865, 0 {pack_format = #tpu.pack_format<interleaved>} : vector<32xbf16> -> vector<16xf32>
        %unpack3A_867 = tpu.unpack_subelements %mul3A_865, 1 {pack_format = #tpu.pack_format<interleaved>} : vector<32xbf16> -> vector<16xf32>
        %add3A_868 = arith.addf %add3A_857, %unpack3A_866 : vector<16xf32>
        %add3A_869 = arith.addf %add3A_858, %unpack3A_867 : vector<16xf32>
        %get3A_870 = arith.index_cast %add3A_788 : i32 to index
        %get3A_871 = arith.constant 224 : index
        %get3A_872 = tpu.vector_load %arg9[%get3A_870, %get3A_871] {strides = array<i32>} : memref<64x256xbf16, #tpu.memory_space<vmem>>, vector<32xbf16>,
        %get3A_873 = arith.index_cast %add3A_788 : i32 to index
        %get3A_874 = arith.constant 224 : index
        %get3A_875 = tpu.vector_load %arg11[%get3A_873, %get3A_874] {strides = array<i32>} : memref<64x256xbf16, #tpu.memory_space<vmem>>, vector<32xbf16>,
        %mul3A_876 = arith.mulf %get3A_872, %get3A_875 : vector<32xbf16>
        %unpack3A_877 = tpu.unpack_subelements %mul3A_876, 0 {pack_format = #tpu.pack_format<interleaved>} : vector<32xbf16> -> vector<16xf32>
        %unpack3A_878 = tpu.unpack_subelements %mul3A_876, 1 {pack_format = #tpu.pack_format<interleaved>} : vector<32xbf16> -> vector<16xf32>
        %add3A_879 = arith.addf %add3A_868, %unpack3A_877 : vector<16xf32>
        %add3A_880 = arith.addf %add3A_869, %unpack3A_878 : vector<16xf32>
        %add3A_881 = arith.addf %add3A_879, %add3A_880 : vector<16xf32>
        %swap3A_882 = arith.index_cast %add3A_788 : i32 to index
        %swap3A_883 = arith.constant 0 : index
        %swap3A_884 = tpu.vector_load %arg13[%swap3A_882, %swap3A_883] {strides = array<i32>} : memref<64x17xf32, #tpu.memory_space<vmem>>, vector<16xf32>,
        tpu.vector_store %arg13[%swap3A_882, %swap3A_883], %add3A_881 {strides = array<i32>} : memref<64x17xf32, #tpu.memory_space<vmem>>, vector<16xf32>,
        %mul3A_885 = arith.constant 16 : i32
        %mul3A_886 = arith.muli %scan3A_88, %mul3A_885 : i32
        %add3A_887 = arith.constant 8 : i32
        %add3A_888 = arith.addi %mul3A_886, %add3A_887 : i32
        %broadcast_in_dim3A_889 = arith.constant 0.000000e+00 : f32
        %broadcast_in_dim3A_890 = vector.broadcast %broadcast_in_dim3A_889 : f32 to vector<16xf32>
        %broadcast_in_dim3A_891 = arith.constant 0.000000e+00 : f32
        %broadcast_in_dim3A_892 = vector.broadcast %broadcast_in_dim3A_891 : f32 to vector<16xf32>
        %get3A_893 = arith.index_cast %add3A_888 : i32 to index
        %get3A_894 = arith.constant 0 : index
        %get3A_895 = tpu.vector_load %arg9[%get3A_893, %get3A_894] {strides = array<i32>} : memref<64x256xbf16, #tpu.memory_space<vmem>>, vector<32xbf16>,
        %get3A_896 = arith.index_cast %add3A_888 : i32 to index
        %get3A_897 = arith.constant 0 : index
        %get3A_898 = tpu.vector_load %arg11[%get3A_896, %get3A_897] {strides = array<i32>} : memref<64x256xbf16, #tpu.memory_space<vmem>>, vector<32xbf16>,
        %mul3A_899 = arith.mulf %get3A_895, %get3A_898 : vector<32xbf16>
        %unpack3A_900 = tpu.unpack_subelements %mul3A_899, 0 {pack_format = #tpu.pack_format<interleaved>} : vector<32xbf16> -> vector<16xf32>
        %unpack3A_901 = tpu.unpack_subelements %mul3A_899, 1 {pack_format = #tpu.pack_format<interleaved>} : vector<32xbf16> -> vector<16xf32>
        %add3A_902 = arith.addf %broadcast_in_dim3A_890, %unpack3A_900 : vector<16xf32>
        %add3A_903 = arith.addf %broadcast_in_dim3A_892, %unpack3A_901 : vector<16xf32>
        %get3A_904 = arith.index_cast %add3A_888 : i32 to index
        %get3A_905 = arith.constant 32 : index
        %get3A_906 = tpu.vector_load %arg9[%get3A_904, %get3A_905] {strides = array<i32>} : memref<64x256xbf16, #tpu.memory_space<vmem>>, vector<32xbf16>,
        %get3A_907 = arith.index_cast %add3A_888 : i32 to index
        %get3A_908 = arith.constant 32 : index
        %get3A_909 = tpu.vector_load %arg11[%get3A_907, %get3A_908] {strides = array<i32>} : memref<64x256xbf16, #tpu.memory_space<vmem>>, vector<32xbf16>,
        %mul3A_910 = arith.mulf %get3A_906, %get3A_909 : vector<32xbf16>
        %unpack3A_911 = tpu.unpack_subelements %mul3A_910, 0 {pack_format = #tpu.pack_format<interleaved>} : vector<32xbf16> -> vector<16xf32>
        %unpack3A_912 = tpu.unpack_subelements %mul3A_910, 1 {pack_format = #tpu.pack_format<interleaved>} : vector<32xbf16> -> vector<16xf32>
        %add3A_913 = arith.addf %add3A_902, %unpack3A_911 : vector<16xf32>
        %add3A_914 = arith.addf %add3A_903, %unpack3A_912 : vector<16xf32>
        %get3A_915 = arith.index_cast %add3A_888 : i32 to index
        %get3A_916 = arith.constant 64 : index
        %get3A_917 = tpu.vector_load %arg9[%get3A_915, %get3A_916] {strides = array<i32>} : memref<64x256xbf16, #tpu.memory_space<vmem>>, vector<32xbf16>,
        %get3A_918 = arith.index_cast %add3A_888 : i32 to index
        %get3A_919 = arith.constant 64 : index
        %get3A_920 = tpu.vector_load %arg11[%get3A_918, %get3A_919] {strides = array<i32>} : memref<64x256xbf16, #tpu.memory_space<vmem>>, vector<32xbf16>,
        %mul3A_921 = arith.mulf %get3A_917, %get3A_920 : vector<32xbf16>
        %unpack3A_922 = tpu.unpack_subelements %mul3A_921, 0 {pack_format = #tpu.pack_format<interleaved>} : vector<32xbf16> -> vector<16xf32>
        %unpack3A_923 = tpu.unpack_subelements %mul3A_921, 1 {pack_format = #tpu.pack_format<interleaved>} : vector<32xbf16> -> vector<16xf32>
        %add3A_924 = arith.addf %add3A_913, %unpack3A_922 : vector<16xf32>
        %add3A_925 = arith.addf %add3A_914, %unpack3A_923 : vector<16xf32>
        %get3A_926 = arith.index_cast %add3A_888 : i32 to index
        %get3A_927 = arith.constant 96 : index
        %get3A_928 = tpu.vector_load %arg9[%get3A_926, %get3A_927] {strides = array<i32>} : memref<64x256xbf16, #tpu.memory_space<vmem>>, vector<32xbf16>,
        %get3A_929 = arith.index_cast %add3A_888 : i32 to index
        %get3A_930 = arith.constant 96 : index
        %get3A_931 = tpu.vector_load %arg11[%get3A_929, %get3A_930] {strides = array<i32>} : memref<64x256xbf16, #tpu.memory_space<vmem>>, vector<32xbf16>,
        %mul3A_932 = arith.mulf %get3A_928, %get3A_931 : vector<32xbf16>
        %unpack3A_933 = tpu.unpack_subelements %mul3A_932, 0 {pack_format = #tpu.pack_format<interleaved>} : vector<32xbf16> -> vector<16xf32>
        %unpack3A_934 = tpu.unpack_subelements %mul3A_932, 1 {pack_format = #tpu.pack_format<interleaved>} : vector<32xbf16> -> vector<16xf32>
        %add3A_935 = arith.addf %add3A_924, %unpack3A_933 : vector<16xf32>
        %add3A_936 = arith.addf %add3A_925, %unpack3A_934 : vector<16xf32>
        %get3A_937 = arith.index_cast %add3A_888 : i32 to index
        %get3A_938 = arith.constant 128 : index
        %get3A_939 = tpu.vector_load %arg9[%get3A_937, %get3A_938] {strides = array<i32>} : memref<64x256xbf16, #tpu.memory_space<vmem>>, vector<32xbf16>,
        %get3A_940 = arith.index_cast %add3A_888 : i32 to index
        %get3A_941 = arith.constant 128 : index
        %get3A_942 = tpu.vector_load %arg11[%get3A_940, %get3A_941] {strides = array<i32>} : memref<64x256xbf16, #tpu.memory_space<vmem>>, vector<32xbf16>,
        %mul3A_943 = arith.mulf %get3A_939, %get3A_942 : vector<32xbf16>
        %unpack3A_944 = tpu.unpack_subelements %mul3A_943, 0 {pack_format = #tpu.pack_format<interleaved>} : vector<32xbf16> -> vector<16xf32>
        %unpack3A_945 = tpu.unpack_subelements %mul3A_943, 1 {pack_format = #tpu.pack_format<interleaved>} : vector<32xbf16> -> vector<16xf32>
        %add3A_946 = arith.addf %add3A_935, %unpack3A_944 : vector<16xf32>
        %add3A_947 = arith.addf %add3A_936, %unpack3A_945 : vector<16xf32>
        %get3A_948 = arith.index_cast %add3A_888 : i32 to index
        %get3A_949 = arith.constant 160 : index
        %get3A_950 = tpu.vector_load %arg9[%get3A_948, %get3A_949] {strides = array<i32>} : memref<64x256xbf16, #tpu.memory_space<vmem>>, vector<32xbf16>,
        %get3A_951 = arith.index_cast %add3A_888 : i32 to index
        %get3A_952 = arith.constant 160 : index
        %get3A_953 = tpu.vector_load %arg11[%get3A_951, %get3A_952] {strides = array<i32>} : memref<64x256xbf16, #tpu.memory_space<vmem>>, vector<32xbf16>,
        %mul3A_954 = arith.mulf %get3A_950, %get3A_953 : vector<32xbf16>
        %unpack3A_955 = tpu.unpack_subelements %mul3A_954, 0 {pack_format = #tpu.pack_format<interleaved>} : vector<32xbf16> -> vector<16xf32>
        %unpack3A_956 = tpu.unpack_subelements %mul3A_954, 1 {pack_format = #tpu.pack_format<interleaved>} : vector<32xbf16> -> vector<16xf32>
        %add3A_957 = arith.addf %add3A_946, %unpack3A_955 : vector<16xf32>
        %add3A_958 = arith.addf %add3A_947, %unpack3A_956 : vector<16xf32>
        %get3A_959 = arith.index_cast %add3A_888 : i32 to index
        %get3A_960 = arith.constant 192 : index
        %get3A_961 = tpu.vector_load %arg9[%get3A_959, %get3A_960] {strides = array<i32>} : memref<64x256xbf16, #tpu.memory_space<vmem>>, vector<32xbf16>,
        %get3A_962 = arith.index_cast %add3A_888 : i32 to index
        %get3A_963 = arith.constant 192 : index
        %get3A_964 = tpu.vector_load %arg11[%get3A_962, %get3A_963] {strides = array<i32>} : memref<64x256xbf16, #tpu.memory_space<vmem>>, vector<32xbf16>,
        %mul3A_965 = arith.mulf %get3A_961, %get3A_964 : vector<32xbf16>
        %unpack3A_966 = tpu.unpack_subelements %mul3A_965, 0 {pack_format = #tpu.pack_format<interleaved>} : vector<32xbf16> -> vector<16xf32>
        %unpack3A_967 = tpu.unpack_subelements %mul3A_965, 1 {pack_format = #tpu.pack_format<interleaved>} : vector<32xbf16> -> vector<16xf32>
        %add3A_968 = arith.addf %add3A_957, %unpack3A_966 : vector<16xf32>
        %add3A_969 = arith.addf %add3A_958, %unpack3A_967 : vector<16xf32>
        %get3A_970 = arith.index_cast %add3A_888 : i32 to index
        %get3A_971 = arith.constant 224 : index
        %get3A_972 = tpu.vector_load %arg9[%get3A_970, %get3A_971] {strides = array<i32>} : memref<64x256xbf16, #tpu.memory_space<vmem>>, vector<32xbf16>,
        %get3A_973 = arith.index_cast %add3A_888 : i32 to index
        %get3A_974 = arith.constant 224 : index
        %get3A_975 = tpu.vector_load %arg11[%get3A_973, %get3A_974] {strides = array<i32>} : memref<64x256xbf16, #tpu.memory_space<vmem>>, vector<32xbf16>,
        %mul3A_976 = arith.mulf %get3A_972, %get3A_975 : vector<32xbf16>
        %unpack3A_977 = tpu.unpack_subelements %mul3A_976, 0 {pack_format = #tpu.pack_format<interleaved>} : vector<32xbf16> -> vector<16xf32>
        %unpack3A_978 = tpu.unpack_subelements %mul3A_976, 1 {pack_format = #tpu.pack_format<interleaved>} : vector<32xbf16> -> vector<16xf32>
        %add3A_979 = arith.addf %add3A_968, %unpack3A_977 : vector<16xf32>
        %add3A_980 = arith.addf %add3A_969, %unpack3A_978 : vector<16xf32>
        %add3A_981 = arith.addf %add3A_979, %add3A_980 : vector<16xf32>
        %swap3A_982 = arith.index_cast %add3A_888 : i32 to index
        %swap3A_983 = arith.constant 0 : index
        %swap3A_984 = tpu.vector_load %arg13[%swap3A_982, %swap3A_983] {strides = array<i32>} : memref<64x17xf32, #tpu.memory_space<vmem>>, vector<16xf32>,
        tpu.vector_store %arg13[%swap3A_982, %swap3A_983], %add3A_981 {strides = array<i32>} : memref<64x17xf32, #tpu.memory_space<vmem>>, vector<16xf32>,
        %mul3A_985 = arith.constant 16 : i32
        %mul3A_986 = arith.muli %scan3A_88, %mul3A_985 : i32
        %add3A_987 = arith.constant 9 : i32
        %add3A_988 = arith.addi %mul3A_986, %add3A_987 : i32
        %broadcast_in_dim3A_989 = arith.constant 0.000000e+00 : f32
        %broadcast_in_dim3A_990 = vector.broadcast %broadcast_in_dim3A_989 : f32 to vector<16xf32>
        %broadcast_in_dim3A_991 = arith.constant 0.000000e+00 : f32
        %broadcast_in_dim3A_992 = vector.broadcast %broadcast_in_dim3A_991 : f32 to vector<16xf32>
        %get3A_993 = arith.index_cast %add3A_988 : i32 to index
        %get3A_994 = arith.constant 0 : index
        %get3A_995 = tpu.vector_load %arg9[%get3A_993, %get3A_994] {strides = array<i32>} : memref<64x256xbf16, #tpu.memory_space<vmem>>, vector<32xbf16>,
        %get3A_996 = arith.index_cast %add3A_988 : i32 to index
        %get3A_997 = arith.constant 0 : index
        %get3A_998 = tpu.vector_load %arg11[%get3A_996, %get3A_997] {strides = array<i32>} : memref<64x256xbf16, #tpu.memory_space<vmem>>, vector<32xbf16>,
        %mul3A_999 = arith.mulf %get3A_995, %get3A_998 : vector<32xbf16>
        %unpack3A_1000 = tpu.unpack_subelements %mul3A_999, 0 {pack_format = #tpu.pack_format<interleaved>} : vector<32xbf16> -> vector<16xf32>
        %unpack3A_1001 = tpu.unpack_subelements %mul3A_999, 1 {pack_format = #tpu.pack_format<interleaved>} : vector<32xbf16> -> vector<16xf32>
        %add3A_1002 = arith.addf %broadcast_in_dim3A_990, %unpack3A_1000 : vector<16xf32>
        %add3A_1003 = arith.addf %broadcast_in_dim3A_992, %unpack3A_1001 : vector<16xf32>
        %get3A_1004 = arith.index_cast %add3A_988 : i32 to index
        %get3A_1005 = arith.constant 32 : index
        %get3A_1006 = tpu.vector_load %arg9[%get3A_1004, %get3A_1005] {strides = array<i32>} : memref<64x256xbf16, #tpu.memory_space<vmem>>, vector<32xbf16>,
        %get3A_1007 = arith.index_cast %add3A_988 : i32 to index
        %get3A_1008 = arith.constant 32 : index
        %get3A_1009 = tpu.vector_load %arg11[%get3A_1007, %get3A_1008] {strides = array<i32>} : memref<64x256xbf16, #tpu.memory_space<vmem>>, vector<32xbf16>,
        %mul3A_1010 = arith.mulf %get3A_1006, %get3A_1009 : vector<32xbf16>
        %unpack3A_1011 = tpu.unpack_subelements %mul3A_1010, 0 {pack_format = #tpu.pack_format<interleaved>} : vector<32xbf16> -> vector<16xf32>
        %unpack3A_1012 = tpu.unpack_subelements %mul3A_1010, 1 {pack_format = #tpu.pack_format<interleaved>} : vector<32xbf16> -> vector<16xf32>
        %add3A_1013 = arith.addf %add3A_1002, %unpack3A_1011 : vector<16xf32>
        %add3A_1014 = arith.addf %add3A_1003, %unpack3A_1012 : vector<16xf32>
        %get3A_1015 = arith.index_cast %add3A_988 : i32 to index
        %get3A_1016 = arith.constant 64 : index
        %get3A_1017 = tpu.vector_load %arg9[%get3A_1015, %get3A_1016] {strides = array<i32>} : memref<64x256xbf16, #tpu.memory_space<vmem>>, vector<32xbf16>,
        %get3A_1018 = arith.index_cast %add3A_988 : i32 to index
        %get3A_1019 = arith.constant 64 : index
        %get3A_1020 = tpu.vector_load %arg11[%get3A_1018, %get3A_1019] {strides = array<i32>} : memref<64x256xbf16, #tpu.memory_space<vmem>>, vector<32xbf16>,
        %mul3A_1021 = arith.mulf %get3A_1017, %get3A_1020 : vector<32xbf16>
        %unpack3A_1022 = tpu.unpack_subelements %mul3A_1021, 0 {pack_format = #tpu.pack_format<interleaved>} : vector<32xbf16> -> vector<16xf32>
        %unpack3A_1023 = tpu.unpack_subelements %mul3A_1021, 1 {pack_format = #tpu.pack_format<interleaved>} : vector<32xbf16> -> vector<16xf32>
        %add3A_1024 = arith.addf %add3A_1013, %unpack3A_1022 : vector<16xf32>
        %add3A_1025 = arith.addf %add3A_1014, %unpack3A_1023 : vector<16xf32>
        %get3A_1026 = arith.index_cast %add3A_988 : i32 to index
        %get3A_1027 = arith.constant 96 : index
        %get3A_1028 = tpu.vector_load %arg9[%get3A_1026, %get3A_1027] {strides = array<i32>} : memref<64x256xbf16, #tpu.memory_space<vmem>>, vector<32xbf16>,
        %get3A_1029 = arith.index_cast %add3A_988 : i32 to index
        %get3A_1030 = arith.constant 96 : index
        %get3A_1031 = tpu.vector_load %arg11[%get3A_1029, %get3A_1030] {strides = array<i32>} : memref<64x256xbf16, #tpu.memory_space<vmem>>, vector<32xbf16>,
        %mul3A_1032 = arith.mulf %get3A_1028, %get3A_1031 : vector<32xbf16>
        %unpack3A_1033 = tpu.unpack_subelements %mul3A_1032, 0 {pack_format = #tpu.pack_format<interleaved>} : vector<32xbf16> -> vector<16xf32>
        %unpack3A_1034 = tpu.unpack_subelements %mul3A_1032, 1 {pack_format = #tpu.pack_format<interleaved>} : vector<32xbf16> -> vector<16xf32>
        %add3A_1035 = arith.addf %add3A_1024, %unpack3A_1033 : vector<16xf32>
        %add3A_1036 = arith.addf %add3A_1025, %unpack3A_1034 : vector<16xf32>
        %get3A_1037 = arith.index_cast %add3A_988 : i32 to index
        %get3A_1038 = arith.constant 128 : index
        %get3A_1039 = tpu.vector_load %arg9[%get3A_1037, %get3A_1038] {strides = array<i32>} : memref<64x256xbf16, #tpu.memory_space<vmem>>, vector<32xbf16>,
        %get3A_1040 = arith.index_cast %add3A_988 : i32 to index
        %get3A_1041 = arith.constant 128 : index
        %get3A_1042 = tpu.vector_load %arg11[%get3A_1040, %get3A_1041] {strides = array<i32>} : memref<64x256xbf16, #tpu.memory_space<vmem>>, vector<32xbf16>,
        %mul3A_1043 = arith.mulf %get3A_1039, %get3A_1042 : vector<32xbf16>
        %unpack3A_1044 = tpu.unpack_subelements %mul3A_1043, 0 {pack_format = #tpu.pack_format<interleaved>} : vector<32xbf16> -> vector<16xf32>
        %unpack3A_1045 = tpu.unpack_subelements %mul3A_1043, 1 {pack_format = #tpu.pack_format<interleaved>} : vector<32xbf16> -> vector<16xf32>
        %add3A_1046 = arith.addf %add3A_1035, %unpack3A_1044 : vector<16xf32>
        %add3A_1047 = arith.addf %add3A_1036, %unpack3A_1045 : vector<16xf32>
        %get3A_1048 = arith.index_cast %add3A_988 : i32 to index
        %get3A_1049 = arith.constant 160 : index
        %get3A_1050 = tpu.vector_load %arg9[%get3A_1048, %get3A_1049] {strides = array<i32>} : memref<64x256xbf16, #tpu.memory_space<vmem>>, vector<32xbf16>,
        %get3A_1051 = arith.index_cast %add3A_988 : i32 to index
        %get3A_1052 = arith.constant 160 : index
        %get3A_1053 = tpu.vector_load %arg11[%get3A_1051, %get3A_1052] {strides = array<i32>} : memref<64x256xbf16, #tpu.memory_space<vmem>>, vector<32xbf16>,
        %mul3A_1054 = arith.mulf %get3A_1050, %get3A_1053 : vector<32xbf16>
        %unpack3A_1055 = tpu.unpack_subelements %mul3A_1054, 0 {pack_format = #tpu.pack_format<interleaved>} : vector<32xbf16> -> vector<16xf32>
        %unpack3A_1056 = tpu.unpack_subelements %mul3A_1054, 1 {pack_format = #tpu.pack_format<interleaved>} : vector<32xbf16> -> vector<16xf32>
        %add3A_1057 = arith.addf %add3A_1046, %unpack3A_1055 : vector<16xf32>
        %add3A_1058 = arith.addf %add3A_1047, %unpack3A_1056 : vector<16xf32>
        %get3A_1059 = arith.index_cast %add3A_988 : i32 to index
        %get3A_1060 = arith.constant 192 : index
        %get3A_1061 = tpu.vector_load %arg9[%get3A_1059, %get3A_1060] {strides = array<i32>} : memref<64x256xbf16, #tpu.memory_space<vmem>>, vector<32xbf16>,
        %get3A_1062 = arith.index_cast %add3A_988 : i32 to index
        %get3A_1063 = arith.constant 192 : index
        %get3A_1064 = tpu.vector_load %arg11[%get3A_1062, %get3A_1063] {strides = array<i32>} : memref<64x256xbf16, #tpu.memory_space<vmem>>, vector<32xbf16>,
        %mul3A_1065 = arith.mulf %get3A_1061, %get3A_1064 : vector<32xbf16>
        %unpack3A_1066 = tpu.unpack_subelements %mul3A_1065, 0 {pack_format = #tpu.pack_format<interleaved>} : vector<32xbf16> -> vector<16xf32>
        %unpack3A_1067 = tpu.unpack_subelements %mul3A_1065, 1 {pack_format = #tpu.pack_format<interleaved>} : vector<32xbf16> -> vector<16xf32>
        %add3A_1068 = arith.addf %add3A_1057, %unpack3A_1066 : vector<16xf32>
        %add3A_1069 = arith.addf %add3A_1058, %unpack3A_1067 : vector<16xf32>
        %get3A_1070 = arith.index_cast %add3A_988 : i32 to index
        %get3A_1071 = arith.constant 224 : index
        %get3A_1072 = tpu.vector_load %arg9[%get3A_1070, %get3A_1071] {strides = array<i32>} : memref<64x256xbf16, #tpu.memory_space<vmem>>, vector<32xbf16>,
        %get3A_1073 = arith.index_cast %add3A_988 : i32 to index
        %get3A_1074 = arith.constant 224 : index
        %get3A_1075 = tpu.vector_load %arg11[%get3A_1073, %get3A_1074] {strides = array<i32>} : memref<64x256xbf16, #tpu.memory_space<vmem>>, vector<32xbf16>,
        %mul3A_1076 = arith.mulf %get3A_1072, %get3A_1075 : vector<32xbf16>
        %unpack3A_1077 = tpu.unpack_subelements %mul3A_1076, 0 {pack_format = #tpu.pack_format<interleaved>} : vector<32xbf16> -> vector<16xf32>
        %unpack3A_1078 = tpu.unpack_subelements %mul3A_1076, 1 {pack_format = #tpu.pack_format<interleaved>} : vector<32xbf16> -> vector<16xf32>
        %add3A_1079 = arith.addf %add3A_1068, %unpack3A_1077 : vector<16xf32>
        %add3A_1080 = arith.addf %add3A_1069, %unpack3A_1078 : vector<16xf32>
        %add3A_1081 = arith.addf %add3A_1079, %add3A_1080 : vector<16xf32>
        %swap3A_1082 = arith.index_cast %add3A_988 : i32 to index
        %swap3A_1083 = arith.constant 0 : index
        %swap3A_1084 = tpu.vector_load %arg13[%swap3A_1082, %swap3A_1083] {strides = array<i32>} : memref<64x17xf32, #tpu.memory_space<vmem>>, vector<16xf32>,
        tpu.vector_store %arg13[%swap3A_1082, %swap3A_1083], %add3A_1081 {strides = array<i32>} : memref<64x17xf32, #tpu.memory_space<vmem>>, vector<16xf32>,
        %mul3A_1085 = arith.constant 16 : i32
        %mul3A_1086 = arith.muli %scan3A_88, %mul3A_1085 : i32
        %add3A_1087 = arith.constant 10 : i32
        %add3A_1088 = arith.addi %mul3A_1086, %add3A_1087 : i32
        %broadcast_in_dim3A_1089 = arith.constant 0.000000e+00 : f32
        %broadcast_in_dim3A_1090 = vector.broadcast %broadcast_in_dim3A_1089 : f32 to vector<16xf32>
        %broadcast_in_dim3A_1091 = arith.constant 0.000000e+00 : f32
        %broadcast_in_dim3A_1092 = vector.broadcast %broadcast_in_dim3A_1091 : f32 to vector<16xf32>
        %get3A_1093 = arith.index_cast %add3A_1088 : i32 to index
        %get3A_1094 = arith.constant 0 : index
        %get3A_1095 = tpu.vector_load %arg9[%get3A_1093, %get3A_1094] {strides = array<i32>} : memref<64x256xbf16, #tpu.memory_space<vmem>>, vector<32xbf16>,
        %get3A_1096 = arith.index_cast %add3A_1088 : i32 to index
        %get3A_1097 = arith.constant 0 : index
        %get3A_1098 = tpu.vector_load %arg11[%get3A_1096, %get3A_1097] {strides = array<i32>} : memref<64x256xbf16, #tpu.memory_space<vmem>>, vector<32xbf16>,
        %mul3A_1099 = arith.mulf %get3A_1095, %get3A_1098 : vector<32xbf16>
        %unpack3A_1100 = tpu.unpack_subelements %mul3A_1099, 0 {pack_format = #tpu.pack_format<interleaved>} : vector<32xbf16> -> vector<16xf32>
        %unpack3A_1101 = tpu.unpack_subelements %mul3A_1099, 1 {pack_format = #tpu.pack_format<interleaved>} : vector<32xbf16> -> vector<16xf32>
        %add3A_1102 = arith.addf %broadcast_in_dim3A_1090, %unpack3A_1100 : vector<16xf32>
        %add3A_1103 = arith.addf %broadcast_in_dim3A_1092, %unpack3A_1101 : vector<16xf32>
        %get3A_1104 = arith.index_cast %add3A_1088 : i32 to index
        %get3A_1105 = arith.constant 32 : index
        %get3A_1106 = tpu.vector_load %arg9[%get3A_1104, %get3A_1105] {strides = array<i32>} : memref<64x256xbf16, #tpu.memory_space<vmem>>, vector<32xbf16>,
        %get3A_1107 = arith.index_cast %add3A_1088 : i32 to index
        %get3A_1108 = arith.constant 32 : index
        %get3A_1109 = tpu.vector_load %arg11[%get3A_1107, %get3A_1108] {strides = array<i32>} : memref<64x256xbf16, #tpu.memory_space<vmem>>, vector<32xbf16>,
        %mul3A_1110 = arith.mulf %get3A_1106, %get3A_1109 : vector<32xbf16>
        %unpack3A_1111 = tpu.unpack_subelements %mul3A_1110, 0 {pack_format = #tpu.pack_format<interleaved>} : vector<32xbf16> -> vector<16xf32>
        %unpack3A_1112 = tpu.unpack_subelements %mul3A_1110, 1 {pack_format = #tpu.pack_format<interleaved>} : vector<32xbf16> -> vector<16xf32>
        %add3A_1113 = arith.addf %add3A_1102, %unpack3A_1111 : vector<16xf32>
        %add3A_1114 = arith.addf %add3A_1103, %unpack3A_1112 : vector<16xf32>
        %get3A_1115 = arith.index_cast %add3A_1088 : i32 to index
        %get3A_1116 = arith.constant 64 : index
        %get3A_1117 = tpu.vector_load %arg9[%get3A_1115, %get3A_1116] {strides = array<i32>} : memref<64x256xbf16, #tpu.memory_space<vmem>>, vector<32xbf16>,
        %get3A_1118 = arith.index_cast %add3A_1088 : i32 to index
        %get3A_1119 = arith.constant 64 : index
        %get3A_1120 = tpu.vector_load %arg11[%get3A_1118, %get3A_1119] {strides = array<i32>} : memref<64x256xbf16, #tpu.memory_space<vmem>>, vector<32xbf16>,
        %mul3A_1121 = arith.mulf %get3A_1117, %get3A_1120 : vector<32xbf16>
        %unpack3A_1122 = tpu.unpack_subelements %mul3A_1121, 0 {pack_format = #tpu.pack_format<interleaved>} : vector<32xbf16> -> vector<16xf32>
        %unpack3A_1123 = tpu.unpack_subelements %mul3A_1121, 1 {pack_format = #tpu.pack_format<interleaved>} : vector<32xbf16> -> vector<16xf32>
        %add3A_1124 = arith.addf %add3A_1113, %unpack3A_1122 : vector<16xf32>
        %add3A_1125 = arith.addf %add3A_1114, %unpack3A_1123 : vector<16xf32>
        %get3A_1126 = arith.index_cast %add3A_1088 : i32 to index
        %get3A_1127 = arith.constant 96 : index
        %get3A_1128 = tpu.vector_load %arg9[%get3A_1126, %get3A_1127] {strides = array<i32>} : memref<64x256xbf16, #tpu.memory_space<vmem>>, vector<32xbf16>,
        %get3A_1129 = arith.index_cast %add3A_1088 : i32 to index
        %get3A_1130 = arith.constant 96 : index
        %get3A_1131 = tpu.vector_load %arg11[%get3A_1129, %get3A_1130] {strides = array<i32>} : memref<64x256xbf16, #tpu.memory_space<vmem>>, vector<32xbf16>,
        %mul3A_1132 = arith.mulf %get3A_1128, %get3A_1131 : vector<32xbf16>
        %unpack3A_1133 = tpu.unpack_subelements %mul3A_1132, 0 {pack_format = #tpu.pack_format<interleaved>} : vector<32xbf16> -> vector<16xf32>
        %unpack3A_1134 = tpu.unpack_subelements %mul3A_1132, 1 {pack_format = #tpu.pack_format<interleaved>} : vector<32xbf16> -> vector<16xf32>
        %add3A_1135 = arith.addf %add3A_1124, %unpack3A_1133 : vector<16xf32>
        %add3A_1136 = arith.addf %add3A_1125, %unpack3A_1134 : vector<16xf32>
        %get3A_1137 = arith.index_cast %add3A_1088 : i32 to index
        %get3A_1138 = arith.constant 128 : index
        %get3A_1139 = tpu.vector_load %arg9[%get3A_1137, %get3A_1138] {strides = array<i32>} : memref<64x256xbf16, #tpu.memory_space<vmem>>, vector<32xbf16>,
        %get3A_1140 = arith.index_cast %add3A_1088 : i32 to index
        %get3A_1141 = arith.constant 128 : index
        %get3A_1142 = tpu.vector_load %arg11[%get3A_1140, %get3A_1141] {strides = array<i32>} : memref<64x256xbf16, #tpu.memory_space<vmem>>, vector<32xbf16>,
        %mul3A_1143 = arith.mulf %get3A_1139, %get3A_1142 : vector<32xbf16>
        %unpack3A_1144 = tpu.unpack_subelements %mul3A_1143, 0 {pack_format = #tpu.pack_format<interleaved>} : vector<32xbf16> -> vector<16xf32>
        %unpack3A_1145 = tpu.unpack_subelements %mul3A_1143, 1 {pack_format = #tpu.pack_format<interleaved>} : vector<32xbf16> -> vector<16xf32>
        %add3A_1146 = arith.addf %add3A_1135, %unpack3A_1144 : vector<16xf32>
        %add3A_1147 = arith.addf %add3A_1136, %unpack3A_1145 : vector<16xf32>
        %get3A_1148 = arith.index_cast %add3A_1088 : i32 to index
        %get3A_1149 = arith.constant 160 : index
        %get3A_1150 = tpu.vector_load %arg9[%get3A_1148, %get3A_1149] {strides = array<i32>} : memref<64x256xbf16, #tpu.memory_space<vmem>>, vector<32xbf16>,
        %get3A_1151 = arith.index_cast %add3A_1088 : i32 to index
        %get3A_1152 = arith.constant 160 : index
        %get3A_1153 = tpu.vector_load %arg11[%get3A_1151, %get3A_1152] {strides = array<i32>} : memref<64x256xbf16, #tpu.memory_space<vmem>>, vector<32xbf16>,
        %mul3A_1154 = arith.mulf %get3A_1150, %get3A_1153 : vector<32xbf16>
        %unpack3A_1155 = tpu.unpack_subelements %mul3A_1154, 0 {pack_format = #tpu.pack_format<interleaved>} : vector<32xbf16> -> vector<16xf32>
        %unpack3A_1156 = tpu.unpack_subelements %mul3A_1154, 1 {pack_format = #tpu.pack_format<interleaved>} : vector<32xbf16> -> vector<16xf32>
        %add3A_1157 = arith.addf %add3A_1146, %unpack3A_1155 : vector<16xf32>
        %add3A_1158 = arith.addf %add3A_1147, %unpack3A_1156 : vector<16xf32>
        %get3A_1159 = arith.index_cast %add3A_1088 : i32 to index
        %get3A_1160 = arith.constant 192 : index
        %get3A_1161 = tpu.vector_load %arg9[%get3A_1159, %get3A_1160] {strides = array<i32>} : memref<64x256xbf16, #tpu.memory_space<vmem>>, vector<32xbf16>,
        %get3A_1162 = arith.index_cast %add3A_1088 : i32 to index
        %get3A_1163 = arith.constant 192 : index
        %get3A_1164 = tpu.vector_load %arg11[%get3A_1162, %get3A_1163] {strides = array<i32>} : memref<64x256xbf16, #tpu.memory_space<vmem>>, vector<32xbf16>,
        %mul3A_1165 = arith.mulf %get3A_1161, %get3A_1164 : vector<32xbf16>
        %unpack3A_1166 = tpu.unpack_subelements %mul3A_1165, 0 {pack_format = #tpu.pack_format<interleaved>} : vector<32xbf16> -> vector<16xf32>
        %unpack3A_1167 = tpu.unpack_subelements %mul3A_1165, 1 {pack_format = #tpu.pack_format<interleaved>} : vector<32xbf16> -> vector<16xf32>
        %add3A_1168 = arith.addf %add3A_1157, %unpack3A_1166 : vector<16xf32>
        %add3A_1169 = arith.addf %add3A_1158, %unpack3A_1167 : vector<16xf32>
        %get3A_1170 = arith.index_cast %add3A_1088 : i32 to index
        %get3A_1171 = arith.constant 224 : index
        %get3A_1172 = tpu.vector_load %arg9[%get3A_1170, %get3A_1171] {strides = array<i32>} : memref<64x256xbf16, #tpu.memory_space<vmem>>, vector<32xbf16>,
        %get3A_1173 = arith.index_cast %add3A_1088 : i32 to index
        %get3A_1174 = arith.constant 224 : index
        %get3A_1175 = tpu.vector_load %arg11[%get3A_1173, %get3A_1174] {strides = array<i32>} : memref<64x256xbf16, #tpu.memory_space<vmem>>, vector<32xbf16>,
        %mul3A_1176 = arith.mulf %get3A_1172, %get3A_1175 : vector<32xbf16>
        %unpack3A_1177 = tpu.unpack_subelements %mul3A_1176, 0 {pack_format = #tpu.pack_format<interleaved>} : vector<32xbf16> -> vector<16xf32>
        %unpack3A_1178 = tpu.unpack_subelements %mul3A_1176, 1 {pack_format = #tpu.pack_format<interleaved>} : vector<32xbf16> -> vector<16xf32>
        %add3A_1179 = arith.addf %add3A_1168, %unpack3A_1177 : vector<16xf32>
        %add3A_1180 = arith.addf %add3A_1169, %unpack3A_1178 : vector<16xf32>
        %add3A_1181 = arith.addf %add3A_1179, %add3A_1180 : vector<16xf32>
        %swap3A_1182 = arith.index_cast %add3A_1088 : i32 to index
        %swap3A_1183 = arith.constant 0 : index
        %swap3A_1184 = tpu.vector_load %arg13[%swap3A_1182, %swap3A_1183] {strides = array<i32>} : memref<64x17xf32, #tpu.memory_space<vmem>>, vector<16xf32>,
        tpu.vector_store %arg13[%swap3A_1182, %swap3A_1183], %add3A_1181 {strides = array<i32>} : memref<64x17xf32, #tpu.memory_space<vmem>>, vector<16xf32>,
        %mul3A_1185 = arith.constant 16 : i32
        %mul3A_1186 = arith.muli %scan3A_88, %mul3A_1185 : i32
        %add3A_1187 = arith.constant 11 : i32
        %add3A_1188 = arith.addi %mul3A_1186, %add3A_1187 : i32
        %broadcast_in_dim3A_1189 = arith.constant 0.000000e+00 : f32
        %broadcast_in_dim3A_1190 = vector.broadcast %broadcast_in_dim3A_1189 : f32 to vector<16xf32>
        %broadcast_in_dim3A_1191 = arith.constant 0.000000e+00 : f32
        %broadcast_in_dim3A_1192 = vector.broadcast %broadcast_in_dim3A_1191 : f32 to vector<16xf32>
        %get3A_1193 = arith.index_cast %add3A_1188 : i32 to index
        %get3A_1194 = arith.constant 0 : index
        %get3A_1195 = tpu.vector_load %arg9[%get3A_1193, %get3A_1194] {strides = array<i32>} : memref<64x256xbf16, #tpu.memory_space<vmem>>, vector<32xbf16>,
        %get3A_1196 = arith.index_cast %add3A_1188 : i32 to index
        %get3A_1197 = arith.constant 0 : index
        %get3A_1198 = tpu.vector_load %arg11[%get3A_1196, %get3A_1197] {strides = array<i32>} : memref<64x256xbf16, #tpu.memory_space<vmem>>, vector<32xbf16>,
        %mul3A_1199 = arith.mulf %get3A_1195, %get3A_1198 : vector<32xbf16>
        %unpack3A_1200 = tpu.unpack_subelements %mul3A_1199, 0 {pack_format = #tpu.pack_format<interleaved>} : vector<32xbf16> -> vector<16xf32>
        %unpack3A_1201 = tpu.unpack_subelements %mul3A_1199, 1 {pack_format = #tpu.pack_format<interleaved>} : vector<32xbf16> -> vector<16xf32>
        %add3A_1202 = arith.addf %broadcast_in_dim3A_1190, %unpack3A_1200 : vector<16xf32>
        %add3A_1203 = arith.addf %broadcast_in_dim3A_1192, %unpack3A_1201 : vector<16xf32>
        %get3A_1204 = arith.index_cast %add3A_1188 : i32 to index
        %get3A_1205 = arith.constant 32 : index
        %get3A_1206 = tpu.vector_load %arg9[%get3A_1204, %get3A_1205] {strides = array<i32>} : memref<64x256xbf16, #tpu.memory_space<vmem>>, vector<32xbf16>,
        %get3A_1207 = arith.index_cast %add3A_1188 : i32 to index
        %get3A_1208 = arith.constant 32 : index
        %get3A_1209 = tpu.vector_load %arg11[%get3A_1207, %get3A_1208] {strides = array<i32>} : memref<64x256xbf16, #tpu.memory_space<vmem>>, vector<32xbf16>,
        %mul3A_1210 = arith.mulf %get3A_1206, %get3A_1209 : vector<32xbf16>
        %unpack3A_1211 = tpu.unpack_subelements %mul3A_1210, 0 {pack_format = #tpu.pack_format<interleaved>} : vector<32xbf16> -> vector<16xf32>
        %unpack3A_1212 = tpu.unpack_subelements %mul3A_1210, 1 {pack_format = #tpu.pack_format<interleaved>} : vector<32xbf16> -> vector<16xf32>
        %add3A_1213 = arith.addf %add3A_1202, %unpack3A_1211 : vector<16xf32>
        %add3A_1214 = arith.addf %add3A_1203, %unpack3A_1212 : vector<16xf32>
        %get3A_1215 = arith.index_cast %add3A_1188 : i32 to index
        %get3A_1216 = arith.constant 64 : index
        %get3A_1217 = tpu.vector_load %arg9[%get3A_1215, %get3A_1216] {strides = array<i32>} : memref<64x256xbf16, #tpu.memory_space<vmem>>, vector<32xbf16>,
        %get3A_1218 = arith.index_cast %add3A_1188 : i32 to index
        %get3A_1219 = arith.constant 64 : index
        %get3A_1220 = tpu.vector_load %arg11[%get3A_1218, %get3A_1219] {strides = array<i32>} : memref<64x256xbf16, #tpu.memory_space<vmem>>, vector<32xbf16>,
        %mul3A_1221 = arith.mulf %get3A_1217, %get3A_1220 : vector<32xbf16>
        %unpack3A_1222 = tpu.unpack_subelements %mul3A_1221, 0 {pack_format = #tpu.pack_format<interleaved>} : vector<32xbf16> -> vector<16xf32>
        %unpack3A_1223 = tpu.unpack_subelements %mul3A_1221, 1 {pack_format = #tpu.pack_format<interleaved>} : vector<32xbf16> -> vector<16xf32>
        %add3A_1224 = arith.addf %add3A_1213, %unpack3A_1222 : vector<16xf32>
        %add3A_1225 = arith.addf %add3A_1214, %unpack3A_1223 : vector<16xf32>
        %get3A_1226 = arith.index_cast %add3A_1188 : i32 to index
        %get3A_1227 = arith.constant 96 : index
        %get3A_1228 = tpu.vector_load %arg9[%get3A_1226, %get3A_1227] {strides = array<i32>} : memref<64x256xbf16, #tpu.memory_space<vmem>>, vector<32xbf16>,
        %get3A_1229 = arith.index_cast %add3A_1188 : i32 to index
        %get3A_1230 = arith.constant 96 : index
        %get3A_1231 = tpu.vector_load %arg11[%get3A_1229, %get3A_1230] {strides = array<i32>} : memref<64x256xbf16, #tpu.memory_space<vmem>>, vector<32xbf16>,
        %mul3A_1232 = arith.mulf %get3A_1228, %get3A_1231 : vector<32xbf16>
        %unpack3A_1233 = tpu.unpack_subelements %mul3A_1232, 0 {pack_format = #tpu.pack_format<interleaved>} : vector<32xbf16> -> vector<16xf32>
        %unpack3A_1234 = tpu.unpack_subelements %mul3A_1232, 1 {pack_format = #tpu.pack_format<interleaved>} : vector<32xbf16> -> vector<16xf32>
        %add3A_1235 = arith.addf %add3A_1224, %unpack3A_1233 : vector<16xf32>
        %add3A_1236 = arith.addf %add3A_1225, %unpack3A_1234 : vector<16xf32>
        %get3A_1237 = arith.index_cast %add3A_1188 : i32 to index
        %get3A_1238 = arith.constant 128 : index
        %get3A_1239 = tpu.vector_load %arg9[%get3A_1237, %get3A_1238] {strides = array<i32>} : memref<64x256xbf16, #tpu.memory_space<vmem>>, vector<32xbf16>,
        %get3A_1240 = arith.index_cast %add3A_1188 : i32 to index
        %get3A_1241 = arith.constant 128 : index
        %get3A_1242 = tpu.vector_load %arg11[%get3A_1240, %get3A_1241] {strides = array<i32>} : memref<64x256xbf16, #tpu.memory_space<vmem>>, vector<32xbf16>,
        %mul3A_1243 = arith.mulf %get3A_1239, %get3A_1242 : vector<32xbf16>
        %unpack3A_1244 = tpu.unpack_subelements %mul3A_1243, 0 {pack_format = #tpu.pack_format<interleaved>} : vector<32xbf16> -> vector<16xf32>
        %unpack3A_1245 = tpu.unpack_subelements %mul3A_1243, 1 {pack_format = #tpu.pack_format<interleaved>} : vector<32xbf16> -> vector<16xf32>
        %add3A_1246 = arith.addf %add3A_1235, %unpack3A_1244 : vector<16xf32>
        %add3A_1247 = arith.addf %add3A_1236, %unpack3A_1245 : vector<16xf32>
        %get3A_1248 = arith.index_cast %add3A_1188 : i32 to index
        %get3A_1249 = arith.constant 160 : index
        %get3A_1250 = tpu.vector_load %arg9[%get3A_1248, %get3A_1249] {strides = array<i32>} : memref<64x256xbf16, #tpu.memory_space<vmem>>, vector<32xbf16>,
        %get3A_1251 = arith.index_cast %add3A_1188 : i32 to index
        %get3A_1252 = arith.constant 160 : index
        %get3A_1253 = tpu.vector_load %arg11[%get3A_1251, %get3A_1252] {strides = array<i32>} : memref<64x256xbf16, #tpu.memory_space<vmem>>, vector<32xbf16>,
        %mul3A_1254 = arith.mulf %get3A_1250, %get3A_1253 : vector<32xbf16>
        %unpack3A_1255 = tpu.unpack_subelements %mul3A_1254, 0 {pack_format = #tpu.pack_format<interleaved>} : vector<32xbf16> -> vector<16xf32>
        %unpack3A_1256 = tpu.unpack_subelements %mul3A_1254, 1 {pack_format = #tpu.pack_format<interleaved>} : vector<32xbf16> -> vector<16xf32>
        %add3A_1257 = arith.addf %add3A_1246, %unpack3A_1255 : vector<16xf32>
        %add3A_1258 = arith.addf %add3A_1247, %unpack3A_1256 : vector<16xf32>
        %get3A_1259 = arith.index_cast %add3A_1188 : i32 to index
        %get3A_1260 = arith.constant 192 : index
        %get3A_1261 = tpu.vector_load %arg9[%get3A_1259, %get3A_1260] {strides = array<i32>} : memref<64x256xbf16, #tpu.memory_space<vmem>>, vector<32xbf16>,
        %get3A_1262 = arith.index_cast %add3A_1188 : i32 to index
        %get3A_1263 = arith.constant 192 : index
        %get3A_1264 = tpu.vector_load %arg11[%get3A_1262, %get3A_1263] {strides = array<i32>} : memref<64x256xbf16, #tpu.memory_space<vmem>>, vector<32xbf16>,
        %mul3A_1265 = arith.mulf %get3A_1261, %get3A_1264 : vector<32xbf16>
        %unpack3A_1266 = tpu.unpack_subelements %mul3A_1265, 0 {pack_format = #tpu.pack_format<interleaved>} : vector<32xbf16> -> vector<16xf32>
        %unpack3A_1267 = tpu.unpack_subelements %mul3A_1265, 1 {pack_format = #tpu.pack_format<interleaved>} : vector<32xbf16> -> vector<16xf32>
        %add3A_1268 = arith.addf %add3A_1257, %unpack3A_1266 : vector<16xf32>
        %add3A_1269 = arith.addf %add3A_1258, %unpack3A_1267 : vector<16xf32>
        %get3A_1270 = arith.index_cast %add3A_1188 : i32 to index
        %get3A_1271 = arith.constant 224 : index
        %get3A_1272 = tpu.vector_load %arg9[%get3A_1270, %get3A_1271] {strides = array<i32>} : memref<64x256xbf16, #tpu.memory_space<vmem>>, vector<32xbf16>,
        %get3A_1273 = arith.index_cast %add3A_1188 : i32 to index
        %get3A_1274 = arith.constant 224 : index
        %get3A_1275 = tpu.vector_load %arg11[%get3A_1273, %get3A_1274] {strides = array<i32>} : memref<64x256xbf16, #tpu.memory_space<vmem>>, vector<32xbf16>,
        %mul3A_1276 = arith.mulf %get3A_1272, %get3A_1275 : vector<32xbf16>
        %unpack3A_1277 = tpu.unpack_subelements %mul3A_1276, 0 {pack_format = #tpu.pack_format<interleaved>} : vector<32xbf16> -> vector<16xf32>
        %unpack3A_1278 = tpu.unpack_subelements %mul3A_1276, 1 {pack_format = #tpu.pack_format<interleaved>} : vector<32xbf16> -> vector<16xf32>
        %add3A_1279 = arith.addf %add3A_1268, %unpack3A_1277 : vector<16xf32>
        %add3A_1280 = arith.addf %add3A_1269, %unpack3A_1278 : vector<16xf32>
        %add3A_1281 = arith.addf %add3A_1279, %add3A_1280 : vector<16xf32>
        %swap3A_1282 = arith.index_cast %add3A_1188 : i32 to index
        %swap3A_1283 = arith.constant 0 : index
        %swap3A_1284 = tpu.vector_load %arg13[%swap3A_1282, %swap3A_1283] {strides = array<i32>} : memref<64x17xf32, #tpu.memory_space<vmem>>, vector<16xf32>,
        tpu.vector_store %arg13[%swap3A_1282, %swap3A_1283], %add3A_1281 {strides = array<i32>} : memref<64x17xf32, #tpu.memory_space<vmem>>, vector<16xf32>,
        %mul3A_1285 = arith.constant 16 : i32
        %mul3A_1286 = arith.muli %scan3A_88, %mul3A_1285 : i32
        %add3A_1287 = arith.constant 12 : i32
        %add3A_1288 = arith.addi %mul3A_1286, %add3A_1287 : i32
        %broadcast_in_dim3A_1289 = arith.constant 0.000000e+00 : f32
        %broadcast_in_dim3A_1290 = vector.broadcast %broadcast_in_dim3A_1289 : f32 to vector<16xf32>
        %broadcast_in_dim3A_1291 = arith.constant 0.000000e+00 : f32
        %broadcast_in_dim3A_1292 = vector.broadcast %broadcast_in_dim3A_1291 : f32 to vector<16xf32>
        %get3A_1293 = arith.index_cast %add3A_1288 : i32 to index
        %get3A_1294 = arith.constant 0 : index
        %get3A_1295 = tpu.vector_load %arg9[%get3A_1293, %get3A_1294] {strides = array<i32>} : memref<64x256xbf16, #tpu.memory_space<vmem>>, vector<32xbf16>,
        %get3A_1296 = arith.index_cast %add3A_1288 : i32 to index
        %get3A_1297 = arith.constant 0 : index
        %get3A_1298 = tpu.vector_load %arg11[%get3A_1296, %get3A_1297] {strides = array<i32>} : memref<64x256xbf16, #tpu.memory_space<vmem>>, vector<32xbf16>,
        %mul3A_1299 = arith.mulf %get3A_1295, %get3A_1298 : vector<32xbf16>
        %unpack3A_1300 = tpu.unpack_subelements %mul3A_1299, 0 {pack_format = #tpu.pack_format<interleaved>} : vector<32xbf16> -> vector<16xf32>
        %unpack3A_1301 = tpu.unpack_subelements %mul3A_1299, 1 {pack_format = #tpu.pack_format<interleaved>} : vector<32xbf16> -> vector<16xf32>
        %add3A_1302 = arith.addf %broadcast_in_dim3A_1290, %unpack3A_1300 : vector<16xf32>
        %add3A_1303 = arith.addf %broadcast_in_dim3A_1292, %unpack3A_1301 : vector<16xf32>
        %get3A_1304 = arith.index_cast %add3A_1288 : i32 to index
        %get3A_1305 = arith.constant 32 : index
        %get3A_1306 = tpu.vector_load %arg9[%get3A_1304, %get3A_1305] {strides = array<i32>} : memref<64x256xbf16, #tpu.memory_space<vmem>>, vector<32xbf16>,
        %get3A_1307 = arith.index_cast %add3A_1288 : i32 to index
        %get3A_1308 = arith.constant 32 : index
        %get3A_1309 = tpu.vector_load %arg11[%get3A_1307, %get3A_1308] {strides = array<i32>} : memref<64x256xbf16, #tpu.memory_space<vmem>>, vector<32xbf16>,
        %mul3A_1310 = arith.mulf %get3A_1306, %get3A_1309 : vector<32xbf16>
        %unpack3A_1311 = tpu.unpack_subelements %mul3A_1310, 0 {pack_format = #tpu.pack_format<interleaved>} : vector<32xbf16> -> vector<16xf32>
        %unpack3A_1312 = tpu.unpack_subelements %mul3A_1310, 1 {pack_format = #tpu.pack_format<interleaved>} : vector<32xbf16> -> vector<16xf32>
        %add3A_1313 = arith.addf %add3A_1302, %unpack3A_1311 : vector<16xf32>
        %add3A_1314 = arith.addf %add3A_1303, %unpack3A_1312 : vector<16xf32>
        %get3A_1315 = arith.index_cast %add3A_1288 : i32 to index
        %get3A_1316 = arith.constant 64 : index
        %get3A_1317 = tpu.vector_load %arg9[%get3A_1315, %get3A_1316] {strides = array<i32>} : memref<64x256xbf16, #tpu.memory_space<vmem>>, vector<32xbf16>,
        %get3A_1318 = arith.index_cast %add3A_1288 : i32 to index
        %get3A_1319 = arith.constant 64 : index
        %get3A_1320 = tpu.vector_load %arg11[%get3A_1318, %get3A_1319] {strides = array<i32>} : memref<64x256xbf16, #tpu.memory_space<vmem>>, vector<32xbf16>,
        %mul3A_1321 = arith.mulf %get3A_1317, %get3A_1320 : vector<32xbf16>
        %unpack3A_1322 = tpu.unpack_subelements %mul3A_1321, 0 {pack_format = #tpu.pack_format<interleaved>} : vector<32xbf16> -> vector<16xf32>
        %unpack3A_1323 = tpu.unpack_subelements %mul3A_1321, 1 {pack_format = #tpu.pack_format<interleaved>} : vector<32xbf16> -> vector<16xf32>
        %add3A_1324 = arith.addf %add3A_1313, %unpack3A_1322 : vector<16xf32>
        %add3A_1325 = arith.addf %add3A_1314, %unpack3A_1323 : vector<16xf32>
        %get3A_1326 = arith.index_cast %add3A_1288 : i32 to index
        %get3A_1327 = arith.constant 96 : index
        %get3A_1328 = tpu.vector_load %arg9[%get3A_1326, %get3A_1327] {strides = array<i32>} : memref<64x256xbf16, #tpu.memory_space<vmem>>, vector<32xbf16>,
        %get3A_1329 = arith.index_cast %add3A_1288 : i32 to index
        %get3A_1330 = arith.constant 96 : index
        %get3A_1331 = tpu.vector_load %arg11[%get3A_1329, %get3A_1330] {strides = array<i32>} : memref<64x256xbf16, #tpu.memory_space<vmem>>, vector<32xbf16>,
        %mul3A_1332 = arith.mulf %get3A_1328, %get3A_1331 : vector<32xbf16>
        %unpack3A_1333 = tpu.unpack_subelements %mul3A_1332, 0 {pack_format = #tpu.pack_format<interleaved>} : vector<32xbf16> -> vector<16xf32>
        %unpack3A_1334 = tpu.unpack_subelements %mul3A_1332, 1 {pack_format = #tpu.pack_format<interleaved>} : vector<32xbf16> -> vector<16xf32>
        %add3A_1335 = arith.addf %add3A_1324, %unpack3A_1333 : vector<16xf32>
        %add3A_1336 = arith.addf %add3A_1325, %unpack3A_1334 : vector<16xf32>
        %get3A_1337 = arith.index_cast %add3A_1288 : i32 to index
        %get3A_1338 = arith.constant 128 : index
        %get3A_1339 = tpu.vector_load %arg9[%get3A_1337, %get3A_1338] {strides = array<i32>} : memref<64x256xbf16, #tpu.memory_space<vmem>>, vector<32xbf16>,
        %get3A_1340 = arith.index_cast %add3A_1288 : i32 to index
        %get3A_1341 = arith.constant 128 : index
        %get3A_1342 = tpu.vector_load %arg11[%get3A_1340, %get3A_1341] {strides = array<i32>} : memref<64x256xbf16, #tpu.memory_space<vmem>>, vector<32xbf16>,
        %mul3A_1343 = arith.mulf %get3A_1339, %get3A_1342 : vector<32xbf16>
        %unpack3A_1344 = tpu.unpack_subelements %mul3A_1343, 0 {pack_format = #tpu.pack_format<interleaved>} : vector<32xbf16> -> vector<16xf32>
        %unpack3A_1345 = tpu.unpack_subelements %mul3A_1343, 1 {pack_format = #tpu.pack_format<interleaved>} : vector<32xbf16> -> vector<16xf32>
        %add3A_1346 = arith.addf %add3A_1335, %unpack3A_1344 : vector<16xf32>
        %add3A_1347 = arith.addf %add3A_1336, %unpack3A_1345 : vector<16xf32>
        %get3A_1348 = arith.index_cast %add3A_1288 : i32 to index
        %get3A_1349 = arith.constant 160 : index
        %get3A_1350 = tpu.vector_load %arg9[%get3A_1348, %get3A_1349] {strides = array<i32>} : memref<64x256xbf16, #tpu.memory_space<vmem>>, vector<32xbf16>,
        %get3A_1351 = arith.index_cast %add3A_1288 : i32 to index
        %get3A_1352 = arith.constant 160 : index
        %get3A_1353 = tpu.vector_load %arg11[%get3A_1351, %get3A_1352] {strides = array<i32>} : memref<64x256xbf16, #tpu.memory_space<vmem>>, vector<32xbf16>,
        %mul3A_1354 = arith.mulf %get3A_1350, %get3A_1353 : vector<32xbf16>
        %unpack3A_1355 = tpu.unpack_subelements %mul3A_1354, 0 {pack_format = #tpu.pack_format<interleaved>} : vector<32xbf16> -> vector<16xf32>
        %unpack3A_1356 = tpu.unpack_subelements %mul3A_1354, 1 {pack_format = #tpu.pack_format<interleaved>} : vector<32xbf16> -> vector<16xf32>
        %add3A_1357 = arith.addf %add3A_1346, %unpack3A_1355 : vector<16xf32>
        %add3A_1358 = arith.addf %add3A_1347, %unpack3A_1356 : vector<16xf32>
        %get3A_1359 = arith.index_cast %add3A_1288 : i32 to index
        %get3A_1360 = arith.constant 192 : index
        %get3A_1361 = tpu.vector_load %arg9[%get3A_1359, %get3A_1360] {strides = array<i32>} : memref<64x256xbf16, #tpu.memory_space<vmem>>, vector<32xbf16>,
        %get3A_1362 = arith.index_cast %add3A_1288 : i32 to index
        %get3A_1363 = arith.constant 192 : index
        %get3A_1364 = tpu.vector_load %arg11[%get3A_1362, %get3A_1363] {strides = array<i32>} : memref<64x256xbf16, #tpu.memory_space<vmem>>, vector<32xbf16>,
        %mul3A_1365 = arith.mulf %get3A_1361, %get3A_1364 : vector<32xbf16>
        %unpack3A_1366 = tpu.unpack_subelements %mul3A_1365, 0 {pack_format = #tpu.pack_format<interleaved>} : vector<32xbf16> -> vector<16xf32>
        %unpack3A_1367 = tpu.unpack_subelements %mul3A_1365, 1 {pack_format = #tpu.pack_format<interleaved>} : vector<32xbf16> -> vector<16xf32>
        %add3A_1368 = arith.addf %add3A_1357, %unpack3A_1366 : vector<16xf32>
        %add3A_1369 = arith.addf %add3A_1358, %unpack3A_1367 : vector<16xf32>
        %get3A_1370 = arith.index_cast %add3A_1288 : i32 to index
        %get3A_1371 = arith.constant 224 : index
        %get3A_1372 = tpu.vector_load %arg9[%get3A_1370, %get3A_1371] {strides = array<i32>} : memref<64x256xbf16, #tpu.memory_space<vmem>>, vector<32xbf16>,
        %get3A_1373 = arith.index_cast %add3A_1288 : i32 to index
        %get3A_1374 = arith.constant 224 : index
        %get3A_1375 = tpu.vector_load %arg11[%get3A_1373, %get3A_1374] {strides = array<i32>} : memref<64x256xbf16, #tpu.memory_space<vmem>>, vector<32xbf16>,
        %mul3A_1376 = arith.mulf %get3A_1372, %get3A_1375 : vector<32xbf16>
        %unpack3A_1377 = tpu.unpack_subelements %mul3A_1376, 0 {pack_format = #tpu.pack_format<interleaved>} : vector<32xbf16> -> vector<16xf32>
        %unpack3A_1378 = tpu.unpack_subelements %mul3A_1376, 1 {pack_format = #tpu.pack_format<interleaved>} : vector<32xbf16> -> vector<16xf32>
        %add3A_1379 = arith.addf %add3A_1368, %unpack3A_1377 : vector<16xf32>
        %add3A_1380 = arith.addf %add3A_1369, %unpack3A_1378 : vector<16xf32>
        %add3A_1381 = arith.addf %add3A_1379, %add3A_1380 : vector<16xf32>
        %swap3A_1382 = arith.index_cast %add3A_1288 : i32 to index
        %swap3A_1383 = arith.constant 0 : index
        %swap3A_1384 = tpu.vector_load %arg13[%swap3A_1382, %swap3A_1383] {strides = array<i32>} : memref<64x17xf32, #tpu.memory_space<vmem>>, vector<16xf32>,
        tpu.vector_store %arg13[%swap3A_1382, %swap3A_1383], %add3A_1381 {strides = array<i32>} : memref<64x17xf32, #tpu.memory_space<vmem>>, vector<16xf32>,
        %mul3A_1385 = arith.constant 16 : i32
        %mul3A_1386 = arith.muli %scan3A_88, %mul3A_1385 : i32
        %add3A_1387 = arith.constant 13 : i32
        %add3A_1388 = arith.addi %mul3A_1386, %add3A_1387 : i32
        %broadcast_in_dim3A_1389 = arith.constant 0.000000e+00 : f32
        %broadcast_in_dim3A_1390 = vector.broadcast %broadcast_in_dim3A_1389 : f32 to vector<16xf32>
        %broadcast_in_dim3A_1391 = arith.constant 0.000000e+00 : f32
        %broadcast_in_dim3A_1392 = vector.broadcast %broadcast_in_dim3A_1391 : f32 to vector<16xf32>
        %get3A_1393 = arith.index_cast %add3A_1388 : i32 to index
        %get3A_1394 = arith.constant 0 : index
        %get3A_1395 = tpu.vector_load %arg9[%get3A_1393, %get3A_1394] {strides = array<i32>} : memref<64x256xbf16, #tpu.memory_space<vmem>>, vector<32xbf16>,
        %get3A_1396 = arith.index_cast %add3A_1388 : i32 to index
        %get3A_1397 = arith.constant 0 : index
        %get3A_1398 = tpu.vector_load %arg11[%get3A_1396, %get3A_1397] {strides = array<i32>} : memref<64x256xbf16, #tpu.memory_space<vmem>>, vector<32xbf16>,
        %mul3A_1399 = arith.mulf %get3A_1395, %get3A_1398 : vector<32xbf16>
        %unpack3A_1400 = tpu.unpack_subelements %mul3A_1399, 0 {pack_format = #tpu.pack_format<interleaved>} : vector<32xbf16> -> vector<16xf32>
        %unpack3A_1401 = tpu.unpack_subelements %mul3A_1399, 1 {pack_format = #tpu.pack_format<interleaved>} : vector<32xbf16> -> vector<16xf32>
        %add3A_1402 = arith.addf %broadcast_in_dim3A_1390, %unpack3A_1400 : vector<16xf32>
        %add3A_1403 = arith.addf %broadcast_in_dim3A_1392, %unpack3A_1401 : vector<16xf32>
        %get3A_1404 = arith.index_cast %add3A_1388 : i32 to index
        %get3A_1405 = arith.constant 32 : index
        %get3A_1406 = tpu.vector_load %arg9[%get3A_1404, %get3A_1405] {strides = array<i32>} : memref<64x256xbf16, #tpu.memory_space<vmem>>, vector<32xbf16>,
        %get3A_1407 = arith.index_cast %add3A_1388 : i32 to index
        %get3A_1408 = arith.constant 32 : index
        %get3A_1409 = tpu.vector_load %arg11[%get3A_1407, %get3A_1408] {strides = array<i32>} : memref<64x256xbf16, #tpu.memory_space<vmem>>, vector<32xbf16>,
        %mul3A_1410 = arith.mulf %get3A_1406, %get3A_1409 : vector<32xbf16>
        %unpack3A_1411 = tpu.unpack_subelements %mul3A_1410, 0 {pack_format = #tpu.pack_format<interleaved>} : vector<32xbf16> -> vector<16xf32>
        %unpack3A_1412 = tpu.unpack_subelements %mul3A_1410, 1 {pack_format = #tpu.pack_format<interleaved>} : vector<32xbf16> -> vector<16xf32>
        %add3A_1413 = arith.addf %add3A_1402, %unpack3A_1411 : vector<16xf32>
        %add3A_1414 = arith.addf %add3A_1403, %unpack3A_1412 : vector<16xf32>
        %get3A_1415 = arith.index_cast %add3A_1388 : i32 to index
        %get3A_1416 = arith.constant 64 : index
        %get3A_1417 = tpu.vector_load %arg9[%get3A_1415, %get3A_1416] {strides = array<i32>} : memref<64x256xbf16, #tpu.memory_space<vmem>>, vector<32xbf16>,
        %get3A_1418 = arith.index_cast %add3A_1388 : i32 to index
        %get3A_1419 = arith.constant 64 : index
        %get3A_1420 = tpu.vector_load %arg11[%get3A_1418, %get3A_1419] {strides = array<i32>} : memref<64x256xbf16, #tpu.memory_space<vmem>>, vector<32xbf16>,
        %mul3A_1421 = arith.mulf %get3A_1417, %get3A_1420 : vector<32xbf16>
        %unpack3A_1422 = tpu.unpack_subelements %mul3A_1421, 0 {pack_format = #tpu.pack_format<interleaved>} : vector<32xbf16> -> vector<16xf32>
        %unpack3A_1423 = tpu.unpack_subelements %mul3A_1421, 1 {pack_format = #tpu.pack_format<interleaved>} : vector<32xbf16> -> vector<16xf32>
        %add3A_1424 = arith.addf %add3A_1413, %unpack3A_1422 : vector<16xf32>
        %add3A_1425 = arith.addf %add3A_1414, %unpack3A_1423 : vector<16xf32>
        %get3A_1426 = arith.index_cast %add3A_1388 : i32 to index
        %get3A_1427 = arith.constant 96 : index
        %get3A_1428 = tpu.vector_load %arg9[%get3A_1426, %get3A_1427] {strides = array<i32>} : memref<64x256xbf16, #tpu.memory_space<vmem>>, vector<32xbf16>,
        %get3A_1429 = arith.index_cast %add3A_1388 : i32 to index
        %get3A_1430 = arith.constant 96 : index
        %get3A_1431 = tpu.vector_load %arg11[%get3A_1429, %get3A_1430] {strides = array<i32>} : memref<64x256xbf16, #tpu.memory_space<vmem>>, vector<32xbf16>,
        %mul3A_1432 = arith.mulf %get3A_1428, %get3A_1431 : vector<32xbf16>
        %unpack3A_1433 = tpu.unpack_subelements %mul3A_1432, 0 {pack_format = #tpu.pack_format<interleaved>} : vector<32xbf16> -> vector<16xf32>
        %unpack3A_1434 = tpu.unpack_subelements %mul3A_1432, 1 {pack_format = #tpu.pack_format<interleaved>} : vector<32xbf16> -> vector<16xf32>
        %add3A_1435 = arith.addf %add3A_1424, %unpack3A_1433 : vector<16xf32>
        %add3A_1436 = arith.addf %add3A_1425, %unpack3A_1434 : vector<16xf32>
        %get3A_1437 = arith.index_cast %add3A_1388 : i32 to index
        %get3A_1438 = arith.constant 128 : index
        %get3A_1439 = tpu.vector_load %arg9[%get3A_1437, %get3A_1438] {strides = array<i32>} : memref<64x256xbf16, #tpu.memory_space<vmem>>, vector<32xbf16>,
        %get3A_1440 = arith.index_cast %add3A_1388 : i32 to index
        %get3A_1441 = arith.constant 128 : index
        %get3A_1442 = tpu.vector_load %arg11[%get3A_1440, %get3A_1441] {strides = array<i32>} : memref<64x256xbf16, #tpu.memory_space<vmem>>, vector<32xbf16>,
        %mul3A_1443 = arith.mulf %get3A_1439, %get3A_1442 : vector<32xbf16>
        %unpack3A_1444 = tpu.unpack_subelements %mul3A_1443, 0 {pack_format = #tpu.pack_format<interleaved>} : vector<32xbf16> -> vector<16xf32>
        %unpack3A_1445 = tpu.unpack_subelements %mul3A_1443, 1 {pack_format = #tpu.pack_format<interleaved>} : vector<32xbf16> -> vector<16xf32>
        %add3A_1446 = arith.addf %add3A_1435, %unpack3A_1444 : vector<16xf32>
        %add3A_1447 = arith.addf %add3A_1436, %unpack3A_1445 : vector<16xf32>
        %get3A_1448 = arith.index_cast %add3A_1388 : i32 to index
        %get3A_1449 = arith.constant 160 : index
        %get3A_1450 = tpu.vector_load %arg9[%get3A_1448, %get3A_1449] {strides = array<i32>} : memref<64x256xbf16, #tpu.memory_space<vmem>>, vector<32xbf16>,
        %get3A_1451 = arith.index_cast %add3A_1388 : i32 to index
        %get3A_1452 = arith.constant 160 : index
        %get3A_1453 = tpu.vector_load %arg11[%get3A_1451, %get3A_1452] {strides = array<i32>} : memref<64x256xbf16, #tpu.memory_space<vmem>>, vector<32xbf16>,
        %mul3A_1454 = arith.mulf %get3A_1450, %get3A_1453 : vector<32xbf16>
        %unpack3A_1455 = tpu.unpack_subelements %mul3A_1454, 0 {pack_format = #tpu.pack_format<interleaved>} : vector<32xbf16> -> vector<16xf32>
        %unpack3A_1456 = tpu.unpack_subelements %mul3A_1454, 1 {pack_format = #tpu.pack_format<interleaved>} : vector<32xbf16> -> vector<16xf32>
        %add3A_1457 = arith.addf %add3A_1446, %unpack3A_1455 : vector<16xf32>
        %add3A_1458 = arith.addf %add3A_1447, %unpack3A_1456 : vector<16xf32>
        %get3A_1459 = arith.index_cast %add3A_1388 : i32 to index
        %get3A_1460 = arith.constant 192 : index
        %get3A_1461 = tpu.vector_load %arg9[%get3A_1459, %get3A_1460] {strides = array<i32>} : memref<64x256xbf16, #tpu.memory_space<vmem>>, vector<32xbf16>,
        %get3A_1462 = arith.index_cast %add3A_1388 : i32 to index
        %get3A_1463 = arith.constant 192 : index
        %get3A_1464 = tpu.vector_load %arg11[%get3A_1462, %get3A_1463] {strides = array<i32>} : memref<64x256xbf16, #tpu.memory_space<vmem>>, vector<32xbf16>,
        %mul3A_1465 = arith.mulf %get3A_1461, %get3A_1464 : vector<32xbf16>
        %unpack3A_1466 = tpu.unpack_subelements %mul3A_1465, 0 {pack_format = #tpu.pack_format<interleaved>} : vector<32xbf16> -> vector<16xf32>
        %unpack3A_1467 = tpu.unpack_subelements %mul3A_1465, 1 {pack_format = #tpu.pack_format<interleaved>} : vector<32xbf16> -> vector<16xf32>
        %add3A_1468 = arith.addf %add3A_1457, %unpack3A_1466 : vector<16xf32>
        %add3A_1469 = arith.addf %add3A_1458, %unpack3A_1467 : vector<16xf32>
        %get3A_1470 = arith.index_cast %add3A_1388 : i32 to index
        %get3A_1471 = arith.constant 224 : index
        %get3A_1472 = tpu.vector_load %arg9[%get3A_1470, %get3A_1471] {strides = array<i32>} : memref<64x256xbf16, #tpu.memory_space<vmem>>, vector<32xbf16>,
        %get3A_1473 = arith.index_cast %add3A_1388 : i32 to index
        %get3A_1474 = arith.constant 224 : index
        %get3A_1475 = tpu.vector_load %arg11[%get3A_1473, %get3A_1474] {strides = array<i32>} : memref<64x256xbf16, #tpu.memory_space<vmem>>, vector<32xbf16>,
        %mul3A_1476 = arith.mulf %get3A_1472, %get3A_1475 : vector<32xbf16>
        %unpack3A_1477 = tpu.unpack_subelements %mul3A_1476, 0 {pack_format = #tpu.pack_format<interleaved>} : vector<32xbf16> -> vector<16xf32>
        %unpack3A_1478 = tpu.unpack_subelements %mul3A_1476, 1 {pack_format = #tpu.pack_format<interleaved>} : vector<32xbf16> -> vector<16xf32>
        %add3A_1479 = arith.addf %add3A_1468, %unpack3A_1477 : vector<16xf32>
        %add3A_1480 = arith.addf %add3A_1469, %unpack3A_1478 : vector<16xf32>
        %add3A_1481 = arith.addf %add3A_1479, %add3A_1480 : vector<16xf32>
        %swap3A_1482 = arith.index_cast %add3A_1388 : i32 to index
        %swap3A_1483 = arith.constant 0 : index
        %swap3A_1484 = tpu.vector_load %arg13[%swap3A_1482, %swap3A_1483] {strides = array<i32>} : memref<64x17xf32, #tpu.memory_space<vmem>>, vector<16xf32>,
        tpu.vector_store %arg13[%swap3A_1482, %swap3A_1483], %add3A_1481 {strides = array<i32>} : memref<64x17xf32, #tpu.memory_space<vmem>>, vector<16xf32>,
        %mul3A_1485 = arith.constant 16 : i32
        %mul3A_1486 = arith.muli %scan3A_88, %mul3A_1485 : i32
        %add3A_1487 = arith.constant 14 : i32
        %add3A_1488 = arith.addi %mul3A_1486, %add3A_1487 : i32
        %broadcast_in_dim3A_1489 = arith.constant 0.000000e+00 : f32
        %broadcast_in_dim3A_1490 = vector.broadcast %broadcast_in_dim3A_1489 : f32 to vector<16xf32>
        %broadcast_in_dim3A_1491 = arith.constant 0.000000e+00 : f32
        %broadcast_in_dim3A_1492 = vector.broadcast %broadcast_in_dim3A_1491 : f32 to vector<16xf32>
        %get3A_1493 = arith.index_cast %add3A_1488 : i32 to index
        %get3A_1494 = arith.constant 0 : index
        %get3A_1495 = tpu.vector_load %arg9[%get3A_1493, %get3A_1494] {strides = array<i32>} : memref<64x256xbf16, #tpu.memory_space<vmem>>, vector<32xbf16>,
        %get3A_1496 = arith.index_cast %add3A_1488 : i32 to index
        %get3A_1497 = arith.constant 0 : index
        %get3A_1498 = tpu.vector_load %arg11[%get3A_1496, %get3A_1497] {strides = array<i32>} : memref<64x256xbf16, #tpu.memory_space<vmem>>, vector<32xbf16>,
        %mul3A_1499 = arith.mulf %get3A_1495, %get3A_1498 : vector<32xbf16>
        %unpack3A_1500 = tpu.unpack_subelements %mul3A_1499, 0 {pack_format = #tpu.pack_format<interleaved>} : vector<32xbf16> -> vector<16xf32>
        %unpack3A_1501 = tpu.unpack_subelements %mul3A_1499, 1 {pack_format = #tpu.pack_format<interleaved>} : vector<32xbf16> -> vector<16xf32>
        %add3A_1502 = arith.addf %broadcast_in_dim3A_1490, %unpack3A_1500 : vector<16xf32>
        %add3A_1503 = arith.addf %broadcast_in_dim3A_1492, %unpack3A_1501 : vector<16xf32>
        %get3A_1504 = arith.index_cast %add3A_1488 : i32 to index
        %get3A_1505 = arith.constant 32 : index
        %get3A_1506 = tpu.vector_load %arg9[%get3A_1504, %get3A_1505] {strides = array<i32>} : memref<64x256xbf16, #tpu.memory_space<vmem>>, vector<32xbf16>,
        %get3A_1507 = arith.index_cast %add3A_1488 : i32 to index
        %get3A_1508 = arith.constant 32 : index
        %get3A_1509 = tpu.vector_load %arg11[%get3A_1507, %get3A_1508] {strides = array<i32>} : memref<64x256xbf16, #tpu.memory_space<vmem>>, vector<32xbf16>,
        %mul3A_1510 = arith.mulf %get3A_1506, %get3A_1509 : vector<32xbf16>
        %unpack3A_1511 = tpu.unpack_subelements %mul3A_1510, 0 {pack_format = #tpu.pack_format<interleaved>} : vector<32xbf16> -> vector<16xf32>
        %unpack3A_1512 = tpu.unpack_subelements %mul3A_1510, 1 {pack_format = #tpu.pack_format<interleaved>} : vector<32xbf16> -> vector<16xf32>
        %add3A_1513 = arith.addf %add3A_1502, %unpack3A_1511 : vector<16xf32>
        %add3A_1514 = arith.addf %add3A_1503, %unpack3A_1512 : vector<16xf32>
        %get3A_1515 = arith.index_cast %add3A_1488 : i32 to index
        %get3A_1516 = arith.constant 64 : index
        %get3A_1517 = tpu.vector_load %arg9[%get3A_1515, %get3A_1516] {strides = array<i32>} : memref<64x256xbf16, #tpu.memory_space<vmem>>, vector<32xbf16>,
        %get3A_1518 = arith.index_cast %add3A_1488 : i32 to index
        %get3A_1519 = arith.constant 64 : index
        %get3A_1520 = tpu.vector_load %arg11[%get3A_1518, %get3A_1519] {strides = array<i32>} : memref<64x256xbf16, #tpu.memory_space<vmem>>, vector<32xbf16>,
        %mul3A_1521 = arith.mulf %get3A_1517, %get3A_1520 : vector<32xbf16>
        %unpack3A_1522 = tpu.unpack_subelements %mul3A_1521, 0 {pack_format = #tpu.pack_format<interleaved>} : vector<32xbf16> -> vector<16xf32>
        %unpack3A_1523 = tpu.unpack_subelements %mul3A_1521, 1 {pack_format = #tpu.pack_format<interleaved>} : vector<32xbf16> -> vector<16xf32>
        %add3A_1524 = arith.addf %add3A_1513, %unpack3A_1522 : vector<16xf32>
        %add3A_1525 = arith.addf %add3A_1514, %unpack3A_1523 : vector<16xf32>
        %get3A_1526 = arith.index_cast %add3A_1488 : i32 to index
        %get3A_1527 = arith.constant 96 : index
        %get3A_1528 = tpu.vector_load %arg9[%get3A_1526, %get3A_1527] {strides = array<i32>} : memref<64x256xbf16, #tpu.memory_space<vmem>>, vector<32xbf16>,
        %get3A_1529 = arith.index_cast %add3A_1488 : i32 to index
        %get3A_1530 = arith.constant 96 : index
        %get3A_1531 = tpu.vector_load %arg11[%get3A_1529, %get3A_1530] {strides = array<i32>} : memref<64x256xbf16, #tpu.memory_space<vmem>>, vector<32xbf16>,
        %mul3A_1532 = arith.mulf %get3A_1528, %get3A_1531 : vector<32xbf16>
        %unpack3A_1533 = tpu.unpack_subelements %mul3A_1532, 0 {pack_format = #tpu.pack_format<interleaved>} : vector<32xbf16> -> vector<16xf32>
        %unpack3A_1534 = tpu.unpack_subelements %mul3A_1532, 1 {pack_format = #tpu.pack_format<interleaved>} : vector<32xbf16> -> vector<16xf32>
        %add3A_1535 = arith.addf %add3A_1524, %unpack3A_1533 : vector<16xf32>
        %add3A_1536 = arith.addf %add3A_1525, %unpack3A_1534 : vector<16xf32>
        %get3A_1537 = arith.index_cast %add3A_1488 : i32 to index
        %get3A_1538 = arith.constant 128 : index
        %get3A_1539 = tpu.vector_load %arg9[%get3A_1537, %get3A_1538] {strides = array<i32>} : memref<64x256xbf16, #tpu.memory_space<vmem>>, vector<32xbf16>,
        %get3A_1540 = arith.index_cast %add3A_1488 : i32 to index
        %get3A_1541 = arith.constant 128 : index
        %get3A_1542 = tpu.vector_load %arg11[%get3A_1540, %get3A_1541] {strides = array<i32>} : memref<64x256xbf16, #tpu.memory_space<vmem>>, vector<32xbf16>,
        %mul3A_1543 = arith.mulf %get3A_1539, %get3A_1542 : vector<32xbf16>
        %unpack3A_1544 = tpu.unpack_subelements %mul3A_1543, 0 {pack_format = #tpu.pack_format<interleaved>} : vector<32xbf16> -> vector<16xf32>
        %unpack3A_1545 = tpu.unpack_subelements %mul3A_1543, 1 {pack_format = #tpu.pack_format<interleaved>} : vector<32xbf16> -> vector<16xf32>
        %add3A_1546 = arith.addf %add3A_1535, %unpack3A_1544 : vector<16xf32>
        %add3A_1547 = arith.addf %add3A_1536, %unpack3A_1545 : vector<16xf32>
        %get3A_1548 = arith.index_cast %add3A_1488 : i32 to index
        %get3A_1549 = arith.constant 160 : index
        %get3A_1550 = tpu.vector_load %arg9[%get3A_1548, %get3A_1549] {strides = array<i32>} : memref<64x256xbf16, #tpu.memory_space<vmem>>, vector<32xbf16>,
        %get3A_1551 = arith.index_cast %add3A_1488 : i32 to index
        %get3A_1552 = arith.constant 160 : index
        %get3A_1553 = tpu.vector_load %arg11[%get3A_1551, %get3A_1552] {strides = array<i32>} : memref<64x256xbf16, #tpu.memory_space<vmem>>, vector<32xbf16>,
        %mul3A_1554 = arith.mulf %get3A_1550, %get3A_1553 : vector<32xbf16>
        %unpack3A_1555 = tpu.unpack_subelements %mul3A_1554, 0 {pack_format = #tpu.pack_format<interleaved>} : vector<32xbf16> -> vector<16xf32>
        %unpack3A_1556 = tpu.unpack_subelements %mul3A_1554, 1 {pack_format = #tpu.pack_format<interleaved>} : vector<32xbf16> -> vector<16xf32>
        %add3A_1557 = arith.addf %add3A_1546, %unpack3A_1555 : vector<16xf32>
        %add3A_1558 = arith.addf %add3A_1547, %unpack3A_1556 : vector<16xf32>
        %get3A_1559 = arith.index_cast %add3A_1488 : i32 to index
        %get3A_1560 = arith.constant 192 : index
        %get3A_1561 = tpu.vector_load %arg9[%get3A_1559, %get3A_1560] {strides = array<i32>} : memref<64x256xbf16, #tpu.memory_space<vmem>>, vector<32xbf16>,
        %get3A_1562 = arith.index_cast %add3A_1488 : i32 to index
        %get3A_1563 = arith.constant 192 : index
        %get3A_1564 = tpu.vector_load %arg11[%get3A_1562, %get3A_1563] {strides = array<i32>} : memref<64x256xbf16, #tpu.memory_space<vmem>>, vector<32xbf16>,
        %mul3A_1565 = arith.mulf %get3A_1561, %get3A_1564 : vector<32xbf16>
        %unpack3A_1566 = tpu.unpack_subelements %mul3A_1565, 0 {pack_format = #tpu.pack_format<interleaved>} : vector<32xbf16> -> vector<16xf32>
        %unpack3A_1567 = tpu.unpack_subelements %mul3A_1565, 1 {pack_format = #tpu.pack_format<interleaved>} : vector<32xbf16> -> vector<16xf32>
        %add3A_1568 = arith.addf %add3A_1557, %unpack3A_1566 : vector<16xf32>
        %add3A_1569 = arith.addf %add3A_1558, %unpack3A_1567 : vector<16xf32>
        %get3A_1570 = arith.index_cast %add3A_1488 : i32 to index
        %get3A_1571 = arith.constant 224 : index
        %get3A_1572 = tpu.vector_load %arg9[%get3A_1570, %get3A_1571] {strides = array<i32>} : memref<64x256xbf16, #tpu.memory_space<vmem>>, vector<32xbf16>,
        %get3A_1573 = arith.index_cast %add3A_1488 : i32 to index
        %get3A_1574 = arith.constant 224 : index
        %get3A_1575 = tpu.vector_load %arg11[%get3A_1573, %get3A_1574] {strides = array<i32>} : memref<64x256xbf16, #tpu.memory_space<vmem>>, vector<32xbf16>,
        %mul3A_1576 = arith.mulf %get3A_1572, %get3A_1575 : vector<32xbf16>
        %unpack3A_1577 = tpu.unpack_subelements %mul3A_1576, 0 {pack_format = #tpu.pack_format<interleaved>} : vector<32xbf16> -> vector<16xf32>
        %unpack3A_1578 = tpu.unpack_subelements %mul3A_1576, 1 {pack_format = #tpu.pack_format<interleaved>} : vector<32xbf16> -> vector<16xf32>
        %add3A_1579 = arith.addf %add3A_1568, %unpack3A_1577 : vector<16xf32>
        %add3A_1580 = arith.addf %add3A_1569, %unpack3A_1578 : vector<16xf32>
        %add3A_1581 = arith.addf %add3A_1579, %add3A_1580 : vector<16xf32>
        %swap3A_1582 = arith.index_cast %add3A_1488 : i32 to index
        %swap3A_1583 = arith.constant 0 : index
        %swap3A_1584 = tpu.vector_load %arg13[%swap3A_1582, %swap3A_1583] {strides = array<i32>} : memref<64x17xf32, #tpu.memory_space<vmem>>, vector<16xf32>,
        tpu.vector_store %arg13[%swap3A_1582, %swap3A_1583], %add3A_1581 {strides = array<i32>} : memref<64x17xf32, #tpu.memory_space<vmem>>, vector<16xf32>,
        %mul3A_1585 = arith.constant 16 : i32
        %mul3A_1586 = arith.muli %scan3A_88, %mul3A_1585 : i32
        %add3A_1587 = arith.constant 15 : i32
        %add3A_1588 = arith.addi %mul3A_1586, %add3A_1587 : i32
        %broadcast_in_dim3A_1589 = arith.constant 0.000000e+00 : f32
        %broadcast_in_dim3A_1590 = vector.broadcast %broadcast_in_dim3A_1589 : f32 to vector<16xf32>
        %broadcast_in_dim3A_1591 = arith.constant 0.000000e+00 : f32
        %broadcast_in_dim3A_1592 = vector.broadcast %broadcast_in_dim3A_1591 : f32 to vector<16xf32>
        %get3A_1593 = arith.index_cast %add3A_1588 : i32 to index
        %get3A_1594 = arith.constant 0 : index
        %get3A_1595 = tpu.vector_load %arg9[%get3A_1593, %get3A_1594] {strides = array<i32>} : memref<64x256xbf16, #tpu.memory_space<vmem>>, vector<32xbf16>,
        %get3A_1596 = arith.index_cast %add3A_1588 : i32 to index
        %get3A_1597 = arith.constant 0 : index
        %get3A_1598 = tpu.vector_load %arg11[%get3A_1596, %get3A_1597] {strides = array<i32>} : memref<64x256xbf16, #tpu.memory_space<vmem>>, vector<32xbf16>,
        %mul3A_1599 = arith.mulf %get3A_1595, %get3A_1598 : vector<32xbf16>
        %unpack3A_1600 = tpu.unpack_subelements %mul3A_1599, 0 {pack_format = #tpu.pack_format<interleaved>} : vector<32xbf16> -> vector<16xf32>
        %unpack3A_1601 = tpu.unpack_subelements %mul3A_1599, 1 {pack_format = #tpu.pack_format<interleaved>} : vector<32xbf16> -> vector<16xf32>
        %add3A_1602 = arith.addf %broadcast_in_dim3A_1590, %unpack3A_1600 : vector<16xf32>
        %add3A_1603 = arith.addf %broadcast_in_dim3A_1592, %unpack3A_1601 : vector<16xf32>
        %get3A_1604 = arith.index_cast %add3A_1588 : i32 to index
        %get3A_1605 = arith.constant 32 : index
        %get3A_1606 = tpu.vector_load %arg9[%get3A_1604, %get3A_1605] {strides = array<i32>} : memref<64x256xbf16, #tpu.memory_space<vmem>>, vector<32xbf16>,
        %get3A_1607 = arith.index_cast %add3A_1588 : i32 to index
        %get3A_1608 = arith.constant 32 : index
        %get3A_1609 = tpu.vector_load %arg11[%get3A_1607, %get3A_1608] {strides = array<i32>} : memref<64x256xbf16, #tpu.memory_space<vmem>>, vector<32xbf16>,
        %mul3A_1610 = arith.mulf %get3A_1606, %get3A_1609 : vector<32xbf16>
        %unpack3A_1611 = tpu.unpack_subelements %mul3A_1610, 0 {pack_format = #tpu.pack_format<interleaved>} : vector<32xbf16> -> vector<16xf32>
        %unpack3A_1612 = tpu.unpack_subelements %mul3A_1610, 1 {pack_format = #tpu.pack_format<interleaved>} : vector<32xbf16> -> vector<16xf32>
        %add3A_1613 = arith.addf %add3A_1602, %unpack3A_1611 : vector<16xf32>
        %add3A_1614 = arith.addf %add3A_1603, %unpack3A_1612 : vector<16xf32>
        %get3A_1615 = arith.index_cast %add3A_1588 : i32 to index
        %get3A_1616 = arith.constant 64 : index
        %get3A_1617 = tpu.vector_load %arg9[%get3A_1615, %get3A_1616] {strides = array<i32>} : memref<64x256xbf16, #tpu.memory_space<vmem>>, vector<32xbf16>,
        %get3A_1618 = arith.index_cast %add3A_1588 : i32 to index
        %get3A_1619 = arith.constant 64 : index
        %get3A_1620 = tpu.vector_load %arg11[%get3A_1618, %get3A_1619] {strides = array<i32>} : memref<64x256xbf16, #tpu.memory_space<vmem>>, vector<32xbf16>,
        %mul3A_1621 = arith.mulf %get3A_1617, %get3A_1620 : vector<32xbf16>
        %unpack3A_1622 = tpu.unpack_subelements %mul3A_1621, 0 {pack_format = #tpu.pack_format<interleaved>} : vector<32xbf16> -> vector<16xf32>
        %unpack3A_1623 = tpu.unpack_subelements %mul3A_1621, 1 {pack_format = #tpu.pack_format<interleaved>} : vector<32xbf16> -> vector<16xf32>
        %add3A_1624 = arith.addf %add3A_1613, %unpack3A_1622 : vector<16xf32>
        %add3A_1625 = arith.addf %add3A_1614, %unpack3A_1623 : vector<16xf32>
        %get3A_1626 = arith.index_cast %add3A_1588 : i32 to index
        %get3A_1627 = arith.constant 96 : index
        %get3A_1628 = tpu.vector_load %arg9[%get3A_1626, %get3A_1627] {strides = array<i32>} : memref<64x256xbf16, #tpu.memory_space<vmem>>, vector<32xbf16>,
        %get3A_1629 = arith.index_cast %add3A_1588 : i32 to index
        %get3A_1630 = arith.constant 96 : index
        %get3A_1631 = tpu.vector_load %arg11[%get3A_1629, %get3A_1630] {strides = array<i32>} : memref<64x256xbf16, #tpu.memory_space<vmem>>, vector<32xbf16>,
        %mul3A_1632 = arith.mulf %get3A_1628, %get3A_1631 : vector<32xbf16>
        %unpack3A_1633 = tpu.unpack_subelements %mul3A_1632, 0 {pack_format = #tpu.pack_format<interleaved>} : vector<32xbf16> -> vector<16xf32>
        %unpack3A_1634 = tpu.unpack_subelements %mul3A_1632, 1 {pack_format = #tpu.pack_format<interleaved>} : vector<32xbf16> -> vector<16xf32>
        %add3A_1635 = arith.addf %add3A_1624, %unpack3A_1633 : vector<16xf32>
        %add3A_1636 = arith.addf %add3A_1625, %unpack3A_1634 : vector<16xf32>
        %get3A_1637 = arith.index_cast %add3A_1588 : i32 to index
        %get3A_1638 = arith.constant 128 : index
        %get3A_1639 = tpu.vector_load %arg9[%get3A_1637, %get3A_1638] {strides = array<i32>} : memref<64x256xbf16, #tpu.memory_space<vmem>>, vector<32xbf16>,
        %get3A_1640 = arith.index_cast %add3A_1588 : i32 to index
        %get3A_1641 = arith.constant 128 : index
        %get3A_1642 = tpu.vector_load %arg11[%get3A_1640, %get3A_1641] {strides = array<i32>} : memref<64x256xbf16, #tpu.memory_space<vmem>>, vector<32xbf16>,
        %mul3A_1643 = arith.mulf %get3A_1639, %get3A_1642 : vector<32xbf16>
        %unpack3A_1644 = tpu.unpack_subelements %mul3A_1643, 0 {pack_format = #tpu.pack_format<interleaved>} : vector<32xbf16> -> vector<16xf32>
        %unpack3A_1645 = tpu.unpack_subelements %mul3A_1643, 1 {pack_format = #tpu.pack_format<interleaved>} : vector<32xbf16> -> vector<16xf32>
        %add3A_1646 = arith.addf %add3A_1635, %unpack3A_1644 : vector<16xf32>
        %add3A_1647 = arith.addf %add3A_1636, %unpack3A_1645 : vector<16xf32>
        %get3A_1648 = arith.index_cast %add3A_1588 : i32 to index
        %get3A_1649 = arith.constant 160 : index
        %get3A_1650 = tpu.vector_load %arg9[%get3A_1648, %get3A_1649] {strides = array<i32>} : memref<64x256xbf16, #tpu.memory_space<vmem>>, vector<32xbf16>,
        %get3A_1651 = arith.index_cast %add3A_1588 : i32 to index
        %get3A_1652 = arith.constant 160 : index
        %get3A_1653 = tpu.vector_load %arg11[%get3A_1651, %get3A_1652] {strides = array<i32>} : memref<64x256xbf16, #tpu.memory_space<vmem>>, vector<32xbf16>,
        %mul3A_1654 = arith.mulf %get3A_1650, %get3A_1653 : vector<32xbf16>
        %unpack3A_1655 = tpu.unpack_subelements %mul3A_1654, 0 {pack_format = #tpu.pack_format<interleaved>} : vector<32xbf16> -> vector<16xf32>
        %unpack3A_1656 = tpu.unpack_subelements %mul3A_1654, 1 {pack_format = #tpu.pack_format<interleaved>} : vector<32xbf16> -> vector<16xf32>
        %add3A_1657 = arith.addf %add3A_1646, %unpack3A_1655 : vector<16xf32>
        %add3A_1658 = arith.addf %add3A_1647, %unpack3A_1656 : vector<16xf32>
        %get3A_1659 = arith.index_cast %add3A_1588 : i32 to index
        %get3A_1660 = arith.constant 192 : index
        %get3A_1661 = tpu.vector_load %arg9[%get3A_1659, %get3A_1660] {strides = array<i32>} : memref<64x256xbf16, #tpu.memory_space<vmem>>, vector<32xbf16>,
        %get3A_1662 = arith.index_cast %add3A_1588 : i32 to index
        %get3A_1663 = arith.constant 192 : index
        %get3A_1664 = tpu.vector_load %arg11[%get3A_1662, %get3A_1663] {strides = array<i32>} : memref<64x256xbf16, #tpu.memory_space<vmem>>, vector<32xbf16>,
        %mul3A_1665 = arith.mulf %get3A_1661, %get3A_1664 : vector<32xbf16>
        %unpack3A_1666 = tpu.unpack_subelements %mul3A_1665, 0 {pack_format = #tpu.pack_format<interleaved>} : vector<32xbf16> -> vector<16xf32>
        %unpack3A_1667 = tpu.unpack_subelements %mul3A_1665, 1 {pack_format = #tpu.pack_format<interleaved>} : vector<32xbf16> -> vector<16xf32>
        %add3A_1668 = arith.addf %add3A_1657, %unpack3A_1666 : vector<16xf32>
        %add3A_1669 = arith.addf %add3A_1658, %unpack3A_1667 : vector<16xf32>
        %get3A_1670 = arith.index_cast %add3A_1588 : i32 to index
        %get3A_1671 = arith.constant 224 : index
        %get3A_1672 = tpu.vector_load %arg9[%get3A_1670, %get3A_1671] {strides = array<i32>} : memref<64x256xbf16, #tpu.memory_space<vmem>>, vector<32xbf16>,
        %get3A_1673 = arith.index_cast %add3A_1588 : i32 to index
        %get3A_1674 = arith.constant 224 : index
        %get3A_1675 = tpu.vector_load %arg11[%get3A_1673, %get3A_1674] {strides = array<i32>} : memref<64x256xbf16, #tpu.memory_space<vmem>>, vector<32xbf16>,
        %mul3A_1676 = arith.mulf %get3A_1672, %get3A_1675 : vector<32xbf16>
        %unpack3A_1677 = tpu.unpack_subelements %mul3A_1676, 0 {pack_format = #tpu.pack_format<interleaved>} : vector<32xbf16> -> vector<16xf32>
        %unpack3A_1678 = tpu.unpack_subelements %mul3A_1676, 1 {pack_format = #tpu.pack_format<interleaved>} : vector<32xbf16> -> vector<16xf32>
        %add3A_1679 = arith.addf %add3A_1668, %unpack3A_1677 : vector<16xf32>
        %add3A_1680 = arith.addf %add3A_1669, %unpack3A_1678 : vector<16xf32>
        %add3A_1681 = arith.addf %add3A_1679, %add3A_1680 : vector<16xf32>
        %swap3A_1682 = arith.index_cast %add3A_1588 : i32 to index
        %swap3A_1683 = arith.constant 0 : index
        %swap3A_1684 = tpu.vector_load %arg13[%swap3A_1682, %swap3A_1683] {strides = array<i32>} : memref<64x17xf32, #tpu.memory_space<vmem>>, vector<16xf32>,
        tpu.vector_store %arg13[%swap3A_1682, %swap3A_1683], %add3A_1681 {strides = array<i32>} : memref<64x17xf32, #tpu.memory_space<vmem>>, vector<16xf32>,
        %mul3A_1685 = arith.constant 16 : i32
        %mul3A_1686 = arith.muli %scan3A_88, %mul3A_1685 : i32
        %add3A_1687 = vector.broadcast %mul3A_1686 : i32 to vector<16xi32>
        %add3A_1688 = arith.addi %add3A_1687, %iota3A : vector<16xi32>
        %broadcast_in_dim3A_1689 = arith.constant 0 : i32
        %broadcast_in_dim3A_1690 = vector.broadcast %broadcast_in_dim3A_1689 : i32 to vector<16xi32>
        %gather3A = tpu.vector_load_idx %arg13[%add3A_1688, %broadcast_in_dim3A_1690] : memref<64x17xf32, #tpu.memory_space<vmem>>[vector<16xi32>, vector<16xi32>], vector<16xf32>,
        %broadcast_in_dim3A_1691 = arith.constant 1 : i32
        %broadcast_in_dim3A_1692 = vector.broadcast %broadcast_in_dim3A_1691 : i32 to vector<16xi32>
        %gather3A_1693 = tpu.vector_load_idx %arg13[%add3A_1688, %broadcast_in_dim3A_1692] : memref<64x17xf32, #tpu.memory_space<vmem>>[vector<16xi32>, vector<16xi32>], vector<16xf32>,
        %broadcast_in_dim3A_1694 = arith.constant 2 : i32
        %broadcast_in_dim3A_1695 = vector.broadcast %broadcast_in_dim3A_1694 : i32 to vector<16xi32>
        %gather3A_1696 = tpu.vector_load_idx %arg13[%add3A_1688, %broadcast_in_dim3A_1695] : memref<64x17xf32, #tpu.memory_space<vmem>>[vector<16xi32>, vector<16xi32>], vector<16xf32>,
        %broadcast_in_dim3A_1697 = arith.constant 3 : i32
        %broadcast_in_dim3A_1698 = vector.broadcast %broadcast_in_dim3A_1697 : i32 to vector<16xi32>
        %gather3A_1699 = tpu.vector_load_idx %arg13[%add3A_1688, %broadcast_in_dim3A_1698] : memref<64x17xf32, #tpu.memory_space<vmem>>[vector<16xi32>, vector<16xi32>], vector<16xf32>,
        %broadcast_in_dim3A_1700 = arith.constant 4 : i32
        %broadcast_in_dim3A_1701 = vector.broadcast %broadcast_in_dim3A_1700 : i32 to vector<16xi32>
        %gather3A_1702 = tpu.vector_load_idx %arg13[%add3A_1688, %broadcast_in_dim3A_1701] : memref<64x17xf32, #tpu.memory_space<vmem>>[vector<16xi32>, vector<16xi32>], vector<16xf32>,
        %broadcast_in_dim3A_1703 = arith.constant 5 : i32
        %broadcast_in_dim3A_1704 = vector.broadcast %broadcast_in_dim3A_1703 : i32 to vector<16xi32>
        %gather3A_1705 = tpu.vector_load_idx %arg13[%add3A_1688, %broadcast_in_dim3A_1704] : memref<64x17xf32, #tpu.memory_space<vmem>>[vector<16xi32>, vector<16xi32>], vector<16xf32>,
        %broadcast_in_dim3A_1706 = arith.constant 6 : i32
        %broadcast_in_dim3A_1707 = vector.broadcast %broadcast_in_dim3A_1706 : i32 to vector<16xi32>
        %gather3A_1708 = tpu.vector_load_idx %arg13[%add3A_1688, %broadcast_in_dim3A_1707] : memref<64x17xf32, #tpu.memory_space<vmem>>[vector<16xi32>, vector<16xi32>], vector<16xf32>,
        %broadcast_in_dim3A_1709 = arith.constant 7 : i32
        %broadcast_in_dim3A_1710 = vector.broadcast %broadcast_in_dim3A_1709 : i32 to vector<16xi32>
        %gather3A_1711 = tpu.vector_load_idx %arg13[%add3A_1688, %broadcast_in_dim3A_1710] : memref<64x17xf32, #tpu.memory_space<vmem>>[vector<16xi32>, vector<16xi32>], vector<16xf32>,
        %broadcast_in_dim3A_1712 = arith.constant 8 : i32
        %broadcast_in_dim3A_1713 = vector.broadcast %broadcast_in_dim3A_1712 : i32 to vector<16xi32>
        %gather3A_1714 = tpu.vector_load_idx %arg13[%add3A_1688, %broadcast_in_dim3A_1713] : memref<64x17xf32, #tpu.memory_space<vmem>>[vector<16xi32>, vector<16xi32>], vector<16xf32>,
        %broadcast_in_dim3A_1715 = arith.constant 9 : i32
        %broadcast_in_dim3A_1716 = vector.broadcast %broadcast_in_dim3A_1715 : i32 to vector<16xi32>
        %gather3A_1717 = tpu.vector_load_idx %arg13[%add3A_1688, %broadcast_in_dim3A_1716] : memref<64x17xf32, #tpu.memory_space<vmem>>[vector<16xi32>, vector<16xi32>], vector<16xf32>,
        %broadcast_in_dim3A_1718 = arith.constant 10 : i32
        %broadcast_in_dim3A_1719 = vector.broadcast %broadcast_in_dim3A_1718 : i32 to vector<16xi32>
        %gather3A_1720 = tpu.vector_load_idx %arg13[%add3A_1688, %broadcast_in_dim3A_1719] : memref<64x17xf32, #tpu.memory_space<vmem>>[vector<16xi32>, vector<16xi32>], vector<16xf32>,
        %broadcast_in_dim3A_1721 = arith.constant 11 : i32
        %broadcast_in_dim3A_1722 = vector.broadcast %broadcast_in_dim3A_1721 : i32 to vector<16xi32>
        %gather3A_1723 = tpu.vector_load_idx %arg13[%add3A_1688, %broadcast_in_dim3A_1722] : memref<64x17xf32, #tpu.memory_space<vmem>>[vector<16xi32>, vector<16xi32>], vector<16xf32>,
        %broadcast_in_dim3A_1724 = arith.constant 12 : i32
        %broadcast_in_dim3A_1725 = vector.broadcast %broadcast_in_dim3A_1724 : i32 to vector<16xi32>
        %gather3A_1726 = tpu.vector_load_idx %arg13[%add3A_1688, %broadcast_in_dim3A_1725] : memref<64x17xf32, #tpu.memory_space<vmem>>[vector<16xi32>, vector<16xi32>], vector<16xf32>,
        %broadcast_in_dim3A_1727 = arith.constant 13 : i32
        %broadcast_in_dim3A_1728 = vector.broadcast %broadcast_in_dim3A_1727 : i32 to vector<16xi32>
        %gather3A_1729 = tpu.vector_load_idx %arg13[%add3A_1688, %broadcast_in_dim3A_1728] : memref<64x17xf32, #tpu.memory_space<vmem>>[vector<16xi32>, vector<16xi32>], vector<16xf32>,
        %broadcast_in_dim3A_1730 = arith.constant 14 : i32
        %broadcast_in_dim3A_1731 = vector.broadcast %broadcast_in_dim3A_1730 : i32 to vector<16xi32>
        %gather3A_1732 = tpu.vector_load_idx %arg13[%add3A_1688, %broadcast_in_dim3A_1731] : memref<64x17xf32, #tpu.memory_space<vmem>>[vector<16xi32>, vector<16xi32>], vector<16xf32>,
        %broadcast_in_dim3A_1733 = arith.constant 15 : i32
        %broadcast_in_dim3A_1734 = vector.broadcast %broadcast_in_dim3A_1733 : i32 to vector<16xi32>
        %gather3A_1735 = tpu.vector_load_idx %arg13[%add3A_1688, %broadcast_in_dim3A_1734] : memref<64x17xf32, #tpu.memory_space<vmem>>[vector<16xi32>, vector<16xi32>], vector<16xf32>,
        %add3A_1736 = arith.addf %gather3A, %gather3A_1693 : vector<16xf32>
        %add3A_1737 = arith.addf %gather3A_1696, %gather3A_1699 : vector<16xf32>
        %add3A_1738 = arith.addf %gather3A_1702, %gather3A_1705 : vector<16xf32>
        %add3A_1739 = arith.addf %gather3A_1708, %gather3A_1711 : vector<16xf32>
        %add3A_1740 = arith.addf %gather3A_1714, %gather3A_1717 : vector<16xf32>
        %add3A_1741 = arith.addf %gather3A_1720, %gather3A_1723 : vector<16xf32>
        %add3A_1742 = arith.addf %gather3A_1726, %gather3A_1729 : vector<16xf32>
        %add3A_1743 = arith.addf %gather3A_1732, %gather3A_1735 : vector<16xf32>
        %add3A_1744 = arith.addf %add3A_1736, %add3A_1737 : vector<16xf32>
        %add3A_1745 = arith.addf %add3A_1738, %add3A_1739 : vector<16xf32>
        %add3A_1746 = arith.addf %add3A_1740, %add3A_1741 : vector<16xf32>
        %add3A_1747 = arith.addf %add3A_1742, %add3A_1743 : vector<16xf32>
        %add3A_1748 = arith.addf %add3A_1744, %add3A_1745 : vector<16xf32>
        %add3A_1749 = arith.addf %add3A_1746, %add3A_1747 : vector<16xf32>
        %add3A_1750 = arith.addf %add3A_1748, %add3A_1749 : vector<16xf32>
        %mul3A_1751 = arith.constant 64 : i32
        %mul3A_1752 = arith.muli %add3A_60, %mul3A_1751 : i32
        %mul3A_1753 = arith.constant 16 : i32
        %mul3A_1754 = arith.muli %scan3A_88, %mul3A_1753 : i32
        %add3A_1755 = arith.addi %mul3A_1752, %mul3A_1754 : i32
        %swap3A_1756 = arith.index_cast %add3A_1755 : i32 to index
        %swap3A_1757 = tpu.vector_load %arg12[%swap3A_1756] {strides = array<i32>} : memref<5120xf32, #tpu.memory_space<vmem>>, vector<16xf32>,
        tpu.vector_store %arg12[%swap3A_1756], %add3A_1750 {strides = array<i32>} : memref<5120xf32, #tpu.memory_space<vmem>>, vector<16xf32>,
      }
      %scan3A_87 = arith.constant 4 : i32
    }
    %scan3A_22 = arith.constant 40 : i32
    %scan3A_23 = arith.constant 0 : i32
    %scan3A_24 = arith.constant 0 : i32
    %scan3A_25 = arith.constant 160 : i32
    %scan3A_26 = arith.addi %scan3A_24, %scan3A_25 : i32
    %scan3A_27 = arith.constant 1 : i32
    scf.for %scan3A_31 = %scan3A_24 to %scan3A_26 step %scan3A_27  : i32 {
      %mul3A_32 = arith.constant 2 : i32
      %mul3A_33 = arith.muli %scan3A_31, %mul3A_32 : i32
      %add3A_34 = arith.constant 0 : i32
      %add3A_35 = arith.addi %mul3A_33, %add3A_34 : i32
      %mul3A_36 = arith.constant 16 : i32
      %mul3A_37 = arith.muli %add3A_35, %mul3A_36 : i32
      %get3A = arith.index_cast %mul3A_37 : i32 to index
      %get3A_38 = tpu.vector_load %arg12[%get3A] {strides = array<i32>} : memref<5120xf32, #tpu.memory_space<vmem>>, vector<16xf32>,
      %neg3A = arith.constant 0.000000e+00 : f32
      %neg3A_39 = vector.broadcast %neg3A : f32 to vector<16xf32>
      %neg3A_40 = arith.subf %neg3A_39, %get3A_38 : vector<16xf32>
      %exp3A = math.exp %neg3A_40 : vector<16xf32>
      %add3A_41 = arith.constant 1.000000e+00 : f32
      %add3A_42 = vector.broadcast %add3A_41 : f32 to vector<16xf32>
      %add3A_43 = arith.addf %add3A_42, %exp3A : vector<16xf32>
      %div3A = arith.constant 1.000000e+00 : f32
      %div3A_44 = vector.broadcast %div3A : f32 to vector<16xf32>
      %div3A_45 = arith.divf %div3A_44, %add3A_43 : vector<16xf32>
      %swap3A = arith.index_cast %mul3A_37 : i32 to index
      %swap3A_46 = tpu.vector_load %arg12[%swap3A] {strides = array<i32>} : memref<5120xf32, #tpu.memory_space<vmem>>, vector<16xf32>,
      tpu.vector_store %arg12[%swap3A], %div3A_45 {strides = array<i32>} : memref<5120xf32, #tpu.memory_space<vmem>>, vector<16xf32>,
      %mul3A_47 = arith.constant 2 : i32
      %mul3A_48 = arith.muli %scan3A_31, %mul3A_47 : i32
      %add3A_49 = arith.constant 1 : i32
      %add3A_50 = arith.addi %mul3A_48, %add3A_49 : i32
      %mul3A_51 = arith.constant 16 : i32
      %mul3A_52 = arith.muli %add3A_50, %mul3A_51 : i32
      %get3A_53 = arith.index_cast %mul3A_52 : i32 to index
      %get3A_54 = tpu.vector_load %arg12[%get3A_53] {strides = array<i32>} : memref<5120xf32, #tpu.memory_space<vmem>>, vector<16xf32>,
      %neg3A_55 = arith.constant 0.000000e+00 : f32
      %neg3A_56 = vector.broadcast %neg3A_55 : f32 to vector<16xf32>
      %neg3A_57 = arith.subf %neg3A_56, %get3A_54 : vector<16xf32>
      %exp3A_58 = math.exp %neg3A_57 : vector<16xf32>
      %add3A_59 = arith.constant 1.000000e+00 : f32
      %add3A_60 = vector.broadcast %add3A_59 : f32 to vector<16xf32>
      %add3A_61 = arith.addf %add3A_60, %exp3A_58 : vector<16xf32>
      %div3A_62 = arith.constant 1.000000e+00 : f32
      %div3A_63 = vector.broadcast %div3A_62 : f32 to vector<16xf32>
      %div3A_64 = arith.divf %div3A_63, %add3A_61 : vector<16xf32>
      %swap3A_65 = arith.index_cast %mul3A_52 : i32 to index
      %swap3A_66 = tpu.vector_load %arg12[%swap3A_65] {strides = array<i32>} : memref<5120xf32, #tpu.memory_space<vmem>>, vector<16xf32>,
      tpu.vector_store %arg12[%swap3A_65], %div3A_64 {strides = array<i32>} : memref<5120xf32, #tpu.memory_space<vmem>>, vector<16xf32>,
    }
    %scan3A_28 = arith.constant 160 : i32
    %mul3A_29 = arith.constant 5120 : i32
    %mul3A_30 = arith.muli %add3A, %mul3A_29 : i32
    "tpu.region"() ({
      %run_scoped3A = tpu.sem_alloc : memref<!tpu.dma_semaphore, #tpu.memory_space<semaphore_mem>>
      %dma_start3A_31 = tpu.memref_slice %arg5[%mul3A_30] : memref<163840xf32, #tpu.memory_space<hbm>> -> memref<5120xf32, #tpu.memory_space<hbm>>
      %dma_start3A_32 = tpu.memref_slice %arg5[%mul3A_30] : memref<163840xf32, #tpu.memory_space<hbm>> -> memref<5120xf32, #tpu.memory_space<hbm>>
      tpu.enqueue_dma source(%arg12 : memref<5120xf32, #tpu.memory_space<vmem>>) target(%dma_start3A_32 : memref<5120xf32, #tpu.memory_space<hbm>>) target_semaphore(%run_scoped3A : memref<!tpu.dma_semaphore, #tpu.memory_space<semaphore_mem>>)
      %dma_wait3A = tpu.memref_slice %arg5[%mul3A_30] : memref<163840xf32, #tpu.memory_space<hbm>> -> memref<5120xf32, #tpu.memory_space<hbm>>
      %dma_wait3A_33 = tpu.memref_slice %arg5[%mul3A_30] : memref<163840xf32, #tpu.memory_space<hbm>> -> memref<5120xf32, #tpu.memory_space<hbm>>
      tpu.wait_dma2 semaphore(%run_scoped3A : memref<!tpu.dma_semaphore, #tpu.memory_space<semaphore_mem>>) src(%arg12 : memref<5120xf32, #tpu.memory_space<vmem>>) dst(%dma_wait3A_33 : memref<5120xf32, #tpu.memory_space<hbm>>)
      tpu.yield
    }) : () -> ()
    return
  }
}

</mosaic_0001>

<sc_bundles>
// kernel: kernel.3.cloned.1.call-start
scs
__scs_entry_jumppad:
0x0: {  	(pc) =	sbr.rel $0x88, $3  }
0x1: {  	(tag) =	ssettag $0x0;
	lr =	simm.s32 $0x1  }
0x2: {  	[smem:$0x3F9F] =	sst lr;
	_ =	strace $0xD0000000  }
0x3: {  	_ = 	snop  }
0x4: {  	_ = 	snop  }
0x5: {  	_ = 	snop  }
0x6: {  	_ = 	snop  }
0x7: {  	_ = 	snop  }
__scs_overlays_trampoline_lowered:
0x8: {  	[smem:$0x3FAE] =	sst s0  }
0x9: {  	[smem:$0x3FAF] =	sst s1  }
0xa: {  	[smem:$0x3FB0] =	sst s2  }
0xb: {  	[smem:$0x3FB1] =	sst s3  }
0xc: {  	[smem:$0x3FB2] =	sst s4  }
0xd: {  	[smem:$0x3FB3] =	sst s5  }
0xe: {  	[smem:$0x3FB4] =	sst s6  }
0xf: {  	[smem:$0x3FB5] =	sst s7  }
0x10: {  	[smem:$0x3FB6] =	sst s8  }
0x11: {  	[smem:$0x3FB7] =	sst s9;
	s0 =	simm.s32 @!p0 $0x0  }
0x12: {  	s1 =	sld [smem:$0x3F9D];
	s0 =	simm.s32 @p0 $0x1  }
0x13: {  	[smem:$0x3FB8] =	sst s0;
	s0 =	simm.s32 @!p1 $0x0  }
0x14: {  	s2 =	sld [smem:$0x3F9C];
	s0 =	simm.s32 @p1 $0x1  }
0x15: {  	[smem:$0x3FB9] =	sst s0;
	s0 =	simm.s32 @!p2 $0x0  }
0x16: {  	s3 =	sld [smem:$0x3FDB];
	s0 =	simm.s32 @p2 $0x1  }
0x17: {  	s4 =	simm.s32 $0x1BF5;
	[smem:$0x3FBB] =	sst s0  }
0x18: {  	s0 =	sld [smem:$0x3F9E];
	_ =	swait.ge [sflag:s4], $0x0  }
0x19: {  	s7 =	sld [smem:$0x3F9F]  }
0x1a: {  	s8 =	sadd.s32 $0xFFFFE003, lr  }
0x1b: {  	s9 =	sadd.s32 $0xFFFFFEF7, lr;
	s5 =	simm.s32 $0xFFFFFFFF;
	p2 =	slt.u32 s8, $0xFFFFF086  }
0x1c: {  	p1 =	slt.u32 s9, $0xF7A;
	s5 =	simm.s32 @!p2 $0x0  }
0x1d: {  	s5 =	simm.s32 @p1 $0x1;
	p0 =	seq.s32 s7, s2  }
0x1e: {  	s7 =	smul.u32 @!p0 $0xF7A, s2;
	p2 =	seq.s32 @!p0 s5, $0x0  }
0x1f: {  	s9 =	smul.u32 $0xF7A, s1;
	s8 =	simm.s32 @!p0 $0x1BF5;
	p2 =	por !p2, p0  }
0x20: {  	[sflag:s8] =	ssyncset.s32 @!p0 $0xFFFFF086;
	s6 =	sadd.s32 @!p0 s3, s7;
	s7 =	simm.s32 @!p0 $0x108  }
0x21: {  	s3 =	sadd.s32 s3, s9;
	s6 =	sadd.s32 @!p0 $0x88, s6;
	s7 =	simm.s32 @p2 $0x1082  }
0x22: {  	[simem:s7], [sflag:s8] =	dma.local @!p0 [hbm:s6], $0xF7A  }
0x23: {  	s9 =	sor.u32 $0xD0000000, s2;
	s6 =	simm.s32 $0x108;
	_ =	swait.ge @!p0 [sflag:s8], $0x0  }
0x24: {  	s3 =	sadd.s32 $0x88, s3;
	s6 =	simm.s32 @!p1 $0x1082;
	[sflag:s4] =	ssyncset.s32 $0xFFFFF086  }
0x25: {  	[simem:s6], [sflag:s4] =	dma.local [hbm:s3], $0xF7A  }
0x26: {  	[smem:$0x3F9F] =	sst s1;
	(tag) =	ssettag s2;
	_ =	strace s9  }
0x27: {  	s1 =	sld [smem:$0x3FAF]  }
0x28: {  	s2 =	sld [smem:$0x3FB0]  }
0x29: {  	s4 =	sld [smem:$0x3FB2]  }
0x2a: {  	p0 =	seq.s32 s5, $0x0;
	s5 =	sld [smem:$0x3FB3]  }
0x2b: {  	s6 =	sld [smem:$0x3FB4]  }
0x2c: {  	s7 =	sld [smem:$0x3FB5]  }
0x2d: {  	s3 =	simm.s32 $0x108;
	s8 =	sld [smem:$0x3FB6]  }
0x2e: {  	s3 =	simm.s32 @!p0 $0x1082;
	s9 =	sld [smem:$0x3FB7]  }
0x2f: {  	lr =	sadd.s32 s0, s3;
	s0 =	sld [smem:$0x3FAE]  }
0x30: {  	s3 =	sld [smem:$0x3FB1]  }
0x31: {  	[smem:$0x3FBA] =	sst s10  }
0x32: {  	s10 =	sld [smem:$0x3FB8];
	_ =	sdelay $0x3  }
0x33: {  	p0 =	seq.s32 s10, $0x1;
	s10 =	sld [smem:$0x3FBA];
	_ =	sdelay $0x3  }
0x34: {  	[smem:$0x3FBA] =	sst s10  }
0x35: {  	s10 =	sld [smem:$0x3FB9];
	_ =	sdelay $0x3  }
0x36: {  	p1 =	seq.s32 s10, $0x1;
	s10 =	sld [smem:$0x3FBA];
	_ =	sdelay $0x3  }
0x37: {  	[smem:$0x3FBA] =	sst s10  }
0x38: {  	s10 =	sld [smem:$0x3FBB]  }
0x39: {  	_ = 	snop;
	(pc) =	sbr.ind lr, $3  }
0x3a: {  	_ = 	snop  }
0x3b: {  	_ = 	snop  }
0x3c: {  	p2 =	seq.s32 s10, $0x1;
	s10 =	sld [smem:$0x3FBA]  }
0x3d: {  	_ =	shalt  }
0x3e: {  	_ =	shalt  }
0x3f: {  	_ =	shalt  }
0x40: {  	_ =	shalt  }
0x41: {  	_ =	shalt  }
0x42: {  	_ =	shalt  }
0x43: {  	_ =	shalt  }
0x44: {  	_ =	shalt  }
0x45: {  	_ =	shalt  }
0x46: {  	_ =	shalt  }
0x47: {  	_ =	shalt  }
0x48: {  	_ =	shalt  }
0x49: {  	_ =	shalt  }
0x4a: {  	_ =	shalt  }
0x4b: {  	_ =	shalt  }
0x4c: {  	_ =	shalt  }
0x4d: {  	_ =	shalt  }
0x4e: {  	_ =	shalt  }
0x4f: {  	_ =	shalt  }
0x50: {  	_ =	shalt  }
0x51: {  	_ =	shalt  }
0x52: {  	_ =	shalt  }
0x53: {  	_ =	shalt  }
0x54: {  	_ =	shalt  }
0x55: {  	_ =	shalt  }
0x56: {  	_ =	shalt  }
0x57: {  	_ =	shalt  }
0x58: {  	_ =	shalt  }
0x59: {  	_ =	shalt  }
0x5a: {  	_ =	shalt  }
0x5b: {  	_ =	shalt  }
0x5c: {  	_ =	shalt  }
0x5d: {  	_ =	shalt  }
0x5e: {  	_ =	shalt  }
0x5f: {  	_ =	shalt  }
0x60: {  	_ =	shalt  }
0x61: {  	_ =	shalt  }
0x62: {  	_ =	shalt  }
0x63: {  	_ =	shalt  }
0x64: {  	_ =	shalt  }
0x65: {  	_ =	shalt  }
0x66: {  	_ =	shalt  }
0x67: {  	_ =	shalt  }
0x68: {  	_ =	shalt  }
0x69: {  	_ =	shalt  }
0x6a: {  	_ =	shalt  }
0x6b: {  	_ =	shalt  }
0x6c: {  	_ =	shalt  }
0x6d: {  	_ =	shalt  }
0x6e: {  	_ =	shalt  }
0x6f: {  	_ =	shalt  }
0x70: {  	_ =	shalt  }
0x71: {  	_ =	shalt  }
0x72: {  	_ =	shalt  }
0x73: {  	_ =	shalt  }
0x74: {  	_ =	shalt  }
0x75: {  	_ =	shalt  }
0x76: {  	_ =	shalt  }
0x77: {  	_ =	shalt  }
0x78: {  	_ =	shalt  }
0x79: {  	_ =	shalt  }
0x7a: {  	_ =	shalt  }
0x7b: {  	_ =	shalt  }
0x7c: {  	_ =	shalt  }
0x7d: {  	_ =	shalt  }
0x7e: {  	_ =	shalt  }
0x7f: {  	_ =	shalt  }
0x80: {  	_ =	shalt  }
0x81: {  	_ =	shalt  }
0x82: {  	_ =	shalt  }
0x83: {  	_ =	shalt  }
0x84: {  	_ =	shalt  }
0x85: {  	_ =	shalt  }
0x86: {  	_ =	shalt  }
0x87: {  	_ =	shalt  }
.Lfunc_end0:
.L_simem_size_0:
called_computation_lowered:
.L_overlay_start_0:
0x88: {  	s2 =	sld [smem:$0x3FD9]  }
0x89: {  	s3 =	sld [smem:$0x3FFE];
	_ =	sdelay $0x1  }
0x8a: {  	s1 =	srdreg.scid  }
0x8b: {  	s0 =	sand.u32 $0x1, s1  }
0x8c: {  	s16 =	sshll.u32 s0, $0xA;
	s2 =	sadd.s32 s3, s2  }
0x8d: {  	s2 =	sadd.s32 s2, s16  }
0x8e: {  	[smem:$0x3FC6] =	sst s2  }
0x8f: {  	_ = 	snop  }
0x90: {  	(tm) =	ssettm $0x1  }
0x91: {  	s17 =	sld [smem:$0x3FFB];
	_ =	sdelay $0x3  }
0x92: {  	_ =	strace s17  }
0x93: {  	s2 =	sld [smem:$0x3FFC];
	_ =	sdelay $0x3  }
0x94: {  	_ =	strace s2  }
0x95: {  	s2 =	sld [smem:$0x3FFD];
	_ =	sdelay $0x3  }
0x96: {  	_ =	strace s2  }
0x97: {  	_ =	strace $0x8FFFFFFF  }
0x98: {  	s18 =	sld [smem:$0x3FDB];
	_ =	sdelay $0x1  }
0x99: {  	s19 =	simm.s32 $_scs_section_size  }
0x9a: {  	s4 =	simm.s32 $_size__tile_overlayer_lowered;
	s5 =	simm.s32 $_tile_overlayer_lowered  }
0x9b: {  	s22 =	simm.s32 $0x1BFF;
	s21 =	sshll.u32 s5, $0x1;
	s2 =	sadd.s32 s19, s18  }
0x9c: {  	s6 =	simm.s32 $0x0;
	s20 =	sshll.u32 s4, $0x1;
	s4 =	sadd.s32 s21, s2  }
0x9d: {  	[timem:s6], [sflag:s22] =	dma.local [hbm:s4], s20  }
0x9e: {  	_ =	swait.ge [sflag:s22], s20  }
0x9f: {  	s3 =	ssub.s32 $0x0, s20;
	[sflag:s22] =	ssyncset.done $0x0  }
0xa0: {  	[sflag:s22] =	ssyncadd.s32 s3;
	_ =	sdelay $0x1  }
0xa1: {  	s23 =	simm.s32 $0x1B8B  }
0xa2: {  	_ =	swait.ge [sflag:s23], $0x1  }
0xa3: {  	[sflag:s23] =	ssyncset.done $0x0  }
0xa4: {  	s25 =	simm.s32 $0x1B8E;
	s24 =	sld [smem:$0x3FFE];
	[sflag:s23] =	ssyncadd.s32 $0xFFFFFFFF  }
0xa5: {  	s26 =	simm.s32 $execute0_lowered;
	[smem:$0x3FD2] =	sst s25  }
0xa6: {  	s4 =	sshll.u32 s26, $0x1;
	_ =	strace $0x80000046;
	[dreg:$0x1] =	wrdreg $0xFFFFFFFF  }
0xa7: {  	s28 =	simm.s32 $_size_execute0_lowered;
	s2 =	sadd.s32 s2, s4;
	[dreg:$0x0] =	wrdreg $0x0  }
0xa8: {  	s4 =	sshll.u32 s28, $0x1;
	[dreg:$0x2] =	wrdreg s2  }
0xa9: {  	[dreg:$0x3] =	wrdreg s4  }
0xaa: {  	[dreg:$0x4] =	wrdreg $0xC0  }
0xab: {  	_ =	task [dreg:s6], $0x5FFFF  }
0xac: {  	[dreg:$0x1] =	wrdreg $0xFFFFFFFF  }
0xad: {  	[dreg:$0x0] =	wrdreg $0x60  }
0xae: {  	[dreg:$0x2] =	wrdreg s24  }
0xaf: {  	[dreg:$0x3] =	wrdreg $0xC2000  }
0xb0: {  	[dreg:$0x4] =	wrdreg $0x9  }
0xb1: {  	_ =	task.clear_ibuf [dreg:s6], $0x5FFFF;
	_ =	strace $0x90000046  }
0xb2: {  	s29 =	simm.s32 $0x9;
	_ =	strace $0x80000048  }
0xb3: {  	_ =	swait.ge [sflag:s29], $0x1  }
0xb4: {  	[sflag:s29] =	ssyncadd.s32 $0xFFFFFFFF  }
0xb5: {  	_ =	strace $0x90000048  }
0xb6: {  	_ =	sfence  }
0xb7: {  	s30 =	sld [smem:$0x0];
	_ =	sdelay $0x2  }
0xb8: {  	s31 =	sshll.u32 s1, $0xD;
	s1 =	sshrl.u32 s1, $0x2  }
0xb9: {  	s3 =	sand.u32 $0x4000, s31;
	s1 =	sadd.s32 s1, s30  }
0xba: {  	s0 =	sor.u32 s3, s0;
	s1 =	sshll.u32 s1, $0x11  }
0xbb: {  	s0 =	sor.u32 s1, s0  }
0xbc: {  	s0 =	sadd.s32 $0x8F2B, s0  }
0xbd: {  	[sflag:s0] =	ssyncadd.remote.s32 $0x1  }
0xbe: {  	_ =	sfence.sel $0xFFFF  }
0xbf: {  	[dreg:$0x0] =	wrdreg $0xFFFFFFFF;
	(pc) =	sbr.abs _section_cstart, $3  }
0xc0: {  	[dreg:$0x1] =	wrdreg $0xFFFFFFFF  }
0xc1: {  	_ =	task.clear_ibuf [dreg:s6], $0x2FFFF;
	_ =	strace $0x9FFFFFFF  }
0xc2: {  	(tm) =	ssettm $0x7FFFFFFF  }
0xc3: {  	_ =	shalt  }
tec
execute0_lowered:
.L_overlay_start_1:
0x0: {  	(tag) =	ssettag $0x1  }
0x1: {  	s1 =	srdreg.scid;
	s4 =	rddreg [dreg:$0x0]  }
0x2: {  	s0 =	stileid.u32;
	s2 =	rddreg [dreg:$0x1]  }
0x3: {  	s3 =	simm.s32 $0x0;
	s11 =	simm.s32 $0x3;
	s12 =	simm.s32 $0x1400  }
0x4: {  	s13 =	simm.s32 $0x40;
	s14 =	simm.s32 $0x2800;
	s15 =	simm.s32 $0x6800  }
0x5: {  	s16 =	simm.s32 $0x4800;
	s17 =	simm.s32 $0x8800;
	s18 =	simm.s32 $0x1  }
0x6: {  	s19 =	simm.s32 $0xBC00;
	s20 =	simm.s32 $0x2;
	s21 =	simm.s32 $0xA800  }
0x7: {  	v0 =	vlaneseq.u32;
	s22 =	simm.s32 $0x0;
	s5 =	sand.u32 $0x1, s1;
	s1 =	rddreg [dreg:$0x2]  }
0x8: {  	s26 =	sshll.u32 s0, $0x1;
	[smem:$0x7FF] =	sst s3;
	s7 =	smul.u32 $0x27100, s0;
	v0 =	vmul.u32 $0x18, v0  }
0x9: {  	s31 =	sshll.u32 s0, $0x6;
	s6 =	sor.u32 s5, s26;
	s5 =	ssub.s32 $0x2, s5  }
0xa: {  	_ =	strace $0x80000047;
	s6 =	smul.u32 $0x280, s6;
	s28 =	sshrl.u32 s5, $0x1;
	v1 =	vor.u32 $0x1, v0;
	v2 =	vor.u32 $0x2, v0;
	v3 =	vor.u32 $0x3, v0  }
0xb: {  	s29 =	sshrl.u32 s7, $0x1;
	s30 =	sshrl.u32 s7, $0x4;
	v4 =	vor.u32 $0x4, v0;
	v5 =	vor.u32 $0x5, v0;
	v6 =	vor.u32 $0x6, v0;
	s9 =	ssub.s32 s5, s28  }
0xc: {  	v7 =	vor.u32 $0x7, v0;
	v8 =	vadd.s32 $0x8, v0;
	v9 =	vadd.s32 $0x9, v0;
	s10 =	sadd.s32 s29, s2;
	s5 =	sor.u32 $0x1C03, s31;
	s8 =	sadd.s32 s6, s4  }
0xd: {  	v10 =	vadd.s32 $0xA, v0;
	v11 =	vadd.s32 $0xB, v0;
	v12 =	vadd.s32 $0xC, v0;
	s4 =	sadd.s32 s4, s30;
	s9 =	smax.u32 s9, $0x1;
	s10 =	sshrl.u32 s10, $0x3  }
0xe: {  	v13 =	vadd.s32 $0xD, v0;
	v14 =	vadd.s32 $0xE, v0;
	v15 =	vadd.s32 $0xF, v0;
	s6 =	sadd.s32 $0x27200, s8;
	s7 =	sadd.s32 $0x2C200, s8;
	s8 =	sadd.s32 $0x31200, s8  }
.LBB2_1:
0xf: {  	[spmem:s10], [sflag:s5] =	dma.local [hbm:s4], $0x2710  }
0x10: {  	_ =	swait.ge [sflag:s11], $0x2710  }
0x11: {  	[sflag:s11] =	ssyncset.done $0x0  }
0x12: {  	[sflag:s11] =	ssyncadd.s32 $0xFFFFD8F0  }
0x13: {  	[tilespmem:s3], [sflag:$0x3] =	stream.linear.gather [hbm4b:s6+s3], $0x1400, $0x38;
	[tilespmem:$0x1FA80] =	vst v63  }
0x14: {  	_ =	swait.ge [sflag:s11], $0x1400  }
0x15: {  	[sflag:s11] =	ssyncset.done $0x0  }
0x16: {  	[sflag:s11] =	ssyncadd.s32 $0xFFFFEC00  }
0x17: {  	[tilespmem:s12], [sflag:$0x3] =	stream.linear.gather [hbm4b:s7+s3], $0x1400, $0x38;
	[tilespmem:$0x1FA80] =	vst v63  }
0x18: {  	_ =	swait.ge [sflag:s11], $0x1400  }
0x19: {  	[sflag:s11] =	ssyncset.done $0x0  }
0x1a: {  	[sflag:s11] =	ssyncadd.s32 $0xFFFFEC00  }
0x1b: {  	[bflag:$0x0] =	sbarrier.arrive $0xFFFF  }
0x1c: {  	[tilespmem:s14], [sflag:$0x1] =	stream.indirect.gather [spmem:s2], $0x80, s3, s13, $0xb8;
	[tilespmem:$0x1FA80] =	vst v63  }
0x1d: {  	s23 =	simm.s32 $0x0  }
0x1e: {  	[tilespmem:s15], [sflag:$0x1] =	stream.indirect.gather [spmem:s2], $0x80, s12, s13, $0xb8;
	[tilespmem:$0x1FA80] =	vst v63  }
.LBB2_2:
0x1f: {  	s24 =	sshllo.u32 s23, $0x1  }
0x20: {  	s24 =	sshll.u32 s24, $0x6  }
0x21: {  	[tilespmem:s16], [sflag:$0x2] =	stream.indirect.gather [spmem:s2], $0x80, s24, s13, $0xb8;
	[tilespmem:$0x1FA80] =	vst v63  }
0x22: {  	s25 =	sadd.s32 $0x1400, s24  }
0x23: {  	[tilespmem:s17], [sflag:$0x2] =	stream.indirect.gather [spmem:s2], $0x80, s25, s13, $0xb8;
	[tilespmem:$0x1FA80] =	vst v63  }
0x24: {  	_ =	swait.ge [sflag:s18], $0x2000  }
0x25: {  	[sflag:s18] =	ssyncset.done $0x0  }
0x26: {  	s31 =	sshll.u32 s23, $0x7;
	[sflag:s18] =	ssyncadd.s32 $0xFFFFE000  }
0x27: {  	s25 =	sand.u32 $0x3FFFFF80, s31;
	_ =	swait.ge [sflag:s18], $0x2000  }
0x28: {  	s26 =	sadd.s32 $0xA800, s25;
	[sflag:s18] =	ssyncset.done $0x0  }
0x29: {  	s25 =	simm.s32 $0x0;
	v16 =	vmov s26;
	[sflag:s18] =	ssyncadd.s32 $0xFFFFE000  }
.LBB2_3:
0x2a: {  	s26 =	sshll.u32 s25, $0xB  }
0x2b: {  	s26 =	sand.u32 $0x7FFFF800, s26  }
0x2c: {  	v17 =	vld [tilespmem:s26+$0x2800]  }
0x2d: {  	v18 =	vld [tilespmem:s26+$0x6800]  }
0x2e: {  	v19 =	vld [tilespmem:s26+$0x2810]  }
0x2f: {  	v20 =	vld [tilespmem:s26+$0x6810]  }
0x30: {  	v21 =	vld [tilespmem:s26+$0x2820]  }
0x31: {  	v22 =	vld [tilespmem:s26+$0x6820]  }
0x32: {  	v23 =	vld [tilespmem:s26+$0x6830];
	v17 =	vmul.bf16 v18, v17  }
0x33: {  	v18 =	vld [tilespmem:s26+$0x2830]  }
0x34: {  	v55 =	vld [tilespmem:s26+$0x2840];
	v19 =	vmul.bf16 v20, v19;
	v24 =	vunpack.i.u.bf16.f32 v17;
	v17 =	vunpack.i.l.bf16.f32 v17  }
0x35: {  	v25 =	vld [tilespmem:s26+$0x6840];
	v17 =	vadd.f32 $0.0e+00, v17;
	v24 =	vadd.f32 $0.0e+00, v24  }
0x36: {  	v56 =	vld [tilespmem:s26+$0x2850];
	v21 =	vmul.bf16 v22, v21;
	v26 =	vunpack.i.u.bf16.f32 v19;
	v19 =	vunpack.i.l.bf16.f32 v19  }
0x37: {  	v57 =	vld [tilespmem:s26+$0x6850];
	v17 =	vadd.f32 v19, v17;
	v19 =	vadd.f32 v26, v24  }
0x38: {  	v59 =	vld [tilespmem:s26+$0x2860];
	v58 =	vunpack.i.u.bf16.f32 v21;
	v21 =	vunpack.i.l.bf16.f32 v21;
	v18 =	vmul.bf16 v23, v18  }
0x39: {  	v60 =	vld [tilespmem:s26+$0x6860];
	v17 =	vadd.f32 v21, v17;
	v19 =	vadd.f32 v58, v19  }
0x3a: {  	v62 =	vld [tilespmem:s26+$0x2870];
	v20 =	vmul.bf16 v25, v55;
	v61 =	vunpack.i.u.bf16.f32 v18;
	v18 =	vunpack.i.l.bf16.f32 v18  }
0x3b: {  	v17 =	vadd.f32 v18, v17;
	v18 =	vadd.f32 v61, v19;
	v19 =	vld [tilespmem:s26+$0x6870]  }
0x3c: {  	v22 =	vmul.bf16 v57, v56;
	v63 =	vunpack.i.u.bf16.f32 v20;
	v20 =	vunpack.i.l.bf16.f32 v20  }
0x3d: {  	v17 =	vadd.f32 v20, v17;
	v18 =	vadd.f32 v63, v18  }
0x3e: {  	v26 =	vunpack.i.u.bf16.f32 v22;
	v22 =	vunpack.i.l.bf16.f32 v22;
	v21 =	vmul.bf16 v60, v59  }
0x3f: {  	v17 =	vadd.f32 v22, v17;
	v18 =	vadd.f32 v26, v18  }
0x40: {  	v27 =	vunpack.i.u.bf16.f32 v21;
	v21 =	vunpack.i.l.bf16.f32 v21;
	v19 =	vmul.bf16 v19, v62  }
0x41: {  	v17 =	vadd.f32 v21, v17;
	v18 =	vadd.f32 v27, v18  }
0x42: {  	v28 =	vunpack.i.u.bf16.f32 v19;
	v19 =	vunpack.i.l.bf16.f32 v19  }
0x43: {  	v17 =	vadd.f32 v19, v17;
	v18 =	vadd.f32 v28, v18  }
0x44: {  	s28 =	smul.u32 $0x600, s25;
	s26 =	sshll.u32 s25, $0x4  }
0x45: {  	s29 =	sor.u32 $0x1, s26;
	v17 =	vadd.f32 v17, v18  }
0x46: {  	s28 =	sshra.s32 s28, $0x2;
	s30 =	sshll.u32 s29, $0x7  }
0x47: {  	s31 =	sand.u32 $0x7FFFF880, s30;
	[tilespmem:s28+$0xBC00] =	vst v17  }
0x48: {  	v17 =	vld [tilespmem:s31+$0x2800]  }
0x49: {  	v18 =	vld [tilespmem:s31+$0x6800]  }
0x4a: {  	v19 =	vld [tilespmem:s31+$0x2810]  }
0x4b: {  	v29 =	vld [tilespmem:s31+$0x6810]  }
0x4c: {  	v30 =	vld [tilespmem:s31+$0x2820]  }
0x4d: {  	v31 =	vld [tilespmem:s31+$0x6820]  }
0x4e: {  	v32 =	vld [tilespmem:s31+$0x6830];
	v17 =	vmul.bf16 v18, v17  }
0x4f: {  	v18 =	vld [tilespmem:s31+$0x2830]  }
0x50: {  	v34 =	vld [tilespmem:s31+$0x2840];
	v19 =	vmul.bf16 v29, v19;
	v33 =	vunpack.i.u.bf16.f32 v17;
	v17 =	vunpack.i.l.bf16.f32 v17  }
0x51: {  	v35 =	vld [tilespmem:s31+$0x6840];
	v17 =	vadd.f32 $0.0e+00, v17;
	v24 =	vadd.f32 $0.0e+00, v33  }
0x52: {  	v37 =	vld [tilespmem:s31+$0x2850];
	v21 =	vmul.bf16 v31, v30;
	v36 =	vunpack.i.u.bf16.f32 v19;
	v19 =	vunpack.i.l.bf16.f32 v19  }
0x53: {  	v38 =	vld [tilespmem:s31+$0x6850];
	v17 =	vadd.f32 v19, v17;
	v19 =	vadd.f32 v36, v24  }
0x54: {  	v40 =	vld [tilespmem:s31+$0x2860];
	v39 =	vunpack.i.u.bf16.f32 v21;
	v21 =	vunpack.i.l.bf16.f32 v21;
	v18 =	vmul.bf16 v32, v18  }
0x55: {  	v41 =	vld [tilespmem:s31+$0x6860];
	v17 =	vadd.f32 v21, v17;
	v19 =	vadd.f32 v39, v19  }
0x56: {  	v43 =	vld [tilespmem:s31+$0x2870];
	v20 =	vmul.bf16 v35, v34;
	v42 =	vunpack.i.u.bf16.f32 v18;
	v18 =	vunpack.i.l.bf16.f32 v18  }
0x57: {  	v17 =	vadd.f32 v18, v17;
	v18 =	vadd.f32 v42, v19;
	v19 =	vld [tilespmem:s31+$0x6870]  }
0x58: {  	v22 =	vmul.bf16 v38, v37;
	v44 =	vunpack.i.u.bf16.f32 v20;
	v20 =	vunpack.i.l.bf16.f32 v20  }
0x59: {  	v17 =	vadd.f32 v20, v17;
	v18 =	vadd.f32 v44, v18  }
0x5a: {  	v45 =	vunpack.i.u.bf16.f32 v22;
	v22 =	vunpack.i.l.bf16.f32 v22;
	v21 =	vmul.bf16 v41, v40  }
0x5b: {  	v17 =	vadd.f32 v22, v17;
	v18 =	vadd.f32 v45, v18  }
0x5c: {  	v46 =	vunpack.i.u.bf16.f32 v21;
	v21 =	vunpack.i.l.bf16.f32 v21;
	v19 =	vmul.bf16 v19, v43  }
0x5d: {  	v17 =	vadd.f32 v21, v17;
	v18 =	vadd.f32 v46, v18  }
0x5e: {  	v47 =	vunpack.i.u.bf16.f32 v19;
	v19 =	vunpack.i.l.bf16.f32 v19  }
0x5f: {  	v17 =	vadd.f32 v19, v17;
	v18 =	vadd.f32 v47, v18  }
0x60: {  	s30 =	smul.u32 $0x60, s29  }
0x61: {  	s29 =	sor.u32 $0x2, s26;
	v17 =	vadd.f32 v17, v18  }
0x62: {  	s28 =	sshra.s32 s30, $0x2;
	s31 =	sshll.u32 s29, $0x7  }
0x63: {  	s31 =	sand.u32 $0x7FFFF900, s31;
	[tilespmem:s28+$0xBC00] =	vst v17  }
0x64: {  	v17 =	vld [tilespmem:s31+$0x2800]  }
0x65: {  	v18 =	vld [tilespmem:s31+$0x6800]  }
0x66: {  	v19 =	vld [tilespmem:s31+$0x2810]  }
0x67: {  	v48 =	vld [tilespmem:s31+$0x6810]  }
0x68: {  	v49 =	vld [tilespmem:s31+$0x2820]  }
0x69: {  	v50 =	vld [tilespmem:s31+$0x6820]  }
0x6a: {  	v51 =	vld [tilespmem:s31+$0x6830];
	v17 =	vmul.bf16 v18, v17  }
0x6b: {  	v18 =	vld [tilespmem:s31+$0x2830]  }
0x6c: {  	v53 =	vld [tilespmem:s31+$0x2840];
	v19 =	vmul.bf16 v48, v19;
	v52 =	vunpack.i.u.bf16.f32 v17;
	v17 =	vunpack.i.l.bf16.f32 v17  }
0x6d: {  	v54 =	vld [tilespmem:s31+$0x6840];
	v17 =	vadd.f32 $0.0e+00, v17;
	v24 =	vadd.f32 $0.0e+00, v52  }
0x6e: {  	v56 =	vld [tilespmem:s31+$0x2850];
	v21 =	vmul.bf16 v50, v49;
	v55 =	vunpack.i.u.bf16.f32 v19;
	v19 =	vunpack.i.l.bf16.f32 v19  }
0x6f: {  	v57 =	vld [tilespmem:s31+$0x6850];
	v17 =	vadd.f32 v19, v17;
	v19 =	vadd.f32 v55, v24  }
0x70: {  	v59 =	vld [tilespmem:s31+$0x2860];
	v58 =	vunpack.i.u.bf16.f32 v21;
	v21 =	vunpack.i.l.bf16.f32 v21;
	v18 =	vmul.bf16 v51, v18  }
0x71: {  	v60 =	vld [tilespmem:s31+$0x6860];
	v17 =	vadd.f32 v21, v17;
	v19 =	vadd.f32 v58, v19  }
0x72: {  	v62 =	vld [tilespmem:s31+$0x2870];
	v20 =	vmul.bf16 v54, v53;
	v61 =	vunpack.i.u.bf16.f32 v18;
	v18 =	vunpack.i.l.bf16.f32 v18  }
0x73: {  	v17 =	vadd.f32 v18, v17;
	v18 =	vadd.f32 v61, v19;
	v19 =	vld [tilespmem:s31+$0x6870]  }
0x74: {  	v22 =	vmul.bf16 v57, v56;
	v63 =	vunpack.i.u.bf16.f32 v20;
	v20 =	vunpack.i.l.bf16.f32 v20  }
0x75: {  	v17 =	vadd.f32 v20, v17;
	v18 =	vadd.f32 v63, v18  }
0x76: {  	v26 =	vunpack.i.u.bf16.f32 v22;
	v22 =	vunpack.i.l.bf16.f32 v22;
	v21 =	vmul.bf16 v60, v59  }
0x77: {  	v17 =	vadd.f32 v22, v17;
	v18 =	vadd.f32 v26, v18  }
0x78: {  	v27 =	vunpack.i.u.bf16.f32 v21;
	v21 =	vunpack.i.l.bf16.f32 v21;
	v19 =	vmul.bf16 v19, v62  }
0x79: {  	v17 =	vadd.f32 v21, v17;
	v18 =	vadd.f32 v27, v18  }
0x7a: {  	v28 =	vunpack.i.u.bf16.f32 v19;
	v19 =	vunpack.i.l.bf16.f32 v19  }
0x7b: {  	v17 =	vadd.f32 v19, v17;
	v18 =	vadd.f32 v28, v18  }
0x7c: {  	s30 =	smul.u32 $0x60, s29  }
0x7d: {  	s29 =	sor.u32 $0x3, s26;
	v17 =	vadd.f32 v17, v18  }
0x7e: {  	s28 =	sshra.s32 s30, $0x2;
	s31 =	sshll.u32 s29, $0x7  }
0x7f: {  	s31 =	sand.u32 $0x7FFFF980, s31;
	[tilespmem:s28+$0xBC00] =	vst v17  }
0x80: {  	v17 =	vld [tilespmem:s31+$0x2800]  }
0x81: {  	v18 =	vld [tilespmem:s31+$0x6800]  }
0x82: {  	v19 =	vld [tilespmem:s31+$0x2810]  }
0x83: {  	v29 =	vld [tilespmem:s31+$0x6810]  }
0x84: {  	v30 =	vld [tilespmem:s31+$0x2820]  }
0x85: {  	v31 =	vld [tilespmem:s31+$0x6820]  }
0x86: {  	v32 =	vld [tilespmem:s31+$0x6830];
	v17 =	vmul.bf16 v18, v17  }
0x87: {  	v18 =	vld [tilespmem:s31+$0x2830]  }
0x88: {  	v34 =	vld [tilespmem:s31+$0x2840];
	v19 =	vmul.bf16 v29, v19;
	v33 =	vunpack.i.u.bf16.f32 v17;
	v17 =	vunpack.i.l.bf16.f32 v17  }
0x89: {  	v35 =	vld [tilespmem:s31+$0x6840];
	v17 =	vadd.f32 $0.0e+00, v17;
	v24 =	vadd.f32 $0.0e+00, v33  }
0x8a: {  	v37 =	vld [tilespmem:s31+$0x2850];
	v21 =	vmul.bf16 v31, v30;
	v36 =	vunpack.i.u.bf16.f32 v19;
	v19 =	vunpack.i.l.bf16.f32 v19  }
0x8b: {  	v38 =	vld [tilespmem:s31+$0x6850];
	v17 =	vadd.f32 v19, v17;
	v19 =	vadd.f32 v36, v24  }
0x8c: {  	v40 =	vld [tilespmem:s31+$0x2860];
	v39 =	vunpack.i.u.bf16.f32 v21;
	v21 =	vunpack.i.l.bf16.f32 v21;
	v18 =	vmul.bf16 v32, v18  }
0x8d: {  	v41 =	vld [tilespmem:s31+$0x6860];
	v17 =	vadd.f32 v21, v17;
	v19 =	vadd.f32 v39, v19  }
0x8e: {  	v43 =	vld [tilespmem:s31+$0x2870];
	v20 =	vmul.bf16 v35, v34;
	v42 =	vunpack.i.u.bf16.f32 v18;
	v18 =	vunpack.i.l.bf16.f32 v18  }
0x8f: {  	v17 =	vadd.f32 v18, v17;
	v18 =	vadd.f32 v42, v19;
	v19 =	vld [tilespmem:s31+$0x6870]  }
0x90: {  	v22 =	vmul.bf16 v38, v37;
	v44 =	vunpack.i.u.bf16.f32 v20;
	v20 =	vunpack.i.l.bf16.f32 v20  }
0x91: {  	v17 =	vadd.f32 v20, v17;
	v18 =	vadd.f32 v44, v18  }
0x92: {  	v45 =	vunpack.i.u.bf16.f32 v22;
	v22 =	vunpack.i.l.bf16.f32 v22;
	v21 =	vmul.bf16 v41, v40  }
0x93: {  	v17 =	vadd.f32 v22, v17;
	v18 =	vadd.f32 v45, v18  }
0x94: {  	v46 =	vunpack.i.u.bf16.f32 v21;
	v21 =	vunpack.i.l.bf16.f32 v21;
	v19 =	vmul.bf16 v19, v43  }
0x95: {  	v17 =	vadd.f32 v21, v17;
	v18 =	vadd.f32 v46, v18  }
0x96: {  	v47 =	vunpack.i.u.bf16.f32 v19;
	v19 =	vunpack.i.l.bf16.f32 v19  }
0x97: {  	v17 =	vadd.f32 v19, v17;
	v18 =	vadd.f32 v47, v18  }
0x98: {  	s30 =	smul.u32 $0x60, s29  }
0x99: {  	s29 =	sor.u32 $0x4, s26;
	v17 =	vadd.f32 v17, v18  }
0x9a: {  	s28 =	sshra.s32 s30, $0x2;
	s31 =	sshll.u32 s29, $0x7  }
0x9b: {  	s31 =	sand.u32 $0x7FFFFA00, s31;
	[tilespmem:s28+$0xBC00] =	vst v17  }
0x9c: {  	v17 =	vld [tilespmem:s31+$0x2800]  }
0x9d: {  	v18 =	vld [tilespmem:s31+$0x6800]  }
0x9e: {  	v19 =	vld [tilespmem:s31+$0x2810]  }
0x9f: {  	v48 =	vld [tilespmem:s31+$0x6810]  }
0xa0: {  	v49 =	vld [tilespmem:s31+$0x2820]  }
0xa1: {  	v50 =	vld [tilespmem:s31+$0x6820]  }
0xa2: {  	v51 =	vld [tilespmem:s31+$0x6830];
	v17 =	vmul.bf16 v18, v17  }
0xa3: {  	v18 =	vld [tilespmem:s31+$0x2830]  }
0xa4: {  	v53 =	vld [tilespmem:s31+$0x2840];
	v19 =	vmul.bf16 v48, v19;
	v52 =	vunpack.i.u.bf16.f32 v17;
	v17 =	vunpack.i.l.bf16.f32 v17  }
0xa5: {  	v54 =	vld [tilespmem:s31+$0x6840];
	v17 =	vadd.f32 $0.0e+00, v17;
	v24 =	vadd.f32 $0.0e+00, v52  }
0xa6: {  	v56 =	vld [tilespmem:s31+$0x2850];
	v21 =	vmul.bf16 v50, v49;
	v55 =	vunpack.i.u.bf16.f32 v19;
	v19 =	vunpack.i.l.bf16.f32 v19  }
0xa7: {  	v57 =	vld [tilespmem:s31+$0x6850];
	v17 =	vadd.f32 v19, v17;
	v19 =	vadd.f32 v55, v24  }
0xa8: {  	v59 =	vld [tilespmem:s31+$0x2860];
	v58 =	vunpack.i.u.bf16.f32 v21;
	v21 =	vunpack.i.l.bf16.f32 v21;
	v18 =	vmul.bf16 v51, v18  }
0xa9: {  	v60 =	vld [tilespmem:s31+$0x6860];
	v17 =	vadd.f32 v21, v17;
	v19 =	vadd.f32 v58, v19  }
0xaa: {  	v62 =	vld [tilespmem:s31+$0x2870];
	v20 =	vmul.bf16 v54, v53;
	v61 =	vunpack.i.u.bf16.f32 v18;
	v18 =	vunpack.i.l.bf16.f32 v18  }
0xab: {  	v17 =	vadd.f32 v18, v17;
	v18 =	vadd.f32 v61, v19;
	v19 =	vld [tilespmem:s31+$0x6870]  }
0xac: {  	v22 =	vmul.bf16 v57, v56;
	v63 =	vunpack.i.u.bf16.f32 v20;
	v20 =	vunpack.i.l.bf16.f32 v20  }
0xad: {  	v17 =	vadd.f32 v20, v17;
	v18 =	vadd.f32 v63, v18  }
0xae: {  	v26 =	vunpack.i.u.bf16.f32 v22;
	v22 =	vunpack.i.l.bf16.f32 v22;
	v21 =	vmul.bf16 v60, v59  }
0xaf: {  	v17 =	vadd.f32 v22, v17;
	v18 =	vadd.f32 v26, v18  }
0xb0: {  	v27 =	vunpack.i.u.bf16.f32 v21;
	v21 =	vunpack.i.l.bf16.f32 v21;
	v19 =	vmul.bf16 v19, v62  }
0xb1: {  	v17 =	vadd.f32 v21, v17;
	v18 =	vadd.f32 v27, v18  }
0xb2: {  	v28 =	vunpack.i.u.bf16.f32 v19;
	v19 =	vunpack.i.l.bf16.f32 v19  }
0xb3: {  	v17 =	vadd.f32 v19, v17;
	v18 =	vadd.f32 v28, v18  }
0xb4: {  	s30 =	smul.u32 $0x60, s29  }
0xb5: {  	s29 =	sor.u32 $0x5, s26;
	v17 =	vadd.f32 v17, v18  }
0xb6: {  	s28 =	sshra.s32 s30, $0x2;
	s31 =	sshll.u32 s29, $0x7  }
0xb7: {  	s31 =	sand.u32 $0x7FFFFA80, s31;
	[tilespmem:s28+$0xBC00] =	vst v17  }
0xb8: {  	v17 =	vld [tilespmem:s31+$0x2800]  }
0xb9: {  	v18 =	vld [tilespmem:s31+$0x6800]  }
0xba: {  	v19 =	vld [tilespmem:s31+$0x2810]  }
0xbb: {  	v29 =	vld [tilespmem:s31+$0x6810]  }
0xbc: {  	v30 =	vld [tilespmem:s31+$0x2820]  }
0xbd: {  	v31 =	vld [tilespmem:s31+$0x6820]  }
0xbe: {  	v32 =	vld [tilespmem:s31+$0x6830];
	v17 =	vmul.bf16 v18, v17  }
0xbf: {  	v18 =	vld [tilespmem:s31+$0x2830]  }
0xc0: {  	v34 =	vld [tilespmem:s31+$0x2840];
	v19 =	vmul.bf16 v29, v19;
	v33 =	vunpack.i.u.bf16.f32 v17;
	v17 =	vunpack.i.l.bf16.f32 v17  }
0xc1: {  	v35 =	vld [tilespmem:s31+$0x6840];
	v17 =	vadd.f32 $0.0e+00, v17;
	v24 =	vadd.f32 $0.0e+00, v33  }
0xc2: {  	v37 =	vld [tilespmem:s31+$0x2850];
	v21 =	vmul.bf16 v31, v30;
	v36 =	vunpack.i.u.bf16.f32 v19;
	v19 =	vunpack.i.l.bf16.f32 v19  }
0xc3: {  	v38 =	vld [tilespmem:s31+$0x6850];
	v17 =	vadd.f32 v19, v17;
	v19 =	vadd.f32 v36, v24  }
0xc4: {  	v40 =	vld [tilespmem:s31+$0x2860];
	v39 =	vunpack.i.u.bf16.f32 v21;
	v21 =	vunpack.i.l.bf16.f32 v21;
	v18 =	vmul.bf16 v32, v18  }
0xc5: {  	v41 =	vld [tilespmem:s31+$0x6860];
	v17 =	vadd.f32 v21, v17;
	v19 =	vadd.f32 v39, v19  }
0xc6: {  	v43 =	vld [tilespmem:s31+$0x2870];
	v20 =	vmul.bf16 v35, v34;
	v42 =	vunpack.i.u.bf16.f32 v18;
	v18 =	vunpack.i.l.bf16.f32 v18  }
0xc7: {  	v17 =	vadd.f32 v18, v17;
	v18 =	vadd.f32 v42, v19;
	v19 =	vld [tilespmem:s31+$0x6870]  }
0xc8: {  	v22 =	vmul.bf16 v38, v37;
	v44 =	vunpack.i.u.bf16.f32 v20;
	v20 =	vunpack.i.l.bf16.f32 v20  }
0xc9: {  	v17 =	vadd.f32 v20, v17;
	v18 =	vadd.f32 v44, v18  }
0xca: {  	v45 =	vunpack.i.u.bf16.f32 v22;
	v22 =	vunpack.i.l.bf16.f32 v22;
	v21 =	vmul.bf16 v41, v40  }
0xcb: {  	v17 =	vadd.f32 v22, v17;
	v18 =	vadd.f32 v45, v18  }
0xcc: {  	v46 =	vunpack.i.u.bf16.f32 v21;
	v21 =	vunpack.i.l.bf16.f32 v21;
	v19 =	vmul.bf16 v19, v43  }
0xcd: {  	v17 =	vadd.f32 v21, v17;
	v18 =	vadd.f32 v46, v18  }
0xce: {  	v47 =	vunpack.i.u.bf16.f32 v19;
	v19 =	vunpack.i.l.bf16.f32 v19  }
0xcf: {  	v17 =	vadd.f32 v19, v17;
	v18 =	vadd.f32 v47, v18  }
0xd0: {  	s30 =	smul.u32 $0x60, s29  }
0xd1: {  	s29 =	sor.u32 $0x6, s26;
	v17 =	vadd.f32 v17, v18  }
0xd2: {  	s28 =	sshra.s32 s30, $0x2;
	s31 =	sshll.u32 s29, $0x7  }
0xd3: {  	s31 =	sand.u32 $0x7FFFFB00, s31;
	[tilespmem:s28+$0xBC00] =	vst v17  }
0xd4: {  	v17 =	vld [tilespmem:s31+$0x2800]  }
0xd5: {  	v18 =	vld [tilespmem:s31+$0x6800]  }
0xd6: {  	v19 =	vld [tilespmem:s31+$0x2810]  }
0xd7: {  	v48 =	vld [tilespmem:s31+$0x6810]  }
0xd8: {  	v49 =	vld [tilespmem:s31+$0x2820]  }
0xd9: {  	v50 =	vld [tilespmem:s31+$0x6820]  }
0xda: {  	v51 =	vld [tilespmem:s31+$0x6830];
	v17 =	vmul.bf16 v18, v17  }
0xdb: {  	v18 =	vld [tilespmem:s31+$0x2830]  }
0xdc: {  	v53 =	vld [tilespmem:s31+$0x2840];
	v19 =	vmul.bf16 v48, v19;
	v52 =	vunpack.i.u.bf16.f32 v17;
	v17 =	vunpack.i.l.bf16.f32 v17  }
0xdd: {  	v54 =	vld [tilespmem:s31+$0x6840];
	v17 =	vadd.f32 $0.0e+00, v17;
	v24 =	vadd.f32 $0.0e+00, v52  }
0xde: {  	v56 =	vld [tilespmem:s31+$0x2850];
	v21 =	vmul.bf16 v50, v49;
	v55 =	vunpack.i.u.bf16.f32 v19;
	v19 =	vunpack.i.l.bf16.f32 v19  }
0xdf: {  	v57 =	vld [tilespmem:s31+$0x6850];
	v17 =	vadd.f32 v19, v17;
	v19 =	vadd.f32 v55, v24  }
0xe0: {  	v59 =	vld [tilespmem:s31+$0x2860];
	v58 =	vunpack.i.u.bf16.f32 v21;
	v21 =	vunpack.i.l.bf16.f32 v21;
	v18 =	vmul.bf16 v51, v18  }
0xe1: {  	v60 =	vld [tilespmem:s31+$0x6860];
	v17 =	vadd.f32 v21, v17;
	v19 =	vadd.f32 v58, v19  }
0xe2: {  	v62 =	vld [tilespmem:s31+$0x2870];
	v20 =	vmul.bf16 v54, v53;
	v61 =	vunpack.i.u.bf16.f32 v18;
	v18 =	vunpack.i.l.bf16.f32 v18  }
0xe3: {  	v17 =	vadd.f32 v18, v17;
	v18 =	vadd.f32 v61, v19;
	v19 =	vld [tilespmem:s31+$0x6870]  }
0xe4: {  	v22 =	vmul.bf16 v57, v56;
	v63 =	vunpack.i.u.bf16.f32 v20;
	v20 =	vunpack.i.l.bf16.f32 v20  }
0xe5: {  	v17 =	vadd.f32 v20, v17;
	v18 =	vadd.f32 v63, v18  }
0xe6: {  	v26 =	vunpack.i.u.bf16.f32 v22;
	v22 =	vunpack.i.l.bf16.f32 v22;
	v21 =	vmul.bf16 v60, v59  }
0xe7: {  	v17 =	vadd.f32 v22, v17;
	v18 =	vadd.f32 v26, v18  }
0xe8: {  	v27 =	vunpack.i.u.bf16.f32 v21;
	v21 =	vunpack.i.l.bf16.f32 v21;
	v19 =	vmul.bf16 v19, v62  }
0xe9: {  	v17 =	vadd.f32 v21, v17;
	v18 =	vadd.f32 v27, v18  }
0xea: {  	v28 =	vunpack.i.u.bf16.f32 v19;
	v19 =	vunpack.i.l.bf16.f32 v19  }
0xeb: {  	v17 =	vadd.f32 v19, v17;
	v18 =	vadd.f32 v28, v18  }
0xec: {  	s30 =	smul.u32 $0x60, s29  }
0xed: {  	s29 =	sor.u32 $0x7, s26;
	v17 =	vadd.f32 v17, v18  }
0xee: {  	s28 =	sshra.s32 s30, $0x2;
	s31 =	sshll.u32 s29, $0x7  }
0xef: {  	s31 =	sand.u32 $0x7FFFFB80, s31;
	[tilespmem:s28+$0xBC00] =	vst v17  }
0xf0: {  	v17 =	vld [tilespmem:s31+$0x2800]  }
0xf1: {  	v18 =	vld [tilespmem:s31+$0x6800]  }
0xf2: {  	v19 =	vld [tilespmem:s31+$0x2810]  }
0xf3: {  	v29 =	vld [tilespmem:s31+$0x6810]  }
0xf4: {  	v30 =	vld [tilespmem:s31+$0x2820]  }
0xf5: {  	v31 =	vld [tilespmem:s31+$0x6820]  }
0xf6: {  	v32 =	vld [tilespmem:s31+$0x6830];
	v17 =	vmul.bf16 v18, v17  }
0xf7: {  	v18 =	vld [tilespmem:s31+$0x2830]  }
0xf8: {  	v34 =	vld [tilespmem:s31+$0x2840];
	v19 =	vmul.bf16 v29, v19;
	v33 =	vunpack.i.u.bf16.f32 v17;
	v17 =	vunpack.i.l.bf16.f32 v17  }
0xf9: {  	v35 =	vld [tilespmem:s31+$0x6840];
	v17 =	vadd.f32 $0.0e+00, v17;
	v24 =	vadd.f32 $0.0e+00, v33  }
0xfa: {  	v37 =	vld [tilespmem:s31+$0x2850];
	v21 =	vmul.bf16 v31, v30;
	v36 =	vunpack.i.u.bf16.f32 v19;
	v19 =	vunpack.i.l.bf16.f32 v19  }
0xfb: {  	v38 =	vld [tilespmem:s31+$0x6850];
	v17 =	vadd.f32 v19, v17;
	v19 =	vadd.f32 v36, v24  }
0xfc: {  	v40 =	vld [tilespmem:s31+$0x2860];
	v39 =	vunpack.i.u.bf16.f32 v21;
	v21 =	vunpack.i.l.bf16.f32 v21;
	v18 =	vmul.bf16 v32, v18  }
0xfd: {  	v41 =	vld [tilespmem:s31+$0x6860];
	v17 =	vadd.f32 v21, v17;
	v19 =	vadd.f32 v39, v19  }
0xfe: {  	v43 =	vld [tilespmem:s31+$0x2870];
	v20 =	vmul.bf16 v35, v34;
	v42 =	vunpack.i.u.bf16.f32 v18;
	v18 =	vunpack.i.l.bf16.f32 v18  }
0xff: {  	v17 =	vadd.f32 v18, v17;
	v18 =	vadd.f32 v42, v19;
	v19 =	vld [tilespmem:s31+$0x6870]  }
0x100: {  	v22 =	vmul.bf16 v38, v37;
	v44 =	vunpack.i.u.bf16.f32 v20;
	v20 =	vunpack.i.l.bf16.f32 v20  }
0x101: {  	v17 =	vadd.f32 v20, v17;
	v18 =	vadd.f32 v44, v18  }
0x102: {  	v45 =	vunpack.i.u.bf16.f32 v22;
	v22 =	vunpack.i.l.bf16.f32 v22;
	v21 =	vmul.bf16 v41, v40  }
0x103: {  	v17 =	vadd.f32 v22, v17;
	v18 =	vadd.f32 v45, v18  }
0x104: {  	v46 =	vunpack.i.u.bf16.f32 v21;
	v21 =	vunpack.i.l.bf16.f32 v21;
	v19 =	vmul.bf16 v19, v43  }
0x105: {  	v17 =	vadd.f32 v21, v17;
	v18 =	vadd.f32 v46, v18  }
0x106: {  	v47 =	vunpack.i.u.bf16.f32 v19;
	v19 =	vunpack.i.l.bf16.f32 v19  }
0x107: {  	v17 =	vadd.f32 v19, v17;
	v18 =	vadd.f32 v47, v18  }
0x108: {  	s30 =	smul.u32 $0x60, s29  }
0x109: {  	s29 =	sor.u32 $0x8, s26;
	v17 =	vadd.f32 v17, v18  }
0x10a: {  	s28 =	sshra.s32 s30, $0x2;
	s31 =	sshll.u32 s29, $0x7  }
0x10b: {  	s31 =	sand.u32 $0x7FFFFC00, s31;
	[tilespmem:s28+$0xBC00] =	vst v17  }
0x10c: {  	v17 =	vld [tilespmem:s31+$0x2800]  }
0x10d: {  	v18 =	vld [tilespmem:s31+$0x6800]  }
0x10e: {  	v19 =	vld [tilespmem:s31+$0x2810]  }
0x10f: {  	v48 =	vld [tilespmem:s31+$0x6810]  }
0x110: {  	v49 =	vld [tilespmem:s31+$0x2820]  }
0x111: {  	v50 =	vld [tilespmem:s31+$0x6820]  }
0x112: {  	v51 =	vld [tilespmem:s31+$0x6830];
	v17 =	vmul.bf16 v18, v17  }
0x113: {  	v18 =	vld [tilespmem:s31+$0x2830]  }
0x114: {  	v53 =	vld [tilespmem:s31+$0x2840];
	v19 =	vmul.bf16 v48, v19;
	v52 =	vunpack.i.u.bf16.f32 v17;
	v17 =	vunpack.i.l.bf16.f32 v17  }
0x115: {  	v54 =	vld [tilespmem:s31+$0x6840];
	v17 =	vadd.f32 $0.0e+00, v17;
	v24 =	vadd.f32 $0.0e+00, v52  }
0x116: {  	v56 =	vld [tilespmem:s31+$0x2850];
	v21 =	vmul.bf16 v50, v49;
	v55 =	vunpack.i.u.bf16.f32 v19;
	v19 =	vunpack.i.l.bf16.f32 v19  }
0x117: {  	v57 =	vld [tilespmem:s31+$0x6850];
	v17 =	vadd.f32 v19, v17;
	v19 =	vadd.f32 v55, v24  }
0x118: {  	v59 =	vld [tilespmem:s31+$0x2860];
	v58 =	vunpack.i.u.bf16.f32 v21;
	v21 =	vunpack.i.l.bf16.f32 v21;
	v18 =	vmul.bf16 v51, v18  }
0x119: {  	v60 =	vld [tilespmem:s31+$0x6860];
	v17 =	vadd.f32 v21, v17;
	v19 =	vadd.f32 v58, v19  }
0x11a: {  	v62 =	vld [tilespmem:s31+$0x2870];
	v20 =	vmul.bf16 v54, v53;
	v61 =	vunpack.i.u.bf16.f32 v18;
	v18 =	vunpack.i.l.bf16.f32 v18  }
0x11b: {  	v17 =	vadd.f32 v18, v17;
	v18 =	vadd.f32 v61, v19;
	v19 =	vld [tilespmem:s31+$0x6870]  }
0x11c: {  	v22 =	vmul.bf16 v57, v56;
	v63 =	vunpack.i.u.bf16.f32 v20;
	v20 =	vunpack.i.l.bf16.f32 v20  }
0x11d: {  	v17 =	vadd.f32 v20, v17;
	v18 =	vadd.f32 v63, v18  }
0x11e: {  	v26 =	vunpack.i.u.bf16.f32 v22;
	v22 =	vunpack.i.l.bf16.f32 v22;
	v21 =	vmul.bf16 v60, v59  }
0x11f: {  	v17 =	vadd.f32 v22, v17;
	v18 =	vadd.f32 v26, v18  }
0x120: {  	v27 =	vunpack.i.u.bf16.f32 v21;
	v21 =	vunpack.i.l.bf16.f32 v21;
	v19 =	vmul.bf16 v19, v62  }
0x121: {  	v17 =	vadd.f32 v21, v17;
	v18 =	vadd.f32 v27, v18  }
0x122: {  	v28 =	vunpack.i.u.bf16.f32 v19;
	v19 =	vunpack.i.l.bf16.f32 v19  }
0x123: {  	v17 =	vadd.f32 v19, v17;
	v18 =	vadd.f32 v28, v18  }
0x124: {  	s30 =	smul.u32 $0x60, s29  }
0x125: {  	s29 =	sor.u32 $0x9, s26;
	v17 =	vadd.f32 v17, v18  }
0x126: {  	s28 =	sshra.s32 s30, $0x2;
	s31 =	sshll.u32 s29, $0x7  }
0x127: {  	s31 =	sand.u32 $0x7FFFFC80, s31;
	[tilespmem:s28+$0xBC00] =	vst v17  }
0x128: {  	v17 =	vld [tilespmem:s31+$0x2800]  }
0x129: {  	v18 =	vld [tilespmem:s31+$0x6800]  }
0x12a: {  	v19 =	vld [tilespmem:s31+$0x2810]  }
0x12b: {  	v29 =	vld [tilespmem:s31+$0x6810]  }
0x12c: {  	v30 =	vld [tilespmem:s31+$0x2820]  }
0x12d: {  	v31 =	vld [tilespmem:s31+$0x6820]  }
0x12e: {  	v32 =	vld [tilespmem:s31+$0x6830];
	v17 =	vmul.bf16 v18, v17  }
0x12f: {  	v18 =	vld [tilespmem:s31+$0x2830]  }
0x130: {  	v34 =	vld [tilespmem:s31+$0x2840];
	v19 =	vmul.bf16 v29, v19;
	v33 =	vunpack.i.u.bf16.f32 v17;
	v17 =	vunpack.i.l.bf16.f32 v17  }
0x131: {  	v35 =	vld [tilespmem:s31+$0x6840];
	v17 =	vadd.f32 $0.0e+00, v17;
	v24 =	vadd.f32 $0.0e+00, v33  }
0x132: {  	v37 =	vld [tilespmem:s31+$0x2850];
	v21 =	vmul.bf16 v31, v30;
	v36 =	vunpack.i.u.bf16.f32 v19;
	v19 =	vunpack.i.l.bf16.f32 v19  }
0x133: {  	v38 =	vld [tilespmem:s31+$0x6850];
	v17 =	vadd.f32 v19, v17;
	v19 =	vadd.f32 v36, v24  }
0x134: {  	v40 =	vld [tilespmem:s31+$0x2860];
	v39 =	vunpack.i.u.bf16.f32 v21;
	v21 =	vunpack.i.l.bf16.f32 v21;
	v18 =	vmul.bf16 v32, v18  }
0x135: {  	v41 =	vld [tilespmem:s31+$0x6860];
	v17 =	vadd.f32 v21, v17;
	v19 =	vadd.f32 v39, v19  }
0x136: {  	v43 =	vld [tilespmem:s31+$0x2870];
	v20 =	vmul.bf16 v35, v34;
	v42 =	vunpack.i.u.bf16.f32 v18;
	v18 =	vunpack.i.l.bf16.f32 v18  }
0x137: {  	v17 =	vadd.f32 v18, v17;
	v18 =	vadd.f32 v42, v19;
	v19 =	vld [tilespmem:s31+$0x6870]  }
0x138: {  	v22 =	vmul.bf16 v38, v37;
	v44 =	vunpack.i.u.bf16.f32 v20;
	v20 =	vunpack.i.l.bf16.f32 v20  }
0x139: {  	v17 =	vadd.f32 v20, v17;
	v18 =	vadd.f32 v44, v18  }
0x13a: {  	v45 =	vunpack.i.u.bf16.f32 v22;
	v22 =	vunpack.i.l.bf16.f32 v22;
	v21 =	vmul.bf16 v41, v40  }
0x13b: {  	v17 =	vadd.f32 v22, v17;
	v18 =	vadd.f32 v45, v18  }
0x13c: {  	v46 =	vunpack.i.u.bf16.f32 v21;
	v21 =	vunpack.i.l.bf16.f32 v21;
	v19 =	vmul.bf16 v19, v43  }
0x13d: {  	v17 =	vadd.f32 v21, v17;
	v18 =	vadd.f32 v46, v18  }
0x13e: {  	v47 =	vunpack.i.u.bf16.f32 v19;
	v19 =	vunpack.i.l.bf16.f32 v19  }
0x13f: {  	v17 =	vadd.f32 v19, v17;
	v18 =	vadd.f32 v47, v18  }
0x140: {  	s30 =	smul.u32 $0x60, s29  }
0x141: {  	s29 =	sor.u32 $0xA, s26;
	v17 =	vadd.f32 v17, v18  }
0x142: {  	s28 =	sshra.s32 s30, $0x2;
	s31 =	sshll.u32 s29, $0x7  }
0x143: {  	s31 =	sand.u32 $0x7FFFFD00, s31;
	[tilespmem:s28+$0xBC00] =	vst v17  }
0x144: {  	v17 =	vld [tilespmem:s31+$0x2800]  }
0x145: {  	v18 =	vld [tilespmem:s31+$0x6800]  }
0x146: {  	v19 =	vld [tilespmem:s31+$0x2810]  }
0x147: {  	v48 =	vld [tilespmem:s31+$0x6810]  }
0x148: {  	v49 =	vld [tilespmem:s31+$0x2820]  }
0x149: {  	v50 =	vld [tilespmem:s31+$0x6820]  }
0x14a: {  	v51 =	vld [tilespmem:s31+$0x6830];
	v17 =	vmul.bf16 v18, v17  }
0x14b: {  	v18 =	vld [tilespmem:s31+$0x2830]  }
0x14c: {  	v53 =	vld [tilespmem:s31+$0x2840];
	v19 =	vmul.bf16 v48, v19;
	v52 =	vunpack.i.u.bf16.f32 v17;
	v17 =	vunpack.i.l.bf16.f32 v17  }
0x14d: {  	v54 =	vld [tilespmem:s31+$0x6840];
	v17 =	vadd.f32 $0.0e+00, v17;
	v24 =	vadd.f32 $0.0e+00, v52  }
0x14e: {  	v56 =	vld [tilespmem:s31+$0x2850];
	v21 =	vmul.bf16 v50, v49;
	v55 =	vunpack.i.u.bf16.f32 v19;
	v19 =	vunpack.i.l.bf16.f32 v19  }
0x14f: {  	v57 =	vld [tilespmem:s31+$0x6850];
	v17 =	vadd.f32 v19, v17;
	v19 =	vadd.f32 v55, v24  }
0x150: {  	v59 =	vld [tilespmem:s31+$0x2860];
	v58 =	vunpack.i.u.bf16.f32 v21;
	v21 =	vunpack.i.l.bf16.f32 v21;
	v18 =	vmul.bf16 v51, v18  }
0x151: {  	v60 =	vld [tilespmem:s31+$0x6860];
	v17 =	vadd.f32 v21, v17;
	v19 =	vadd.f32 v58, v19  }
0x152: {  	v62 =	vld [tilespmem:s31+$0x2870];
	v20 =	vmul.bf16 v54, v53;
	v61 =	vunpack.i.u.bf16.f32 v18;
	v18 =	vunpack.i.l.bf16.f32 v18  }
0x153: {  	v17 =	vadd.f32 v18, v17;
	v18 =	vadd.f32 v61, v19;
	v19 =	vld [tilespmem:s31+$0x6870]  }
0x154: {  	v22 =	vmul.bf16 v57, v56;
	v63 =	vunpack.i.u.bf16.f32 v20;
	v20 =	vunpack.i.l.bf16.f32 v20  }
0x155: {  	v17 =	vadd.f32 v20, v17;
	v18 =	vadd.f32 v63, v18  }
0x156: {  	v26 =	vunpack.i.u.bf16.f32 v22;
	v22 =	vunpack.i.l.bf16.f32 v22;
	v21 =	vmul.bf16 v60, v59  }
0x157: {  	v17 =	vadd.f32 v22, v17;
	v18 =	vadd.f32 v26, v18  }
0x158: {  	v27 =	vunpack.i.u.bf16.f32 v21;
	v21 =	vunpack.i.l.bf16.f32 v21;
	v19 =	vmul.bf16 v19, v62  }
0x159: {  	v17 =	vadd.f32 v21, v17;
	v18 =	vadd.f32 v27, v18  }
0x15a: {  	v28 =	vunpack.i.u.bf16.f32 v19;
	v19 =	vunpack.i.l.bf16.f32 v19  }
0x15b: {  	v17 =	vadd.f32 v19, v17;
	v18 =	vadd.f32 v28, v18  }
0x15c: {  	s30 =	smul.u32 $0x60, s29  }
0x15d: {  	s29 =	sor.u32 $0xB, s26;
	v17 =	vadd.f32 v17, v18  }
0x15e: {  	s28 =	sshra.s32 s30, $0x2;
	s31 =	sshll.u32 s29, $0x7  }
0x15f: {  	s31 =	sand.u32 $0x7FFFFD80, s31;
	[tilespmem:s28+$0xBC00] =	vst v17  }
0x160: {  	v17 =	vld [tilespmem:s31+$0x2800]  }
0x161: {  	v18 =	vld [tilespmem:s31+$0x6800]  }
0x162: {  	v19 =	vld [tilespmem:s31+$0x2810]  }
0x163: {  	v29 =	vld [tilespmem:s31+$0x6810]  }
0x164: {  	v30 =	vld [tilespmem:s31+$0x2820]  }
0x165: {  	v31 =	vld [tilespmem:s31+$0x6820]  }
0x166: {  	v32 =	vld [tilespmem:s31+$0x6830];
	v17 =	vmul.bf16 v18, v17  }
0x167: {  	v18 =	vld [tilespmem:s31+$0x2830]  }
0x168: {  	v34 =	vld [tilespmem:s31+$0x2840];
	v19 =	vmul.bf16 v29, v19;
	v33 =	vunpack.i.u.bf16.f32 v17;
	v17 =	vunpack.i.l.bf16.f32 v17  }
0x169: {  	v35 =	vld [tilespmem:s31+$0x6840];
	v17 =	vadd.f32 $0.0e+00, v17;
	v24 =	vadd.f32 $0.0e+00, v33  }
0x16a: {  	v37 =	vld [tilespmem:s31+$0x2850];
	v21 =	vmul.bf16 v31, v30;
	v36 =	vunpack.i.u.bf16.f32 v19;
	v19 =	vunpack.i.l.bf16.f32 v19  }
0x16b: {  	v38 =	vld [tilespmem:s31+$0x6850];
	v17 =	vadd.f32 v19, v17;
	v19 =	vadd.f32 v36, v24  }
0x16c: {  	v40 =	vld [tilespmem:s31+$0x2860];
	v39 =	vunpack.i.u.bf16.f32 v21;
	v21 =	vunpack.i.l.bf16.f32 v21;
	v18 =	vmul.bf16 v32, v18  }
0x16d: {  	v41 =	vld [tilespmem:s31+$0x6860];
	v17 =	vadd.f32 v21, v17;
	v19 =	vadd.f32 v39, v19  }
0x16e: {  	v43 =	vld [tilespmem:s31+$0x2870];
	v20 =	vmul.bf16 v35, v34;
	v42 =	vunpack.i.u.bf16.f32 v18;
	v18 =	vunpack.i.l.bf16.f32 v18  }
0x16f: {  	v17 =	vadd.f32 v18, v17;
	v18 =	vadd.f32 v42, v19;
	v19 =	vld [tilespmem:s31+$0x6870]  }
0x170: {  	v22 =	vmul.bf16 v38, v37;
	v44 =	vunpack.i.u.bf16.f32 v20;
	v20 =	vunpack.i.l.bf16.f32 v20  }
0x171: {  	v17 =	vadd.f32 v20, v17;
	v18 =	vadd.f32 v44, v18  }
0x172: {  	v45 =	vunpack.i.u.bf16.f32 v22;
	v22 =	vunpack.i.l.bf16.f32 v22;
	v21 =	vmul.bf16 v41, v40  }
0x173: {  	v17 =	vadd.f32 v22, v17;
	v18 =	vadd.f32 v45, v18  }
0x174: {  	v46 =	vunpack.i.u.bf16.f32 v21;
	v21 =	vunpack.i.l.bf16.f32 v21;
	v19 =	vmul.bf16 v19, v43  }
0x175: {  	v17 =	vadd.f32 v21, v17;
	v18 =	vadd.f32 v46, v18  }
0x176: {  	v47 =	vunpack.i.u.bf16.f32 v19;
	v19 =	vunpack.i.l.bf16.f32 v19  }
0x177: {  	v17 =	vadd.f32 v19, v17;
	v18 =	vadd.f32 v47, v18  }
0x178: {  	s30 =	smul.u32 $0x60, s29  }
0x179: {  	s29 =	sor.u32 $0xC, s26;
	v17 =	vadd.f32 v17, v18  }
0x17a: {  	s28 =	sshra.s32 s30, $0x2;
	s31 =	sshll.u32 s29, $0x7  }
0x17b: {  	s31 =	sand.u32 $0x7FFFFE00, s31;
	[tilespmem:s28+$0xBC00] =	vst v17  }
0x17c: {  	v17 =	vld [tilespmem:s31+$0x2800]  }
0x17d: {  	v18 =	vld [tilespmem:s31+$0x6800]  }
0x17e: {  	v19 =	vld [tilespmem:s31+$0x2810]  }
0x17f: {  	v48 =	vld [tilespmem:s31+$0x6810]  }
0x180: {  	v49 =	vld [tilespmem:s31+$0x2820]  }
0x181: {  	v50 =	vld [tilespmem:s31+$0x6820]  }
0x182: {  	v51 =	vld [tilespmem:s31+$0x6830];
	v17 =	vmul.bf16 v18, v17  }
0x183: {  	v18 =	vld [tilespmem:s31+$0x2830]  }
0x184: {  	v53 =	vld [tilespmem:s31+$0x2840];
	v19 =	vmul.bf16 v48, v19;
	v52 =	vunpack.i.u.bf16.f32 v17;
	v17 =	vunpack.i.l.bf16.f32 v17  }
0x185: {  	v54 =	vld [tilespmem:s31+$0x6840];
	v17 =	vadd.f32 $0.0e+00, v17;
	v24 =	vadd.f32 $0.0e+00, v52  }
0x186: {  	v56 =	vld [tilespmem:s31+$0x2850];
	v21 =	vmul.bf16 v50, v49;
	v55 =	vunpack.i.u.bf16.f32 v19;
	v19 =	vunpack.i.l.bf16.f32 v19  }
0x187: {  	v57 =	vld [tilespmem:s31+$0x6850];
	v17 =	vadd.f32 v19, v17;
	v19 =	vadd.f32 v55, v24  }
0x188: {  	v59 =	vld [tilespmem:s31+$0x2860];
	v58 =	vunpack.i.u.bf16.f32 v21;
	v21 =	vunpack.i.l.bf16.f32 v21;
	v18 =	vmul.bf16 v51, v18  }
0x189: {  	v60 =	vld [tilespmem:s31+$0x6860];
	v17 =	vadd.f32 v21, v17;
	v19 =	vadd.f32 v58, v19  }
0x18a: {  	v62 =	vld [tilespmem:s31+$0x2870];
	v20 =	vmul.bf16 v54, v53;
	v61 =	vunpack.i.u.bf16.f32 v18;
	v18 =	vunpack.i.l.bf16.f32 v18  }
0x18b: {  	v17 =	vadd.f32 v18, v17;
	v18 =	vadd.f32 v61, v19;
	v19 =	vld [tilespmem:s31+$0x6870]  }
0x18c: {  	v22 =	vmul.bf16 v57, v56;
	v63 =	vunpack.i.u.bf16.f32 v20;
	v20 =	vunpack.i.l.bf16.f32 v20  }
0x18d: {  	v17 =	vadd.f32 v20, v17;
	v18 =	vadd.f32 v63, v18  }
0x18e: {  	v26 =	vunpack.i.u.bf16.f32 v22;
	v22 =	vunpack.i.l.bf16.f32 v22;
	v21 =	vmul.bf16 v60, v59  }
0x18f: {  	v17 =	vadd.f32 v22, v17;
	v18 =	vadd.f32 v26, v18  }
0x190: {  	v27 =	vunpack.i.u.bf16.f32 v21;
	v21 =	vunpack.i.l.bf16.f32 v21;
	v19 =	vmul.bf16 v19, v62  }
0x191: {  	v17 =	vadd.f32 v21, v17;
	v18 =	vadd.f32 v27, v18  }
0x192: {  	v28 =	vunpack.i.u.bf16.f32 v19;
	v19 =	vunpack.i.l.bf16.f32 v19  }
0x193: {  	v17 =	vadd.f32 v19, v17;
	v18 =	vadd.f32 v28, v18  }
0x194: {  	s30 =	smul.u32 $0x60, s29  }
0x195: {  	s29 =	sor.u32 $0xD, s26;
	v17 =	vadd.f32 v17, v18  }
0x196: {  	s28 =	sshra.s32 s30, $0x2;
	s31 =	sshll.u32 s29, $0x7  }
0x197: {  	s31 =	sand.u32 $0x7FFFFE80, s31;
	[tilespmem:s28+$0xBC00] =	vst v17  }
0x198: {  	v17 =	vld [tilespmem:s31+$0x2800]  }
0x199: {  	v18 =	vld [tilespmem:s31+$0x6800]  }
0x19a: {  	v19 =	vld [tilespmem:s31+$0x2810]  }
0x19b: {  	v29 =	vld [tilespmem:s31+$0x6810]  }
0x19c: {  	v30 =	vld [tilespmem:s31+$0x2820]  }
0x19d: {  	v31 =	vld [tilespmem:s31+$0x6820]  }
0x19e: {  	v32 =	vld [tilespmem:s31+$0x6830];
	v17 =	vmul.bf16 v18, v17  }
0x19f: {  	v18 =	vld [tilespmem:s31+$0x2830]  }
0x1a0: {  	v34 =	vld [tilespmem:s31+$0x2840];
	v19 =	vmul.bf16 v29, v19;
	v33 =	vunpack.i.u.bf16.f32 v17;
	v17 =	vunpack.i.l.bf16.f32 v17  }
0x1a1: {  	v35 =	vld [tilespmem:s31+$0x6840];
	v17 =	vadd.f32 $0.0e+00, v17;
	v24 =	vadd.f32 $0.0e+00, v33  }
0x1a2: {  	v37 =	vld [tilespmem:s31+$0x2850];
	v21 =	vmul.bf16 v31, v30;
	v36 =	vunpack.i.u.bf16.f32 v19;
	v19 =	vunpack.i.l.bf16.f32 v19  }
0x1a3: {  	v38 =	vld [tilespmem:s31+$0x6850];
	v17 =	vadd.f32 v19, v17;
	v19 =	vadd.f32 v36, v24  }
0x1a4: {  	v40 =	vld [tilespmem:s31+$0x2860];
	v39 =	vunpack.i.u.bf16.f32 v21;
	v21 =	vunpack.i.l.bf16.f32 v21;
	v18 =	vmul.bf16 v32, v18  }
0x1a5: {  	v41 =	vld [tilespmem:s31+$0x6860];
	v17 =	vadd.f32 v21, v17;
	v19 =	vadd.f32 v39, v19  }
0x1a6: {  	v43 =	vld [tilespmem:s31+$0x2870];
	v20 =	vmul.bf16 v35, v34;
	v42 =	vunpack.i.u.bf16.f32 v18;
	v18 =	vunpack.i.l.bf16.f32 v18  }
0x1a7: {  	v17 =	vadd.f32 v18, v17;
	v18 =	vadd.f32 v42, v19;
	v19 =	vld [tilespmem:s31+$0x6870]  }
0x1a8: {  	v22 =	vmul.bf16 v38, v37;
	v44 =	vunpack.i.u.bf16.f32 v20;
	v20 =	vunpack.i.l.bf16.f32 v20  }
0x1a9: {  	v17 =	vadd.f32 v20, v17;
	v18 =	vadd.f32 v44, v18  }
0x1aa: {  	v45 =	vunpack.i.u.bf16.f32 v22;
	v22 =	vunpack.i.l.bf16.f32 v22;
	v21 =	vmul.bf16 v41, v40  }
0x1ab: {  	v17 =	vadd.f32 v22, v17;
	v18 =	vadd.f32 v45, v18  }
0x1ac: {  	v46 =	vunpack.i.u.bf16.f32 v21;
	v21 =	vunpack.i.l.bf16.f32 v21;
	v19 =	vmul.bf16 v19, v43  }
0x1ad: {  	v17 =	vadd.f32 v21, v17;
	v18 =	vadd.f32 v46, v18  }
0x1ae: {  	v47 =	vunpack.i.u.bf16.f32 v19;
	v19 =	vunpack.i.l.bf16.f32 v19  }
0x1af: {  	v17 =	vadd.f32 v19, v17;
	v18 =	vadd.f32 v47, v18  }
0x1b0: {  	s30 =	smul.u32 $0x60, s29  }
0x1b1: {  	s29 =	sor.u32 $0xE, s26;
	v17 =	vadd.f32 v17, v18  }
0x1b2: {  	s28 =	sshra.s32 s30, $0x2;
	s31 =	sshll.u32 s29, $0x7  }
0x1b3: {  	s30 =	sand.u32 $0x7FFFFF00, s31;
	[tilespmem:s28+$0xBC00] =	vst v17  }
0x1b4: {  	v17 =	vld [tilespmem:s30+$0x2800]  }
0x1b5: {  	v18 =	vld [tilespmem:s30+$0x6800]  }
0x1b6: {  	v19 =	vld [tilespmem:s30+$0x2810]  }
0x1b7: {  	v48 =	vld [tilespmem:s30+$0x6810]  }
0x1b8: {  	v49 =	vld [tilespmem:s30+$0x2820]  }
0x1b9: {  	v50 =	vld [tilespmem:s30+$0x6820]  }
0x1ba: {  	v51 =	vld [tilespmem:s30+$0x6830];
	v17 =	vmul.bf16 v18, v17  }
0x1bb: {  	v18 =	vld [tilespmem:s30+$0x2830]  }
0x1bc: {  	v53 =	vld [tilespmem:s30+$0x2840];
	v19 =	vmul.bf16 v48, v19;
	v52 =	vunpack.i.u.bf16.f32 v17;
	v17 =	vunpack.i.l.bf16.f32 v17  }
0x1bd: {  	v54 =	vld [tilespmem:s30+$0x6840];
	v17 =	vadd.f32 $0.0e+00, v17;
	v24 =	vadd.f32 $0.0e+00, v52  }
0x1be: {  	v56 =	vld [tilespmem:s30+$0x2850];
	v21 =	vmul.bf16 v50, v49;
	v55 =	vunpack.i.u.bf16.f32 v19;
	v19 =	vunpack.i.l.bf16.f32 v19  }
0x1bf: {  	v57 =	vld [tilespmem:s30+$0x6850];
	v17 =	vadd.f32 v19, v17;
	v19 =	vadd.f32 v55, v24  }
0x1c0: {  	v59 =	vld [tilespmem:s30+$0x2860];
	v58 =	vunpack.i.u.bf16.f32 v21;
	v21 =	vunpack.i.l.bf16.f32 v21;
	v18 =	vmul.bf16 v51, v18  }
0x1c1: {  	v60 =	vld [tilespmem:s30+$0x6860];
	v17 =	vadd.f32 v21, v17;
	v19 =	vadd.f32 v58, v19  }
0x1c2: {  	v62 =	vld [tilespmem:s30+$0x2870];
	v20 =	vmul.bf16 v54, v53;
	v61 =	vunpack.i.u.bf16.f32 v18;
	v18 =	vunpack.i.l.bf16.f32 v18  }
0x1c3: {  	v17 =	vadd.f32 v18, v17;
	v18 =	vadd.f32 v61, v19;
	v19 =	vld [tilespmem:s30+$0x6870]  }
0x1c4: {  	v22 =	vmul.bf16 v57, v56;
	v63 =	vunpack.i.u.bf16.f32 v20;
	v20 =	vunpack.i.l.bf16.f32 v20  }
0x1c5: {  	v17 =	vadd.f32 v20, v17;
	v18 =	vadd.f32 v63, v18  }
0x1c6: {  	v27 =	vunpack.i.u.bf16.f32 v22;
	v22 =	vunpack.i.l.bf16.f32 v22;
	v21 =	vmul.bf16 v60, v59  }
0x1c7: {  	v17 =	vadd.f32 v22, v17;
	v18 =	vadd.f32 v27, v18  }
0x1c8: {  	v28 =	vunpack.i.u.bf16.f32 v21;
	v21 =	vunpack.i.l.bf16.f32 v21;
	v19 =	vmul.bf16 v19, v62  }
0x1c9: {  	v17 =	vadd.f32 v21, v17;
	v18 =	vadd.f32 v28, v18  }
0x1ca: {  	v29 =	vunpack.i.u.bf16.f32 v19;
	v19 =	vunpack.i.l.bf16.f32 v19  }
0x1cb: {  	v17 =	vadd.f32 v19, v17;
	v18 =	vadd.f32 v29, v18  }
0x1cc: {  	s29 =	smul.u32 $0x60, s29  }
0x1cd: {  	s28 =	sshllo.u32 s25, $0x4;
	v17 =	vadd.f32 v17, v18  }
0x1ce: {  	s29 =	sshra.s32 s29, $0x2;
	s31 =	sshll.u32 s28, $0x7  }
0x1cf: {  	s31 =	sand.u32 $0x7FFFFF80, s31;
	[tilespmem:s29+$0xBC00] =	vst v17  }
0x1d0: {  	v17 =	vld [tilespmem:s31+$0x2800]  }
0x1d1: {  	v18 =	vld [tilespmem:s31+$0x6800]  }
0x1d2: {  	v19 =	vld [tilespmem:s31+$0x2810]  }
0x1d3: {  	v30 =	vld [tilespmem:s31+$0x6810]  }
0x1d4: {  	v31 =	vld [tilespmem:s31+$0x2820]  }
0x1d5: {  	v32 =	vld [tilespmem:s31+$0x6820]  }
0x1d6: {  	v33 =	vld [tilespmem:s31+$0x2830];
	v17 =	vmul.bf16 v18, v17  }
0x1d7: {  	v18 =	vld [tilespmem:s31+$0x6830]  }
0x1d8: {  	v34 =	vld [tilespmem:s31+$0x2840];
	v19 =	vmul.bf16 v30, v19;
	v35 =	vunpack.i.u.bf16.f32 v17;
	v17 =	vunpack.i.l.bf16.f32 v17  }
0x1d9: {  	v36 =	vld [tilespmem:s31+$0x6840];
	v17 =	vadd.f32 $0.0e+00, v17;
	v25 =	vadd.f32 $0.0e+00, v35  }
0x1da: {  	v37 =	vld [tilespmem:s31+$0x2850];
	v21 =	vmul.bf16 v32, v31;
	v27 =	vunpack.i.u.bf16.f32 v19;
	v19 =	vunpack.i.l.bf16.f32 v19  }
0x1db: {  	v38 =	vld [tilespmem:s31+$0x6850];
	v17 =	vadd.f32 v19, v17;
	v19 =	vadd.f32 v27, v25  }
0x1dc: {  	v40 =	vld [tilespmem:s31+$0x2860];
	v39 =	vunpack.i.u.bf16.f32 v21;
	v21 =	vunpack.i.l.bf16.f32 v21;
	v18 =	vmul.bf16 v18, v33  }
0x1dd: {  	v41 =	vld [tilespmem:s31+$0x6860];
	v17 =	vadd.f32 v21, v17;
	v19 =	vadd.f32 v39, v19  }
0x1de: {  	v43 =	vld [tilespmem:s31+$0x2870];
	v20 =	vmul.bf16 v36, v34;
	v42 =	vunpack.i.u.bf16.f32 v18;
	v18 =	vunpack.i.l.bf16.f32 v18  }
0x1df: {  	v44 =	vld [tilespmem:s31+$0x6870];
	v17 =	vadd.f32 v18, v17;
	v18 =	vadd.f32 v42, v19  }
0x1e0: {  	v45 =	vunpack.i.u.bf16.f32 v20;
	v20 =	vunpack.i.l.bf16.f32 v20;
	v19 =	vmul.bf16 v38, v37  }
0x1e1: {  	v47 =	vmov s26;
	v17 =	vadd.f32 v20, v17;
	v18 =	vadd.f32 v45, v18  }
0x1e2: {  	v21 =	vmul.bf16 v41, v40;
	v46 =	vunpack.i.u.bf16.f32 v19;
	v19 =	vunpack.i.l.bf16.f32 v19  }
0x1e3: {  	v17 =	vadd.f32 v19, v17;
	v18 =	vadd.f32 v46, v18;
	v19 =	vmul.u32 $0x18, v47  }
0x1e4: {  	v22 =	vmul.bf16 v44, v43;
	v48 =	vunpack.i.u.bf16.f32 v21;
	v21 =	vunpack.i.l.bf16.f32 v21  }
0x1e5: {  	v17 =	vadd.f32 v21, v17;
	v18 =	vadd.f32 v48, v18;
	v19 =	vbroadcast v19, $0x0  }
0x1e6: {  	v49 =	vunpack.i.u.bf16.f32 v22;
	v50 =	vunpack.i.l.bf16.f32 v22  }
0x1e7: {  	v17 =	vadd.f32 v50, v17;
	v18 =	vadd.f32 v49, v18;
	v51 =	vadd.s32 v0, v19  }
0x1e8: {  	s28 =	smul.u32 $0x60, s28;
	v52 =	vadd.s32 v1, v19  }
0x1e9: {  	v53 =	vadd.s32 v3, v19;
	v17 =	vadd.f32 v17, v18  }
0x1ea: {  	s28 =	sshra.s32 s28, $0x2;
	v54 =	vadd.s32 v5, v19  }
0x1eb: {  	v55 =	vadd.s32 v6, v19;
	[tilespmem:s28+$0xBC00] =	vst v17  }
0x1ec: {  	v56 =	vadd.s32 v7, v19;
	v20 =	vld.idx.msk [tilespmem:v51+s19+$0x0], $0xffff  }
0x1ed: {  	v57 =	vadd.s32 v8, v19;
	v21 =	vld.idx.msk [tilespmem:v52+s19+$0x0], $0xffff  }
0x1ee: {  	v58 =	vadd.s32 v9, v19;
	v22 =	vld.idx.msk [tilespmem:v53+s19+$0x0], $0xffff  }
0x1ef: {  	v28 =	vadd.s32 v10, v19;
	v23 =	vld.idx.msk [tilespmem:v54+s19+$0x0], $0xffff  }
0x1f0: {  	v29 =	vadd.s32 v11, v19;
	v24 =	vld.idx.msk [tilespmem:v55+s19+$0x0], $0xffff  }
0x1f1: {  	v30 =	vadd.s32 v12, v19;
	v25 =	vld.idx.msk [tilespmem:v56+s19+$0x0], $0xffff  }
0x1f2: {  	v31 =	vadd.s32 v13, v19;
	v26 =	vld.idx.msk [tilespmem:v57+s19+$0x0], $0xffff  }
0x1f3: {  	v32 =	vadd.s32 v14, v19;
	v27 =	vld.idx.msk [tilespmem:v58+s19+$0x0], $0xffff  }
0x1f4: {  	v18 =	vadd.s32 v2, v19;
	v28 =	vld.idx.msk [tilespmem:v28+s19+$0x0], $0xffff  }
0x1f5: {  	v17 =	vadd.s32 v4, v19;
	v29 =	vld.idx.msk [tilespmem:v29+s19+$0x0], $0xffff  }
0x1f6: {  	v19 =	vadd.s32 v15, v19;
	v30 =	vld.idx.msk [tilespmem:v30+s19+$0x0], $0xffff  }
0x1f7: {  	v31 =	vld.idx.msk [tilespmem:v31+s19+$0x0], $0xffff  }
0x1f8: {  	v32 =	vld.idx.msk [tilespmem:v32+s19+$0x0], $0xffff  }
0x1f9: {  	v18 =	vld.idx.msk [tilespmem:v18+s19+$0x0], $0xffff  }
0x1fa: {  	v17 =	vld.idx.msk [tilespmem:v17+s19+$0x0], $0xffff  }
0x1fb: {  	v19 =	vld.idx.msk [tilespmem:v19+s19+$0x0], $0xffff;
	_ =	sdelay $0x1  }
0x1fc: {  	v20 =	vadd.f32 v21, v20;
	v59 =	vadd.f32 v25, v24  }
0x1fd: {  	v60 =	vadd.f32 v27, v26;
	v61 =	vadd.f32 v29, v28  }
0x1fe: {  	v62 =	vadd.f32 v31, v30;
	v18 =	vadd.f32 v22, v18  }
0x1ff: {  	v17 =	vadd.f32 v23, v17;
	v19 =	vadd.f32 v19, v32  }
0x200: {  	v63 =	vadd.f32 v61, v60;
	v18 =	vadd.f32 v18, v20  }
0x201: {  	v17 =	vadd.f32 v59, v17;
	v19 =	vadd.f32 v19, v62  }
0x202: {  	p0 =	sne.s32 s25, $0x3  }
.Ltmp0:
0x203: {  	v17 =	vadd.f32 v17, v18;
	v18 =	vadd.f32 v19, v63;
	(pc) =	sbr.rel @p0 .LBB2_3-.Ltmp0, $3  }
0x204: {  	_ = 	snop  }
0x205: {  	v17 =	vadd.f32 v18, v17;
	_ =	sdelay $0x1  }
0x206: {  	s25 =	sadd.s32 $0x1, s25;
	[tilespmem:v16+s26+$0x0 ss:$0x1] =	vst.idx.msk $0xffff, v17  }
0x207: {  	p0 =	seq.s32 s23, $0x27  }
0x208: {  	s25 =	sshll.u32 @!p0 s23, $0x7  }
0x209: {  	s28 =	simm.s32 @!p0 $0x40;
	s29 =	simm.s32 @!p0 $0x2800;
	s26 =	sadd.s32 @!p0 $0x80, s25  }
0x20a: {  	[tilespmem:s29], [sflag:$0x1] =	stream.indirect.gather @!p0 [spmem:s2], $0x80, s26, s28, $0xb8;
	[tilespmem:$0x1FA80] =	vst v63  }
0x20b: {  	s25 =	sadd.s32 @!p0 $0x1480, s25;
	s26 =	simm.s32 @!p0 $0x6800  }
0x20c: {  	[tilespmem:s26], [sflag:$0x1] =	stream.indirect.gather @!p0 [spmem:s2], $0x80, s25, s28, $0xb8;
	[tilespmem:$0x1FA80] =	vst v63  }
0x20d: {  	_ =	swait.ge [sflag:s20], $0x2000  }
0x20e: {  	[sflag:s20] =	ssyncset.done $0x0  }
0x20f: {  	[sflag:s20] =	ssyncadd.s32 $0xFFFFE000  }
0x210: {  	s24 =	sand.u32 $0x3FFFFFC0, s24;
	_ =	swait.ge [sflag:s20], $0x2000  }
0x211: {  	s31 =	sadd.s32 $0xA800, s24;
	[sflag:s20] =	ssyncset.done $0x0  }
0x212: {  	s24 =	simm.s32 $0x0;
	v16 =	vmov s31;
	[sflag:s20] =	ssyncadd.s32 $0xFFFFE000  }
.LBB2_5:
0x213: {  	s25 =	sshll.u32 s24, $0xB  }
0x214: {  	s25 =	sand.u32 $0x7FFFF800, s25  }
0x215: {  	v17 =	vld [tilespmem:s25+$0x4800]  }
0x216: {  	v18 =	vld [tilespmem:s25+$0x8800]  }
0x217: {  	v19 =	vld [tilespmem:s25+$0x4810]  }
0x218: {  	v20 =	vld [tilespmem:s25+$0x8810]  }
0x219: {  	v21 =	vld [tilespmem:s25+$0x4820]  }
0x21a: {  	v22 =	vld [tilespmem:s25+$0x8820]  }
0x21b: {  	v23 =	vld [tilespmem:s25+$0x8830];
	v17 =	vmul.bf16 v18, v17  }
0x21c: {  	v18 =	vld [tilespmem:s25+$0x4830]  }
0x21d: {  	v55 =	vld [tilespmem:s25+$0x4840];
	v19 =	vmul.bf16 v20, v19;
	v24 =	vunpack.i.u.bf16.f32 v17;
	v17 =	vunpack.i.l.bf16.f32 v17  }
0x21e: {  	v25 =	vld [tilespmem:s25+$0x8840];
	v17 =	vadd.f32 $0.0e+00, v17;
	v24 =	vadd.f32 $0.0e+00, v24  }
0x21f: {  	v56 =	vld [tilespmem:s25+$0x4850];
	v21 =	vmul.bf16 v22, v21;
	v26 =	vunpack.i.u.bf16.f32 v19;
	v19 =	vunpack.i.l.bf16.f32 v19  }
0x220: {  	v57 =	vld [tilespmem:s25+$0x8850];
	v17 =	vadd.f32 v19, v17;
	v19 =	vadd.f32 v26, v24  }
0x221: {  	v59 =	vld [tilespmem:s25+$0x4860];
	v58 =	vunpack.i.u.bf16.f32 v21;
	v21 =	vunpack.i.l.bf16.f32 v21;
	v18 =	vmul.bf16 v23, v18  }
0x222: {  	v60 =	vld [tilespmem:s25+$0x8860];
	v17 =	vadd.f32 v21, v17;
	v19 =	vadd.f32 v58, v19  }
0x223: {  	v62 =	vld [tilespmem:s25+$0x4870];
	v20 =	vmul.bf16 v25, v55;
	v61 =	vunpack.i.u.bf16.f32 v18;
	v18 =	vunpack.i.l.bf16.f32 v18  }
0x224: {  	v17 =	vadd.f32 v18, v17;
	v18 =	vadd.f32 v61, v19;
	v19 =	vld [tilespmem:s25+$0x8870]  }
0x225: {  	v22 =	vmul.bf16 v57, v56;
	v63 =	vunpack.i.u.bf16.f32 v20;
	v20 =	vunpack.i.l.bf16.f32 v20  }
0x226: {  	v17 =	vadd.f32 v20, v17;
	v18 =	vadd.f32 v63, v18  }
0x227: {  	v26 =	vunpack.i.u.bf16.f32 v22;
	v22 =	vunpack.i.l.bf16.f32 v22;
	v21 =	vmul.bf16 v60, v59  }
0x228: {  	v17 =	vadd.f32 v22, v17;
	v18 =	vadd.f32 v26, v18  }
0x229: {  	v27 =	vunpack.i.u.bf16.f32 v21;
	v21 =	vunpack.i.l.bf16.f32 v21;
	v19 =	vmul.bf16 v19, v62  }
0x22a: {  	v17 =	vadd.f32 v21, v17;
	v18 =	vadd.f32 v27, v18  }
0x22b: {  	v28 =	vunpack.i.u.bf16.f32 v19;
	v19 =	vunpack.i.l.bf16.f32 v19  }
0x22c: {  	v17 =	vadd.f32 v19, v17;
	v18 =	vadd.f32 v28, v18  }
0x22d: {  	s26 =	smul.u32 $0x600, s24;
	s25 =	sshll.u32 s24, $0x4  }
0x22e: {  	s28 =	sor.u32 $0x1, s25;
	v17 =	vadd.f32 v17, v18  }
0x22f: {  	s26 =	sshra.s32 s26, $0x2;
	s29 =	sshll.u32 s28, $0x7  }
0x230: {  	s31 =	sand.u32 $0x7FFFF880, s29;
	[tilespmem:s26+$0xBC00] =	vst v17  }
0x231: {  	v17 =	vld [tilespmem:s31+$0x4800]  }
0x232: {  	v18 =	vld [tilespmem:s31+$0x8800]  }
0x233: {  	v19 =	vld [tilespmem:s31+$0x4810]  }
0x234: {  	v29 =	vld [tilespmem:s31+$0x8810]  }
0x235: {  	v30 =	vld [tilespmem:s31+$0x4820]  }
0x236: {  	v31 =	vld [tilespmem:s31+$0x8820]  }
0x237: {  	v32 =	vld [tilespmem:s31+$0x8830];
	v17 =	vmul.bf16 v18, v17  }
0x238: {  	v18 =	vld [tilespmem:s31+$0x4830]  }
0x239: {  	v34 =	vld [tilespmem:s31+$0x4840];
	v19 =	vmul.bf16 v29, v19;
	v33 =	vunpack.i.u.bf16.f32 v17;
	v17 =	vunpack.i.l.bf16.f32 v17  }
0x23a: {  	v35 =	vld [tilespmem:s31+$0x8840];
	v17 =	vadd.f32 $0.0e+00, v17;
	v24 =	vadd.f32 $0.0e+00, v33  }
0x23b: {  	v37 =	vld [tilespmem:s31+$0x4850];
	v21 =	vmul.bf16 v31, v30;
	v36 =	vunpack.i.u.bf16.f32 v19;
	v19 =	vunpack.i.l.bf16.f32 v19  }
0x23c: {  	v38 =	vld [tilespmem:s31+$0x8850];
	v17 =	vadd.f32 v19, v17;
	v19 =	vadd.f32 v36, v24  }
0x23d: {  	v40 =	vld [tilespmem:s31+$0x4860];
	v39 =	vunpack.i.u.bf16.f32 v21;
	v21 =	vunpack.i.l.bf16.f32 v21;
	v18 =	vmul.bf16 v32, v18  }
0x23e: {  	v41 =	vld [tilespmem:s31+$0x8860];
	v17 =	vadd.f32 v21, v17;
	v19 =	vadd.f32 v39, v19  }
0x23f: {  	v43 =	vld [tilespmem:s31+$0x4870];
	v20 =	vmul.bf16 v35, v34;
	v42 =	vunpack.i.u.bf16.f32 v18;
	v18 =	vunpack.i.l.bf16.f32 v18  }
0x240: {  	v17 =	vadd.f32 v18, v17;
	v18 =	vadd.f32 v42, v19;
	v19 =	vld [tilespmem:s31+$0x8870]  }
0x241: {  	v22 =	vmul.bf16 v38, v37;
	v44 =	vunpack.i.u.bf16.f32 v20;
	v20 =	vunpack.i.l.bf16.f32 v20  }
0x242: {  	v17 =	vadd.f32 v20, v17;
	v18 =	vadd.f32 v44, v18  }
0x243: {  	v45 =	vunpack.i.u.bf16.f32 v22;
	v22 =	vunpack.i.l.bf16.f32 v22;
	v21 =	vmul.bf16 v41, v40  }
0x244: {  	v17 =	vadd.f32 v22, v17;
	v18 =	vadd.f32 v45, v18  }
0x245: {  	v46 =	vunpack.i.u.bf16.f32 v21;
	v21 =	vunpack.i.l.bf16.f32 v21;
	v19 =	vmul.bf16 v19, v43  }
0x246: {  	v17 =	vadd.f32 v21, v17;
	v18 =	vadd.f32 v46, v18  }
0x247: {  	v47 =	vunpack.i.u.bf16.f32 v19;
	v19 =	vunpack.i.l.bf16.f32 v19  }
0x248: {  	v17 =	vadd.f32 v19, v17;
	v18 =	vadd.f32 v47, v18  }
0x249: {  	s29 =	smul.u32 $0x60, s28  }
0x24a: {  	s28 =	sor.u32 $0x2, s25;
	v17 =	vadd.f32 v17, v18  }
0x24b: {  	s30 =	sshll.u32 s28, $0x7;
	s26 =	sshra.s32 s29, $0x2  }
0x24c: {  	s31 =	sand.u32 $0x7FFFF900, s30;
	[tilespmem:s26+$0xBC00] =	vst v17  }
0x24d: {  	v17 =	vld [tilespmem:s31+$0x4800]  }
0x24e: {  	v18 =	vld [tilespmem:s31+$0x8800]  }
0x24f: {  	v19 =	vld [tilespmem:s31+$0x4810]  }
0x250: {  	v48 =	vld [tilespmem:s31+$0x8810]  }
0x251: {  	v49 =	vld [tilespmem:s31+$0x4820]  }
0x252: {  	v50 =	vld [tilespmem:s31+$0x8820]  }
0x253: {  	v51 =	vld [tilespmem:s31+$0x8830];
	v17 =	vmul.bf16 v18, v17  }
0x254: {  	v18 =	vld [tilespmem:s31+$0x4830]  }
0x255: {  	v53 =	vld [tilespmem:s31+$0x4840];
	v19 =	vmul.bf16 v48, v19;
	v52 =	vunpack.i.u.bf16.f32 v17;
	v17 =	vunpack.i.l.bf16.f32 v17  }
0x256: {  	v54 =	vld [tilespmem:s31+$0x8840];
	v17 =	vadd.f32 $0.0e+00, v17;
	v24 =	vadd.f32 $0.0e+00, v52  }
0x257: {  	v56 =	vld [tilespmem:s31+$0x4850];
	v21 =	vmul.bf16 v50, v49;
	v55 =	vunpack.i.u.bf16.f32 v19;
	v19 =	vunpack.i.l.bf16.f32 v19  }
0x258: {  	v57 =	vld [tilespmem:s31+$0x8850];
	v17 =	vadd.f32 v19, v17;
	v19 =	vadd.f32 v55, v24  }
0x259: {  	v59 =	vld [tilespmem:s31+$0x4860];
	v58 =	vunpack.i.u.bf16.f32 v21;
	v21 =	vunpack.i.l.bf16.f32 v21;
	v18 =	vmul.bf16 v51, v18  }
0x25a: {  	v60 =	vld [tilespmem:s31+$0x8860];
	v17 =	vadd.f32 v21, v17;
	v19 =	vadd.f32 v58, v19  }
0x25b: {  	v62 =	vld [tilespmem:s31+$0x4870];
	v20 =	vmul.bf16 v54, v53;
	v61 =	vunpack.i.u.bf16.f32 v18;
	v18 =	vunpack.i.l.bf16.f32 v18  }
0x25c: {  	v17 =	vadd.f32 v18, v17;
	v18 =	vadd.f32 v61, v19;
	v19 =	vld [tilespmem:s31+$0x8870]  }
0x25d: {  	v22 =	vmul.bf16 v57, v56;
	v63 =	vunpack.i.u.bf16.f32 v20;
	v20 =	vunpack.i.l.bf16.f32 v20  }
0x25e: {  	v17 =	vadd.f32 v20, v17;
	v18 =	vadd.f32 v63, v18  }
0x25f: {  	v26 =	vunpack.i.u.bf16.f32 v22;
	v22 =	vunpack.i.l.bf16.f32 v22;
	v21 =	vmul.bf16 v60, v59  }
0x260: {  	v17 =	vadd.f32 v22, v17;
	v18 =	vadd.f32 v26, v18  }
0x261: {  	v27 =	vunpack.i.u.bf16.f32 v21;
	v21 =	vunpack.i.l.bf16.f32 v21;
	v19 =	vmul.bf16 v19, v62  }
0x262: {  	v17 =	vadd.f32 v21, v17;
	v18 =	vadd.f32 v27, v18  }
0x263: {  	v28 =	vunpack.i.u.bf16.f32 v19;
	v19 =	vunpack.i.l.bf16.f32 v19  }
0x264: {  	v17 =	vadd.f32 v19, v17;
	v18 =	vadd.f32 v28, v18  }
0x265: {  	s29 =	smul.u32 $0x60, s28  }
0x266: {  	s28 =	sor.u32 $0x3, s25;
	v17 =	vadd.f32 v17, v18  }
0x267: {  	s30 =	sshll.u32 s28, $0x7;
	s26 =	sshra.s32 s29, $0x2  }
0x268: {  	s31 =	sand.u32 $0x7FFFF980, s30;
	[tilespmem:s26+$0xBC00] =	vst v17  }
0x269: {  	v17 =	vld [tilespmem:s31+$0x4800]  }
0x26a: {  	v18 =	vld [tilespmem:s31+$0x8800]  }
0x26b: {  	v19 =	vld [tilespmem:s31+$0x4810]  }
0x26c: {  	v29 =	vld [tilespmem:s31+$0x8810]  }
0x26d: {  	v30 =	vld [tilespmem:s31+$0x4820]  }
0x26e: {  	v31 =	vld [tilespmem:s31+$0x8820]  }
0x26f: {  	v32 =	vld [tilespmem:s31+$0x8830];
	v17 =	vmul.bf16 v18, v17  }
0x270: {  	v18 =	vld [tilespmem:s31+$0x4830]  }
0x271: {  	v34 =	vld [tilespmem:s31+$0x4840];
	v19 =	vmul.bf16 v29, v19;
	v33 =	vunpack.i.u.bf16.f32 v17;
	v17 =	vunpack.i.l.bf16.f32 v17  }
0x272: {  	v35 =	vld [tilespmem:s31+$0x8840];
	v17 =	vadd.f32 $0.0e+00, v17;
	v24 =	vadd.f32 $0.0e+00, v33  }
0x273: {  	v37 =	vld [tilespmem:s31+$0x4850];
	v21 =	vmul.bf16 v31, v30;
	v36 =	vunpack.i.u.bf16.f32 v19;
	v19 =	vunpack.i.l.bf16.f32 v19  }
0x274: {  	v38 =	vld [tilespmem:s31+$0x8850];
	v17 =	vadd.f32 v19, v17;
	v19 =	vadd.f32 v36, v24  }
0x275: {  	v40 =	vld [tilespmem:s31+$0x4860];
	v39 =	vunpack.i.u.bf16.f32 v21;
	v21 =	vunpack.i.l.bf16.f32 v21;
	v18 =	vmul.bf16 v32, v18  }
0x276: {  	v41 =	vld [tilespmem:s31+$0x8860];
	v17 =	vadd.f32 v21, v17;
	v19 =	vadd.f32 v39, v19  }
0x277: {  	v43 =	vld [tilespmem:s31+$0x4870];
	v20 =	vmul.bf16 v35, v34;
	v42 =	vunpack.i.u.bf16.f32 v18;
	v18 =	vunpack.i.l.bf16.f32 v18  }
0x278: {  	v17 =	vadd.f32 v18, v17;
	v18 =	vadd.f32 v42, v19;
	v19 =	vld [tilespmem:s31+$0x8870]  }
0x279: {  	v22 =	vmul.bf16 v38, v37;
	v44 =	vunpack.i.u.bf16.f32 v20;
	v20 =	vunpack.i.l.bf16.f32 v20  }
0x27a: {  	v17 =	vadd.f32 v20, v17;
	v18 =	vadd.f32 v44, v18  }
0x27b: {  	v45 =	vunpack.i.u.bf16.f32 v22;
	v22 =	vunpack.i.l.bf16.f32 v22;
	v21 =	vmul.bf16 v41, v40  }
0x27c: {  	v17 =	vadd.f32 v22, v17;
	v18 =	vadd.f32 v45, v18  }
0x27d: {  	v46 =	vunpack.i.u.bf16.f32 v21;
	v21 =	vunpack.i.l.bf16.f32 v21;
	v19 =	vmul.bf16 v19, v43  }
0x27e: {  	v17 =	vadd.f32 v21, v17;
	v18 =	vadd.f32 v46, v18  }
0x27f: {  	v47 =	vunpack.i.u.bf16.f32 v19;
	v19 =	vunpack.i.l.bf16.f32 v19  }
0x280: {  	v17 =	vadd.f32 v19, v17;
	v18 =	vadd.f32 v47, v18  }
0x281: {  	s29 =	smul.u32 $0x60, s28  }
0x282: {  	s28 =	sor.u32 $0x4, s25;
	v17 =	vadd.f32 v17, v18  }
0x283: {  	s30 =	sshll.u32 s28, $0x7;
	s26 =	sshra.s32 s29, $0x2  }
0x284: {  	s31 =	sand.u32 $0x7FFFFA00, s30;
	[tilespmem:s26+$0xBC00] =	vst v17  }
0x285: {  	v17 =	vld [tilespmem:s31+$0x4800]  }
0x286: {  	v18 =	vld [tilespmem:s31+$0x8800]  }
0x287: {  	v19 =	vld [tilespmem:s31+$0x4810]  }
0x288: {  	v48 =	vld [tilespmem:s31+$0x8810]  }
0x289: {  	v49 =	vld [tilespmem:s31+$0x4820]  }
0x28a: {  	v50 =	vld [tilespmem:s31+$0x8820]  }
0x28b: {  	v51 =	vld [tilespmem:s31+$0x8830];
	v17 =	vmul.bf16 v18, v17  }
0x28c: {  	v18 =	vld [tilespmem:s31+$0x4830]  }
0x28d: {  	v53 =	vld [tilespmem:s31+$0x4840];
	v19 =	vmul.bf16 v48, v19;
	v52 =	vunpack.i.u.bf16.f32 v17;
	v17 =	vunpack.i.l.bf16.f32 v17  }
0x28e: {  	v54 =	vld [tilespmem:s31+$0x8840];
	v17 =	vadd.f32 $0.0e+00, v17;
	v24 =	vadd.f32 $0.0e+00, v52  }
0x28f: {  	v56 =	vld [tilespmem:s31+$0x4850];
	v21 =	vmul.bf16 v50, v49;
	v55 =	vunpack.i.u.bf16.f32 v19;
	v19 =	vunpack.i.l.bf16.f32 v19  }
0x290: {  	v57 =	vld [tilespmem:s31+$0x8850];
	v17 =	vadd.f32 v19, v17;
	v19 =	vadd.f32 v55, v24  }
0x291: {  	v59 =	vld [tilespmem:s31+$0x4860];
	v58 =	vunpack.i.u.bf16.f32 v21;
	v21 =	vunpack.i.l.bf16.f32 v21;
	v18 =	vmul.bf16 v51, v18  }
0x292: {  	v60 =	vld [tilespmem:s31+$0x8860];
	v17 =	vadd.f32 v21, v17;
	v19 =	vadd.f32 v58, v19  }
0x293: {  	v62 =	vld [tilespmem:s31+$0x4870];
	v20 =	vmul.bf16 v54, v53;
	v61 =	vunpack.i.u.bf16.f32 v18;
	v18 =	vunpack.i.l.bf16.f32 v18  }
0x294: {  	v17 =	vadd.f32 v18, v17;
	v18 =	vadd.f32 v61, v19;
	v19 =	vld [tilespmem:s31+$0x8870]  }
0x295: {  	v22 =	vmul.bf16 v57, v56;
	v63 =	vunpack.i.u.bf16.f32 v20;
	v20 =	vunpack.i.l.bf16.f32 v20  }
0x296: {  	v17 =	vadd.f32 v20, v17;
	v18 =	vadd.f32 v63, v18  }
0x297: {  	v26 =	vunpack.i.u.bf16.f32 v22;
	v22 =	vunpack.i.l.bf16.f32 v22;
	v21 =	vmul.bf16 v60, v59  }
0x298: {  	v17 =	vadd.f32 v22, v17;
	v18 =	vadd.f32 v26, v18  }
0x299: {  	v27 =	vunpack.i.u.bf16.f32 v21;
	v21 =	vunpack.i.l.bf16.f32 v21;
	v19 =	vmul.bf16 v19, v62  }
0x29a: {  	v17 =	vadd.f32 v21, v17;
	v18 =	vadd.f32 v27, v18  }
0x29b: {  	v28 =	vunpack.i.u.bf16.f32 v19;
	v19 =	vunpack.i.l.bf16.f32 v19  }
0x29c: {  	v17 =	vadd.f32 v19, v17;
	v18 =	vadd.f32 v28, v18  }
0x29d: {  	s29 =	smul.u32 $0x60, s28  }
0x29e: {  	s28 =	sor.u32 $0x5, s25;
	v17 =	vadd.f32 v17, v18  }
0x29f: {  	s30 =	sshll.u32 s28, $0x7;
	s26 =	sshra.s32 s29, $0x2  }
0x2a0: {  	s31 =	sand.u32 $0x7FFFFA80, s30;
	[tilespmem:s26+$0xBC00] =	vst v17  }
0x2a1: {  	v17 =	vld [tilespmem:s31+$0x4800]  }
0x2a2: {  	v18 =	vld [tilespmem:s31+$0x8800]  }
0x2a3: {  	v19 =	vld [tilespmem:s31+$0x4810]  }
0x2a4: {  	v29 =	vld [tilespmem:s31+$0x8810]  }
0x2a5: {  	v30 =	vld [tilespmem:s31+$0x4820]  }
0x2a6: {  	v31 =	vld [tilespmem:s31+$0x8820]  }
0x2a7: {  	v32 =	vld [tilespmem:s31+$0x8830];
	v17 =	vmul.bf16 v18, v17  }
0x2a8: {  	v18 =	vld [tilespmem:s31+$0x4830]  }
0x2a9: {  	v34 =	vld [tilespmem:s31+$0x4840];
	v19 =	vmul.bf16 v29, v19;
	v33 =	vunpack.i.u.bf16.f32 v17;
	v17 =	vunpack.i.l.bf16.f32 v17  }
0x2aa: {  	v35 =	vld [tilespmem:s31+$0x8840];
	v17 =	vadd.f32 $0.0e+00, v17;
	v24 =	vadd.f32 $0.0e+00, v33  }
0x2ab: {  	v37 =	vld [tilespmem:s31+$0x4850];
	v21 =	vmul.bf16 v31, v30;
	v36 =	vunpack.i.u.bf16.f32 v19;
	v19 =	vunpack.i.l.bf16.f32 v19  }
0x2ac: {  	v38 =	vld [tilespmem:s31+$0x8850];
	v17 =	vadd.f32 v19, v17;
	v19 =	vadd.f32 v36, v24  }
0x2ad: {  	v40 =	vld [tilespmem:s31+$0x4860];
	v39 =	vunpack.i.u.bf16.f32 v21;
	v21 =	vunpack.i.l.bf16.f32 v21;
	v18 =	vmul.bf16 v32, v18  }
0x2ae: {  	v41 =	vld [tilespmem:s31+$0x8860];
	v17 =	vadd.f32 v21, v17;
	v19 =	vadd.f32 v39, v19  }
0x2af: {  	v43 =	vld [tilespmem:s31+$0x4870];
	v20 =	vmul.bf16 v35, v34;
	v42 =	vunpack.i.u.bf16.f32 v18;
	v18 =	vunpack.i.l.bf16.f32 v18  }
0x2b0: {  	v17 =	vadd.f32 v18, v17;
	v18 =	vadd.f32 v42, v19;
	v19 =	vld [tilespmem:s31+$0x8870]  }
0x2b1: {  	v22 =	vmul.bf16 v38, v37;
	v44 =	vunpack.i.u.bf16.f32 v20;
	v20 =	vunpack.i.l.bf16.f32 v20  }
0x2b2: {  	v17 =	vadd.f32 v20, v17;
	v18 =	vadd.f32 v44, v18  }
0x2b3: {  	v45 =	vunpack.i.u.bf16.f32 v22;
	v22 =	vunpack.i.l.bf16.f32 v22;
	v21 =	vmul.bf16 v41, v40  }
0x2b4: {  	v17 =	vadd.f32 v22, v17;
	v18 =	vadd.f32 v45, v18  }
0x2b5: {  	v46 =	vunpack.i.u.bf16.f32 v21;
	v21 =	vunpack.i.l.bf16.f32 v21;
	v19 =	vmul.bf16 v19, v43  }
0x2b6: {  	v17 =	vadd.f32 v21, v17;
	v18 =	vadd.f32 v46, v18  }
0x2b7: {  	v47 =	vunpack.i.u.bf16.f32 v19;
	v19 =	vunpack.i.l.bf16.f32 v19  }
0x2b8: {  	v17 =	vadd.f32 v19, v17;
	v18 =	vadd.f32 v47, v18  }
0x2b9: {  	s29 =	smul.u32 $0x60, s28  }
0x2ba: {  	s28 =	sor.u32 $0x6, s25;
	v17 =	vadd.f32 v17, v18  }
0x2bb: {  	s30 =	sshll.u32 s28, $0x7;
	s26 =	sshra.s32 s29, $0x2  }
0x2bc: {  	s31 =	sand.u32 $0x7FFFFB00, s30;
	[tilespmem:s26+$0xBC00] =	vst v17  }
0x2bd: {  	v17 =	vld [tilespmem:s31+$0x4800]  }
0x2be: {  	v18 =	vld [tilespmem:s31+$0x8800]  }
0x2bf: {  	v19 =	vld [tilespmem:s31+$0x4810]  }
0x2c0: {  	v48 =	vld [tilespmem:s31+$0x8810]  }
0x2c1: {  	v49 =	vld [tilespmem:s31+$0x4820]  }
0x2c2: {  	v50 =	vld [tilespmem:s31+$0x8820]  }
0x2c3: {  	v51 =	vld [tilespmem:s31+$0x8830];
	v17 =	vmul.bf16 v18, v17  }
0x2c4: {  	v18 =	vld [tilespmem:s31+$0x4830]  }
0x2c5: {  	v53 =	vld [tilespmem:s31+$0x4840];
	v19 =	vmul.bf16 v48, v19;
	v52 =	vunpack.i.u.bf16.f32 v17;
	v17 =	vunpack.i.l.bf16.f32 v17  }
0x2c6: {  	v54 =	vld [tilespmem:s31+$0x8840];
	v17 =	vadd.f32 $0.0e+00, v17;
	v24 =	vadd.f32 $0.0e+00, v52  }
0x2c7: {  	v56 =	vld [tilespmem:s31+$0x4850];
	v21 =	vmul.bf16 v50, v49;
	v55 =	vunpack.i.u.bf16.f32 v19;
	v19 =	vunpack.i.l.bf16.f32 v19  }
0x2c8: {  	v57 =	vld [tilespmem:s31+$0x8850];
	v17 =	vadd.f32 v19, v17;
	v19 =	vadd.f32 v55, v24  }
0x2c9: {  	v59 =	vld [tilespmem:s31+$0x4860];
	v58 =	vunpack.i.u.bf16.f32 v21;
	v21 =	vunpack.i.l.bf16.f32 v21;
	v18 =	vmul.bf16 v51, v18  }
0x2ca: {  	v60 =	vld [tilespmem:s31+$0x8860];
	v17 =	vadd.f32 v21, v17;
	v19 =	vadd.f32 v58, v19  }
0x2cb: {  	v62 =	vld [tilespmem:s31+$0x4870];
	v20 =	vmul.bf16 v54, v53;
	v61 =	vunpack.i.u.bf16.f32 v18;
	v18 =	vunpack.i.l.bf16.f32 v18  }
0x2cc: {  	v17 =	vadd.f32 v18, v17;
	v18 =	vadd.f32 v61, v19;
	v19 =	vld [tilespmem:s31+$0x8870]  }
0x2cd: {  	v22 =	vmul.bf16 v57, v56;
	v63 =	vunpack.i.u.bf16.f32 v20;
	v20 =	vunpack.i.l.bf16.f32 v20  }
0x2ce: {  	v17 =	vadd.f32 v20, v17;
	v18 =	vadd.f32 v63, v18  }
0x2cf: {  	v26 =	vunpack.i.u.bf16.f32 v22;
	v22 =	vunpack.i.l.bf16.f32 v22;
	v21 =	vmul.bf16 v60, v59  }
0x2d0: {  	v17 =	vadd.f32 v22, v17;
	v18 =	vadd.f32 v26, v18  }
0x2d1: {  	v27 =	vunpack.i.u.bf16.f32 v21;
	v21 =	vunpack.i.l.bf16.f32 v21;
	v19 =	vmul.bf16 v19, v62  }
0x2d2: {  	v17 =	vadd.f32 v21, v17;
	v18 =	vadd.f32 v27, v18  }
0x2d3: {  	v28 =	vunpack.i.u.bf16.f32 v19;
	v19 =	vunpack.i.l.bf16.f32 v19  }
0x2d4: {  	v17 =	vadd.f32 v19, v17;
	v18 =	vadd.f32 v28, v18  }
0x2d5: {  	s29 =	smul.u32 $0x60, s28  }
0x2d6: {  	s28 =	sor.u32 $0x7, s25;
	v17 =	vadd.f32 v17, v18  }
0x2d7: {  	s30 =	sshll.u32 s28, $0x7;
	s26 =	sshra.s32 s29, $0x2  }
0x2d8: {  	s31 =	sand.u32 $0x7FFFFB80, s30;
	[tilespmem:s26+$0xBC00] =	vst v17  }
0x2d9: {  	v17 =	vld [tilespmem:s31+$0x4800]  }
0x2da: {  	v18 =	vld [tilespmem:s31+$0x8800]  }
0x2db: {  	v19 =	vld [tilespmem:s31+$0x4810]  }
0x2dc: {  	v29 =	vld [tilespmem:s31+$0x8810]  }
0x2dd: {  	v30 =	vld [tilespmem:s31+$0x4820]  }
0x2de: {  	v31 =	vld [tilespmem:s31+$0x8820]  }
0x2df: {  	v32 =	vld [tilespmem:s31+$0x8830];
	v17 =	vmul.bf16 v18, v17  }
0x2e0: {  	v18 =	vld [tilespmem:s31+$0x4830]  }
0x2e1: {  	v34 =	vld [tilespmem:s31+$0x4840];
	v19 =	vmul.bf16 v29, v19;
	v33 =	vunpack.i.u.bf16.f32 v17;
	v17 =	vunpack.i.l.bf16.f32 v17  }
0x2e2: {  	v35 =	vld [tilespmem:s31+$0x8840];
	v17 =	vadd.f32 $0.0e+00, v17;
	v24 =	vadd.f32 $0.0e+00, v33  }
0x2e3: {  	v37 =	vld [tilespmem:s31+$0x4850];
	v21 =	vmul.bf16 v31, v30;
	v36 =	vunpack.i.u.bf16.f32 v19;
	v19 =	vunpack.i.l.bf16.f32 v19  }
0x2e4: {  	v38 =	vld [tilespmem:s31+$0x8850];
	v17 =	vadd.f32 v19, v17;
	v19 =	vadd.f32 v36, v24  }
0x2e5: {  	v40 =	vld [tilespmem:s31+$0x4860];
	v39 =	vunpack.i.u.bf16.f32 v21;
	v21 =	vunpack.i.l.bf16.f32 v21;
	v18 =	vmul.bf16 v32, v18  }
0x2e6: {  	v41 =	vld [tilespmem:s31+$0x8860];
	v17 =	vadd.f32 v21, v17;
	v19 =	vadd.f32 v39, v19  }
0x2e7: {  	v43 =	vld [tilespmem:s31+$0x4870];
	v20 =	vmul.bf16 v35, v34;
	v42 =	vunpack.i.u.bf16.f32 v18;
	v18 =	vunpack.i.l.bf16.f32 v18  }
0x2e8: {  	v17 =	vadd.f32 v18, v17;
	v18 =	vadd.f32 v42, v19;
	v19 =	vld [tilespmem:s31+$0x8870]  }
0x2e9: {  	v22 =	vmul.bf16 v38, v37;
	v44 =	vunpack.i.u.bf16.f32 v20;
	v20 =	vunpack.i.l.bf16.f32 v20  }
0x2ea: {  	v17 =	vadd.f32 v20, v17;
	v18 =	vadd.f32 v44, v18  }
0x2eb: {  	v45 =	vunpack.i.u.bf16.f32 v22;
	v22 =	vunpack.i.l.bf16.f32 v22;
	v21 =	vmul.bf16 v41, v40  }
0x2ec: {  	v17 =	vadd.f32 v22, v17;
	v18 =	vadd.f32 v45, v18  }
0x2ed: {  	v46 =	vunpack.i.u.bf16.f32 v21;
	v21 =	vunpack.i.l.bf16.f32 v21;
	v19 =	vmul.bf16 v19, v43  }
0x2ee: {  	v17 =	vadd.f32 v21, v17;
	v18 =	vadd.f32 v46, v18  }
0x2ef: {  	v47 =	vunpack.i.u.bf16.f32 v19;
	v19 =	vunpack.i.l.bf16.f32 v19  }
0x2f0: {  	v17 =	vadd.f32 v19, v17;
	v18 =	vadd.f32 v47, v18  }
0x2f1: {  	s29 =	smul.u32 $0x60, s28  }
0x2f2: {  	s28 =	sor.u32 $0x8, s25;
	v17 =	vadd.f32 v17, v18  }
0x2f3: {  	s30 =	sshll.u32 s28, $0x7;
	s26 =	sshra.s32 s29, $0x2  }
0x2f4: {  	s31 =	sand.u32 $0x7FFFFC00, s30;
	[tilespmem:s26+$0xBC00] =	vst v17  }
0x2f5: {  	v17 =	vld [tilespmem:s31+$0x4800]  }
0x2f6: {  	v18 =	vld [tilespmem:s31+$0x8800]  }
0x2f7: {  	v19 =	vld [tilespmem:s31+$0x4810]  }
0x2f8: {  	v48 =	vld [tilespmem:s31+$0x8810]  }
0x2f9: {  	v49 =	vld [tilespmem:s31+$0x4820]  }
0x2fa: {  	v50 =	vld [tilespmem:s31+$0x8820]  }
0x2fb: {  	v51 =	vld [tilespmem:s31+$0x8830];
	v17 =	vmul.bf16 v18, v17  }
0x2fc: {  	v18 =	vld [tilespmem:s31+$0x4830]  }
0x2fd: {  	v53 =	vld [tilespmem:s31+$0x4840];
	v19 =	vmul.bf16 v48, v19;
	v52 =	vunpack.i.u.bf16.f32 v17;
	v17 =	vunpack.i.l.bf16.f32 v17  }
0x2fe: {  	v54 =	vld [tilespmem:s31+$0x8840];
	v17 =	vadd.f32 $0.0e+00, v17;
	v24 =	vadd.f32 $0.0e+00, v52  }
0x2ff: {  	v56 =	vld [tilespmem:s31+$0x4850];
	v21 =	vmul.bf16 v50, v49;
	v55 =	vunpack.i.u.bf16.f32 v19;
	v19 =	vunpack.i.l.bf16.f32 v19  }
0x300: {  	v57 =	vld [tilespmem:s31+$0x8850];
	v17 =	vadd.f32 v19, v17;
	v19 =	vadd.f32 v55, v24  }
0x301: {  	v59 =	vld [tilespmem:s31+$0x4860];
	v58 =	vunpack.i.u.bf16.f32 v21;
	v21 =	vunpack.i.l.bf16.f32 v21;
	v18 =	vmul.bf16 v51, v18  }
0x302: {  	v60 =	vld [tilespmem:s31+$0x8860];
	v17 =	vadd.f32 v21, v17;
	v19 =	vadd.f32 v58, v19  }
0x303: {  	v62 =	vld [tilespmem:s31+$0x4870];
	v20 =	vmul.bf16 v54, v53;
	v61 =	vunpack.i.u.bf16.f32 v18;
	v18 =	vunpack.i.l.bf16.f32 v18  }
0x304: {  	v17 =	vadd.f32 v18, v17;
	v18 =	vadd.f32 v61, v19;
	v19 =	vld [tilespmem:s31+$0x8870]  }
0x305: {  	v22 =	vmul.bf16 v57, v56;
	v63 =	vunpack.i.u.bf16.f32 v20;
	v20 =	vunpack.i.l.bf16.f32 v20  }
0x306: {  	v17 =	vadd.f32 v20, v17;
	v18 =	vadd.f32 v63, v18  }
0x307: {  	v26 =	vunpack.i.u.bf16.f32 v22;
	v22 =	vunpack.i.l.bf16.f32 v22;
	v21 =	vmul.bf16 v60, v59  }
0x308: {  	v17 =	vadd.f32 v22, v17;
	v18 =	vadd.f32 v26, v18  }
0x309: {  	v27 =	vunpack.i.u.bf16.f32 v21;
	v21 =	vunpack.i.l.bf16.f32 v21;
	v19 =	vmul.bf16 v19, v62  }
0x30a: {  	v17 =	vadd.f32 v21, v17;
	v18 =	vadd.f32 v27, v18  }
0x30b: {  	v28 =	vunpack.i.u.bf16.f32 v19;
	v19 =	vunpack.i.l.bf16.f32 v19  }
0x30c: {  	v17 =	vadd.f32 v19, v17;
	v18 =	vadd.f32 v28, v18  }
0x30d: {  	s29 =	smul.u32 $0x60, s28  }
0x30e: {  	s28 =	sor.u32 $0x9, s25;
	v17 =	vadd.f32 v17, v18  }
0x30f: {  	s30 =	sshll.u32 s28, $0x7;
	s26 =	sshra.s32 s29, $0x2  }
0x310: {  	s31 =	sand.u32 $0x7FFFFC80, s30;
	[tilespmem:s26+$0xBC00] =	vst v17  }
0x311: {  	v17 =	vld [tilespmem:s31+$0x4800]  }
0x312: {  	v18 =	vld [tilespmem:s31+$0x8800]  }
0x313: {  	v19 =	vld [tilespmem:s31+$0x4810]  }
0x314: {  	v29 =	vld [tilespmem:s31+$0x8810]  }
0x315: {  	v30 =	vld [tilespmem:s31+$0x4820]  }
0x316: {  	v31 =	vld [tilespmem:s31+$0x8820]  }
0x317: {  	v32 =	vld [tilespmem:s31+$0x8830];
	v17 =	vmul.bf16 v18, v17  }
0x318: {  	v18 =	vld [tilespmem:s31+$0x4830]  }
0x319: {  	v34 =	vld [tilespmem:s31+$0x4840];
	v19 =	vmul.bf16 v29, v19;
	v33 =	vunpack.i.u.bf16.f32 v17;
	v17 =	vunpack.i.l.bf16.f32 v17  }
0x31a: {  	v35 =	vld [tilespmem:s31+$0x8840];
	v17 =	vadd.f32 $0.0e+00, v17;
	v24 =	vadd.f32 $0.0e+00, v33  }
0x31b: {  	v37 =	vld [tilespmem:s31+$0x4850];
	v21 =	vmul.bf16 v31, v30;
	v36 =	vunpack.i.u.bf16.f32 v19;
	v19 =	vunpack.i.l.bf16.f32 v19  }
0x31c: {  	v38 =	vld [tilespmem:s31+$0x8850];
	v17 =	vadd.f32 v19, v17;
	v19 =	vadd.f32 v36, v24  }
0x31d: {  	v40 =	vld [tilespmem:s31+$0x4860];
	v39 =	vunpack.i.u.bf16.f32 v21;
	v21 =	vunpack.i.l.bf16.f32 v21;
	v18 =	vmul.bf16 v32, v18  }
0x31e: {  	v41 =	vld [tilespmem:s31+$0x8860];
	v17 =	vadd.f32 v21, v17;
	v19 =	vadd.f32 v39, v19  }
0x31f: {  	v43 =	vld [tilespmem:s31+$0x4870];
	v20 =	vmul.bf16 v35, v34;
	v42 =	vunpack.i.u.bf16.f32 v18;
	v18 =	vunpack.i.l.bf16.f32 v18  }
0x320: {  	v17 =	vadd.f32 v18, v17;
	v18 =	vadd.f32 v42, v19;
	v19 =	vld [tilespmem:s31+$0x8870]  }
0x321: {  	v22 =	vmul.bf16 v38, v37;
	v44 =	vunpack.i.u.bf16.f32 v20;
	v20 =	vunpack.i.l.bf16.f32 v20  }
0x322: {  	v17 =	vadd.f32 v20, v17;
	v18 =	vadd.f32 v44, v18  }
0x323: {  	v45 =	vunpack.i.u.bf16.f32 v22;
	v22 =	vunpack.i.l.bf16.f32 v22;
	v21 =	vmul.bf16 v41, v40  }
0x324: {  	v17 =	vadd.f32 v22, v17;
	v18 =	vadd.f32 v45, v18  }
0x325: {  	v46 =	vunpack.i.u.bf16.f32 v21;
	v21 =	vunpack.i.l.bf16.f32 v21;
	v19 =	vmul.bf16 v19, v43  }
0x326: {  	v17 =	vadd.f32 v21, v17;
	v18 =	vadd.f32 v46, v18  }
0x327: {  	v47 =	vunpack.i.u.bf16.f32 v19;
	v19 =	vunpack.i.l.bf16.f32 v19  }
0x328: {  	v17 =	vadd.f32 v19, v17;
	v18 =	vadd.f32 v47, v18  }
0x329: {  	s29 =	smul.u32 $0x60, s28  }
0x32a: {  	s28 =	sor.u32 $0xA, s25;
	v17 =	vadd.f32 v17, v18  }
0x32b: {  	s30 =	sshll.u32 s28, $0x7;
	s26 =	sshra.s32 s29, $0x2  }
0x32c: {  	s31 =	sand.u32 $0x7FFFFD00, s30;
	[tilespmem:s26+$0xBC00] =	vst v17  }
0x32d: {  	v17 =	vld [tilespmem:s31+$0x4800]  }
0x32e: {  	v18 =	vld [tilespmem:s31+$0x8800]  }
0x32f: {  	v19 =	vld [tilespmem:s31+$0x4810]  }
0x330: {  	v48 =	vld [tilespmem:s31+$0x8810]  }
0x331: {  	v49 =	vld [tilespmem:s31+$0x4820]  }
0x332: {  	v50 =	vld [tilespmem:s31+$0x8820]  }
0x333: {  	v51 =	vld [tilespmem:s31+$0x8830];
	v17 =	vmul.bf16 v18, v17  }
0x334: {  	v18 =	vld [tilespmem:s31+$0x4830]  }
0x335: {  	v53 =	vld [tilespmem:s31+$0x4840];
	v19 =	vmul.bf16 v48, v19;
	v52 =	vunpack.i.u.bf16.f32 v17;
	v17 =	vunpack.i.l.bf16.f32 v17  }
0x336: {  	v54 =	vld [tilespmem:s31+$0x8840];
	v17 =	vadd.f32 $0.0e+00, v17;
	v24 =	vadd.f32 $0.0e+00, v52  }
0x337: {  	v56 =	vld [tilespmem:s31+$0x4850];
	v21 =	vmul.bf16 v50, v49;
	v55 =	vunpack.i.u.bf16.f32 v19;
	v19 =	vunpack.i.l.bf16.f32 v19  }
0x338: {  	v57 =	vld [tilespmem:s31+$0x8850];
	v17 =	vadd.f32 v19, v17;
	v19 =	vadd.f32 v55, v24  }
0x339: {  	v59 =	vld [tilespmem:s31+$0x4860];
	v58 =	vunpack.i.u.bf16.f32 v21;
	v21 =	vunpack.i.l.bf16.f32 v21;
	v18 =	vmul.bf16 v51, v18  }
0x33a: {  	v60 =	vld [tilespmem:s31+$0x8860];
	v17 =	vadd.f32 v21, v17;
	v19 =	vadd.f32 v58, v19  }
0x33b: {  	v62 =	vld [tilespmem:s31+$0x4870];
	v20 =	vmul.bf16 v54, v53;
	v61 =	vunpack.i.u.bf16.f32 v18;
	v18 =	vunpack.i.l.bf16.f32 v18  }
0x33c: {  	v17 =	vadd.f32 v18, v17;
	v18 =	vadd.f32 v61, v19;
	v19 =	vld [tilespmem:s31+$0x8870]  }
0x33d: {  	v22 =	vmul.bf16 v57, v56;
	v63 =	vunpack.i.u.bf16.f32 v20;
	v20 =	vunpack.i.l.bf16.f32 v20  }
0x33e: {  	v17 =	vadd.f32 v20, v17;
	v18 =	vadd.f32 v63, v18  }
0x33f: {  	v26 =	vunpack.i.u.bf16.f32 v22;
	v22 =	vunpack.i.l.bf16.f32 v22;
	v21 =	vmul.bf16 v60, v59  }
0x340: {  	v17 =	vadd.f32 v22, v17;
	v18 =	vadd.f32 v26, v18  }
0x341: {  	v27 =	vunpack.i.u.bf16.f32 v21;
	v21 =	vunpack.i.l.bf16.f32 v21;
	v19 =	vmul.bf16 v19, v62  }
0x342: {  	v17 =	vadd.f32 v21, v17;
	v18 =	vadd.f32 v27, v18  }
0x343: {  	v28 =	vunpack.i.u.bf16.f32 v19;
	v19 =	vunpack.i.l.bf16.f32 v19  }
0x344: {  	v17 =	vadd.f32 v19, v17;
	v18 =	vadd.f32 v28, v18  }
0x345: {  	s29 =	smul.u32 $0x60, s28  }
0x346: {  	s28 =	sor.u32 $0xB, s25;
	v17 =	vadd.f32 v17, v18  }
0x347: {  	s30 =	sshll.u32 s28, $0x7;
	s26 =	sshra.s32 s29, $0x2  }
0x348: {  	s31 =	sand.u32 $0x7FFFFD80, s30;
	[tilespmem:s26+$0xBC00] =	vst v17  }
0x349: {  	v17 =	vld [tilespmem:s31+$0x4800]  }
0x34a: {  	v18 =	vld [tilespmem:s31+$0x8800]  }
0x34b: {  	v19 =	vld [tilespmem:s31+$0x4810]  }
0x34c: {  	v29 =	vld [tilespmem:s31+$0x8810]  }
0x34d: {  	v30 =	vld [tilespmem:s31+$0x4820]  }
0x34e: {  	v31 =	vld [tilespmem:s31+$0x8820]  }
0x34f: {  	v32 =	vld [tilespmem:s31+$0x8830];
	v17 =	vmul.bf16 v18, v17  }
0x350: {  	v18 =	vld [tilespmem:s31+$0x4830]  }
0x351: {  	v34 =	vld [tilespmem:s31+$0x4840];
	v19 =	vmul.bf16 v29, v19;
	v33 =	vunpack.i.u.bf16.f32 v17;
	v17 =	vunpack.i.l.bf16.f32 v17  }
0x352: {  	v35 =	vld [tilespmem:s31+$0x8840];
	v17 =	vadd.f32 $0.0e+00, v17;
	v24 =	vadd.f32 $0.0e+00, v33  }
0x353: {  	v37 =	vld [tilespmem:s31+$0x4850];
	v21 =	vmul.bf16 v31, v30;
	v36 =	vunpack.i.u.bf16.f32 v19;
	v19 =	vunpack.i.l.bf16.f32 v19  }
0x354: {  	v38 =	vld [tilespmem:s31+$0x8850];
	v17 =	vadd.f32 v19, v17;
	v19 =	vadd.f32 v36, v24  }
0x355: {  	v40 =	vld [tilespmem:s31+$0x4860];
	v39 =	vunpack.i.u.bf16.f32 v21;
	v21 =	vunpack.i.l.bf16.f32 v21;
	v18 =	vmul.bf16 v32, v18  }
0x356: {  	v41 =	vld [tilespmem:s31+$0x8860];
	v17 =	vadd.f32 v21, v17;
	v19 =	vadd.f32 v39, v19  }
0x357: {  	v43 =	vld [tilespmem:s31+$0x4870];
	v20 =	vmul.bf16 v35, v34;
	v42 =	vunpack.i.u.bf16.f32 v18;
	v18 =	vunpack.i.l.bf16.f32 v18  }
0x358: {  	v17 =	vadd.f32 v18, v17;
	v18 =	vadd.f32 v42, v19;
	v19 =	vld [tilespmem:s31+$0x8870]  }
0x359: {  	v22 =	vmul.bf16 v38, v37;
	v44 =	vunpack.i.u.bf16.f32 v20;
	v20 =	vunpack.i.l.bf16.f32 v20  }
0x35a: {  	v17 =	vadd.f32 v20, v17;
	v18 =	vadd.f32 v44, v18  }
0x35b: {  	v45 =	vunpack.i.u.bf16.f32 v22;
	v22 =	vunpack.i.l.bf16.f32 v22;
	v21 =	vmul.bf16 v41, v40  }
0x35c: {  	v17 =	vadd.f32 v22, v17;
	v18 =	vadd.f32 v45, v18  }
0x35d: {  	v46 =	vunpack.i.u.bf16.f32 v21;
	v21 =	vunpack.i.l.bf16.f32 v21;
	v19 =	vmul.bf16 v19, v43  }
0x35e: {  	v17 =	vadd.f32 v21, v17;
	v18 =	vadd.f32 v46, v18  }
0x35f: {  	v47 =	vunpack.i.u.bf16.f32 v19;
	v19 =	vunpack.i.l.bf16.f32 v19  }
0x360: {  	v17 =	vadd.f32 v19, v17;
	v18 =	vadd.f32 v47, v18  }
0x361: {  	s29 =	smul.u32 $0x60, s28  }
0x362: {  	s28 =	sor.u32 $0xC, s25;
	v17 =	vadd.f32 v17, v18  }
0x363: {  	s30 =	sshll.u32 s28, $0x7;
	s26 =	sshra.s32 s29, $0x2  }
0x364: {  	s31 =	sand.u32 $0x7FFFFE00, s30;
	[tilespmem:s26+$0xBC00] =	vst v17  }
0x365: {  	v17 =	vld [tilespmem:s31+$0x4800]  }
0x366: {  	v18 =	vld [tilespmem:s31+$0x8800]  }
0x367: {  	v19 =	vld [tilespmem:s31+$0x4810]  }
0x368: {  	v48 =	vld [tilespmem:s31+$0x8810]  }
0x369: {  	v49 =	vld [tilespmem:s31+$0x4820]  }
0x36a: {  	v50 =	vld [tilespmem:s31+$0x8820]  }
0x36b: {  	v51 =	vld [tilespmem:s31+$0x8830];
	v17 =	vmul.bf16 v18, v17  }
0x36c: {  	v18 =	vld [tilespmem:s31+$0x4830]  }
0x36d: {  	v53 =	vld [tilespmem:s31+$0x4840];
	v19 =	vmul.bf16 v48, v19;
	v52 =	vunpack.i.u.bf16.f32 v17;
	v17 =	vunpack.i.l.bf16.f32 v17  }
0x36e: {  	v54 =	vld [tilespmem:s31+$0x8840];
	v17 =	vadd.f32 $0.0e+00, v17;
	v24 =	vadd.f32 $0.0e+00, v52  }
0x36f: {  	v56 =	vld [tilespmem:s31+$0x4850];
	v21 =	vmul.bf16 v50, v49;
	v55 =	vunpack.i.u.bf16.f32 v19;
	v19 =	vunpack.i.l.bf16.f32 v19  }
0x370: {  	v57 =	vld [tilespmem:s31+$0x8850];
	v17 =	vadd.f32 v19, v17;
	v19 =	vadd.f32 v55, v24  }
0x371: {  	v59 =	vld [tilespmem:s31+$0x4860];
	v58 =	vunpack.i.u.bf16.f32 v21;
	v21 =	vunpack.i.l.bf16.f32 v21;
	v18 =	vmul.bf16 v51, v18  }
0x372: {  	v60 =	vld [tilespmem:s31+$0x8860];
	v17 =	vadd.f32 v21, v17;
	v19 =	vadd.f32 v58, v19  }
0x373: {  	v62 =	vld [tilespmem:s31+$0x4870];
	v20 =	vmul.bf16 v54, v53;
	v61 =	vunpack.i.u.bf16.f32 v18;
	v18 =	vunpack.i.l.bf16.f32 v18  }
0x374: {  	v17 =	vadd.f32 v18, v17;
	v18 =	vadd.f32 v61, v19;
	v19 =	vld [tilespmem:s31+$0x8870]  }
0x375: {  	v22 =	vmul.bf16 v57, v56;
	v63 =	vunpack.i.u.bf16.f32 v20;
	v20 =	vunpack.i.l.bf16.f32 v20  }
0x376: {  	v17 =	vadd.f32 v20, v17;
	v18 =	vadd.f32 v63, v18  }
0x377: {  	v26 =	vunpack.i.u.bf16.f32 v22;
	v22 =	vunpack.i.l.bf16.f32 v22;
	v21 =	vmul.bf16 v60, v59  }
0x378: {  	v17 =	vadd.f32 v22, v17;
	v18 =	vadd.f32 v26, v18  }
0x379: {  	v27 =	vunpack.i.u.bf16.f32 v21;
	v21 =	vunpack.i.l.bf16.f32 v21;
	v19 =	vmul.bf16 v19, v62  }
0x37a: {  	v17 =	vadd.f32 v21, v17;
	v18 =	vadd.f32 v27, v18  }
0x37b: {  	v28 =	vunpack.i.u.bf16.f32 v19;
	v19 =	vunpack.i.l.bf16.f32 v19  }
0x37c: {  	v17 =	vadd.f32 v19, v17;
	v18 =	vadd.f32 v28, v18  }
0x37d: {  	s29 =	smul.u32 $0x60, s28  }
0x37e: {  	s28 =	sor.u32 $0xD, s25;
	v17 =	vadd.f32 v17, v18  }
0x37f: {  	s30 =	sshll.u32 s28, $0x7;
	s26 =	sshra.s32 s29, $0x2  }
0x380: {  	s31 =	sand.u32 $0x7FFFFE80, s30;
	[tilespmem:s26+$0xBC00] =	vst v17  }
0x381: {  	v17 =	vld [tilespmem:s31+$0x4800]  }
0x382: {  	v18 =	vld [tilespmem:s31+$0x8800]  }
0x383: {  	v19 =	vld [tilespmem:s31+$0x4810]  }
0x384: {  	v29 =	vld [tilespmem:s31+$0x8810]  }
0x385: {  	v30 =	vld [tilespmem:s31+$0x4820]  }
0x386: {  	v31 =	vld [tilespmem:s31+$0x8820]  }
0x387: {  	v32 =	vld [tilespmem:s31+$0x8830];
	v17 =	vmul.bf16 v18, v17  }
0x388: {  	v18 =	vld [tilespmem:s31+$0x4830]  }
0x389: {  	v34 =	vld [tilespmem:s31+$0x4840];
	v19 =	vmul.bf16 v29, v19;
	v33 =	vunpack.i.u.bf16.f32 v17;
	v17 =	vunpack.i.l.bf16.f32 v17  }
0x38a: {  	v35 =	vld [tilespmem:s31+$0x8840];
	v17 =	vadd.f32 $0.0e+00, v17;
	v24 =	vadd.f32 $0.0e+00, v33  }
0x38b: {  	v37 =	vld [tilespmem:s31+$0x4850];
	v21 =	vmul.bf16 v31, v30;
	v36 =	vunpack.i.u.bf16.f32 v19;
	v19 =	vunpack.i.l.bf16.f32 v19  }
0x38c: {  	v38 =	vld [tilespmem:s31+$0x8850];
	v17 =	vadd.f32 v19, v17;
	v19 =	vadd.f32 v36, v24  }
0x38d: {  	v40 =	vld [tilespmem:s31+$0x4860];
	v39 =	vunpack.i.u.bf16.f32 v21;
	v21 =	vunpack.i.l.bf16.f32 v21;
	v18 =	vmul.bf16 v32, v18  }
0x38e: {  	v41 =	vld [tilespmem:s31+$0x8860];
	v17 =	vadd.f32 v21, v17;
	v19 =	vadd.f32 v39, v19  }
0x38f: {  	v43 =	vld [tilespmem:s31+$0x4870];
	v20 =	vmul.bf16 v35, v34;
	v42 =	vunpack.i.u.bf16.f32 v18;
	v18 =	vunpack.i.l.bf16.f32 v18  }
0x390: {  	v17 =	vadd.f32 v18, v17;
	v18 =	vadd.f32 v42, v19;
	v19 =	vld [tilespmem:s31+$0x8870]  }
0x391: {  	v22 =	vmul.bf16 v38, v37;
	v44 =	vunpack.i.u.bf16.f32 v20;
	v20 =	vunpack.i.l.bf16.f32 v20  }
0x392: {  	v17 =	vadd.f32 v20, v17;
	v18 =	vadd.f32 v44, v18  }
0x393: {  	v45 =	vunpack.i.u.bf16.f32 v22;
	v22 =	vunpack.i.l.bf16.f32 v22;
	v21 =	vmul.bf16 v41, v40  }
0x394: {  	v17 =	vadd.f32 v22, v17;
	v18 =	vadd.f32 v45, v18  }
0x395: {  	v46 =	vunpack.i.u.bf16.f32 v21;
	v21 =	vunpack.i.l.bf16.f32 v21;
	v19 =	vmul.bf16 v19, v43  }
0x396: {  	v17 =	vadd.f32 v21, v17;
	v18 =	vadd.f32 v46, v18  }
0x397: {  	v47 =	vunpack.i.u.bf16.f32 v19;
	v19 =	vunpack.i.l.bf16.f32 v19  }
0x398: {  	v17 =	vadd.f32 v19, v17;
	v18 =	vadd.f32 v47, v18  }
0x399: {  	s29 =	smul.u32 $0x60, s28  }
0x39a: {  	s30 =	sor.u32 $0xE, s25;
	v17 =	vadd.f32 v17, v18  }
0x39b: {  	s26 =	sshra.s32 s29, $0x2;
	s31 =	sshll.u32 s30, $0x7  }
0x39c: {  	s29 =	sand.u32 $0x7FFFFF00, s31;
	[tilespmem:s26+$0xBC00] =	vst v17  }
0x39d: {  	v17 =	vld [tilespmem:s29+$0x4800]  }
0x39e: {  	v18 =	vld [tilespmem:s29+$0x8800]  }
0x39f: {  	v19 =	vld [tilespmem:s29+$0x4810]  }
0x3a0: {  	v48 =	vld [tilespmem:s29+$0x8810]  }
0x3a1: {  	v49 =	vld [tilespmem:s29+$0x4820]  }
0x3a2: {  	v50 =	vld [tilespmem:s29+$0x8820]  }
0x3a3: {  	v51 =	vld [tilespmem:s29+$0x8830];
	v17 =	vmul.bf16 v18, v17  }
0x3a4: {  	v18 =	vld [tilespmem:s29+$0x4830]  }
0x3a5: {  	v53 =	vld [tilespmem:s29+$0x4840];
	v19 =	vmul.bf16 v48, v19;
	v52 =	vunpack.i.u.bf16.f32 v17;
	v17 =	vunpack.i.l.bf16.f32 v17  }
0x3a6: {  	v54 =	vld [tilespmem:s29+$0x8840];
	v17 =	vadd.f32 $0.0e+00, v17;
	v24 =	vadd.f32 $0.0e+00, v52  }
0x3a7: {  	v56 =	vld [tilespmem:s29+$0x4850];
	v21 =	vmul.bf16 v50, v49;
	v55 =	vunpack.i.u.bf16.f32 v19;
	v19 =	vunpack.i.l.bf16.f32 v19  }
0x3a8: {  	v57 =	vld [tilespmem:s29+$0x8850];
	v17 =	vadd.f32 v19, v17;
	v19 =	vadd.f32 v55, v24  }
0x3a9: {  	v59 =	vld [tilespmem:s29+$0x4860];
	v58 =	vunpack.i.u.bf16.f32 v21;
	v21 =	vunpack.i.l.bf16.f32 v21;
	v18 =	vmul.bf16 v51, v18  }
0x3aa: {  	v60 =	vld [tilespmem:s29+$0x8860];
	v17 =	vadd.f32 v21, v17;
	v19 =	vadd.f32 v58, v19  }
0x3ab: {  	v62 =	vld [tilespmem:s29+$0x4870];
	v20 =	vmul.bf16 v54, v53;
	v61 =	vunpack.i.u.bf16.f32 v18;
	v18 =	vunpack.i.l.bf16.f32 v18  }
0x3ac: {  	v17 =	vadd.f32 v18, v17;
	v18 =	vadd.f32 v61, v19;
	v19 =	vld [tilespmem:s29+$0x8870]  }
0x3ad: {  	v22 =	vmul.bf16 v57, v56;
	v63 =	vunpack.i.u.bf16.f32 v20;
	v20 =	vunpack.i.l.bf16.f32 v20  }
0x3ae: {  	v17 =	vadd.f32 v20, v17;
	v18 =	vadd.f32 v63, v18  }
0x3af: {  	v27 =	vunpack.i.u.bf16.f32 v22;
	v22 =	vunpack.i.l.bf16.f32 v22;
	v21 =	vmul.bf16 v60, v59  }
0x3b0: {  	v17 =	vadd.f32 v22, v17;
	v18 =	vadd.f32 v27, v18  }
0x3b1: {  	v28 =	vunpack.i.u.bf16.f32 v21;
	v21 =	vunpack.i.l.bf16.f32 v21;
	v19 =	vmul.bf16 v19, v62  }
0x3b2: {  	v17 =	vadd.f32 v21, v17;
	v18 =	vadd.f32 v28, v18  }
0x3b3: {  	v29 =	vunpack.i.u.bf16.f32 v19;
	v19 =	vunpack.i.l.bf16.f32 v19  }
0x3b4: {  	v17 =	vadd.f32 v19, v17;
	v18 =	vadd.f32 v29, v18  }
0x3b5: {  	s28 =	smul.u32 $0x60, s30  }
0x3b6: {  	s26 =	sshllo.u32 s24, $0x4;
	v17 =	vadd.f32 v17, v18  }
0x3b7: {  	s28 =	sshra.s32 s28, $0x2;
	s30 =	sshll.u32 s26, $0x7  }
0x3b8: {  	s31 =	sand.u32 $0x7FFFFF80, s30;
	[tilespmem:s28+$0xBC00] =	vst v17  }
0x3b9: {  	v17 =	vld [tilespmem:s31+$0x4800]  }
0x3ba: {  	v18 =	vld [tilespmem:s31+$0x8800]  }
0x3bb: {  	v19 =	vld [tilespmem:s31+$0x4810]  }
0x3bc: {  	v30 =	vld [tilespmem:s31+$0x8810]  }
0x3bd: {  	v31 =	vld [tilespmem:s31+$0x4820]  }
0x3be: {  	v32 =	vld [tilespmem:s31+$0x8820]  }
0x3bf: {  	v33 =	vld [tilespmem:s31+$0x4830];
	v17 =	vmul.bf16 v18, v17  }
0x3c0: {  	v18 =	vld [tilespmem:s31+$0x8830]  }
0x3c1: {  	v34 =	vld [tilespmem:s31+$0x4840];
	v19 =	vmul.bf16 v30, v19;
	v35 =	vunpack.i.u.bf16.f32 v17;
	v17 =	vunpack.i.l.bf16.f32 v17  }
0x3c2: {  	v36 =	vld [tilespmem:s31+$0x8840];
	v17 =	vadd.f32 $0.0e+00, v17;
	v25 =	vadd.f32 $0.0e+00, v35  }
0x3c3: {  	v37 =	vld [tilespmem:s31+$0x4850];
	v21 =	vmul.bf16 v32, v31;
	v27 =	vunpack.i.u.bf16.f32 v19;
	v19 =	vunpack.i.l.bf16.f32 v19  }
0x3c4: {  	v38 =	vld [tilespmem:s31+$0x8850];
	v17 =	vadd.f32 v19, v17;
	v19 =	vadd.f32 v27, v25  }
0x3c5: {  	v40 =	vld [tilespmem:s31+$0x4860];
	v39 =	vunpack.i.u.bf16.f32 v21;
	v21 =	vunpack.i.l.bf16.f32 v21;
	v18 =	vmul.bf16 v18, v33  }
0x3c6: {  	v41 =	vld [tilespmem:s31+$0x8860];
	v17 =	vadd.f32 v21, v17;
	v19 =	vadd.f32 v39, v19  }
0x3c7: {  	v43 =	vld [tilespmem:s31+$0x4870];
	v20 =	vmul.bf16 v36, v34;
	v42 =	vunpack.i.u.bf16.f32 v18;
	v18 =	vunpack.i.l.bf16.f32 v18  }
0x3c8: {  	v44 =	vld [tilespmem:s31+$0x8870];
	v17 =	vadd.f32 v18, v17;
	v18 =	vadd.f32 v42, v19  }
0x3c9: {  	v45 =	vunpack.i.u.bf16.f32 v20;
	v20 =	vunpack.i.l.bf16.f32 v20;
	v19 =	vmul.bf16 v38, v37  }
0x3ca: {  	v47 =	vmov s25;
	v17 =	vadd.f32 v20, v17;
	v18 =	vadd.f32 v45, v18  }
0x3cb: {  	v21 =	vmul.bf16 v41, v40;
	v46 =	vunpack.i.u.bf16.f32 v19;
	v19 =	vunpack.i.l.bf16.f32 v19  }
0x3cc: {  	v17 =	vadd.f32 v19, v17;
	v18 =	vadd.f32 v46, v18;
	v19 =	vmul.u32 $0x18, v47  }
0x3cd: {  	v22 =	vmul.bf16 v44, v43;
	v48 =	vunpack.i.u.bf16.f32 v21;
	v21 =	vunpack.i.l.bf16.f32 v21  }
0x3ce: {  	v17 =	vadd.f32 v21, v17;
	v18 =	vadd.f32 v48, v18;
	v19 =	vbroadcast v19, $0x0  }
0x3cf: {  	v49 =	vunpack.i.u.bf16.f32 v22;
	v50 =	vunpack.i.l.bf16.f32 v22  }
0x3d0: {  	v17 =	vadd.f32 v50, v17;
	v18 =	vadd.f32 v49, v18;
	v51 =	vadd.s32 v0, v19  }
0x3d1: {  	s26 =	smul.u32 $0x60, s26;
	v52 =	vadd.s32 v1, v19  }
0x3d2: {  	v53 =	vadd.s32 v3, v19;
	v17 =	vadd.f32 v17, v18  }
0x3d3: {  	s26 =	sshra.s32 s26, $0x2;
	v54 =	vadd.s32 v5, v19  }
0x3d4: {  	v55 =	vadd.s32 v6, v19;
	[tilespmem:s26+$0xBC00] =	vst v17  }
0x3d5: {  	v56 =	vadd.s32 v7, v19;
	v20 =	vld.idx.msk [tilespmem:v51+s19+$0x0], $0xffff  }
0x3d6: {  	v57 =	vadd.s32 v8, v19;
	v21 =	vld.idx.msk [tilespmem:v52+s19+$0x0], $0xffff  }
0x3d7: {  	v58 =	vadd.s32 v9, v19;
	v22 =	vld.idx.msk [tilespmem:v53+s19+$0x0], $0xffff  }
0x3d8: {  	v28 =	vadd.s32 v10, v19;
	v23 =	vld.idx.msk [tilespmem:v54+s19+$0x0], $0xffff  }
0x3d9: {  	v29 =	vadd.s32 v11, v19;
	v24 =	vld.idx.msk [tilespmem:v55+s19+$0x0], $0xffff  }
0x3da: {  	v30 =	vadd.s32 v12, v19;
	v25 =	vld.idx.msk [tilespmem:v56+s19+$0x0], $0xffff  }
0x3db: {  	v31 =	vadd.s32 v13, v19;
	v26 =	vld.idx.msk [tilespmem:v57+s19+$0x0], $0xffff  }
0x3dc: {  	v32 =	vadd.s32 v14, v19;
	v27 =	vld.idx.msk [tilespmem:v58+s19+$0x0], $0xffff  }
0x3dd: {  	v18 =	vadd.s32 v2, v19;
	v28 =	vld.idx.msk [tilespmem:v28+s19+$0x0], $0xffff  }
0x3de: {  	v17 =	vadd.s32 v4, v19;
	v29 =	vld.idx.msk [tilespmem:v29+s19+$0x0], $0xffff  }
0x3df: {  	v19 =	vadd.s32 v15, v19;
	v30 =	vld.idx.msk [tilespmem:v30+s19+$0x0], $0xffff  }
0x3e0: {  	v31 =	vld.idx.msk [tilespmem:v31+s19+$0x0], $0xffff  }
0x3e1: {  	v32 =	vld.idx.msk [tilespmem:v32+s19+$0x0], $0xffff  }
0x3e2: {  	v18 =	vld.idx.msk [tilespmem:v18+s19+$0x0], $0xffff  }
0x3e3: {  	v17 =	vld.idx.msk [tilespmem:v17+s19+$0x0], $0xffff  }
0x3e4: {  	v19 =	vld.idx.msk [tilespmem:v19+s19+$0x0], $0xffff;
	_ =	sdelay $0x1  }
0x3e5: {  	v20 =	vadd.f32 v21, v20;
	v59 =	vadd.f32 v25, v24  }
0x3e6: {  	v60 =	vadd.f32 v27, v26;
	v61 =	vadd.f32 v29, v28  }
0x3e7: {  	v62 =	vadd.f32 v31, v30;
	v18 =	vadd.f32 v22, v18  }
0x3e8: {  	v17 =	vadd.f32 v23, v17;
	v19 =	vadd.f32 v19, v32  }
0x3e9: {  	v63 =	vadd.f32 v61, v60;
	v18 =	vadd.f32 v18, v20  }
0x3ea: {  	v17 =	vadd.f32 v59, v17;
	v19 =	vadd.f32 v19, v62  }
0x3eb: {  	p0 =	sne.s32 s24, $0x3  }
.Ltmp1:
0x3ec: {  	v17 =	vadd.f32 v17, v18;
	v18 =	vadd.f32 v19, v63;
	(pc) =	sbr.rel @p0 .LBB2_5-.Ltmp1, $3  }
0x3ed: {  	_ = 	snop  }
0x3ee: {  	v17 =	vadd.f32 v18, v17;
	_ =	sdelay $0x1  }
0x3ef: {  	s24 =	sadd.s32 $0x1, s24;
	[tilespmem:v16+s25+$0x0 ss:$0x1] =	vst.idx.msk $0xffff, v17  }
0x3f0: {  	s23 =	sadd.s32 $0x1, s23  }
0x3f1: {  	p0 =	sne.s32 s23, $0x28  }
.Ltmp2:
0x3f2: {  	_ = 	snop;
	(pc) =	sbr.rel @p0 .LBB2_2-.Ltmp2, $1  }
0x3f3: {  	_ =	sdelay $0x3  }
0x3f4: {  	s23 =	simm.s32 $0x0  }
0x3f5: {  	s24 =	simm.s32 $0x80;
	v16 =	vld [tilespmem:s23+$0xA800]  }
.LBB2_8:
0x3f6: {  	p0 =	sne.s32 s24, $0x4F80;
	v17 =	vld [tilespmem:s23+$0xA810];
	_ =	sdelay $0x3  }
0x3f7: {  	v16 =	vsub.f32 $0.0e+00, v16  }
0x3f8: {  	v17 =	vsub.f32 $0.0e+00, v17  }
0x3f9: {  	v16 =	vmul.f32 $1.442695020e+00, v16  }
0x3fa: {  	v17 =	vmul.f32 $1.442695020e+00, v17  }
0x3fb: {  	(erf) = vpow2.f32 v16  }
0x3fc: {  	(erf) = vpow2.f32 v17;
	_ =	sdelay $0x7  }
0x3fd: {  	v16 =	vpop (erf)  }
0x3fe: {  	v16 =	vadd.f32 $1.000000000e+00, v16;
	v17 =	vpop (erf)  }
0x3ff: {  	v17 =	vadd.f32 $1.000000000e+00, v17  }
0x400: {  	(erf) = vrcp.f32 v16  }
0x401: {  	(erf) = vrcp.f32 v17;
	_ =	sdelay $0x5  }
.Ltmp3:
0x402: {  	(pc) =	sbr.rel @p0 .LBB2_8-.Ltmp3, $4  }
0x403: {  	_ = 	snop  }
0x404: {  	v16 =	vpop (erf)  }
0x405: {  	s25 =	sshra.s32 s24, $0x2;
	[tilespmem:s23+$0xA800] =	vst v16;
	v17 =	vpop (erf)  }
0x406: {  	s24 =	sadd.s32 $0x80, s24;
	v16 =	vld [tilespmem:s25+$0xA800];
	[tilespmem:s23+$0xA810] =	vst v17;
	s23 =	smov.u32 s25  }
0x407: {  	v17 =	vld [tilespmem:s23+$0xA810];
	_ =	sdelay $0x3  }
0x408: {  	v16 =	vsub.f32 $0.0e+00, v16  }
0x409: {  	v17 =	vsub.f32 $0.0e+00, v17  }
0x40a: {  	v16 =	vmul.f32 $1.442695020e+00, v16  }
0x40b: {  	v17 =	vmul.f32 $1.442695020e+00, v17  }
0x40c: {  	(erf) = vpow2.f32 v16  }
0x40d: {  	(erf) = vpow2.f32 v17;
	_ =	sdelay $0x7  }
0x40e: {  	v16 =	vpop (erf)  }
0x40f: {  	v16 =	vadd.f32 $1.000000000e+00, v16;
	v17 =	vpop (erf)  }
0x410: {  	v17 =	vadd.f32 $1.000000000e+00, v17  }
0x411: {  	(erf) = vrcp.f32 v16  }
0x412: {  	(erf) = vrcp.f32 v17;
	_ =	sdelay $0x7  }
0x413: {  	s22 =	sadd.s32 $0x1, s22;
	v16 =	vpop (erf)  }
0x414: {  	p0 =	sne.s32 s22, s9;
	[tilespmem:s23+$0xA800] =	vst v16;
	v16 =	vpop (erf)  }
.Ltmp4:
0x415: {  	[tilespmem:s23+$0xA810] =	vst v16;
	(pc) =	sbr.rel @p0 .LBB2_1-.Ltmp4, $4  }
0x416: {  	[hbm4b:s8+s3] =	stream.linear.scatter [tilespmem:s21], [sflag:$0x3], $0x1400, $0x38;
	[tilespmem:$0x1FA80] =	vst v63  }
0x417: {  	_ =	swait.ge [sflag:s11], $0x1400  }
0x418: {  	[sflag:s11] =	ssyncset.done $0x0  }
0x419: {  	[sflag:s11] =	ssyncadd.s32 $0xFFFFEC00  }
0x41a: {  	_ =	sfence.sel $0x180000  }
0x41b: {  	[bflag:$0x0] =	sbarrier.arrive $0xFFFF  }
0x41c: {  	p0 =	sne.s32 s0, $0x0;
	_ =	strace $0x90000047  }
0x41d: {  	s0 =	sadd.s32 @!p0 $0x100000, s1;
	[bflag:$0x2] =	sbarrier.arrive $0xFFFF  }
0x41e: {  	[sflag:s0] =	ssyncadd.tile.s32 @!p0 $0x1;
	_ =	shalt  }
.Lfunc_end2:
_tile_overlayer_lowered:
.L_overlay_start_2:
0x41f: {  	(tag) =	ssettag $0x2  }
0x420: {  	s0 =	rddreg [dreg:$0x0];
	s2 =	stileid.u32  }
0x421: {  	s1 =	rddreg [dreg:$0x1];
	p0 =	sne.s32 s2, $0x0  }
0x422: {  	s3 =	rddreg [dreg:$0x2];
	[bflag:$0x3] =	sbarrier.arrive $0xFFFF;
	s2 =	simm.s32 @!p0 $0x1C03  }
0x423: {  	[timem:s3], [sflag:s2] =	dma.local @!p0 [hbm:s0], s1  }
0x424: {  	s0 =	simm.s32 @!p0 $0x3  }
0x425: {  	_ =	swait.ge @!p0 [sflag:s0], s1  }
0x426: {  	s1 =	ssub.s32 @!p0 $0x0, s1;
	[sflag:s0] =	ssyncset.done @!p0 $0x0  }
0x427: {  	[sflag:s0] =	ssyncadd.s32 @!p0 s1  }
0x428: {  	[bflag:$0x3] =	sbarrier.arrive $0xFFFF  }
0x429: {  	_ =	shalt  }

</sc_bundles>
